<compile_context>
chip_gen: v7x
topology: tpu7x:2x2x1
jax: 0.10.2.dev20260603
libtpu: 0.0.44.dev20260713+nightly
codegen_flags: <defaults>
</compile_context>

<pallas_src>
import functools

import jax
import jax.numpy as jnp
import numpy as np
from jax import lax
from jax.experimental import pallas as pl
from jax.experimental.pallas import tpu as pltpu
from jax.experimental.pallas import tpu_sc as plsc

N_NODES = 10000
N_EDGES = 320000
FEAT_IN = 128
N_HEADS = 8
FEAT_OUT = 16
SLOPE = 0.2

HROW = 80
N_PAD = 10112
E_TOT = N_EDGES + N_NODES
EB = 128
CPT = 20736
BPT = CPT // EB
E_PAD = 16 * CPT
RPT = N_PAD // 16


def _build_consts():
    ms = np.zeros((2, FEAT_IN, HROW), np.float32)
    md = np.zeros((2, FEAT_IN, HROW), np.float32)
    pc = np.zeros((2, FEAT_IN, HROW), np.float32)
    one = np.zeros((1, HROW), np.float32)
    fm = np.zeros((HROW, 64), np.float32)
    dm = np.zeros((HROW, 64), np.float32)
    for k in range(4):
        one[0, 18 * k + 16] = 1.0
        for f in range(FEAT_OUT):
            fm[18 * k + f, 16 * k + f] = 1.0
            dm[18 * k + 16, 16 * k + f] = 1.0
    for c in range(2):
        for k in range(4):
            head = 4 * c + k
            for t in range(18):
                ms[c, head, 18 * k + t] = 1.0
                md[c, N_HEADS + head, 18 * k + t] = 1.0
            for f in range(FEAT_OUT):
                pc[c, FEAT_OUT * head + f, 18 * k + f] = 1.0
    return ms, md, pc, one, fm, dm


_MS, _MD, _PC, _ONE, _FM, _DM = _build_consts()


def _proj_body(x_ref, w_ref, ab_ref, ms_ref, md_ref, pc_ref, one_ref,
               s0_ref, d0_ref, h0_ref, s1_ref, d1_ref, h1_ref, m_ref):
    h = jnp.dot(x_ref[...], w_ref[...], preferred_element_type=jnp.float32)
    asd = jnp.dot(h, ab_ref[...], preferred_element_type=jnp.float32)
    for c, (s_ref, d_ref, hh_ref) in enumerate(
            ((s0_ref, d0_ref, h0_ref), (s1_ref, d1_ref, h1_ref))):
        s_ref[...] = jnp.dot(asd, ms_ref[c],
                             preferred_element_type=jnp.float32)
        d_ref[...] = jnp.dot(asd, md_ref[c],
                             preferred_element_type=jnp.float32)
        hh_ref[...] = jnp.dot(h, pc_ref[c],
                              preferred_element_type=jnp.float32) + one_ref[...]
    m = jnp.broadcast_to(jnp.max(asd, axis=0, keepdims=True), (8, 128))

    @pl.when(pl.program_id(0) == 0)
    def _():
        m_ref[...] = m

    @pl.when(pl.program_id(0) != 0)
    def _():
        m_ref[...] = jnp.maximum(m_ref[...], m)


def _final_body(p_ref, fm_ref, dm_ref, b_ref, g_ref, be_ref, o_ref):
    p0 = (p_ref[0, :N_NODES, :] + p_ref[2, :N_NODES, :]) * 0.5
    p1 = (p_ref[1, :N_NODES, :] + p_ref[3, :N_NODES, :]) * 0.5
    fm = fm_ref[...]
    dm = dm_ref[...]
    feats = jnp.concatenate(
        [jnp.dot(p0, fm, preferred_element_type=jnp.float32),
         jnp.dot(p1, fm, preferred_element_type=jnp.float32)], axis=1)
    den = jnp.concatenate(
        [jnp.dot(p0, dm, preferred_element_type=jnp.float32),
         jnp.dot(p1, dm, preferred_element_type=jnp.float32)], axis=1)
    o = feats / (den + 1e-16) + b_ref[...]
    mean = jnp.mean(o, axis=0, keepdims=True)
    c = o - mean
    var = jnp.mean(c * c, axis=0, keepdims=True)
    o = c / jnp.sqrt(var + 1e-5) * g_ref[...] + be_ref[...]
    o_ref[...] = jnp.maximum(o, SLOPE * o)


_SC_MESH = plsc.VectorSubcoreMesh(core_axis_name="c", subcore_axis_name="s")


@functools.partial(
    pl.kernel,
    mesh=_SC_MESH,
    out_type=jax.ShapeDtypeStruct((4, N_PAD, HROW), jnp.float32),
    compiler_params=pltpu.CompilerParams(use_tc_tiling_on_sc=False),
    scratch_types=[
        pltpu.VMEM((EB,), jnp.int32),
        pltpu.VMEM((EB,), jnp.int32),
        pltpu.VMEM((EB,), jnp.int32),
        pltpu.VMEM((EB,), jnp.int32),
        pltpu.VMEM((EB, HROW), jnp.float32),
        pltpu.VMEM((EB, HROW), jnp.float32),
        pltpu.VMEM((EB, HROW), jnp.float32),
        pltpu.VMEM((EB, HROW), jnp.float32),
        pltpu.VMEM((EB, HROW), jnp.float32),
        pltpu.VMEM((EB, HROW), jnp.float32),
        pltpu.VMEM((HROW,), jnp.float32),
        pltpu.VMEM_SHARED((N_PAD, HROW), jnp.float32),
        pltpu.SemaphoreType.DMA,
        pltpu.SemaphoreType.DMA,
    ],
)
def _edge_kernel(as0, ad0, h0, b0, as1, ad1, h1, b1, src_hbm, dst_hbm,
                 out_hbm, sv0, dv0, sv1, dv1, s_v0, d_v0, h_v0,
                 s_v1, d_v1, h_v1, b_v, acc_sh, sem0, sem1):
    cid = lax.axis_index("c")
    sid = lax.axis_index("s")

    zeros16 = jnp.zeros((16,), jnp.float32)

    def zero_row(r, carry):
        for j in range(HROW // 16):
            h_v0[r, pl.ds(j * 16, 16)] = zeros16
        return carry

    def run_half(as_t, ad_t, h_t, b_t):
        pltpu.sync_copy(b_t, b_v)
        bcols = [b_v[pl.ds(j * 16, 16)] for j in range(HROW // 16)]
        bufs = ((sv0, dv0, s_v0, d_v0, h_v0, sem0),
                (sv1, dv1, s_v1, d_v1, h_v1, sem1))

        def issue(b, buf):
            sv, dv, s_v, d_v, h_v, sem = buf
            base = pl.multiple_of(sid * CPT + b * EB, EB)
            pltpu.sync_copy(src_hbm.at[pl.ds(base, EB)], sv)
            pltpu.sync_copy(dst_hbm.at[pl.ds(base, EB)], dv)
            pltpu.async_copy(as_t.at[sv], s_v, sem)
            pltpu.async_copy(ad_t.at[dv], d_v, sem)
            pltpu.async_copy(h_t.at[sv], h_v, sem)

        def drain_compute_scatter(buf):
            sv, dv, s_v, d_v, h_v, sem = buf
            pltpu.make_async_copy(as_t.at[sv], s_v, sem).wait()
            pltpu.make_async_copy(ad_t.at[dv], d_v, sem).wait()
            pltpu.make_async_copy(h_t.at[sv], h_v, sem).wait()

            def row_body(r, inner):
                for j in range(HROW // 16):
                    sl = pl.ds(j * 16, 16)
                    a = s_v[r, sl] + d_v[r, sl]
                    a = jnp.maximum(a, SLOPE * a)
                    e = jnp.exp(a - bcols[j])
                    h_v[r, sl] = h_v[r, sl] * e
                return inner

            lax.fori_loop(0, EB, row_body, 0)
            pltpu.sync_copy(h_v, acc_sh.at[dv], add=True)

        issue(0, bufs[0])

        def block_pair(i, carry):
            issue(2 * i + 1, bufs[1])
            drain_compute_scatter(bufs[0])

            @pl.when(i < BPT // 2 - 1)
            def _():
                issue(2 * i + 2, bufs[0])

            drain_compute_scatter(bufs[1])
            return carry

        lax.fori_loop(0, BPT // 2, block_pair, 0)

    for p in range(2):
        lax.fori_loop(0, EB, zero_row, 0)
        for k in range(5):
            sz = EB if k < 4 else RPT - 4 * EB
            rb = sid * RPT + k * EB
            pltpu.sync_copy(h_v0.at[pl.ds(0, sz)], acc_sh.at[pl.ds(rb, sz)])
        plsc.subcore_barrier()

        @pl.when(cid == 0)
        def _():
            run_half(as0, ad0, h0, b0)

        @pl.when(cid == 1)
        def _():
            run_half(as1, ad1, h1, b1)

        plsc.subcore_barrier()
        for k in range(5):
            sz = EB if k < 4 else RPT - 4 * EB
            rb = sid * RPT + k * EB
            pltpu.sync_copy(acc_sh.at[pl.ds(rb, sz)],
                            out_hbm.at[2 * p + cid, pl.ds(rb, sz)])


def kernel(x, edge_index, W, att_src, att_dst, bias, gamma, beta):
    f32 = jnp.float32
    eye8 = jnp.eye(N_HEADS, dtype=f32)
    blk_s = (att_src[0][:, :, None] * eye8[:, None, :]).reshape(FEAT_IN, N_HEADS)
    blk_d = (att_dst[0][:, :, None] * eye8[:, None, :]).reshape(FEAT_IN, N_HEADS)
    ab = jnp.concatenate(
        [blk_s, blk_d, jnp.zeros((FEAT_IN, FEAT_IN - 2 * N_HEADS), f32)], axis=1)

    x_pad = jnp.concatenate(
        [x, jnp.zeros((N_PAD - N_NODES, FEAT_IN), f32)], axis=0)

    tblk = N_PAD // 16
    table_spec = pl.BlockSpec((tblk, HROW), lambda i: (i, 0))
    table_shape = jax.ShapeDtypeStruct((N_PAD, HROW), f32)
    s0, d0, h0, s1, d1, h1, m8 = pl.pallas_call(
        _proj_body,
        grid=(16,),
        in_specs=[
            pl.BlockSpec((tblk, FEAT_IN), lambda i: (i, 0)),
            pl.BlockSpec((FEAT_IN, FEAT_IN), lambda i: (0, 0)),
            pl.BlockSpec((FEAT_IN, FEAT_IN), lambda i: (0, 0)),
            pl.BlockSpec((2, FEAT_IN, HROW), lambda i: (0, 0, 0)),
            pl.BlockSpec((2, FEAT_IN, HROW), lambda i: (0, 0, 0)),
            pl.BlockSpec((2, FEAT_IN, HROW), lambda i: (0, 0, 0)),
            pl.BlockSpec((1, HROW), lambda i: (0, 0)),
        ],
        out_specs=[table_spec] * 6 + [pl.BlockSpec((8, 128), lambda i: (0, 0))],
        out_shape=[table_shape] * 6 + [jax.ShapeDtypeStruct((8, 128), f32)],
    )(x_pad, W, ab, jnp.asarray(_MS), jnp.asarray(_MD), jnp.asarray(_PC),
      jnp.asarray(_ONE))

    m16 = m8[0, :2 * N_HEADS]
    bsum = m16[:N_HEADS] + m16[N_HEADS:]
    b8 = jnp.maximum(bsum, SLOPE * bsum)
    bh = []
    for c in (0, 1):
        bh.append(jnp.concatenate(
            [jnp.repeat(b8[4 * c:4 * c + 4], 18), jnp.zeros((8,), f32)]))

    loop = jnp.arange(N_NODES, dtype=edge_index.dtype)
    fill = jnp.full((E_PAD - E_TOT,), N_NODES, dtype=edge_index.dtype)
    src_i = jnp.concatenate([edge_index[0], loop, fill]).astype(jnp.int32)
    dst_i = jnp.concatenate([edge_index[1], loop, fill]).astype(jnp.int32)

    part = _edge_kernel(s0, d0, h0, bh[0], s1, d1, h1, bh[1], src_i, dst_i)

    return pl.pallas_call(
        _final_body,
        out_shape=jax.ShapeDtypeStruct((N_NODES, N_HEADS * FEAT_OUT), f32),
    )(part, jnp.asarray(_FM), jnp.asarray(_DM), bias.reshape(1, -1),
      gamma.reshape(1, -1), beta.reshape(1, -1))

# --- scband reference (transcript-rebuilt; emitter-appended) ---
"""Pipeline reference for scband-enhanced-gatlayer-2637109920385 (READ-ONLY COPY).

The authoritative reference and input builder live on the scoring server;
editing this copy changes nothing except your own understanding.
"""

import jax, jax.numpy as jnp
import numpy as np

N = 10000
E = 320000
F_IN = 128
HEADS = 8
F_OUT = 16
NEG_SLOPE = 0.2


def setup_inputs(seed: int = 0) -> dict:
    key = jax.random.key(seed)
    ks = jax.random.split(key, 6)
    x = jax.random.normal(ks[0], (N, F_IN), dtype=jnp.float32)
    edge_index = jax.random.randint(ks[1], (2, E), 0, N, dtype=jnp.int64)
    # learned parameters (GATConv lin weight, attention vectors, bias; BN affine)
    W = jax.random.normal(ks[2], (F_IN, HEADS * F_OUT), dtype=jnp.float32) * (1.0 / np.sqrt(F_IN))
    att_src = jax.random.normal(ks[3], (1, HEADS, F_OUT), dtype=jnp.float32) * 0.1
    att_dst = jax.random.normal(ks[4], (1, HEADS, F_OUT), dtype=jnp.float32) * 0.1
    bias = jnp.zeros((HEADS * F_OUT,), dtype=jnp.float32)
    gamma = jnp.ones((HEADS * F_OUT,), dtype=jnp.float32)
    beta = jnp.zeros((HEADS * F_OUT,), dtype=jnp.float32)
    return {"x": x, "edge_index": edge_index, "W": W, "att_src": att_src,
            "att_dst": att_dst, "bias": bias, "gamma": gamma, "beta": beta}


def reference(x, edge_index, W, att_src, att_dst, bias, gamma, beta):
    n = x.shape[0]
    src = edge_index[0]
    dst = edge_index[1]
    # add self loops
    loop = jnp.arange(n, dtype=edge_index.dtype)
    src = jnp.concatenate([src, loop])
    dst = jnp.concatenate([dst, loop])
    # linear projection per head
    h = (x @ W).reshape(n, HEADS, F_OUT)
    # attention logits (GATConv style: a_src . h_src + a_dst . h_dst)
    a_s = (h * att_src).sum(-1)  # [N, H]
    a_d = (h * att_dst).sum(-1)  # [N, H]
    alpha = a_s[src] + a_d[dst]  # [E+N, H]
    alpha = jax.nn.leaky_relu(alpha, NEG_SLOPE)
    # softmax over incoming edges per destination node
    amax = jax.ops.segment_max(alpha, dst, num_segments=n)  # [N, H]
    amax = jnp.where(jnp.isfinite(amax), amax, 0.0)
    ex = jnp.exp(alpha - amax[dst])
    denom = jax.ops.segment_sum(ex, dst, num_segments=n)
    attn = ex / (denom[dst] + 1e-16)
    # dropout on attention skipped (eval mode)
    msg = h[src] * attn[:, :, None]  # [E+N, H, F_OUT]
    out = jax.ops.segment_sum(msg, dst, num_segments=n)  # [N, H, F_OUT]
    out = out.reshape(n, HEADS * F_OUT) + bias
    # BatchNorm1d with batch statistics (training-mode math)
    mean = out.mean(axis=0)
    var = out.var(axis=0)
    out = (out - mean) / jnp.sqrt(var + 1e-5) * gamma + beta
    # LeakyReLU activation
    out = jax.nn.leaky_relu(out, NEG_SLOPE)
    return out

if __name__ == "__main__":
    import jax
    _d = setup_inputs()
    print(jax.jit(kernel)(*tuple(_d.values())))

</pallas_src>

<mosaic_0001>
#map = affine_map<(d0, d1) -> (0, 0)>
#map1 = affine_map<(d0, d1) -> (0)>
#map2 = affine_map<(d0, d1) -> (0, 0, 0)>
module attributes {stable_mosaic.version = 14 : i64} {
  func.func @_edge_kernel(%arg0: i32, %arg1: i32, %arg2: memref<10112x80xf32, #tpu.memory_space<hbm>>, %arg3: memref<10112x80xf32, #tpu.memory_space<hbm>>, %arg4: memref<10112x80xf32, #tpu.memory_space<hbm>>, %arg5: memref<80xf32, #tpu.memory_space<hbm>>, %arg6: memref<10112x80xf32, #tpu.memory_space<hbm>>, %arg7: memref<10112x80xf32, #tpu.memory_space<hbm>>, %arg8: memref<10112x80xf32, #tpu.memory_space<hbm>>, %arg9: memref<80xf32, #tpu.memory_space<hbm>>, %arg10: memref<331776xi32, #tpu.memory_space<hbm>>, %arg11: memref<331776xi32, #tpu.memory_space<hbm>>, %arg12: memref<4x10112x80xf32, #tpu.memory_space<hbm>>, %arg13: memref<128xi32, #tpu.memory_space<vmem>>, %arg14: memref<128xi32, #tpu.memory_space<vmem>>, %arg15: memref<128xi32, #tpu.memory_space<vmem>>, %arg16: memref<128xi32, #tpu.memory_space<vmem>>, %arg17: memref<128x80xf32, #tpu.memory_space<vmem>>, %arg18: memref<128x80xf32, #tpu.memory_space<vmem>>, %arg19: memref<128x80xf32, #tpu.memory_space<vmem>>, %arg20: memref<128x80xf32, #tpu.memory_space<vmem>>, %arg21: memref<128x80xf32, #tpu.memory_space<vmem>>, %arg22: memref<128x80xf32, #tpu.memory_space<vmem>>, %arg23: memref<80xf32, #tpu.memory_space<vmem>>, %arg24: memref<10112x80xf32, #tpu.memory_space<vmem_shared>>, %arg25: memref<!tpu.dma_semaphore, #tpu.memory_space<semaphore_mem>>, %arg26: memref<!tpu.dma_semaphore, #tpu.memory_space<semaphore_mem>>) attributes {dimension_semantics = [#tpu.dimension_semantics<core_parallel>, #tpu.dimension_semantics<subcore_parallel>], iteration_bounds = array<i64: 2, 16>, scalar_prefetch = 0 : i64, scratch_operands = 14 : i64, tpu.core_type = #tpu.core_type<sc_vector_subcore>, window_params = [{transform_indices = #map}, {transform_indices = #map}, {transform_indices = #map}, {transform_indices = #map1}, {transform_indices = #map}, {transform_indices = #map}, {transform_indices = #map}, {transform_indices = #map1}, {transform_indices = #map1}, {transform_indices = #map1}, {transform_indices = #map2}]} {
    %broadcast_in_dim3A = arith.constant 0.000000e+00 : f32
    %broadcast_in_dim3A_0 = vector.broadcast %broadcast_in_dim3A : f32 to vector<16xf32>
    %scan3A = arith.constant 0 : i32
    %scan3A_1 = arith.constant 0 : i32
    %scan3A_2 = arith.constant 128 : i32
    %scan3A_3 = arith.addi %scan3A_1, %scan3A_2 : i32
    %scan3A_4 = arith.constant 1 : i32
    scf.for %scan3A_130 = %scan3A_1 to %scan3A_3 step %scan3A_4  : i32 {
      %swap3A = arith.index_cast %scan3A_130 : i32 to index
      %swap3A_131 = arith.constant 0 : index
      %swap3A_132 = tpu.vector_load %arg19[%swap3A, %swap3A_131] {strides = array<i32>} : memref<128x80xf32, #tpu.memory_space<vmem>>, vector<1x16xf32>,
      %swap3A_133 = vector.shape_cast %swap3A_132 : vector<1x16xf32> to vector<16xf32>
      %swap3A_134 = vector.shape_cast %broadcast_in_dim3A_0 : vector<16xf32> to vector<1x16xf32>
      tpu.vector_store %arg19[%swap3A, %swap3A_131], %swap3A_134 {strides = array<i32>} : memref<128x80xf32, #tpu.memory_space<vmem>>, vector<1x16xf32>,
      %swap3A_135 = arith.index_cast %scan3A_130 : i32 to index
      %swap3A_136 = arith.constant 16 : index
      %swap3A_137 = tpu.vector_load %arg19[%swap3A_135, %swap3A_136] {strides = array<i32>} : memref<128x80xf32, #tpu.memory_space<vmem>>, vector<1x16xf32>,
      %swap3A_138 = vector.shape_cast %swap3A_137 : vector<1x16xf32> to vector<16xf32>
      %swap3A_139 = vector.shape_cast %broadcast_in_dim3A_0 : vector<16xf32> to vector<1x16xf32>
      tpu.vector_store %arg19[%swap3A_135, %swap3A_136], %swap3A_139 {strides = array<i32>} : memref<128x80xf32, #tpu.memory_space<vmem>>, vector<1x16xf32>,
      %swap3A_140 = arith.index_cast %scan3A_130 : i32 to index
      %swap3A_141 = arith.constant 32 : index
      %swap3A_142 = tpu.vector_load %arg19[%swap3A_140, %swap3A_141] {strides = array<i32>} : memref<128x80xf32, #tpu.memory_space<vmem>>, vector<1x16xf32>,
      %swap3A_143 = vector.shape_cast %swap3A_142 : vector<1x16xf32> to vector<16xf32>
      %swap3A_144 = vector.shape_cast %broadcast_in_dim3A_0 : vector<16xf32> to vector<1x16xf32>
      tpu.vector_store %arg19[%swap3A_140, %swap3A_141], %swap3A_144 {strides = array<i32>} : memref<128x80xf32, #tpu.memory_space<vmem>>, vector<1x16xf32>,
      %swap3A_145 = arith.index_cast %scan3A_130 : i32 to index
      %swap3A_146 = arith.constant 48 : index
      %swap3A_147 = tpu.vector_load %arg19[%swap3A_145, %swap3A_146] {strides = array<i32>} : memref<128x80xf32, #tpu.memory_space<vmem>>, vector<1x16xf32>,
      %swap3A_148 = vector.shape_cast %swap3A_147 : vector<1x16xf32> to vector<16xf32>
      %swap3A_149 = vector.shape_cast %broadcast_in_dim3A_0 : vector<16xf32> to vector<1x16xf32>
      tpu.vector_store %arg19[%swap3A_145, %swap3A_146], %swap3A_149 {strides = array<i32>} : memref<128x80xf32, #tpu.memory_space<vmem>>, vector<1x16xf32>,
      %swap3A_150 = arith.index_cast %scan3A_130 : i32 to index
      %swap3A_151 = arith.constant 64 : index
      %swap3A_152 = tpu.vector_load %arg19[%swap3A_150, %swap3A_151] {strides = array<i32>} : memref<128x80xf32, #tpu.memory_space<vmem>>, vector<1x16xf32>,
      %swap3A_153 = vector.shape_cast %swap3A_152 : vector<1x16xf32> to vector<16xf32>
      %swap3A_154 = vector.shape_cast %broadcast_in_dim3A_0 : vector<16xf32> to vector<1x16xf32>
      tpu.vector_store %arg19[%swap3A_150, %swap3A_151], %swap3A_154 {strides = array<i32>} : memref<128x80xf32, #tpu.memory_space<vmem>>, vector<1x16xf32>,
    }
    %scan3A_5 = arith.constant 128 : i32
    %mul3A = arith.constant 632 : i32
    %mul3A_6 = arith.muli %arg1, %mul3A : i32
    %add3A = arith.constant 0 : i32
    %add3A_7 = arith.addi %mul3A_6, %add3A : i32
    "tpu.region"() ({
      %run_scoped3A = tpu.sem_alloc : memref<!tpu.dma_semaphore, #tpu.memory_space<semaphore_mem>>
      %dma_start3A = arith.constant 0 : i32
      %dma_start3A_130 = arith.constant 0 : i32
      %dma_start3A_131 = tpu.memref_slice %arg19[%dma_start3A, %dma_start3A_130] : memref<128x80xf32, #tpu.memory_space<vmem>> -> memref<128x80xf32, #tpu.memory_space<vmem>>
      %dma_start3A_132 = arith.constant 0 : i32
      %dma_start3A_133 = tpu.memref_slice %arg24[%add3A_7, %dma_start3A_132] : memref<10112x80xf32, #tpu.memory_space<vmem_shared>> -> memref<128x80xf32, #tpu.memory_space<vmem_shared>>
      %dma_start3A_134 = arith.constant 0 : i32
      %dma_start3A_135 = tpu.memref_slice %arg24[%add3A_7, %dma_start3A_134] : memref<10112x80xf32, #tpu.memory_space<vmem_shared>> -> memref<128x80xf32, #tpu.memory_space<vmem_shared>>
      %dma_start3A_136 = arith.constant 0 : i32
      %dma_start3A_137 = arith.constant 0 : i32
      %dma_start3A_138 = tpu.memref_slice %arg19[%dma_start3A_136, %dma_start3A_137] : memref<128x80xf32, #tpu.memory_space<vmem>> -> memref<128x80xf32, #tpu.memory_space<vmem>>
      tpu.enqueue_dma source(%dma_start3A_138 : memref<128x80xf32, #tpu.memory_space<vmem>>) target(%dma_start3A_135 : memref<128x80xf32, #tpu.memory_space<vmem_shared>>) target_semaphore(%run_scoped3A : memref<!tpu.dma_semaphore, #tpu.memory_space<semaphore_mem>>)
      %dma_wait3A = arith.constant 0 : i32
      %dma_wait3A_139 = arith.constant 0 : i32
      %dma_wait3A_140 = tpu.memref_slice %arg19[%dma_wait3A, %dma_wait3A_139] : memref<128x80xf32, #tpu.memory_space<vmem>> -> memref<128x80xf32, #tpu.memory_space<vmem>>
      %dma_wait3A_141 = arith.constant 0 : i32
      %dma_wait3A_142 = tpu.memref_slice %arg24[%add3A_7, %dma_wait3A_141] : memref<10112x80xf32, #tpu.memory_space<vmem_shared>> -> memref<128x80xf32, #tpu.memory_space<vmem_shared>>
      %dma_wait3A_143 = arith.constant 0 : i32
      %dma_wait3A_144 = tpu.memref_slice %arg24[%add3A_7, %dma_wait3A_143] : memref<10112x80xf32, #tpu.memory_space<vmem_shared>> -> memref<128x80xf32, #tpu.memory_space<vmem_shared>>
      %dma_wait3A_145 = arith.constant 0 : i32
      %dma_wait3A_146 = arith.constant 0 : i32
      %dma_wait3A_147 = tpu.memref_slice %arg19[%dma_wait3A_145, %dma_wait3A_146] : memref<128x80xf32, #tpu.memory_space<vmem>> -> memref<128x80xf32, #tpu.memory_space<vmem>>
      tpu.wait_dma2 semaphore(%run_scoped3A : memref<!tpu.dma_semaphore, #tpu.memory_space<semaphore_mem>>) src(%dma_wait3A_147 : memref<128x80xf32, #tpu.memory_space<vmem>>) dst(%dma_wait3A_144 : memref<128x80xf32, #tpu.memory_space<vmem_shared>>)
      tpu.yield
    }) : () -> ()
    %mul3A_8 = arith.constant 632 : i32
    %mul3A_9 = arith.muli %arg1, %mul3A_8 : i32
    %add3A_10 = arith.constant 128 : i32
    %add3A_11 = arith.addi %mul3A_9, %add3A_10 : i32
    "tpu.region"() ({
      %run_scoped3A = tpu.sem_alloc : memref<!tpu.dma_semaphore, #tpu.memory_space<semaphore_mem>>
      %dma_start3A = arith.constant 0 : i32
      %dma_start3A_130 = arith.constant 0 : i32
      %dma_start3A_131 = tpu.memref_slice %arg19[%dma_start3A, %dma_start3A_130] : memref<128x80xf32, #tpu.memory_space<vmem>> -> memref<128x80xf32, #tpu.memory_space<vmem>>
      %dma_start3A_132 = arith.constant 0 : i32
      %dma_start3A_133 = tpu.memref_slice %arg24[%add3A_11, %dma_start3A_132] : memref<10112x80xf32, #tpu.memory_space<vmem_shared>> -> memref<128x80xf32, #tpu.memory_space<vmem_shared>>
      %dma_start3A_134 = arith.constant 0 : i32
      %dma_start3A_135 = tpu.memref_slice %arg24[%add3A_11, %dma_start3A_134] : memref<10112x80xf32, #tpu.memory_space<vmem_shared>> -> memref<128x80xf32, #tpu.memory_space<vmem_shared>>
      %dma_start3A_136 = arith.constant 0 : i32
      %dma_start3A_137 = arith.constant 0 : i32
      %dma_start3A_138 = tpu.memref_slice %arg19[%dma_start3A_136, %dma_start3A_137] : memref<128x80xf32, #tpu.memory_space<vmem>> -> memref<128x80xf32, #tpu.memory_space<vmem>>
      tpu.enqueue_dma source(%dma_start3A_138 : memref<128x80xf32, #tpu.memory_space<vmem>>) target(%dma_start3A_135 : memref<128x80xf32, #tpu.memory_space<vmem_shared>>) target_semaphore(%run_scoped3A : memref<!tpu.dma_semaphore, #tpu.memory_space<semaphore_mem>>)
      %dma_wait3A = arith.constant 0 : i32
      %dma_wait3A_139 = arith.constant 0 : i32
      %dma_wait3A_140 = tpu.memref_slice %arg19[%dma_wait3A, %dma_wait3A_139] : memref<128x80xf32, #tpu.memory_space<vmem>> -> memref<128x80xf32, #tpu.memory_space<vmem>>
      %dma_wait3A_141 = arith.constant 0 : i32
      %dma_wait3A_142 = tpu.memref_slice %arg24[%add3A_11, %dma_wait3A_141] : memref<10112x80xf32, #tpu.memory_space<vmem_shared>> -> memref<128x80xf32, #tpu.memory_space<vmem_shared>>
      %dma_wait3A_143 = arith.constant 0 : i32
      %dma_wait3A_144 = tpu.memref_slice %arg24[%add3A_11, %dma_wait3A_143] : memref<10112x80xf32, #tpu.memory_space<vmem_shared>> -> memref<128x80xf32, #tpu.memory_space<vmem_shared>>
      %dma_wait3A_145 = arith.constant 0 : i32
      %dma_wait3A_146 = arith.constant 0 : i32
      %dma_wait3A_147 = tpu.memref_slice %arg19[%dma_wait3A_145, %dma_wait3A_146] : memref<128x80xf32, #tpu.memory_space<vmem>> -> memref<128x80xf32, #tpu.memory_space<vmem>>
      tpu.wait_dma2 semaphore(%run_scoped3A : memref<!tpu.dma_semaphore, #tpu.memory_space<semaphore_mem>>) src(%dma_wait3A_147 : memref<128x80xf32, #tpu.memory_space<vmem>>) dst(%dma_wait3A_144 : memref<128x80xf32, #tpu.memory_space<vmem_shared>>)
      tpu.yield
    }) : () -> ()
    %mul3A_12 = arith.constant 632 : i32
    %mul3A_13 = arith.muli %arg1, %mul3A_12 : i32
    %add3A_14 = arith.constant 256 : i32
    %add3A_15 = arith.addi %mul3A_13, %add3A_14 : i32
    "tpu.region"() ({
      %run_scoped3A = tpu.sem_alloc : memref<!tpu.dma_semaphore, #tpu.memory_space<semaphore_mem>>
      %dma_start3A = arith.constant 0 : i32
      %dma_start3A_130 = arith.constant 0 : i32
      %dma_start3A_131 = tpu.memref_slice %arg19[%dma_start3A, %dma_start3A_130] : memref<128x80xf32, #tpu.memory_space<vmem>> -> memref<128x80xf32, #tpu.memory_space<vmem>>
      %dma_start3A_132 = arith.constant 0 : i32
      %dma_start3A_133 = tpu.memref_slice %arg24[%add3A_15, %dma_start3A_132] : memref<10112x80xf32, #tpu.memory_space<vmem_shared>> -> memref<128x80xf32, #tpu.memory_space<vmem_shared>>
      %dma_start3A_134 = arith.constant 0 : i32
      %dma_start3A_135 = tpu.memref_slice %arg24[%add3A_15, %dma_start3A_134] : memref<10112x80xf32, #tpu.memory_space<vmem_shared>> -> memref<128x80xf32, #tpu.memory_space<vmem_shared>>
      %dma_start3A_136 = arith.constant 0 : i32
      %dma_start3A_137 = arith.constant 0 : i32
      %dma_start3A_138 = tpu.memref_slice %arg19[%dma_start3A_136, %dma_start3A_137] : memref<128x80xf32, #tpu.memory_space<vmem>> -> memref<128x80xf32, #tpu.memory_space<vmem>>
      tpu.enqueue_dma source(%dma_start3A_138 : memref<128x80xf32, #tpu.memory_space<vmem>>) target(%dma_start3A_135 : memref<128x80xf32, #tpu.memory_space<vmem_shared>>) target_semaphore(%run_scoped3A : memref<!tpu.dma_semaphore, #tpu.memory_space<semaphore_mem>>)
      %dma_wait3A = arith.constant 0 : i32
      %dma_wait3A_139 = arith.constant 0 : i32
      %dma_wait3A_140 = tpu.memref_slice %arg19[%dma_wait3A, %dma_wait3A_139] : memref<128x80xf32, #tpu.memory_space<vmem>> -> memref<128x80xf32, #tpu.memory_space<vmem>>
      %dma_wait3A_141 = arith.constant 0 : i32
      %dma_wait3A_142 = tpu.memref_slice %arg24[%add3A_15, %dma_wait3A_141] : memref<10112x80xf32, #tpu.memory_space<vmem_shared>> -> memref<128x80xf32, #tpu.memory_space<vmem_shared>>
      %dma_wait3A_143 = arith.constant 0 : i32
      %dma_wait3A_144 = tpu.memref_slice %arg24[%add3A_15, %dma_wait3A_143] : memref<10112x80xf32, #tpu.memory_space<vmem_shared>> -> memref<128x80xf32, #tpu.memory_space<vmem_shared>>
      %dma_wait3A_145 = arith.constant 0 : i32
      %dma_wait3A_146 = arith.constant 0 : i32
      %dma_wait3A_147 = tpu.memref_slice %arg19[%dma_wait3A_145, %dma_wait3A_146] : memref<128x80xf32, #tpu.memory_space<vmem>> -> memref<128x80xf32, #tpu.memory_space<vmem>>
      tpu.wait_dma2 semaphore(%run_scoped3A : memref<!tpu.dma_semaphore, #tpu.memory_space<semaphore_mem>>) src(%dma_wait3A_147 : memref<128x80xf32, #tpu.memory_space<vmem>>) dst(%dma_wait3A_144 : memref<128x80xf32, #tpu.memory_space<vmem_shared>>)
      tpu.yield
    }) : () -> ()
    %mul3A_16 = arith.constant 632 : i32
    %mul3A_17 = arith.muli %arg1, %mul3A_16 : i32
    %add3A_18 = arith.constant 384 : i32
    %add3A_19 = arith.addi %mul3A_17, %add3A_18 : i32
    "tpu.region"() ({
      %run_scoped3A = tpu.sem_alloc : memref<!tpu.dma_semaphore, #tpu.memory_space<semaphore_mem>>
      %dma_start3A = arith.constant 0 : i32
      %dma_start3A_130 = arith.constant 0 : i32
      %dma_start3A_131 = tpu.memref_slice %arg19[%dma_start3A, %dma_start3A_130] : memref<128x80xf32, #tpu.memory_space<vmem>> -> memref<128x80xf32, #tpu.memory_space<vmem>>
      %dma_start3A_132 = arith.constant 0 : i32
      %dma_start3A_133 = tpu.memref_slice %arg24[%add3A_19, %dma_start3A_132] : memref<10112x80xf32, #tpu.memory_space<vmem_shared>> -> memref<128x80xf32, #tpu.memory_space<vmem_shared>>
      %dma_start3A_134 = arith.constant 0 : i32
      %dma_start3A_135 = tpu.memref_slice %arg24[%add3A_19, %dma_start3A_134] : memref<10112x80xf32, #tpu.memory_space<vmem_shared>> -> memref<128x80xf32, #tpu.memory_space<vmem_shared>>
      %dma_start3A_136 = arith.constant 0 : i32
      %dma_start3A_137 = arith.constant 0 : i32
      %dma_start3A_138 = tpu.memref_slice %arg19[%dma_start3A_136, %dma_start3A_137] : memref<128x80xf32, #tpu.memory_space<vmem>> -> memref<128x80xf32, #tpu.memory_space<vmem>>
      tpu.enqueue_dma source(%dma_start3A_138 : memref<128x80xf32, #tpu.memory_space<vmem>>) target(%dma_start3A_135 : memref<128x80xf32, #tpu.memory_space<vmem_shared>>) target_semaphore(%run_scoped3A : memref<!tpu.dma_semaphore, #tpu.memory_space<semaphore_mem>>)
      %dma_wait3A = arith.constant 0 : i32
      %dma_wait3A_139 = arith.constant 0 : i32
      %dma_wait3A_140 = tpu.memref_slice %arg19[%dma_wait3A, %dma_wait3A_139] : memref<128x80xf32, #tpu.memory_space<vmem>> -> memref<128x80xf32, #tpu.memory_space<vmem>>
      %dma_wait3A_141 = arith.constant 0 : i32
      %dma_wait3A_142 = tpu.memref_slice %arg24[%add3A_19, %dma_wait3A_141] : memref<10112x80xf32, #tpu.memory_space<vmem_shared>> -> memref<128x80xf32, #tpu.memory_space<vmem_shared>>
      %dma_wait3A_143 = arith.constant 0 : i32
      %dma_wait3A_144 = tpu.memref_slice %arg24[%add3A_19, %dma_wait3A_143] : memref<10112x80xf32, #tpu.memory_space<vmem_shared>> -> memref<128x80xf32, #tpu.memory_space<vmem_shared>>
      %dma_wait3A_145 = arith.constant 0 : i32
      %dma_wait3A_146 = arith.constant 0 : i32
      %dma_wait3A_147 = tpu.memref_slice %arg19[%dma_wait3A_145, %dma_wait3A_146] : memref<128x80xf32, #tpu.memory_space<vmem>> -> memref<128x80xf32, #tpu.memory_space<vmem>>
      tpu.wait_dma2 semaphore(%run_scoped3A : memref<!tpu.dma_semaphore, #tpu.memory_space<semaphore_mem>>) src(%dma_wait3A_147 : memref<128x80xf32, #tpu.memory_space<vmem>>) dst(%dma_wait3A_144 : memref<128x80xf32, #tpu.memory_space<vmem_shared>>)
      tpu.yield
    }) : () -> ()
    %mul3A_20 = arith.constant 632 : i32
    %mul3A_21 = arith.muli %arg1, %mul3A_20 : i32
    %add3A_22 = arith.constant 512 : i32
    %add3A_23 = arith.addi %mul3A_21, %add3A_22 : i32
    "tpu.region"() ({
      %run_scoped3A = tpu.sem_alloc : memref<!tpu.dma_semaphore, #tpu.memory_space<semaphore_mem>>
      %dma_start3A = arith.constant 0 : i32
      %dma_start3A_130 = arith.constant 0 : i32
      %dma_start3A_131 = tpu.memref_slice %arg19[%dma_start3A, %dma_start3A_130] : memref<128x80xf32, #tpu.memory_space<vmem>> -> memref<120x80xf32, #tpu.memory_space<vmem>>
      %dma_start3A_132 = arith.constant 0 : i32
      %dma_start3A_133 = tpu.memref_slice %arg24[%add3A_23, %dma_start3A_132] : memref<10112x80xf32, #tpu.memory_space<vmem_shared>> -> memref<120x80xf32, #tpu.memory_space<vmem_shared>>
      %dma_start3A_134 = arith.constant 0 : i32
      %dma_start3A_135 = tpu.memref_slice %arg24[%add3A_23, %dma_start3A_134] : memref<10112x80xf32, #tpu.memory_space<vmem_shared>> -> memref<120x80xf32, #tpu.memory_space<vmem_shared>>
      %dma_start3A_136 = arith.constant 0 : i32
      %dma_start3A_137 = arith.constant 0 : i32
      %dma_start3A_138 = tpu.memref_slice %arg19[%dma_start3A_136, %dma_start3A_137] : memref<128x80xf32, #tpu.memory_space<vmem>> -> memref<120x80xf32, #tpu.memory_space<vmem>>
      tpu.enqueue_dma source(%dma_start3A_138 : memref<120x80xf32, #tpu.memory_space<vmem>>) target(%dma_start3A_135 : memref<120x80xf32, #tpu.memory_space<vmem_shared>>) target_semaphore(%run_scoped3A : memref<!tpu.dma_semaphore, #tpu.memory_space<semaphore_mem>>)
      %dma_wait3A = arith.constant 0 : i32
      %dma_wait3A_139 = arith.constant 0 : i32
      %dma_wait3A_140 = tpu.memref_slice %arg19[%dma_wait3A, %dma_wait3A_139] : memref<128x80xf32, #tpu.memory_space<vmem>> -> memref<120x80xf32, #tpu.memory_space<vmem>>
      %dma_wait3A_141 = arith.constant 0 : i32
      %dma_wait3A_142 = tpu.memref_slice %arg24[%add3A_23, %dma_wait3A_141] : memref<10112x80xf32, #tpu.memory_space<vmem_shared>> -> memref<120x80xf32, #tpu.memory_space<vmem_shared>>
      %dma_wait3A_143 = arith.constant 0 : i32
      %dma_wait3A_144 = tpu.memref_slice %arg24[%add3A_23, %dma_wait3A_143] : memref<10112x80xf32, #tpu.memory_space<vmem_shared>> -> memref<120x80xf32, #tpu.memory_space<vmem_shared>>
      %dma_wait3A_145 = arith.constant 0 : i32
      %dma_wait3A_146 = arith.constant 0 : i32
      %dma_wait3A_147 = tpu.memref_slice %arg19[%dma_wait3A_145, %dma_wait3A_146] : memref<128x80xf32, #tpu.memory_space<vmem>> -> memref<120x80xf32, #tpu.memory_space<vmem>>
      tpu.wait_dma2 semaphore(%run_scoped3A : memref<!tpu.dma_semaphore, #tpu.memory_space<semaphore_mem>>) src(%dma_wait3A_147 : memref<120x80xf32, #tpu.memory_space<vmem>>) dst(%dma_wait3A_144 : memref<120x80xf32, #tpu.memory_space<vmem_shared>>)
      tpu.yield
    }) : () -> ()
    %barrier3A = arith.constant 0 : index
    tpu.barrier barrier_id(%barrier3A)
    %eq3A = arith.constant 0 : i32
    %eq3A_24 = arith.cmpi eq, %arg0, %eq3A : i32
    %convert_element_type3A = arith.extui %eq3A_24 : i1 to i32
    %cond3A = arith.constant 0 : i32
    %cond3A_25 = arith.cmpi ne, %convert_element_type3A, %cond3A : i32
    scf.if %cond3A_25 {
      "tpu.region"() ({
        %run_scoped3A = tpu.sem_alloc : memref<!tpu.dma_semaphore, #tpu.memory_space<semaphore_mem>>
        tpu.enqueue_dma source(%arg5 : memref<80xf32, #tpu.memory_space<hbm>>) target(%arg23 : memref<80xf32, #tpu.memory_space<vmem>>) target_semaphore(%run_scoped3A : memref<!tpu.dma_semaphore, #tpu.memory_space<semaphore_mem>>)
        tpu.wait_dma2 semaphore(%run_scoped3A : memref<!tpu.dma_semaphore, #tpu.memory_space<semaphore_mem>>) src(%arg5 : memref<80xf32, #tpu.memory_space<hbm>>) dst(%arg23 : memref<80xf32, #tpu.memory_space<vmem>>)
        tpu.yield
      }) : () -> ()
      %get3A = arith.constant 0 : index
      %get3A_130 = tpu.vector_load %arg23[%get3A] {strides = array<i32>} : memref<80xf32, #tpu.memory_space<vmem>>, vector<16xf32>,
      %get3A_131 = vector.shape_cast %get3A_130 : vector<16xf32> to vector<16xf32>
      %get3A_132 = arith.constant 16 : index
      %get3A_133 = tpu.vector_load %arg23[%get3A_132] {strides = array<i32>} : memref<80xf32, #tpu.memory_space<vmem>>, vector<16xf32>,
      %get3A_134 = vector.shape_cast %get3A_133 : vector<16xf32> to vector<16xf32>
      %get3A_135 = arith.constant 32 : index
      %get3A_136 = tpu.vector_load %arg23[%get3A_135] {strides = array<i32>} : memref<80xf32, #tpu.memory_space<vmem>>, vector<16xf32>,
      %get3A_137 = vector.shape_cast %get3A_136 : vector<16xf32> to vector<16xf32>
      %get3A_138 = arith.constant 48 : index
      %get3A_139 = tpu.vector_load %arg23[%get3A_138] {strides = array<i32>} : memref<80xf32, #tpu.memory_space<vmem>>, vector<16xf32>,
      %get3A_140 = vector.shape_cast %get3A_139 : vector<16xf32> to vector<16xf32>
      %get3A_141 = arith.constant 64 : index
      %get3A_142 = tpu.vector_load %arg23[%get3A_141] {strides = array<i32>} : memref<80xf32, #tpu.memory_space<vmem>>, vector<16xf32>,
      %get3A_143 = vector.shape_cast %get3A_142 : vector<16xf32> to vector<16xf32>
      %mul3A_144 = arith.constant 20736 : i32
      %mul3A_145 = arith.muli %arg1, %mul3A_144 : i32
      %add3A_146 = arith.constant 0 : i32
      %add3A_147 = arith.addi %mul3A_145, %add3A_146 : i32
      %multiple_of3A = tpu.assume_multiple %add3A_147, 128 : i32
      "tpu.region"() ({
        %run_scoped3A = tpu.sem_alloc : memref<!tpu.dma_semaphore, #tpu.memory_space<semaphore_mem>>
        %dma_start3A_162 = tpu.memref_slice %arg10[%multiple_of3A] : memref<331776xi32, #tpu.memory_space<hbm>> -> memref<128xi32, #tpu.memory_space<hbm>>
        %dma_start3A_163 = tpu.memref_slice %arg10[%multiple_of3A] : memref<331776xi32, #tpu.memory_space<hbm>> -> memref<128xi32, #tpu.memory_space<hbm>>
        tpu.enqueue_dma source(%dma_start3A_163 : memref<128xi32, #tpu.memory_space<hbm>>) target(%arg13 : memref<128xi32, #tpu.memory_space<vmem>>) target_semaphore(%run_scoped3A : memref<!tpu.dma_semaphore, #tpu.memory_space<semaphore_mem>>)
        %dma_wait3A = tpu.memref_slice %arg10[%multiple_of3A] : memref<331776xi32, #tpu.memory_space<hbm>> -> memref<128xi32, #tpu.memory_space<hbm>>
        %dma_wait3A_164 = tpu.memref_slice %arg10[%multiple_of3A] : memref<331776xi32, #tpu.memory_space<hbm>> -> memref<128xi32, #tpu.memory_space<hbm>>
        tpu.wait_dma2 semaphore(%run_scoped3A : memref<!tpu.dma_semaphore, #tpu.memory_space<semaphore_mem>>) src(%dma_wait3A_164 : memref<128xi32, #tpu.memory_space<hbm>>) dst(%arg13 : memref<128xi32, #tpu.memory_space<vmem>>)
        tpu.yield
      }) : () -> ()
      "tpu.region"() ({
        %run_scoped3A = tpu.sem_alloc : memref<!tpu.dma_semaphore, #tpu.memory_space<semaphore_mem>>
        %dma_start3A_162 = tpu.memref_slice %arg11[%multiple_of3A] : memref<331776xi32, #tpu.memory_space<hbm>> -> memref<128xi32, #tpu.memory_space<hbm>>
        %dma_start3A_163 = tpu.memref_slice %arg11[%multiple_of3A] : memref<331776xi32, #tpu.memory_space<hbm>> -> memref<128xi32, #tpu.memory_space<hbm>>
        tpu.enqueue_dma source(%dma_start3A_163 : memref<128xi32, #tpu.memory_space<hbm>>) target(%arg14 : memref<128xi32, #tpu.memory_space<vmem>>) target_semaphore(%run_scoped3A : memref<!tpu.dma_semaphore, #tpu.memory_space<semaphore_mem>>)
        %dma_wait3A = tpu.memref_slice %arg11[%multiple_of3A] : memref<331776xi32, #tpu.memory_space<hbm>> -> memref<128xi32, #tpu.memory_space<hbm>>
        %dma_wait3A_164 = tpu.memref_slice %arg11[%multiple_of3A] : memref<331776xi32, #tpu.memory_space<hbm>> -> memref<128xi32, #tpu.memory_space<hbm>>
        tpu.wait_dma2 semaphore(%run_scoped3A : memref<!tpu.dma_semaphore, #tpu.memory_space<semaphore_mem>>) src(%dma_wait3A_164 : memref<128xi32, #tpu.memory_space<hbm>>) dst(%arg14 : memref<128xi32, #tpu.memory_space<vmem>>)
        tpu.yield
      }) : () -> ()
      %dma_start3A = arith.constant 0 : i32
      %dma_start3A_148 = arith.constant 0 : i32
      %dma_start3A_149 = tpu.memref_slice %arg2[%dma_start3A, %dma_start3A_148] : memref<10112x80xf32, #tpu.memory_space<hbm>> -> memref<10112x80xf32, #tpu.memory_space<hbm>>
      tpu.enqueue_indirect_dma source(%dma_start3A_149 : memref<10112x80xf32, #tpu.memory_space<hbm>>) target(%arg17 : memref<128x80xf32, #tpu.memory_space<vmem>>) offsets(%arg13 : memref<128xi32, #tpu.memory_space<vmem>>) semaphore(%arg25 : memref<!tpu.dma_semaphore, #tpu.memory_space<semaphore_mem>>)
      %dma_start3A_150 = arith.constant 0 : i32
      %dma_start3A_151 = arith.constant 0 : i32
      %dma_start3A_152 = tpu.memref_slice %arg3[%dma_start3A_150, %dma_start3A_151] : memref<10112x80xf32, #tpu.memory_space<hbm>> -> memref<10112x80xf32, #tpu.memory_space<hbm>>
      tpu.enqueue_indirect_dma source(%dma_start3A_152 : memref<10112x80xf32, #tpu.memory_space<hbm>>) target(%arg18 : memref<128x80xf32, #tpu.memory_space<vmem>>) offsets(%arg14 : memref<128xi32, #tpu.memory_space<vmem>>) semaphore(%arg25 : memref<!tpu.dma_semaphore, #tpu.memory_space<semaphore_mem>>)
      %dma_start3A_153 = arith.constant 0 : i32
      %dma_start3A_154 = arith.constant 0 : i32
      %dma_start3A_155 = tpu.memref_slice %arg4[%dma_start3A_153, %dma_start3A_154] : memref<10112x80xf32, #tpu.memory_space<hbm>> -> memref<10112x80xf32, #tpu.memory_space<hbm>>
      tpu.enqueue_indirect_dma source(%dma_start3A_155 : memref<10112x80xf32, #tpu.memory_space<hbm>>) target(%arg19 : memref<128x80xf32, #tpu.memory_space<vmem>>) offsets(%arg13 : memref<128xi32, #tpu.memory_space<vmem>>) semaphore(%arg25 : memref<!tpu.dma_semaphore, #tpu.memory_space<semaphore_mem>>)
      %scan3A_156 = arith.constant 0 : i32
      %scan3A_157 = arith.constant 0 : i32
      %scan3A_158 = arith.constant 81 : i32
      %scan3A_159 = arith.addi %scan3A_157, %scan3A_158 : i32
      %scan3A_160 = arith.constant 1 : i32
      scf.for %scan3A_162 = %scan3A_157 to %scan3A_159 step %scan3A_160  : i32 {
        %mul3A_163 = arith.constant 2 : i32
        %mul3A_164 = arith.muli %mul3A_163, %scan3A_162 : i32
        %add3A_165 = arith.constant 1 : i32
        %add3A_166 = arith.addi %mul3A_164, %add3A_165 : i32
        %mul3A_167 = arith.constant 20736 : i32
        %mul3A_168 = arith.muli %arg1, %mul3A_167 : i32
        %mul3A_169 = arith.constant 128 : i32
        %mul3A_170 = arith.muli %add3A_166, %mul3A_169 : i32
        %add3A_171 = arith.addi %mul3A_168, %mul3A_170 : i32
        %multiple_of3A_172 = tpu.assume_multiple %add3A_171, 128 : i32
        "tpu.region"() ({
          %run_scoped3A = tpu.sem_alloc : memref<!tpu.dma_semaphore, #tpu.memory_space<semaphore_mem>>
          %dma_start3A_215 = tpu.memref_slice %arg10[%multiple_of3A_172] : memref<331776xi32, #tpu.memory_space<hbm>> -> memref<128xi32, #tpu.memory_space<hbm>>
          %dma_start3A_216 = tpu.memref_slice %arg10[%multiple_of3A_172] : memref<331776xi32, #tpu.memory_space<hbm>> -> memref<128xi32, #tpu.memory_space<hbm>>
          tpu.enqueue_dma source(%dma_start3A_216 : memref<128xi32, #tpu.memory_space<hbm>>) target(%arg15 : memref<128xi32, #tpu.memory_space<vmem>>) target_semaphore(%run_scoped3A : memref<!tpu.dma_semaphore, #tpu.memory_space<semaphore_mem>>)
          %dma_wait3A_217 = tpu.memref_slice %arg10[%multiple_of3A_172] : memref<331776xi32, #tpu.memory_space<hbm>> -> memref<128xi32, #tpu.memory_space<hbm>>
          %dma_wait3A_218 = tpu.memref_slice %arg10[%multiple_of3A_172] : memref<331776xi32, #tpu.memory_space<hbm>> -> memref<128xi32, #tpu.memory_space<hbm>>
          tpu.wait_dma2 semaphore(%run_scoped3A : memref<!tpu.dma_semaphore, #tpu.memory_space<semaphore_mem>>) src(%dma_wait3A_218 : memref<128xi32, #tpu.memory_space<hbm>>) dst(%arg15 : memref<128xi32, #tpu.memory_space<vmem>>)
          tpu.yield
        }) : () -> ()
        "tpu.region"() ({
          %run_scoped3A = tpu.sem_alloc : memref<!tpu.dma_semaphore, #tpu.memory_space<semaphore_mem>>
          %dma_start3A_215 = tpu.memref_slice %arg11[%multiple_of3A_172] : memref<331776xi32, #tpu.memory_space<hbm>> -> memref<128xi32, #tpu.memory_space<hbm>>
          %dma_start3A_216 = tpu.memref_slice %arg11[%multiple_of3A_172] : memref<331776xi32, #tpu.memory_space<hbm>> -> memref<128xi32, #tpu.memory_space<hbm>>
          tpu.enqueue_dma source(%dma_start3A_216 : memref<128xi32, #tpu.memory_space<hbm>>) target(%arg16 : memref<128xi32, #tpu.memory_space<vmem>>) target_semaphore(%run_scoped3A : memref<!tpu.dma_semaphore, #tpu.memory_space<semaphore_mem>>)
          %dma_wait3A_217 = tpu.memref_slice %arg11[%multiple_of3A_172] : memref<331776xi32, #tpu.memory_space<hbm>> -> memref<128xi32, #tpu.memory_space<hbm>>
          %dma_wait3A_218 = tpu.memref_slice %arg11[%multiple_of3A_172] : memref<331776xi32, #tpu.memory_space<hbm>> -> memref<128xi32, #tpu.memory_space<hbm>>
          tpu.wait_dma2 semaphore(%run_scoped3A : memref<!tpu.dma_semaphore, #tpu.memory_space<semaphore_mem>>) src(%dma_wait3A_218 : memref<128xi32, #tpu.memory_space<hbm>>) dst(%arg16 : memref<128xi32, #tpu.memory_space<vmem>>)
          tpu.yield
        }) : () -> ()
        %dma_start3A_173 = arith.constant 0 : i32
        %dma_start3A_174 = arith.constant 0 : i32
        %dma_start3A_175 = tpu.memref_slice %arg2[%dma_start3A_173, %dma_start3A_174] : memref<10112x80xf32, #tpu.memory_space<hbm>> -> memref<10112x80xf32, #tpu.memory_space<hbm>>
        tpu.enqueue_indirect_dma source(%dma_start3A_175 : memref<10112x80xf32, #tpu.memory_space<hbm>>) target(%arg20 : memref<128x80xf32, #tpu.memory_space<vmem>>) offsets(%arg15 : memref<128xi32, #tpu.memory_space<vmem>>) semaphore(%arg26 : memref<!tpu.dma_semaphore, #tpu.memory_space<semaphore_mem>>)
        %dma_start3A_176 = arith.constant 0 : i32
        %dma_start3A_177 = arith.constant 0 : i32
        %dma_start3A_178 = tpu.memref_slice %arg3[%dma_start3A_176, %dma_start3A_177] : memref<10112x80xf32, #tpu.memory_space<hbm>> -> memref<10112x80xf32, #tpu.memory_space<hbm>>
        tpu.enqueue_indirect_dma source(%dma_start3A_178 : memref<10112x80xf32, #tpu.memory_space<hbm>>) target(%arg21 : memref<128x80xf32, #tpu.memory_space<vmem>>) offsets(%arg16 : memref<128xi32, #tpu.memory_space<vmem>>) semaphore(%arg26 : memref<!tpu.dma_semaphore, #tpu.memory_space<semaphore_mem>>)
        %dma_start3A_179 = arith.constant 0 : i32
        %dma_start3A_180 = arith.constant 0 : i32
        %dma_start3A_181 = tpu.memref_slice %arg4[%dma_start3A_179, %dma_start3A_180] : memref<10112x80xf32, #tpu.memory_space<hbm>> -> memref<10112x80xf32, #tpu.memory_space<hbm>>
        tpu.enqueue_indirect_dma source(%dma_start3A_181 : memref<10112x80xf32, #tpu.memory_space<hbm>>) target(%arg22 : memref<128x80xf32, #tpu.memory_space<vmem>>) offsets(%arg15 : memref<128xi32, #tpu.memory_space<vmem>>) semaphore(%arg26 : memref<!tpu.dma_semaphore, #tpu.memory_space<semaphore_mem>>)
        %dma_wait3A = arith.constant 0 : i32
        %dma_wait3A_182 = arith.constant 0 : i32
        %dma_wait3A_183 = tpu.memref_slice %arg2[%dma_wait3A, %dma_wait3A_182] : memref<10112x80xf32, #tpu.memory_space<hbm>> -> memref<10112x80xf32, #tpu.memory_space<hbm>>
        tpu.wait_indirect_dma semaphore(%arg25 : memref<!tpu.dma_semaphore, #tpu.memory_space<semaphore_mem>>) src(%dma_wait3A_183 : memref<10112x80xf32, #tpu.memory_space<hbm>>) dst(%arg17 : memref<128x80xf32, #tpu.memory_space<vmem>>)
        %dma_wait3A_184 = arith.constant 0 : i32
        %dma_wait3A_185 = arith.constant 0 : i32
        %dma_wait3A_186 = tpu.memref_slice %arg3[%dma_wait3A_184, %dma_wait3A_185] : memref<10112x80xf32, #tpu.memory_space<hbm>> -> memref<10112x80xf32, #tpu.memory_space<hbm>>
        tpu.wait_indirect_dma semaphore(%arg25 : memref<!tpu.dma_semaphore, #tpu.memory_space<semaphore_mem>>) src(%dma_wait3A_186 : memref<10112x80xf32, #tpu.memory_space<hbm>>) dst(%arg18 : memref<128x80xf32, #tpu.memory_space<vmem>>)
        %dma_wait3A_187 = arith.constant 0 : i32
        %dma_wait3A_188 = arith.constant 0 : i32
        %dma_wait3A_189 = tpu.memref_slice %arg4[%dma_wait3A_187, %dma_wait3A_188] : memref<10112x80xf32, #tpu.memory_space<hbm>> -> memref<10112x80xf32, #tpu.memory_space<hbm>>
        tpu.wait_indirect_dma semaphore(%arg25 : memref<!tpu.dma_semaphore, #tpu.memory_space<semaphore_mem>>) src(%dma_wait3A_189 : memref<10112x80xf32, #tpu.memory_space<hbm>>) dst(%arg19 : memref<128x80xf32, #tpu.memory_space<vmem>>)
        %scan3A_190 = arith.constant 0 : i32
        %scan3A_191 = arith.constant 0 : i32
        %scan3A_192 = arith.constant 128 : i32
        %scan3A_193 = arith.addi %scan3A_191, %scan3A_192 : i32
        %scan3A_194 = arith.constant 1 : i32
        scf.for %scan3A_215 = %scan3A_191 to %scan3A_193 step %scan3A_194  : i32 {
          %get3A_216 = arith.index_cast %scan3A_215 : i32 to index
          %get3A_217 = arith.constant 0 : index
          %get3A_218 = tpu.vector_load %arg17[%get3A_216, %get3A_217] {strides = array<i32>} : memref<128x80xf32, #tpu.memory_space<vmem>>, vector<1x16xf32>,
          %get3A_219 = vector.shape_cast %get3A_218 : vector<1x16xf32> to vector<16xf32>
          %get3A_220 = arith.index_cast %scan3A_215 : i32 to index
          %get3A_221 = arith.constant 0 : index
          %get3A_222 = tpu.vector_load %arg18[%get3A_220, %get3A_221] {strides = array<i32>} : memref<128x80xf32, #tpu.memory_space<vmem>>, vector<1x16xf32>,
          %get3A_223 = vector.shape_cast %get3A_222 : vector<1x16xf32> to vector<16xf32>
          %add3A_224 = arith.addf %get3A_219, %get3A_223 : vector<16xf32>
          %mul3A_225 = arith.constant 2.000000e-01 : f32
          %mul3A_226 = vector.broadcast %mul3A_225 : f32 to vector<16xf32>
          %mul3A_227 = arith.mulf %mul3A_226, %add3A_224 : vector<16xf32>
          %max3A = arith.maximumf %add3A_224, %mul3A_227 : vector<16xf32>
          %sub3A = arith.subf %max3A, %get3A_131 : vector<16xf32>
          %exp3A = math.exp %sub3A : vector<16xf32>
          %get3A_228 = arith.index_cast %scan3A_215 : i32 to index
          %get3A_229 = arith.constant 0 : index
          %get3A_230 = tpu.vector_load %arg19[%get3A_228, %get3A_229] {strides = array<i32>} : memref<128x80xf32, #tpu.memory_space<vmem>>, vector<1x16xf32>,
          %get3A_231 = vector.shape_cast %get3A_230 : vector<1x16xf32> to vector<16xf32>
          %mul3A_232 = arith.mulf %get3A_231, %exp3A : vector<16xf32>
          %swap3A = arith.index_cast %scan3A_215 : i32 to index
          %swap3A_233 = arith.constant 0 : index
          %swap3A_234 = tpu.vector_load %arg19[%swap3A, %swap3A_233] {strides = array<i32>} : memref<128x80xf32, #tpu.memory_space<vmem>>, vector<1x16xf32>,
          %swap3A_235 = vector.shape_cast %swap3A_234 : vector<1x16xf32> to vector<16xf32>
          %swap3A_236 = vector.shape_cast %mul3A_232 : vector<16xf32> to vector<1x16xf32>
          tpu.vector_store %arg19[%swap3A, %swap3A_233], %swap3A_236 {strides = array<i32>} : memref<128x80xf32, #tpu.memory_space<vmem>>, vector<1x16xf32>,
          %get3A_237 = arith.index_cast %scan3A_215 : i32 to index
          %get3A_238 = arith.constant 16 : index
          %get3A_239 = tpu.vector_load %arg17[%get3A_237, %get3A_238] {strides = array<i32>} : memref<128x80xf32, #tpu.memory_space<vmem>>, vector<1x16xf32>,
          %get3A_240 = vector.shape_cast %get3A_239 : vector<1x16xf32> to vector<16xf32>
          %get3A_241 = arith.index_cast %scan3A_215 : i32 to index
          %get3A_242 = arith.constant 16 : index
          %get3A_243 = tpu.vector_load %arg18[%get3A_241, %get3A_242] {strides = array<i32>} : memref<128x80xf32, #tpu.memory_space<vmem>>, vector<1x16xf32>,
          %get3A_244 = vector.shape_cast %get3A_243 : vector<1x16xf32> to vector<16xf32>
          %add3A_245 = arith.addf %get3A_240, %get3A_244 : vector<16xf32>
          %mul3A_246 = arith.constant 2.000000e-01 : f32
          %mul3A_247 = vector.broadcast %mul3A_246 : f32 to vector<16xf32>
          %mul3A_248 = arith.mulf %mul3A_247, %add3A_245 : vector<16xf32>
          %max3A_249 = arith.maximumf %add3A_245, %mul3A_248 : vector<16xf32>
          %sub3A_250 = arith.subf %max3A_249, %get3A_134 : vector<16xf32>
          %exp3A_251 = math.exp %sub3A_250 : vector<16xf32>
          %get3A_252 = arith.index_cast %scan3A_215 : i32 to index
          %get3A_253 = arith.constant 16 : index
          %get3A_254 = tpu.vector_load %arg19[%get3A_252, %get3A_253] {strides = array<i32>} : memref<128x80xf32, #tpu.memory_space<vmem>>, vector<1x16xf32>,
          %get3A_255 = vector.shape_cast %get3A_254 : vector<1x16xf32> to vector<16xf32>
          %mul3A_256 = arith.mulf %get3A_255, %exp3A_251 : vector<16xf32>
          %swap3A_257 = arith.index_cast %scan3A_215 : i32 to index
          %swap3A_258 = arith.constant 16 : index
          %swap3A_259 = tpu.vector_load %arg19[%swap3A_257, %swap3A_258] {strides = array<i32>} : memref<128x80xf32, #tpu.memory_space<vmem>>, vector<1x16xf32>,
          %swap3A_260 = vector.shape_cast %swap3A_259 : vector<1x16xf32> to vector<16xf32>
          %swap3A_261 = vector.shape_cast %mul3A_256 : vector<16xf32> to vector<1x16xf32>
          tpu.vector_store %arg19[%swap3A_257, %swap3A_258], %swap3A_261 {strides = array<i32>} : memref<128x80xf32, #tpu.memory_space<vmem>>, vector<1x16xf32>,
          %get3A_262 = arith.index_cast %scan3A_215 : i32 to index
          %get3A_263 = arith.constant 32 : index
          %get3A_264 = tpu.vector_load %arg17[%get3A_262, %get3A_263] {strides = array<i32>} : memref<128x80xf32, #tpu.memory_space<vmem>>, vector<1x16xf32>,
          %get3A_265 = vector.shape_cast %get3A_264 : vector<1x16xf32> to vector<16xf32>
          %get3A_266 = arith.index_cast %scan3A_215 : i32 to index
          %get3A_267 = arith.constant 32 : index
          %get3A_268 = tpu.vector_load %arg18[%get3A_266, %get3A_267] {strides = array<i32>} : memref<128x80xf32, #tpu.memory_space<vmem>>, vector<1x16xf32>,
          %get3A_269 = vector.shape_cast %get3A_268 : vector<1x16xf32> to vector<16xf32>
          %add3A_270 = arith.addf %get3A_265, %get3A_269 : vector<16xf32>
          %mul3A_271 = arith.constant 2.000000e-01 : f32
          %mul3A_272 = vector.broadcast %mul3A_271 : f32 to vector<16xf32>
          %mul3A_273 = arith.mulf %mul3A_272, %add3A_270 : vector<16xf32>
          %max3A_274 = arith.maximumf %add3A_270, %mul3A_273 : vector<16xf32>
          %sub3A_275 = arith.subf %max3A_274, %get3A_137 : vector<16xf32>
          %exp3A_276 = math.exp %sub3A_275 : vector<16xf32>
          %get3A_277 = arith.index_cast %scan3A_215 : i32 to index
          %get3A_278 = arith.constant 32 : index
          %get3A_279 = tpu.vector_load %arg19[%get3A_277, %get3A_278] {strides = array<i32>} : memref<128x80xf32, #tpu.memory_space<vmem>>, vector<1x16xf32>,
          %get3A_280 = vector.shape_cast %get3A_279 : vector<1x16xf32> to vector<16xf32>
          %mul3A_281 = arith.mulf %get3A_280, %exp3A_276 : vector<16xf32>
          %swap3A_282 = arith.index_cast %scan3A_215 : i32 to index
          %swap3A_283 = arith.constant 32 : index
          %swap3A_284 = tpu.vector_load %arg19[%swap3A_282, %swap3A_283] {strides = array<i32>} : memref<128x80xf32, #tpu.memory_space<vmem>>, vector<1x16xf32>,
          %swap3A_285 = vector.shape_cast %swap3A_284 : vector<1x16xf32> to vector<16xf32>
          %swap3A_286 = vector.shape_cast %mul3A_281 : vector<16xf32> to vector<1x16xf32>
          tpu.vector_store %arg19[%swap3A_282, %swap3A_283], %swap3A_286 {strides = array<i32>} : memref<128x80xf32, #tpu.memory_space<vmem>>, vector<1x16xf32>,
          %get3A_287 = arith.index_cast %scan3A_215 : i32 to index
          %get3A_288 = arith.constant 48 : index
          %get3A_289 = tpu.vector_load %arg17[%get3A_287, %get3A_288] {strides = array<i32>} : memref<128x80xf32, #tpu.memory_space<vmem>>, vector<1x16xf32>,
          %get3A_290 = vector.shape_cast %get3A_289 : vector<1x16xf32> to vector<16xf32>
          %get3A_291 = arith.index_cast %scan3A_215 : i32 to index
          %get3A_292 = arith.constant 48 : index
          %get3A_293 = tpu.vector_load %arg18[%get3A_291, %get3A_292] {strides = array<i32>} : memref<128x80xf32, #tpu.memory_space<vmem>>, vector<1x16xf32>,
          %get3A_294 = vector.shape_cast %get3A_293 : vector<1x16xf32> to vector<16xf32>
          %add3A_295 = arith.addf %get3A_290, %get3A_294 : vector<16xf32>
          %mul3A_296 = arith.constant 2.000000e-01 : f32
          %mul3A_297 = vector.broadcast %mul3A_296 : f32 to vector<16xf32>
          %mul3A_298 = arith.mulf %mul3A_297, %add3A_295 : vector<16xf32>
          %max3A_299 = arith.maximumf %add3A_295, %mul3A_298 : vector<16xf32>
          %sub3A_300 = arith.subf %max3A_299, %get3A_140 : vector<16xf32>
          %exp3A_301 = math.exp %sub3A_300 : vector<16xf32>
          %get3A_302 = arith.index_cast %scan3A_215 : i32 to index
          %get3A_303 = arith.constant 48 : index
          %get3A_304 = tpu.vector_load %arg19[%get3A_302, %get3A_303] {strides = array<i32>} : memref<128x80xf32, #tpu.memory_space<vmem>>, vector<1x16xf32>,
          %get3A_305 = vector.shape_cast %get3A_304 : vector<1x16xf32> to vector<16xf32>
          %mul3A_306 = arith.mulf %get3A_305, %exp3A_301 : vector<16xf32>
          %swap3A_307 = arith.index_cast %scan3A_215 : i32 to index
          %swap3A_308 = arith.constant 48 : index
          %swap3A_309 = tpu.vector_load %arg19[%swap3A_307, %swap3A_308] {strides = array<i32>} : memref<128x80xf32, #tpu.memory_space<vmem>>, vector<1x16xf32>,
          %swap3A_310 = vector.shape_cast %swap3A_309 : vector<1x16xf32> to vector<16xf32>
          %swap3A_311 = vector.shape_cast %mul3A_306 : vector<16xf32> to vector<1x16xf32>
          tpu.vector_store %arg19[%swap3A_307, %swap3A_308], %swap3A_311 {strides = array<i32>} : memref<128x80xf32, #tpu.memory_space<vmem>>, vector<1x16xf32>,
          %get3A_312 = arith.index_cast %scan3A_215 : i32 to index
          %get3A_313 = arith.constant 64 : index
          %get3A_314 = tpu.vector_load %arg17[%get3A_312, %get3A_313] {strides = array<i32>} : memref<128x80xf32, #tpu.memory_space<vmem>>, vector<1x16xf32>,
          %get3A_315 = vector.shape_cast %get3A_314 : vector<1x16xf32> to vector<16xf32>
          %get3A_316 = arith.index_cast %scan3A_215 : i32 to index
          %get3A_317 = arith.constant 64 : index
          %get3A_318 = tpu.vector_load %arg18[%get3A_316, %get3A_317] {strides = array<i32>} : memref<128x80xf32, #tpu.memory_space<vmem>>, vector<1x16xf32>,
          %get3A_319 = vector.shape_cast %get3A_318 : vector<1x16xf32> to vector<16xf32>
          %add3A_320 = arith.addf %get3A_315, %get3A_319 : vector<16xf32>
          %mul3A_321 = arith.constant 2.000000e-01 : f32
          %mul3A_322 = vector.broadcast %mul3A_321 : f32 to vector<16xf32>
          %mul3A_323 = arith.mulf %mul3A_322, %add3A_320 : vector<16xf32>
          %max3A_324 = arith.maximumf %add3A_320, %mul3A_323 : vector<16xf32>
          %sub3A_325 = arith.subf %max3A_324, %get3A_143 : vector<16xf32>
          %exp3A_326 = math.exp %sub3A_325 : vector<16xf32>
          %get3A_327 = arith.index_cast %scan3A_215 : i32 to index
          %get3A_328 = arith.constant 64 : index
          %get3A_329 = tpu.vector_load %arg19[%get3A_327, %get3A_328] {strides = array<i32>} : memref<128x80xf32, #tpu.memory_space<vmem>>, vector<1x16xf32>,
          %get3A_330 = vector.shape_cast %get3A_329 : vector<1x16xf32> to vector<16xf32>
          %mul3A_331 = arith.mulf %get3A_330, %exp3A_326 : vector<16xf32>
          %swap3A_332 = arith.index_cast %scan3A_215 : i32 to index
          %swap3A_333 = arith.constant 64 : index
          %swap3A_334 = tpu.vector_load %arg19[%swap3A_332, %swap3A_333] {strides = array<i32>} : memref<128x80xf32, #tpu.memory_space<vmem>>, vector<1x16xf32>,
          %swap3A_335 = vector.shape_cast %swap3A_334 : vector<1x16xf32> to vector<16xf32>
          %swap3A_336 = vector.shape_cast %mul3A_331 : vector<16xf32> to vector<1x16xf32>
          tpu.vector_store %arg19[%swap3A_332, %swap3A_333], %swap3A_336 {strides = array<i32>} : memref<128x80xf32, #tpu.memory_space<vmem>>, vector<1x16xf32>,
        }
        %scan3A_195 = arith.constant 128 : i32
        "tpu.region"() ({
          %run_scoped3A = tpu.sem_alloc : memref<!tpu.dma_semaphore, #tpu.memory_space<semaphore_mem>>
          %dma_start3A_215 = arith.constant 0 : i32
          %dma_start3A_216 = arith.constant 0 : i32
          %dma_start3A_217 = tpu.memref_slice %arg24[%dma_start3A_215, %dma_start3A_216] : memref<10112x80xf32, #tpu.memory_space<vmem_shared>> -> memref<10112x80xf32, #tpu.memory_space<vmem_shared>>
          tpu.enqueue_indirect_dma source(%arg19 : memref<128x80xf32, #tpu.memory_space<vmem>>) target(%dma_start3A_217 : memref<10112x80xf32, #tpu.memory_space<vmem_shared>>) offsets(%arg14 : memref<128xi32, #tpu.memory_space<vmem>>) semaphore(%run_scoped3A : memref<!tpu.dma_semaphore, #tpu.memory_space<semaphore_mem>>) {add = true}
          %dma_wait3A_218 = arith.constant 0 : i32
          %dma_wait3A_219 = arith.constant 0 : i32
          %dma_wait3A_220 = tpu.memref_slice %arg24[%dma_wait3A_218, %dma_wait3A_219] : memref<10112x80xf32, #tpu.memory_space<vmem_shared>> -> memref<10112x80xf32, #tpu.memory_space<vmem_shared>>
          tpu.wait_indirect_dma semaphore(%run_scoped3A : memref<!tpu.dma_semaphore, #tpu.memory_space<semaphore_mem>>) src(%arg19 : memref<128x80xf32, #tpu.memory_space<vmem>>) dst(%dma_wait3A_220 : memref<10112x80xf32, #tpu.memory_space<vmem_shared>>)
          tpu.yield
        }) : () -> ()
        %lt3A = arith.constant 80 : i32
        %lt3A_196 = arith.cmpi slt, %scan3A_162, %lt3A : i32
        %convert_element_type3A_197 = arith.extui %lt3A_196 : i1 to i32
        %cond3A_198 = arith.constant 0 : i32
        %cond3A_199 = arith.cmpi ne, %convert_element_type3A_197, %cond3A_198 : i32
        scf.if %cond3A_199 {
          %mul3A_215 = arith.constant 2 : i32
          %mul3A_216 = arith.muli %mul3A_215, %scan3A_162 : i32
          %add3A_217 = arith.constant 2 : i32
          %add3A_218 = arith.addi %mul3A_216, %add3A_217 : i32
          %mul3A_219 = arith.constant 20736 : i32
          %mul3A_220 = arith.muli %arg1, %mul3A_219 : i32
          %mul3A_221 = arith.constant 128 : i32
          %mul3A_222 = arith.muli %add3A_218, %mul3A_221 : i32
          %add3A_223 = arith.addi %mul3A_220, %mul3A_222 : i32
          %multiple_of3A_224 = tpu.assume_multiple %add3A_223, 128 : i32
          "tpu.region"() ({
            %run_scoped3A = tpu.sem_alloc : memref<!tpu.dma_semaphore, #tpu.memory_space<semaphore_mem>>
            %dma_start3A_234 = tpu.memref_slice %arg10[%multiple_of3A_224] : memref<331776xi32, #tpu.memory_space<hbm>> -> memref<128xi32, #tpu.memory_space<hbm>>
            %dma_start3A_235 = tpu.memref_slice %arg10[%multiple_of3A_224] : memref<331776xi32, #tpu.memory_space<hbm>> -> memref<128xi32, #tpu.memory_space<hbm>>
            tpu.enqueue_dma source(%dma_start3A_235 : memref<128xi32, #tpu.memory_space<hbm>>) target(%arg13 : memref<128xi32, #tpu.memory_space<vmem>>) target_semaphore(%run_scoped3A : memref<!tpu.dma_semaphore, #tpu.memory_space<semaphore_mem>>)
            %dma_wait3A_236 = tpu.memref_slice %arg10[%multiple_of3A_224] : memref<331776xi32, #tpu.memory_space<hbm>> -> memref<128xi32, #tpu.memory_space<hbm>>
            %dma_wait3A_237 = tpu.memref_slice %arg10[%multiple_of3A_224] : memref<331776xi32, #tpu.memory_space<hbm>> -> memref<128xi32, #tpu.memory_space<hbm>>
            tpu.wait_dma2 semaphore(%run_scoped3A : memref<!tpu.dma_semaphore, #tpu.memory_space<semaphore_mem>>) src(%dma_wait3A_237 : memref<128xi32, #tpu.memory_space<hbm>>) dst(%arg13 : memref<128xi32, #tpu.memory_space<vmem>>)
            tpu.yield
          }) : () -> ()
          "tpu.region"() ({
            %run_scoped3A = tpu.sem_alloc : memref<!tpu.dma_semaphore, #tpu.memory_space<semaphore_mem>>
            %dma_start3A_234 = tpu.memref_slice %arg11[%multiple_of3A_224] : memref<331776xi32, #tpu.memory_space<hbm>> -> memref<128xi32, #tpu.memory_space<hbm>>
            %dma_start3A_235 = tpu.memref_slice %arg11[%multiple_of3A_224] : memref<331776xi32, #tpu.memory_space<hbm>> -> memref<128xi32, #tpu.memory_space<hbm>>
            tpu.enqueue_dma source(%dma_start3A_235 : memref<128xi32, #tpu.memory_space<hbm>>) target(%arg14 : memref<128xi32, #tpu.memory_space<vmem>>) target_semaphore(%run_scoped3A : memref<!tpu.dma_semaphore, #tpu.memory_space<semaphore_mem>>)
            %dma_wait3A_236 = tpu.memref_slice %arg11[%multiple_of3A_224] : memref<331776xi32, #tpu.memory_space<hbm>> -> memref<128xi32, #tpu.memory_space<hbm>>
            %dma_wait3A_237 = tpu.memref_slice %arg11[%multiple_of3A_224] : memref<331776xi32, #tpu.memory_space<hbm>> -> memref<128xi32, #tpu.memory_space<hbm>>
            tpu.wait_dma2 semaphore(%run_scoped3A : memref<!tpu.dma_semaphore, #tpu.memory_space<semaphore_mem>>) src(%dma_wait3A_237 : memref<128xi32, #tpu.memory_space<hbm>>) dst(%arg14 : memref<128xi32, #tpu.memory_space<vmem>>)
            tpu.yield
          }) : () -> ()
          %dma_start3A_225 = arith.constant 0 : i32
          %dma_start3A_226 = arith.constant 0 : i32
          %dma_start3A_227 = tpu.memref_slice %arg2[%dma_start3A_225, %dma_start3A_226] : memref<10112x80xf32, #tpu.memory_space<hbm>> -> memref<10112x80xf32, #tpu.memory_space<hbm>>
          tpu.enqueue_indirect_dma source(%dma_start3A_227 : memref<10112x80xf32, #tpu.memory_space<hbm>>) target(%arg17 : memref<128x80xf32, #tpu.memory_space<vmem>>) offsets(%arg13 : memref<128xi32, #tpu.memory_space<vmem>>) semaphore(%arg25 : memref<!tpu.dma_semaphore, #tpu.memory_space<semaphore_mem>>)
          %dma_start3A_228 = arith.constant 0 : i32
          %dma_start3A_229 = arith.constant 0 : i32
          %dma_start3A_230 = tpu.memref_slice %arg3[%dma_start3A_228, %dma_start3A_229] : memref<10112x80xf32, #tpu.memory_space<hbm>> -> memref<10112x80xf32, #tpu.memory_space<hbm>>
          tpu.enqueue_indirect_dma source(%dma_start3A_230 : memref<10112x80xf32, #tpu.memory_space<hbm>>) target(%arg18 : memref<128x80xf32, #tpu.memory_space<vmem>>) offsets(%arg14 : memref<128xi32, #tpu.memory_space<vmem>>) semaphore(%arg25 : memref<!tpu.dma_semaphore, #tpu.memory_space<semaphore_mem>>)
          %dma_start3A_231 = arith.constant 0 : i32
          %dma_start3A_232 = arith.constant 0 : i32
          %dma_start3A_233 = tpu.memref_slice %arg4[%dma_start3A_231, %dma_start3A_232] : memref<10112x80xf32, #tpu.memory_space<hbm>> -> memref<10112x80xf32, #tpu.memory_space<hbm>>
          tpu.enqueue_indirect_dma source(%dma_start3A_233 : memref<10112x80xf32, #tpu.memory_space<hbm>>) target(%arg19 : memref<128x80xf32, #tpu.memory_space<vmem>>) offsets(%arg13 : memref<128xi32, #tpu.memory_space<vmem>>) semaphore(%arg25 : memref<!tpu.dma_semaphore, #tpu.memory_space<semaphore_mem>>)
        } else {
        }
        %dma_wait3A_200 = arith.constant 0 : i32
        %dma_wait3A_201 = arith.constant 0 : i32
        %dma_wait3A_202 = tpu.memref_slice %arg2[%dma_wait3A_200, %dma_wait3A_201] : memref<10112x80xf32, #tpu.memory_space<hbm>> -> memref<10112x80xf32, #tpu.memory_space<hbm>>
        tpu.wait_indirect_dma semaphore(%arg26 : memref<!tpu.dma_semaphore, #tpu.memory_space<semaphore_mem>>) src(%dma_wait3A_202 : memref<10112x80xf32, #tpu.memory_space<hbm>>) dst(%arg20 : memref<128x80xf32, #tpu.memory_space<vmem>>)
        %dma_wait3A_203 = arith.constant 0 : i32
        %dma_wait3A_204 = arith.constant 0 : i32
        %dma_wait3A_205 = tpu.memref_slice %arg3[%dma_wait3A_203, %dma_wait3A_204] : memref<10112x80xf32, #tpu.memory_space<hbm>> -> memref<10112x80xf32, #tpu.memory_space<hbm>>
        tpu.wait_indirect_dma semaphore(%arg26 : memref<!tpu.dma_semaphore, #tpu.memory_space<semaphore_mem>>) src(%dma_wait3A_205 : memref<10112x80xf32, #tpu.memory_space<hbm>>) dst(%arg21 : memref<128x80xf32, #tpu.memory_space<vmem>>)
        %dma_wait3A_206 = arith.constant 0 : i32
        %dma_wait3A_207 = arith.constant 0 : i32
        %dma_wait3A_208 = tpu.memref_slice %arg4[%dma_wait3A_206, %dma_wait3A_207] : memref<10112x80xf32, #tpu.memory_space<hbm>> -> memref<10112x80xf32, #tpu.memory_space<hbm>>
        tpu.wait_indirect_dma semaphore(%arg26 : memref<!tpu.dma_semaphore, #tpu.memory_space<semaphore_mem>>) src(%dma_wait3A_208 : memref<10112x80xf32, #tpu.memory_space<hbm>>) dst(%arg22 : memref<128x80xf32, #tpu.memory_space<vmem>>)
        %scan3A_209 = arith.constant 0 : i32
        %scan3A_210 = arith.constant 0 : i32
        %scan3A_211 = arith.constant 128 : i32
        %scan3A_212 = arith.addi %scan3A_210, %scan3A_211 : i32
        %scan3A_213 = arith.constant 1 : i32
        scf.for %scan3A_215 = %scan3A_210 to %scan3A_212 step %scan3A_213  : i32 {
          %get3A_216 = arith.index_cast %scan3A_215 : i32 to index
          %get3A_217 = arith.constant 0 : index
          %get3A_218 = tpu.vector_load %arg20[%get3A_216, %get3A_217] {strides = array<i32>} : memref<128x80xf32, #tpu.memory_space<vmem>>, vector<1x16xf32>,
          %get3A_219 = vector.shape_cast %get3A_218 : vector<1x16xf32> to vector<16xf32>
          %get3A_220 = arith.index_cast %scan3A_215 : i32 to index
          %get3A_221 = arith.constant 0 : index
          %get3A_222 = tpu.vector_load %arg21[%get3A_220, %get3A_221] {strides = array<i32>} : memref<128x80xf32, #tpu.memory_space<vmem>>, vector<1x16xf32>,
          %get3A_223 = vector.shape_cast %get3A_222 : vector<1x16xf32> to vector<16xf32>
          %add3A_224 = arith.addf %get3A_219, %get3A_223 : vector<16xf32>
          %mul3A_225 = arith.constant 2.000000e-01 : f32
          %mul3A_226 = vector.broadcast %mul3A_225 : f32 to vector<16xf32>
          %mul3A_227 = arith.mulf %mul3A_226, %add3A_224 : vector<16xf32>
          %max3A = arith.maximumf %add3A_224, %mul3A_227 : vector<16xf32>
          %sub3A = arith.subf %max3A, %get3A_131 : vector<16xf32>
          %exp3A = math.exp %sub3A : vector<16xf32>
          %get3A_228 = arith.index_cast %scan3A_215 : i32 to index
          %get3A_229 = arith.constant 0 : index
          %get3A_230 = tpu.vector_load %arg22[%get3A_228, %get3A_229] {strides = array<i32>} : memref<128x80xf32, #tpu.memory_space<vmem>>, vector<1x16xf32>,
          %get3A_231 = vector.shape_cast %get3A_230 : vector<1x16xf32> to vector<16xf32>
          %mul3A_232 = arith.mulf %get3A_231, %exp3A : vector<16xf32>
          %swap3A = arith.index_cast %scan3A_215 : i32 to index
          %swap3A_233 = arith.constant 0 : index
          %swap3A_234 = tpu.vector_load %arg22[%swap3A, %swap3A_233] {strides = array<i32>} : memref<128x80xf32, #tpu.memory_space<vmem>>, vector<1x16xf32>,
          %swap3A_235 = vector.shape_cast %swap3A_234 : vector<1x16xf32> to vector<16xf32>
          %swap3A_236 = vector.shape_cast %mul3A_232 : vector<16xf32> to vector<1x16xf32>
          tpu.vector_store %arg22[%swap3A, %swap3A_233], %swap3A_236 {strides = array<i32>} : memref<128x80xf32, #tpu.memory_space<vmem>>, vector<1x16xf32>,
          %get3A_237 = arith.index_cast %scan3A_215 : i32 to index
          %get3A_238 = arith.constant 16 : index
          %get3A_239 = tpu.vector_load %arg20[%get3A_237, %get3A_238] {strides = array<i32>} : memref<128x80xf32, #tpu.memory_space<vmem>>, vector<1x16xf32>,
          %get3A_240 = vector.shape_cast %get3A_239 : vector<1x16xf32> to vector<16xf32>
          %get3A_241 = arith.index_cast %scan3A_215 : i32 to index
          %get3A_242 = arith.constant 16 : index
          %get3A_243 = tpu.vector_load %arg21[%get3A_241, %get3A_242] {strides = array<i32>} : memref<128x80xf32, #tpu.memory_space<vmem>>, vector<1x16xf32>,
          %get3A_244 = vector.shape_cast %get3A_243 : vector<1x16xf32> to vector<16xf32>
          %add3A_245 = arith.addf %get3A_240, %get3A_244 : vector<16xf32>
          %mul3A_246 = arith.constant 2.000000e-01 : f32
          %mul3A_247 = vector.broadcast %mul3A_246 : f32 to vector<16xf32>
          %mul3A_248 = arith.mulf %mul3A_247, %add3A_245 : vector<16xf32>
          %max3A_249 = arith.maximumf %add3A_245, %mul3A_248 : vector<16xf32>
          %sub3A_250 = arith.subf %max3A_249, %get3A_134 : vector<16xf32>
          %exp3A_251 = math.exp %sub3A_250 : vector<16xf32>
          %get3A_252 = arith.index_cast %scan3A_215 : i32 to index
          %get3A_253 = arith.constant 16 : index
          %get3A_254 = tpu.vector_load %arg22[%get3A_252, %get3A_253] {strides = array<i32>} : memref<128x80xf32, #tpu.memory_space<vmem>>, vector<1x16xf32>,
          %get3A_255 = vector.shape_cast %get3A_254 : vector<1x16xf32> to vector<16xf32>
          %mul3A_256 = arith.mulf %get3A_255, %exp3A_251 : vector<16xf32>
          %swap3A_257 = arith.index_cast %scan3A_215 : i32 to index
          %swap3A_258 = arith.constant 16 : index
          %swap3A_259 = tpu.vector_load %arg22[%swap3A_257, %swap3A_258] {strides = array<i32>} : memref<128x80xf32, #tpu.memory_space<vmem>>, vector<1x16xf32>,
          %swap3A_260 = vector.shape_cast %swap3A_259 : vector<1x16xf32> to vector<16xf32>
          %swap3A_261 = vector.shape_cast %mul3A_256 : vector<16xf32> to vector<1x16xf32>
          tpu.vector_store %arg22[%swap3A_257, %swap3A_258], %swap3A_261 {strides = array<i32>} : memref<128x80xf32, #tpu.memory_space<vmem>>, vector<1x16xf32>,
          %get3A_262 = arith.index_cast %scan3A_215 : i32 to index
          %get3A_263 = arith.constant 32 : index
          %get3A_264 = tpu.vector_load %arg20[%get3A_262, %get3A_263] {strides = array<i32>} : memref<128x80xf32, #tpu.memory_space<vmem>>, vector<1x16xf32>,
          %get3A_265 = vector.shape_cast %get3A_264 : vector<1x16xf32> to vector<16xf32>
          %get3A_266 = arith.index_cast %scan3A_215 : i32 to index
          %get3A_267 = arith.constant 32 : index
          %get3A_268 = tpu.vector_load %arg21[%get3A_266, %get3A_267] {strides = array<i32>} : memref<128x80xf32, #tpu.memory_space<vmem>>, vector<1x16xf32>,
          %get3A_269 = vector.shape_cast %get3A_268 : vector<1x16xf32> to vector<16xf32>
          %add3A_270 = arith.addf %get3A_265, %get3A_269 : vector<16xf32>
          %mul3A_271 = arith.constant 2.000000e-01 : f32
          %mul3A_272 = vector.broadcast %mul3A_271 : f32 to vector<16xf32>
          %mul3A_273 = arith.mulf %mul3A_272, %add3A_270 : vector<16xf32>
          %max3A_274 = arith.maximumf %add3A_270, %mul3A_273 : vector<16xf32>
          %sub3A_275 = arith.subf %max3A_274, %get3A_137 : vector<16xf32>
          %exp3A_276 = math.exp %sub3A_275 : vector<16xf32>
          %get3A_277 = arith.index_cast %scan3A_215 : i32 to index
          %get3A_278 = arith.constant 32 : index
          %get3A_279 = tpu.vector_load %arg22[%get3A_277, %get3A_278] {strides = array<i32>} : memref<128x80xf32, #tpu.memory_space<vmem>>, vector<1x16xf32>,
          %get3A_280 = vector.shape_cast %get3A_279 : vector<1x16xf32> to vector<16xf32>
          %mul3A_281 = arith.mulf %get3A_280, %exp3A_276 : vector<16xf32>
          %swap3A_282 = arith.index_cast %scan3A_215 : i32 to index
          %swap3A_283 = arith.constant 32 : index
          %swap3A_284 = tpu.vector_load %arg22[%swap3A_282, %swap3A_283] {strides = array<i32>} : memref<128x80xf32, #tpu.memory_space<vmem>>, vector<1x16xf32>,
          %swap3A_285 = vector.shape_cast %swap3A_284 : vector<1x16xf32> to vector<16xf32>
          %swap3A_286 = vector.shape_cast %mul3A_281 : vector<16xf32> to vector<1x16xf32>
          tpu.vector_store %arg22[%swap3A_282, %swap3A_283], %swap3A_286 {strides = array<i32>} : memref<128x80xf32, #tpu.memory_space<vmem>>, vector<1x16xf32>,
          %get3A_287 = arith.index_cast %scan3A_215 : i32 to index
          %get3A_288 = arith.constant 48 : index
          %get3A_289 = tpu.vector_load %arg20[%get3A_287, %get3A_288] {strides = array<i32>} : memref<128x80xf32, #tpu.memory_space<vmem>>, vector<1x16xf32>,
          %get3A_290 = vector.shape_cast %get3A_289 : vector<1x16xf32> to vector<16xf32>
          %get3A_291 = arith.index_cast %scan3A_215 : i32 to index
          %get3A_292 = arith.constant 48 : index
          %get3A_293 = tpu.vector_load %arg21[%get3A_291, %get3A_292] {strides = array<i32>} : memref<128x80xf32, #tpu.memory_space<vmem>>, vector<1x16xf32>,
          %get3A_294 = vector.shape_cast %get3A_293 : vector<1x16xf32> to vector<16xf32>
          %add3A_295 = arith.addf %get3A_290, %get3A_294 : vector<16xf32>
          %mul3A_296 = arith.constant 2.000000e-01 : f32
          %mul3A_297 = vector.broadcast %mul3A_296 : f32 to vector<16xf32>
          %mul3A_298 = arith.mulf %mul3A_297, %add3A_295 : vector<16xf32>
          %max3A_299 = arith.maximumf %add3A_295, %mul3A_298 : vector<16xf32>
          %sub3A_300 = arith.subf %max3A_299, %get3A_140 : vector<16xf32>
          %exp3A_301 = math.exp %sub3A_300 : vector<16xf32>
          %get3A_302 = arith.index_cast %scan3A_215 : i32 to index
          %get3A_303 = arith.constant 48 : index
          %get3A_304 = tpu.vector_load %arg22[%get3A_302, %get3A_303] {strides = array<i32>} : memref<128x80xf32, #tpu.memory_space<vmem>>, vector<1x16xf32>,
          %get3A_305 = vector.shape_cast %get3A_304 : vector<1x16xf32> to vector<16xf32>
          %mul3A_306 = arith.mulf %get3A_305, %exp3A_301 : vector<16xf32>
          %swap3A_307 = arith.index_cast %scan3A_215 : i32 to index
          %swap3A_308 = arith.constant 48 : index
          %swap3A_309 = tpu.vector_load %arg22[%swap3A_307, %swap3A_308] {strides = array<i32>} : memref<128x80xf32, #tpu.memory_space<vmem>>, vector<1x16xf32>,
          %swap3A_310 = vector.shape_cast %swap3A_309 : vector<1x16xf32> to vector<16xf32>
          %swap3A_311 = vector.shape_cast %mul3A_306 : vector<16xf32> to vector<1x16xf32>
          tpu.vector_store %arg22[%swap3A_307, %swap3A_308], %swap3A_311 {strides = array<i32>} : memref<128x80xf32, #tpu.memory_space<vmem>>, vector<1x16xf32>,
          %get3A_312 = arith.index_cast %scan3A_215 : i32 to index
          %get3A_313 = arith.constant 64 : index
          %get3A_314 = tpu.vector_load %arg20[%get3A_312, %get3A_313] {strides = array<i32>} : memref<128x80xf32, #tpu.memory_space<vmem>>, vector<1x16xf32>,
          %get3A_315 = vector.shape_cast %get3A_314 : vector<1x16xf32> to vector<16xf32>
          %get3A_316 = arith.index_cast %scan3A_215 : i32 to index
          %get3A_317 = arith.constant 64 : index
          %get3A_318 = tpu.vector_load %arg21[%get3A_316, %get3A_317] {strides = array<i32>} : memref<128x80xf32, #tpu.memory_space<vmem>>, vector<1x16xf32>,
          %get3A_319 = vector.shape_cast %get3A_318 : vector<1x16xf32> to vector<16xf32>
          %add3A_320 = arith.addf %get3A_315, %get3A_319 : vector<16xf32>
          %mul3A_321 = arith.constant 2.000000e-01 : f32
          %mul3A_322 = vector.broadcast %mul3A_321 : f32 to vector<16xf32>
          %mul3A_323 = arith.mulf %mul3A_322, %add3A_320 : vector<16xf32>
          %max3A_324 = arith.maximumf %add3A_320, %mul3A_323 : vector<16xf32>
          %sub3A_325 = arith.subf %max3A_324, %get3A_143 : vector<16xf32>
          %exp3A_326 = math.exp %sub3A_325 : vector<16xf32>
          %get3A_327 = arith.index_cast %scan3A_215 : i32 to index
          %get3A_328 = arith.constant 64 : index
          %get3A_329 = tpu.vector_load %arg22[%get3A_327, %get3A_328] {strides = array<i32>} : memref<128x80xf32, #tpu.memory_space<vmem>>, vector<1x16xf32>,
          %get3A_330 = vector.shape_cast %get3A_329 : vector<1x16xf32> to vector<16xf32>
          %mul3A_331 = arith.mulf %get3A_330, %exp3A_326 : vector<16xf32>
          %swap3A_332 = arith.index_cast %scan3A_215 : i32 to index
          %swap3A_333 = arith.constant 64 : index
          %swap3A_334 = tpu.vector_load %arg22[%swap3A_332, %swap3A_333] {strides = array<i32>} : memref<128x80xf32, #tpu.memory_space<vmem>>, vector<1x16xf32>,
          %swap3A_335 = vector.shape_cast %swap3A_334 : vector<1x16xf32> to vector<16xf32>
          %swap3A_336 = vector.shape_cast %mul3A_331 : vector<16xf32> to vector<1x16xf32>
          tpu.vector_store %arg22[%swap3A_332, %swap3A_333], %swap3A_336 {strides = array<i32>} : memref<128x80xf32, #tpu.memory_space<vmem>>, vector<1x16xf32>,
        }
        %scan3A_214 = arith.constant 128 : i32
        "tpu.region"() ({
          %run_scoped3A = tpu.sem_alloc : memref<!tpu.dma_semaphore, #tpu.memory_space<semaphore_mem>>
          %dma_start3A_215 = arith.constant 0 : i32
          %dma_start3A_216 = arith.constant 0 : i32
          %dma_start3A_217 = tpu.memref_slice %arg24[%dma_start3A_215, %dma_start3A_216] : memref<10112x80xf32, #tpu.memory_space<vmem_shared>> -> memref<10112x80xf32, #tpu.memory_space<vmem_shared>>
          tpu.enqueue_indirect_dma source(%arg22 : memref<128x80xf32, #tpu.memory_space<vmem>>) target(%dma_start3A_217 : memref<10112x80xf32, #tpu.memory_space<vmem_shared>>) offsets(%arg16 : memref<128xi32, #tpu.memory_space<vmem>>) semaphore(%run_scoped3A : memref<!tpu.dma_semaphore, #tpu.memory_space<semaphore_mem>>) {add = true}
          %dma_wait3A_218 = arith.constant 0 : i32
          %dma_wait3A_219 = arith.constant 0 : i32
          %dma_wait3A_220 = tpu.memref_slice %arg24[%dma_wait3A_218, %dma_wait3A_219] : memref<10112x80xf32, #tpu.memory_space<vmem_shared>> -> memref<10112x80xf32, #tpu.memory_space<vmem_shared>>
          tpu.wait_indirect_dma semaphore(%run_scoped3A : memref<!tpu.dma_semaphore, #tpu.memory_space<semaphore_mem>>) src(%arg22 : memref<128x80xf32, #tpu.memory_space<vmem>>) dst(%dma_wait3A_220 : memref<10112x80xf32, #tpu.memory_space<vmem_shared>>)
          tpu.yield
        }) : () -> ()
      }
      %scan3A_161 = arith.constant 81 : i32
    } else {
    }
    %eq3A_26 = arith.constant 1 : i32
    %eq3A_27 = arith.cmpi eq, %arg0, %eq3A_26 : i32
    %convert_element_type3A_28 = arith.extui %eq3A_27 : i1 to i32
    %cond3A_29 = arith.constant 0 : i32
    %cond3A_30 = arith.cmpi ne, %convert_element_type3A_28, %cond3A_29 : i32
    scf.if %cond3A_30 {
      "tpu.region"() ({
        %run_scoped3A = tpu.sem_alloc : memref<!tpu.dma_semaphore, #tpu.memory_space<semaphore_mem>>
        tpu.enqueue_dma source(%arg9 : memref<80xf32, #tpu.memory_space<hbm>>) target(%arg23 : memref<80xf32, #tpu.memory_space<vmem>>) target_semaphore(%run_scoped3A : memref<!tpu.dma_semaphore, #tpu.memory_space<semaphore_mem>>)
        tpu.wait_dma2 semaphore(%run_scoped3A : memref<!tpu.dma_semaphore, #tpu.memory_space<semaphore_mem>>) src(%arg9 : memref<80xf32, #tpu.memory_space<hbm>>) dst(%arg23 : memref<80xf32, #tpu.memory_space<vmem>>)
        tpu.yield
      }) : () -> ()
      %get3A = arith.constant 0 : index
      %get3A_130 = tpu.vector_load %arg23[%get3A] {strides = array<i32>} : memref<80xf32, #tpu.memory_space<vmem>>, vector<16xf32>,
      %get3A_131 = vector.shape_cast %get3A_130 : vector<16xf32> to vector<16xf32>
      %get3A_132 = arith.constant 16 : index
      %get3A_133 = tpu.vector_load %arg23[%get3A_132] {strides = array<i32>} : memref<80xf32, #tpu.memory_space<vmem>>, vector<16xf32>,
      %get3A_134 = vector.shape_cast %get3A_133 : vector<16xf32> to vector<16xf32>
      %get3A_135 = arith.constant 32 : index
      %get3A_136 = tpu.vector_load %arg23[%get3A_135] {strides = array<i32>} : memref<80xf32, #tpu.memory_space<vmem>>, vector<16xf32>,
      %get3A_137 = vector.shape_cast %get3A_136 : vector<16xf32> to vector<16xf32>
      %get3A_138 = arith.constant 48 : index
      %get3A_139 = tpu.vector_load %arg23[%get3A_138] {strides = array<i32>} : memref<80xf32, #tpu.memory_space<vmem>>, vector<16xf32>,
      %get3A_140 = vector.shape_cast %get3A_139 : vector<16xf32> to vector<16xf32>
      %get3A_141 = arith.constant 64 : index
      %get3A_142 = tpu.vector_load %arg23[%get3A_141] {strides = array<i32>} : memref<80xf32, #tpu.memory_space<vmem>>, vector<16xf32>,
      %get3A_143 = vector.shape_cast %get3A_142 : vector<16xf32> to vector<16xf32>
      %mul3A_144 = arith.constant 20736 : i32
      %mul3A_145 = arith.muli %arg1, %mul3A_144 : i32
      %add3A_146 = arith.constant 0 : i32
      %add3A_147 = arith.addi %mul3A_145, %add3A_146 : i32
      %multiple_of3A = tpu.assume_multiple %add3A_147, 128 : i32
      "tpu.region"() ({
        %run_scoped3A = tpu.sem_alloc : memref<!tpu.dma_semaphore, #tpu.memory_space<semaphore_mem>>
        %dma_start3A_162 = tpu.memref_slice %arg10[%multiple_of3A] : memref<331776xi32, #tpu.memory_space<hbm>> -> memref<128xi32, #tpu.memory_space<hbm>>
        %dma_start3A_163 = tpu.memref_slice %arg10[%multiple_of3A] : memref<331776xi32, #tpu.memory_space<hbm>> -> memref<128xi32, #tpu.memory_space<hbm>>
        tpu.enqueue_dma source(%dma_start3A_163 : memref<128xi32, #tpu.memory_space<hbm>>) target(%arg13 : memref<128xi32, #tpu.memory_space<vmem>>) target_semaphore(%run_scoped3A : memref<!tpu.dma_semaphore, #tpu.memory_space<semaphore_mem>>)
        %dma_wait3A = tpu.memref_slice %arg10[%multiple_of3A] : memref<331776xi32, #tpu.memory_space<hbm>> -> memref<128xi32, #tpu.memory_space<hbm>>
        %dma_wait3A_164 = tpu.memref_slice %arg10[%multiple_of3A] : memref<331776xi32, #tpu.memory_space<hbm>> -> memref<128xi32, #tpu.memory_space<hbm>>
        tpu.wait_dma2 semaphore(%run_scoped3A : memref<!tpu.dma_semaphore, #tpu.memory_space<semaphore_mem>>) src(%dma_wait3A_164 : memref<128xi32, #tpu.memory_space<hbm>>) dst(%arg13 : memref<128xi32, #tpu.memory_space<vmem>>)
        tpu.yield
      }) : () -> ()
      "tpu.region"() ({
        %run_scoped3A = tpu.sem_alloc : memref<!tpu.dma_semaphore, #tpu.memory_space<semaphore_mem>>
        %dma_start3A_162 = tpu.memref_slice %arg11[%multiple_of3A] : memref<331776xi32, #tpu.memory_space<hbm>> -> memref<128xi32, #tpu.memory_space<hbm>>
        %dma_start3A_163 = tpu.memref_slice %arg11[%multiple_of3A] : memref<331776xi32, #tpu.memory_space<hbm>> -> memref<128xi32, #tpu.memory_space<hbm>>
        tpu.enqueue_dma source(%dma_start3A_163 : memref<128xi32, #tpu.memory_space<hbm>>) target(%arg14 : memref<128xi32, #tpu.memory_space<vmem>>) target_semaphore(%run_scoped3A : memref<!tpu.dma_semaphore, #tpu.memory_space<semaphore_mem>>)
        %dma_wait3A = tpu.memref_slice %arg11[%multiple_of3A] : memref<331776xi32, #tpu.memory_space<hbm>> -> memref<128xi32, #tpu.memory_space<hbm>>
        %dma_wait3A_164 = tpu.memref_slice %arg11[%multiple_of3A] : memref<331776xi32, #tpu.memory_space<hbm>> -> memref<128xi32, #tpu.memory_space<hbm>>
        tpu.wait_dma2 semaphore(%run_scoped3A : memref<!tpu.dma_semaphore, #tpu.memory_space<semaphore_mem>>) src(%dma_wait3A_164 : memref<128xi32, #tpu.memory_space<hbm>>) dst(%arg14 : memref<128xi32, #tpu.memory_space<vmem>>)
        tpu.yield
      }) : () -> ()
      %dma_start3A = arith.constant 0 : i32
      %dma_start3A_148 = arith.constant 0 : i32
      %dma_start3A_149 = tpu.memref_slice %arg6[%dma_start3A, %dma_start3A_148] : memref<10112x80xf32, #tpu.memory_space<hbm>> -> memref<10112x80xf32, #tpu.memory_space<hbm>>
      tpu.enqueue_indirect_dma source(%dma_start3A_149 : memref<10112x80xf32, #tpu.memory_space<hbm>>) target(%arg17 : memref<128x80xf32, #tpu.memory_space<vmem>>) offsets(%arg13 : memref<128xi32, #tpu.memory_space<vmem>>) semaphore(%arg25 : memref<!tpu.dma_semaphore, #tpu.memory_space<semaphore_mem>>)
      %dma_start3A_150 = arith.constant 0 : i32
      %dma_start3A_151 = arith.constant 0 : i32
      %dma_start3A_152 = tpu.memref_slice %arg7[%dma_start3A_150, %dma_start3A_151] : memref<10112x80xf32, #tpu.memory_space<hbm>> -> memref<10112x80xf32, #tpu.memory_space<hbm>>
      tpu.enqueue_indirect_dma source(%dma_start3A_152 : memref<10112x80xf32, #tpu.memory_space<hbm>>) target(%arg18 : memref<128x80xf32, #tpu.memory_space<vmem>>) offsets(%arg14 : memref<128xi32, #tpu.memory_space<vmem>>) semaphore(%arg25 : memref<!tpu.dma_semaphore, #tpu.memory_space<semaphore_mem>>)
      %dma_start3A_153 = arith.constant 0 : i32
      %dma_start3A_154 = arith.constant 0 : i32
      %dma_start3A_155 = tpu.memref_slice %arg8[%dma_start3A_153, %dma_start3A_154] : memref<10112x80xf32, #tpu.memory_space<hbm>> -> memref<10112x80xf32, #tpu.memory_space<hbm>>
      tpu.enqueue_indirect_dma source(%dma_start3A_155 : memref<10112x80xf32, #tpu.memory_space<hbm>>) target(%arg19 : memref<128x80xf32, #tpu.memory_space<vmem>>) offsets(%arg13 : memref<128xi32, #tpu.memory_space<vmem>>) semaphore(%arg25 : memref<!tpu.dma_semaphore, #tpu.memory_space<semaphore_mem>>)
      %scan3A_156 = arith.constant 0 : i32
      %scan3A_157 = arith.constant 0 : i32
      %scan3A_158 = arith.constant 81 : i32
      %scan3A_159 = arith.addi %scan3A_157, %scan3A_158 : i32
      %scan3A_160 = arith.constant 1 : i32
      scf.for %scan3A_162 = %scan3A_157 to %scan3A_159 step %scan3A_160  : i32 {
        %mul3A_163 = arith.constant 2 : i32
        %mul3A_164 = arith.muli %mul3A_163, %scan3A_162 : i32
        %add3A_165 = arith.constant 1 : i32
        %add3A_166 = arith.addi %mul3A_164, %add3A_165 : i32
        %mul3A_167 = arith.constant 20736 : i32
        %mul3A_168 = arith.muli %arg1, %mul3A_167 : i32
        %mul3A_169 = arith.constant 128 : i32
        %mul3A_170 = arith.muli %add3A_166, %mul3A_169 : i32
        %add3A_171 = arith.addi %mul3A_168, %mul3A_170 : i32
        %multiple_of3A_172 = tpu.assume_multiple %add3A_171, 128 : i32
        "tpu.region"() ({
          %run_scoped3A = tpu.sem_alloc : memref<!tpu.dma_semaphore, #tpu.memory_space<semaphore_mem>>
          %dma_start3A_215 = tpu.memref_slice %arg10[%multiple_of3A_172] : memref<331776xi32, #tpu.memory_space<hbm>> -> memref<128xi32, #tpu.memory_space<hbm>>
          %dma_start3A_216 = tpu.memref_slice %arg10[%multiple_of3A_172] : memref<331776xi32, #tpu.memory_space<hbm>> -> memref<128xi32, #tpu.memory_space<hbm>>
          tpu.enqueue_dma source(%dma_start3A_216 : memref<128xi32, #tpu.memory_space<hbm>>) target(%arg15 : memref<128xi32, #tpu.memory_space<vmem>>) target_semaphore(%run_scoped3A : memref<!tpu.dma_semaphore, #tpu.memory_space<semaphore_mem>>)
          %dma_wait3A_217 = tpu.memref_slice %arg10[%multiple_of3A_172] : memref<331776xi32, #tpu.memory_space<hbm>> -> memref<128xi32, #tpu.memory_space<hbm>>
          %dma_wait3A_218 = tpu.memref_slice %arg10[%multiple_of3A_172] : memref<331776xi32, #tpu.memory_space<hbm>> -> memref<128xi32, #tpu.memory_space<hbm>>
          tpu.wait_dma2 semaphore(%run_scoped3A : memref<!tpu.dma_semaphore, #tpu.memory_space<semaphore_mem>>) src(%dma_wait3A_218 : memref<128xi32, #tpu.memory_space<hbm>>) dst(%arg15 : memref<128xi32, #tpu.memory_space<vmem>>)
          tpu.yield
        }) : () -> ()
        "tpu.region"() ({
          %run_scoped3A = tpu.sem_alloc : memref<!tpu.dma_semaphore, #tpu.memory_space<semaphore_mem>>
          %dma_start3A_215 = tpu.memref_slice %arg11[%multiple_of3A_172] : memref<331776xi32, #tpu.memory_space<hbm>> -> memref<128xi32, #tpu.memory_space<hbm>>
          %dma_start3A_216 = tpu.memref_slice %arg11[%multiple_of3A_172] : memref<331776xi32, #tpu.memory_space<hbm>> -> memref<128xi32, #tpu.memory_space<hbm>>
          tpu.enqueue_dma source(%dma_start3A_216 : memref<128xi32, #tpu.memory_space<hbm>>) target(%arg16 : memref<128xi32, #tpu.memory_space<vmem>>) target_semaphore(%run_scoped3A : memref<!tpu.dma_semaphore, #tpu.memory_space<semaphore_mem>>)
          %dma_wait3A_217 = tpu.memref_slice %arg11[%multiple_of3A_172] : memref<331776xi32, #tpu.memory_space<hbm>> -> memref<128xi32, #tpu.memory_space<hbm>>
          %dma_wait3A_218 = tpu.memref_slice %arg11[%multiple_of3A_172] : memref<331776xi32, #tpu.memory_space<hbm>> -> memref<128xi32, #tpu.memory_space<hbm>>
          tpu.wait_dma2 semaphore(%run_scoped3A : memref<!tpu.dma_semaphore, #tpu.memory_space<semaphore_mem>>) src(%dma_wait3A_218 : memref<128xi32, #tpu.memory_space<hbm>>) dst(%arg16 : memref<128xi32, #tpu.memory_space<vmem>>)
          tpu.yield
        }) : () -> ()
        %dma_start3A_173 = arith.constant 0 : i32
        %dma_start3A_174 = arith.constant 0 : i32
        %dma_start3A_175 = tpu.memref_slice %arg6[%dma_start3A_173, %dma_start3A_174] : memref<10112x80xf32, #tpu.memory_space<hbm>> -> memref<10112x80xf32, #tpu.memory_space<hbm>>
        tpu.enqueue_indirect_dma source(%dma_start3A_175 : memref<10112x80xf32, #tpu.memory_space<hbm>>) target(%arg20 : memref<128x80xf32, #tpu.memory_space<vmem>>) offsets(%arg15 : memref<128xi32, #tpu.memory_space<vmem>>) semaphore(%arg26 : memref<!tpu.dma_semaphore, #tpu.memory_space<semaphore_mem>>)
        %dma_start3A_176 = arith.constant 0 : i32
        %dma_start3A_177 = arith.constant 0 : i32
        %dma_start3A_178 = tpu.memref_slice %arg7[%dma_start3A_176, %dma_start3A_177] : memref<10112x80xf32, #tpu.memory_space<hbm>> -> memref<10112x80xf32, #tpu.memory_space<hbm>>
        tpu.enqueue_indirect_dma source(%dma_start3A_178 : memref<10112x80xf32, #tpu.memory_space<hbm>>) target(%arg21 : memref<128x80xf32, #tpu.memory_space<vmem>>) offsets(%arg16 : memref<128xi32, #tpu.memory_space<vmem>>) semaphore(%arg26 : memref<!tpu.dma_semaphore, #tpu.memory_space<semaphore_mem>>)
        %dma_start3A_179 = arith.constant 0 : i32
        %dma_start3A_180 = arith.constant 0 : i32
        %dma_start3A_181 = tpu.memref_slice %arg8[%dma_start3A_179, %dma_start3A_180] : memref<10112x80xf32, #tpu.memory_space<hbm>> -> memref<10112x80xf32, #tpu.memory_space<hbm>>
        tpu.enqueue_indirect_dma source(%dma_start3A_181 : memref<10112x80xf32, #tpu.memory_space<hbm>>) target(%arg22 : memref<128x80xf32, #tpu.memory_space<vmem>>) offsets(%arg15 : memref<128xi32, #tpu.memory_space<vmem>>) semaphore(%arg26 : memref<!tpu.dma_semaphore, #tpu.memory_space<semaphore_mem>>)
        %dma_wait3A = arith.constant 0 : i32
        %dma_wait3A_182 = arith.constant 0 : i32
        %dma_wait3A_183 = tpu.memref_slice %arg6[%dma_wait3A, %dma_wait3A_182] : memref<10112x80xf32, #tpu.memory_space<hbm>> -> memref<10112x80xf32, #tpu.memory_space<hbm>>
        tpu.wait_indirect_dma semaphore(%arg25 : memref<!tpu.dma_semaphore, #tpu.memory_space<semaphore_mem>>) src(%dma_wait3A_183 : memref<10112x80xf32, #tpu.memory_space<hbm>>) dst(%arg17 : memref<128x80xf32, #tpu.memory_space<vmem>>)
        %dma_wait3A_184 = arith.constant 0 : i32
        %dma_wait3A_185 = arith.constant 0 : i32
        %dma_wait3A_186 = tpu.memref_slice %arg7[%dma_wait3A_184, %dma_wait3A_185] : memref<10112x80xf32, #tpu.memory_space<hbm>> -> memref<10112x80xf32, #tpu.memory_space<hbm>>
        tpu.wait_indirect_dma semaphore(%arg25 : memref<!tpu.dma_semaphore, #tpu.memory_space<semaphore_mem>>) src(%dma_wait3A_186 : memref<10112x80xf32, #tpu.memory_space<hbm>>) dst(%arg18 : memref<128x80xf32, #tpu.memory_space<vmem>>)
        %dma_wait3A_187 = arith.constant 0 : i32
        %dma_wait3A_188 = arith.constant 0 : i32
        %dma_wait3A_189 = tpu.memref_slice %arg8[%dma_wait3A_187, %dma_wait3A_188] : memref<10112x80xf32, #tpu.memory_space<hbm>> -> memref<10112x80xf32, #tpu.memory_space<hbm>>
        tpu.wait_indirect_dma semaphore(%arg25 : memref<!tpu.dma_semaphore, #tpu.memory_space<semaphore_mem>>) src(%dma_wait3A_189 : memref<10112x80xf32, #tpu.memory_space<hbm>>) dst(%arg19 : memref<128x80xf32, #tpu.memory_space<vmem>>)
        %scan3A_190 = arith.constant 0 : i32
        %scan3A_191 = arith.constant 0 : i32
        %scan3A_192 = arith.constant 128 : i32
        %scan3A_193 = arith.addi %scan3A_191, %scan3A_192 : i32
        %scan3A_194 = arith.constant 1 : i32
        scf.for %scan3A_215 = %scan3A_191 to %scan3A_193 step %scan3A_194  : i32 {
          %get3A_216 = arith.index_cast %scan3A_215 : i32 to index
          %get3A_217 = arith.constant 0 : index
          %get3A_218 = tpu.vector_load %arg17[%get3A_216, %get3A_217] {strides = array<i32>} : memref<128x80xf32, #tpu.memory_space<vmem>>, vector<1x16xf32>,
          %get3A_219 = vector.shape_cast %get3A_218 : vector<1x16xf32> to vector<16xf32>
          %get3A_220 = arith.index_cast %scan3A_215 : i32 to index
          %get3A_221 = arith.constant 0 : index
          %get3A_222 = tpu.vector_load %arg18[%get3A_220, %get3A_221] {strides = array<i32>} : memref<128x80xf32, #tpu.memory_space<vmem>>, vector<1x16xf32>,
          %get3A_223 = vector.shape_cast %get3A_222 : vector<1x16xf32> to vector<16xf32>
          %add3A_224 = arith.addf %get3A_219, %get3A_223 : vector<16xf32>
          %mul3A_225 = arith.constant 2.000000e-01 : f32
          %mul3A_226 = vector.broadcast %mul3A_225 : f32 to vector<16xf32>
          %mul3A_227 = arith.mulf %mul3A_226, %add3A_224 : vector<16xf32>
          %max3A = arith.maximumf %add3A_224, %mul3A_227 : vector<16xf32>
          %sub3A = arith.subf %max3A, %get3A_131 : vector<16xf32>
          %exp3A = math.exp %sub3A : vector<16xf32>
          %get3A_228 = arith.index_cast %scan3A_215 : i32 to index
          %get3A_229 = arith.constant 0 : index
          %get3A_230 = tpu.vector_load %arg19[%get3A_228, %get3A_229] {strides = array<i32>} : memref<128x80xf32, #tpu.memory_space<vmem>>, vector<1x16xf32>,
          %get3A_231 = vector.shape_cast %get3A_230 : vector<1x16xf32> to vector<16xf32>
          %mul3A_232 = arith.mulf %get3A_231, %exp3A : vector<16xf32>
          %swap3A = arith.index_cast %scan3A_215 : i32 to index
          %swap3A_233 = arith.constant 0 : index
          %swap3A_234 = tpu.vector_load %arg19[%swap3A, %swap3A_233] {strides = array<i32>} : memref<128x80xf32, #tpu.memory_space<vmem>>, vector<1x16xf32>,
          %swap3A_235 = vector.shape_cast %swap3A_234 : vector<1x16xf32> to vector<16xf32>
          %swap3A_236 = vector.shape_cast %mul3A_232 : vector<16xf32> to vector<1x16xf32>
          tpu.vector_store %arg19[%swap3A, %swap3A_233], %swap3A_236 {strides = array<i32>} : memref<128x80xf32, #tpu.memory_space<vmem>>, vector<1x16xf32>,
          %get3A_237 = arith.index_cast %scan3A_215 : i32 to index
          %get3A_238 = arith.constant 16 : index
          %get3A_239 = tpu.vector_load %arg17[%get3A_237, %get3A_238] {strides = array<i32>} : memref<128x80xf32, #tpu.memory_space<vmem>>, vector<1x16xf32>,
          %get3A_240 = vector.shape_cast %get3A_239 : vector<1x16xf32> to vector<16xf32>
          %get3A_241 = arith.index_cast %scan3A_215 : i32 to index
          %get3A_242 = arith.constant 16 : index
          %get3A_243 = tpu.vector_load %arg18[%get3A_241, %get3A_242] {strides = array<i32>} : memref<128x80xf32, #tpu.memory_space<vmem>>, vector<1x16xf32>,
          %get3A_244 = vector.shape_cast %get3A_243 : vector<1x16xf32> to vector<16xf32>
          %add3A_245 = arith.addf %get3A_240, %get3A_244 : vector<16xf32>
          %mul3A_246 = arith.constant 2.000000e-01 : f32
          %mul3A_247 = vector.broadcast %mul3A_246 : f32 to vector<16xf32>
          %mul3A_248 = arith.mulf %mul3A_247, %add3A_245 : vector<16xf32>
          %max3A_249 = arith.maximumf %add3A_245, %mul3A_248 : vector<16xf32>
          %sub3A_250 = arith.subf %max3A_249, %get3A_134 : vector<16xf32>
          %exp3A_251 = math.exp %sub3A_250 : vector<16xf32>
          %get3A_252 = arith.index_cast %scan3A_215 : i32 to index
          %get3A_253 = arith.constant 16 : index
          %get3A_254 = tpu.vector_load %arg19[%get3A_252, %get3A_253] {strides = array<i32>} : memref<128x80xf32, #tpu.memory_space<vmem>>, vector<1x16xf32>,
          %get3A_255 = vector.shape_cast %get3A_254 : vector<1x16xf32> to vector<16xf32>
          %mul3A_256 = arith.mulf %get3A_255, %exp3A_251 : vector<16xf32>
          %swap3A_257 = arith.index_cast %scan3A_215 : i32 to index
          %swap3A_258 = arith.constant 16 : index
          %swap3A_259 = tpu.vector_load %arg19[%swap3A_257, %swap3A_258] {strides = array<i32>} : memref<128x80xf32, #tpu.memory_space<vmem>>, vector<1x16xf32>,
          %swap3A_260 = vector.shape_cast %swap3A_259 : vector<1x16xf32> to vector<16xf32>
          %swap3A_261 = vector.shape_cast %mul3A_256 : vector<16xf32> to vector<1x16xf32>
          tpu.vector_store %arg19[%swap3A_257, %swap3A_258], %swap3A_261 {strides = array<i32>} : memref<128x80xf32, #tpu.memory_space<vmem>>, vector<1x16xf32>,
          %get3A_262 = arith.index_cast %scan3A_215 : i32 to index
          %get3A_263 = arith.constant 32 : index
          %get3A_264 = tpu.vector_load %arg17[%get3A_262, %get3A_263] {strides = array<i32>} : memref<128x80xf32, #tpu.memory_space<vmem>>, vector<1x16xf32>,
          %get3A_265 = vector.shape_cast %get3A_264 : vector<1x16xf32> to vector<16xf32>
          %get3A_266 = arith.index_cast %scan3A_215 : i32 to index
          %get3A_267 = arith.constant 32 : index
          %get3A_268 = tpu.vector_load %arg18[%get3A_266, %get3A_267] {strides = array<i32>} : memref<128x80xf32, #tpu.memory_space<vmem>>, vector<1x16xf32>,
          %get3A_269 = vector.shape_cast %get3A_268 : vector<1x16xf32> to vector<16xf32>
          %add3A_270 = arith.addf %get3A_265, %get3A_269 : vector<16xf32>
          %mul3A_271 = arith.constant 2.000000e-01 : f32
          %mul3A_272 = vector.broadcast %mul3A_271 : f32 to vector<16xf32>
          %mul3A_273 = arith.mulf %mul3A_272, %add3A_270 : vector<16xf32>
          %max3A_274 = arith.maximumf %add3A_270, %mul3A_273 : vector<16xf32>
          %sub3A_275 = arith.subf %max3A_274, %get3A_137 : vector<16xf32>
          %exp3A_276 = math.exp %sub3A_275 : vector<16xf32>
          %get3A_277 = arith.index_cast %scan3A_215 : i32 to index
          %get3A_278 = arith.constant 32 : index
          %get3A_279 = tpu.vector_load %arg19[%get3A_277, %get3A_278] {strides = array<i32>} : memref<128x80xf32, #tpu.memory_space<vmem>>, vector<1x16xf32>,
          %get3A_280 = vector.shape_cast %get3A_279 : vector<1x16xf32> to vector<16xf32>
          %mul3A_281 = arith.mulf %get3A_280, %exp3A_276 : vector<16xf32>
          %swap3A_282 = arith.index_cast %scan3A_215 : i32 to index
          %swap3A_283 = arith.constant 32 : index
          %swap3A_284 = tpu.vector_load %arg19[%swap3A_282, %swap3A_283] {strides = array<i32>} : memref<128x80xf32, #tpu.memory_space<vmem>>, vector<1x16xf32>,
          %swap3A_285 = vector.shape_cast %swap3A_284 : vector<1x16xf32> to vector<16xf32>
          %swap3A_286 = vector.shape_cast %mul3A_281 : vector<16xf32> to vector<1x16xf32>
          tpu.vector_store %arg19[%swap3A_282, %swap3A_283], %swap3A_286 {strides = array<i32>} : memref<128x80xf32, #tpu.memory_space<vmem>>, vector<1x16xf32>,
          %get3A_287 = arith.index_cast %scan3A_215 : i32 to index
          %get3A_288 = arith.constant 48 : index
          %get3A_289 = tpu.vector_load %arg17[%get3A_287, %get3A_288] {strides = array<i32>} : memref<128x80xf32, #tpu.memory_space<vmem>>, vector<1x16xf32>,
          %get3A_290 = vector.shape_cast %get3A_289 : vector<1x16xf32> to vector<16xf32>
          %get3A_291 = arith.index_cast %scan3A_215 : i32 to index
          %get3A_292 = arith.constant 48 : index
          %get3A_293 = tpu.vector_load %arg18[%get3A_291, %get3A_292] {strides = array<i32>} : memref<128x80xf32, #tpu.memory_space<vmem>>, vector<1x16xf32>,
          %get3A_294 = vector.shape_cast %get3A_293 : vector<1x16xf32> to vector<16xf32>
          %add3A_295 = arith.addf %get3A_290, %get3A_294 : vector<16xf32>
          %mul3A_296 = arith.constant 2.000000e-01 : f32
          %mul3A_297 = vector.broadcast %mul3A_296 : f32 to vector<16xf32>
          %mul3A_298 = arith.mulf %mul3A_297, %add3A_295 : vector<16xf32>
          %max3A_299 = arith.maximumf %add3A_295, %mul3A_298 : vector<16xf32>
          %sub3A_300 = arith.subf %max3A_299, %get3A_140 : vector<16xf32>
          %exp3A_301 = math.exp %sub3A_300 : vector<16xf32>
          %get3A_302 = arith.index_cast %scan3A_215 : i32 to index
          %get3A_303 = arith.constant 48 : index
          %get3A_304 = tpu.vector_load %arg19[%get3A_302, %get3A_303] {strides = array<i32>} : memref<128x80xf32, #tpu.memory_space<vmem>>, vector<1x16xf32>,
          %get3A_305 = vector.shape_cast %get3A_304 : vector<1x16xf32> to vector<16xf32>
          %mul3A_306 = arith.mulf %get3A_305, %exp3A_301 : vector<16xf32>
          %swap3A_307 = arith.index_cast %scan3A_215 : i32 to index
          %swap3A_308 = arith.constant 48 : index
          %swap3A_309 = tpu.vector_load %arg19[%swap3A_307, %swap3A_308] {strides = array<i32>} : memref<128x80xf32, #tpu.memory_space<vmem>>, vector<1x16xf32>,
          %swap3A_310 = vector.shape_cast %swap3A_309 : vector<1x16xf32> to vector<16xf32>
          %swap3A_311 = vector.shape_cast %mul3A_306 : vector<16xf32> to vector<1x16xf32>
          tpu.vector_store %arg19[%swap3A_307, %swap3A_308], %swap3A_311 {strides = array<i32>} : memref<128x80xf32, #tpu.memory_space<vmem>>, vector<1x16xf32>,
          %get3A_312 = arith.index_cast %scan3A_215 : i32 to index
          %get3A_313 = arith.constant 64 : index
          %get3A_314 = tpu.vector_load %arg17[%get3A_312, %get3A_313] {strides = array<i32>} : memref<128x80xf32, #tpu.memory_space<vmem>>, vector<1x16xf32>,
          %get3A_315 = vector.shape_cast %get3A_314 : vector<1x16xf32> to vector<16xf32>
          %get3A_316 = arith.index_cast %scan3A_215 : i32 to index
          %get3A_317 = arith.constant 64 : index
          %get3A_318 = tpu.vector_load %arg18[%get3A_316, %get3A_317] {strides = array<i32>} : memref<128x80xf32, #tpu.memory_space<vmem>>, vector<1x16xf32>,
          %get3A_319 = vector.shape_cast %get3A_318 : vector<1x16xf32> to vector<16xf32>
          %add3A_320 = arith.addf %get3A_315, %get3A_319 : vector<16xf32>
          %mul3A_321 = arith.constant 2.000000e-01 : f32
          %mul3A_322 = vector.broadcast %mul3A_321 : f32 to vector<16xf32>
          %mul3A_323 = arith.mulf %mul3A_322, %add3A_320 : vector<16xf32>
          %max3A_324 = arith.maximumf %add3A_320, %mul3A_323 : vector<16xf32>
          %sub3A_325 = arith.subf %max3A_324, %get3A_143 : vector<16xf32>
          %exp3A_326 = math.exp %sub3A_325 : vector<16xf32>
          %get3A_327 = arith.index_cast %scan3A_215 : i32 to index
          %get3A_328 = arith.constant 64 : index
          %get3A_329 = tpu.vector_load %arg19[%get3A_327, %get3A_328] {strides = array<i32>} : memref<128x80xf32, #tpu.memory_space<vmem>>, vector<1x16xf32>,
          %get3A_330 = vector.shape_cast %get3A_329 : vector<1x16xf32> to vector<16xf32>
          %mul3A_331 = arith.mulf %get3A_330, %exp3A_326 : vector<16xf32>
          %swap3A_332 = arith.index_cast %scan3A_215 : i32 to index
          %swap3A_333 = arith.constant 64 : index
          %swap3A_334 = tpu.vector_load %arg19[%swap3A_332, %swap3A_333] {strides = array<i32>} : memref<128x80xf32, #tpu.memory_space<vmem>>, vector<1x16xf32>,
          %swap3A_335 = vector.shape_cast %swap3A_334 : vector<1x16xf32> to vector<16xf32>
          %swap3A_336 = vector.shape_cast %mul3A_331 : vector<16xf32> to vector<1x16xf32>
          tpu.vector_store %arg19[%swap3A_332, %swap3A_333], %swap3A_336 {strides = array<i32>} : memref<128x80xf32, #tpu.memory_space<vmem>>, vector<1x16xf32>,
        }
        %scan3A_195 = arith.constant 128 : i32
        "tpu.region"() ({
          %run_scoped3A = tpu.sem_alloc : memref<!tpu.dma_semaphore, #tpu.memory_space<semaphore_mem>>
          %dma_start3A_215 = arith.constant 0 : i32
          %dma_start3A_216 = arith.constant 0 : i32
          %dma_start3A_217 = tpu.memref_slice %arg24[%dma_start3A_215, %dma_start3A_216] : memref<10112x80xf32, #tpu.memory_space<vmem_shared>> -> memref<10112x80xf32, #tpu.memory_space<vmem_shared>>
          tpu.enqueue_indirect_dma source(%arg19 : memref<128x80xf32, #tpu.memory_space<vmem>>) target(%dma_start3A_217 : memref<10112x80xf32, #tpu.memory_space<vmem_shared>>) offsets(%arg14 : memref<128xi32, #tpu.memory_space<vmem>>) semaphore(%run_scoped3A : memref<!tpu.dma_semaphore, #tpu.memory_space<semaphore_mem>>) {add = true}
          %dma_wait3A_218 = arith.constant 0 : i32
          %dma_wait3A_219 = arith.constant 0 : i32
          %dma_wait3A_220 = tpu.memref_slice %arg24[%dma_wait3A_218, %dma_wait3A_219] : memref<10112x80xf32, #tpu.memory_space<vmem_shared>> -> memref<10112x80xf32, #tpu.memory_space<vmem_shared>>
          tpu.wait_indirect_dma semaphore(%run_scoped3A : memref<!tpu.dma_semaphore, #tpu.memory_space<semaphore_mem>>) src(%arg19 : memref<128x80xf32, #tpu.memory_space<vmem>>) dst(%dma_wait3A_220 : memref<10112x80xf32, #tpu.memory_space<vmem_shared>>)
          tpu.yield
        }) : () -> ()
        %lt3A = arith.constant 80 : i32
        %lt3A_196 = arith.cmpi slt, %scan3A_162, %lt3A : i32
        %convert_element_type3A_197 = arith.extui %lt3A_196 : i1 to i32
        %cond3A_198 = arith.constant 0 : i32
        %cond3A_199 = arith.cmpi ne, %convert_element_type3A_197, %cond3A_198 : i32
        scf.if %cond3A_199 {
          %mul3A_215 = arith.constant 2 : i32
          %mul3A_216 = arith.muli %mul3A_215, %scan3A_162 : i32
          %add3A_217 = arith.constant 2 : i32
          %add3A_218 = arith.addi %mul3A_216, %add3A_217 : i32
          %mul3A_219 = arith.constant 20736 : i32
          %mul3A_220 = arith.muli %arg1, %mul3A_219 : i32
          %mul3A_221 = arith.constant 128 : i32
          %mul3A_222 = arith.muli %add3A_218, %mul3A_221 : i32
          %add3A_223 = arith.addi %mul3A_220, %mul3A_222 : i32
          %multiple_of3A_224 = tpu.assume_multiple %add3A_223, 128 : i32
          "tpu.region"() ({
            %run_scoped3A = tpu.sem_alloc : memref<!tpu.dma_semaphore, #tpu.memory_space<semaphore_mem>>
            %dma_start3A_234 = tpu.memref_slice %arg10[%multiple_of3A_224] : memref<331776xi32, #tpu.memory_space<hbm>> -> memref<128xi32, #tpu.memory_space<hbm>>
            %dma_start3A_235 = tpu.memref_slice %arg10[%multiple_of3A_224] : memref<331776xi32, #tpu.memory_space<hbm>> -> memref<128xi32, #tpu.memory_space<hbm>>
            tpu.enqueue_dma source(%dma_start3A_235 : memref<128xi32, #tpu.memory_space<hbm>>) target(%arg13 : memref<128xi32, #tpu.memory_space<vmem>>) target_semaphore(%run_scoped3A : memref<!tpu.dma_semaphore, #tpu.memory_space<semaphore_mem>>)
            %dma_wait3A_236 = tpu.memref_slice %arg10[%multiple_of3A_224] : memref<331776xi32, #tpu.memory_space<hbm>> -> memref<128xi32, #tpu.memory_space<hbm>>
            %dma_wait3A_237 = tpu.memref_slice %arg10[%multiple_of3A_224] : memref<331776xi32, #tpu.memory_space<hbm>> -> memref<128xi32, #tpu.memory_space<hbm>>
            tpu.wait_dma2 semaphore(%run_scoped3A : memref<!tpu.dma_semaphore, #tpu.memory_space<semaphore_mem>>) src(%dma_wait3A_237 : memref<128xi32, #tpu.memory_space<hbm>>) dst(%arg13 : memref<128xi32, #tpu.memory_space<vmem>>)
            tpu.yield
          }) : () -> ()
          "tpu.region"() ({
            %run_scoped3A = tpu.sem_alloc : memref<!tpu.dma_semaphore, #tpu.memory_space<semaphore_mem>>
            %dma_start3A_234 = tpu.memref_slice %arg11[%multiple_of3A_224] : memref<331776xi32, #tpu.memory_space<hbm>> -> memref<128xi32, #tpu.memory_space<hbm>>
            %dma_start3A_235 = tpu.memref_slice %arg11[%multiple_of3A_224] : memref<331776xi32, #tpu.memory_space<hbm>> -> memref<128xi32, #tpu.memory_space<hbm>>
            tpu.enqueue_dma source(%dma_start3A_235 : memref<128xi32, #tpu.memory_space<hbm>>) target(%arg14 : memref<128xi32, #tpu.memory_space<vmem>>) target_semaphore(%run_scoped3A : memref<!tpu.dma_semaphore, #tpu.memory_space<semaphore_mem>>)
            %dma_wait3A_236 = tpu.memref_slice %arg11[%multiple_of3A_224] : memref<331776xi32, #tpu.memory_space<hbm>> -> memref<128xi32, #tpu.memory_space<hbm>>
            %dma_wait3A_237 = tpu.memref_slice %arg11[%multiple_of3A_224] : memref<331776xi32, #tpu.memory_space<hbm>> -> memref<128xi32, #tpu.memory_space<hbm>>
            tpu.wait_dma2 semaphore(%run_scoped3A : memref<!tpu.dma_semaphore, #tpu.memory_space<semaphore_mem>>) src(%dma_wait3A_237 : memref<128xi32, #tpu.memory_space<hbm>>) dst(%arg14 : memref<128xi32, #tpu.memory_space<vmem>>)
            tpu.yield
          }) : () -> ()
          %dma_start3A_225 = arith.constant 0 : i32
          %dma_start3A_226 = arith.constant 0 : i32
          %dma_start3A_227 = tpu.memref_slice %arg6[%dma_start3A_225, %dma_start3A_226] : memref<10112x80xf32, #tpu.memory_space<hbm>> -> memref<10112x80xf32, #tpu.memory_space<hbm>>
          tpu.enqueue_indirect_dma source(%dma_start3A_227 : memref<10112x80xf32, #tpu.memory_space<hbm>>) target(%arg17 : memref<128x80xf32, #tpu.memory_space<vmem>>) offsets(%arg13 : memref<128xi32, #tpu.memory_space<vmem>>) semaphore(%arg25 : memref<!tpu.dma_semaphore, #tpu.memory_space<semaphore_mem>>)
          %dma_start3A_228 = arith.constant 0 : i32
          %dma_start3A_229 = arith.constant 0 : i32
          %dma_start3A_230 = tpu.memref_slice %arg7[%dma_start3A_228, %dma_start3A_229] : memref<10112x80xf32, #tpu.memory_space<hbm>> -> memref<10112x80xf32, #tpu.memory_space<hbm>>
          tpu.enqueue_indirect_dma source(%dma_start3A_230 : memref<10112x80xf32, #tpu.memory_space<hbm>>) target(%arg18 : memref<128x80xf32, #tpu.memory_space<vmem>>) offsets(%arg14 : memref<128xi32, #tpu.memory_space<vmem>>) semaphore(%arg25 : memref<!tpu.dma_semaphore, #tpu.memory_space<semaphore_mem>>)
          %dma_start3A_231 = arith.constant 0 : i32
          %dma_start3A_232 = arith.constant 0 : i32
          %dma_start3A_233 = tpu.memref_slice %arg8[%dma_start3A_231, %dma_start3A_232] : memref<10112x80xf32, #tpu.memory_space<hbm>> -> memref<10112x80xf32, #tpu.memory_space<hbm>>
          tpu.enqueue_indirect_dma source(%dma_start3A_233 : memref<10112x80xf32, #tpu.memory_space<hbm>>) target(%arg19 : memref<128x80xf32, #tpu.memory_space<vmem>>) offsets(%arg13 : memref<128xi32, #tpu.memory_space<vmem>>) semaphore(%arg25 : memref<!tpu.dma_semaphore, #tpu.memory_space<semaphore_mem>>)
        } else {
        }
        %dma_wait3A_200 = arith.constant 0 : i32
        %dma_wait3A_201 = arith.constant 0 : i32
        %dma_wait3A_202 = tpu.memref_slice %arg6[%dma_wait3A_200, %dma_wait3A_201] : memref<10112x80xf32, #tpu.memory_space<hbm>> -> memref<10112x80xf32, #tpu.memory_space<hbm>>
        tpu.wait_indirect_dma semaphore(%arg26 : memref<!tpu.dma_semaphore, #tpu.memory_space<semaphore_mem>>) src(%dma_wait3A_202 : memref<10112x80xf32, #tpu.memory_space<hbm>>) dst(%arg20 : memref<128x80xf32, #tpu.memory_space<vmem>>)
        %dma_wait3A_203 = arith.constant 0 : i32
        %dma_wait3A_204 = arith.constant 0 : i32
        %dma_wait3A_205 = tpu.memref_slice %arg7[%dma_wait3A_203, %dma_wait3A_204] : memref<10112x80xf32, #tpu.memory_space<hbm>> -> memref<10112x80xf32, #tpu.memory_space<hbm>>
        tpu.wait_indirect_dma semaphore(%arg26 : memref<!tpu.dma_semaphore, #tpu.memory_space<semaphore_mem>>) src(%dma_wait3A_205 : memref<10112x80xf32, #tpu.memory_space<hbm>>) dst(%arg21 : memref<128x80xf32, #tpu.memory_space<vmem>>)
        %dma_wait3A_206 = arith.constant 0 : i32
        %dma_wait3A_207 = arith.constant 0 : i32
        %dma_wait3A_208 = tpu.memref_slice %arg8[%dma_wait3A_206, %dma_wait3A_207] : memref<10112x80xf32, #tpu.memory_space<hbm>> -> memref<10112x80xf32, #tpu.memory_space<hbm>>
        tpu.wait_indirect_dma semaphore(%arg26 : memref<!tpu.dma_semaphore, #tpu.memory_space<semaphore_mem>>) src(%dma_wait3A_208 : memref<10112x80xf32, #tpu.memory_space<hbm>>) dst(%arg22 : memref<128x80xf32, #tpu.memory_space<vmem>>)
        %scan3A_209 = arith.constant 0 : i32
        %scan3A_210 = arith.constant 0 : i32
        %scan3A_211 = arith.constant 128 : i32
        %scan3A_212 = arith.addi %scan3A_210, %scan3A_211 : i32
        %scan3A_213 = arith.constant 1 : i32
        scf.for %scan3A_215 = %scan3A_210 to %scan3A_212 step %scan3A_213  : i32 {
          %get3A_216 = arith.index_cast %scan3A_215 : i32 to index
          %get3A_217 = arith.constant 0 : index
          %get3A_218 = tpu.vector_load %arg20[%get3A_216, %get3A_217] {strides = array<i32>} : memref<128x80xf32, #tpu.memory_space<vmem>>, vector<1x16xf32>,
          %get3A_219 = vector.shape_cast %get3A_218 : vector<1x16xf32> to vector<16xf32>
          %get3A_220 = arith.index_cast %scan3A_215 : i32 to index
          %get3A_221 = arith.constant 0 : index
          %get3A_222 = tpu.vector_load %arg21[%get3A_220, %get3A_221] {strides = array<i32>} : memref<128x80xf32, #tpu.memory_space<vmem>>, vector<1x16xf32>,
          %get3A_223 = vector.shape_cast %get3A_222 : vector<1x16xf32> to vector<16xf32>
          %add3A_224 = arith.addf %get3A_219, %get3A_223 : vector<16xf32>
          %mul3A_225 = arith.constant 2.000000e-01 : f32
          %mul3A_226 = vector.broadcast %mul3A_225 : f32 to vector<16xf32>
          %mul3A_227 = arith.mulf %mul3A_226, %add3A_224 : vector<16xf32>
          %max3A = arith.maximumf %add3A_224, %mul3A_227 : vector<16xf32>
          %sub3A = arith.subf %max3A, %get3A_131 : vector<16xf32>
          %exp3A = math.exp %sub3A : vector<16xf32>
          %get3A_228 = arith.index_cast %scan3A_215 : i32 to index
          %get3A_229 = arith.constant 0 : index
          %get3A_230 = tpu.vector_load %arg22[%get3A_228, %get3A_229] {strides = array<i32>} : memref<128x80xf32, #tpu.memory_space<vmem>>, vector<1x16xf32>,
          %get3A_231 = vector.shape_cast %get3A_230 : vector<1x16xf32> to vector<16xf32>
          %mul3A_232 = arith.mulf %get3A_231, %exp3A : vector<16xf32>
          %swap3A = arith.index_cast %scan3A_215 : i32 to index
          %swap3A_233 = arith.constant 0 : index
          %swap3A_234 = tpu.vector_load %arg22[%swap3A, %swap3A_233] {strides = array<i32>} : memref<128x80xf32, #tpu.memory_space<vmem>>, vector<1x16xf32>,
          %swap3A_235 = vector.shape_cast %swap3A_234 : vector<1x16xf32> to vector<16xf32>
          %swap3A_236 = vector.shape_cast %mul3A_232 : vector<16xf32> to vector<1x16xf32>
          tpu.vector_store %arg22[%swap3A, %swap3A_233], %swap3A_236 {strides = array<i32>} : memref<128x80xf32, #tpu.memory_space<vmem>>, vector<1x16xf32>,
          %get3A_237 = arith.index_cast %scan3A_215 : i32 to index
          %get3A_238 = arith.constant 16 : index
          %get3A_239 = tpu.vector_load %arg20[%get3A_237, %get3A_238] {strides = array<i32>} : memref<128x80xf32, #tpu.memory_space<vmem>>, vector<1x16xf32>,
          %get3A_240 = vector.shape_cast %get3A_239 : vector<1x16xf32> to vector<16xf32>
          %get3A_241 = arith.index_cast %scan3A_215 : i32 to index
          %get3A_242 = arith.constant 16 : index
          %get3A_243 = tpu.vector_load %arg21[%get3A_241, %get3A_242] {strides = array<i32>} : memref<128x80xf32, #tpu.memory_space<vmem>>, vector<1x16xf32>,
          %get3A_244 = vector.shape_cast %get3A_243 : vector<1x16xf32> to vector<16xf32>
          %add3A_245 = arith.addf %get3A_240, %get3A_244 : vector<16xf32>
          %mul3A_246 = arith.constant 2.000000e-01 : f32
          %mul3A_247 = vector.broadcast %mul3A_246 : f32 to vector<16xf32>
          %mul3A_248 = arith.mulf %mul3A_247, %add3A_245 : vector<16xf32>
          %max3A_249 = arith.maximumf %add3A_245, %mul3A_248 : vector<16xf32>
          %sub3A_250 = arith.subf %max3A_249, %get3A_134 : vector<16xf32>
          %exp3A_251 = math.exp %sub3A_250 : vector<16xf32>
          %get3A_252 = arith.index_cast %scan3A_215 : i32 to index
          %get3A_253 = arith.constant 16 : index
          %get3A_254 = tpu.vector_load %arg22[%get3A_252, %get3A_253] {strides = array<i32>} : memref<128x80xf32, #tpu.memory_space<vmem>>, vector<1x16xf32>,
          %get3A_255 = vector.shape_cast %get3A_254 : vector<1x16xf32> to vector<16xf32>
          %mul3A_256 = arith.mulf %get3A_255, %exp3A_251 : vector<16xf32>
          %swap3A_257 = arith.index_cast %scan3A_215 : i32 to index
          %swap3A_258 = arith.constant 16 : index
          %swap3A_259 = tpu.vector_load %arg22[%swap3A_257, %swap3A_258] {strides = array<i32>} : memref<128x80xf32, #tpu.memory_space<vmem>>, vector<1x16xf32>,
          %swap3A_260 = vector.shape_cast %swap3A_259 : vector<1x16xf32> to vector<16xf32>
          %swap3A_261 = vector.shape_cast %mul3A_256 : vector<16xf32> to vector<1x16xf32>
          tpu.vector_store %arg22[%swap3A_257, %swap3A_258], %swap3A_261 {strides = array<i32>} : memref<128x80xf32, #tpu.memory_space<vmem>>, vector<1x16xf32>,
          %get3A_262 = arith.index_cast %scan3A_215 : i32 to index
          %get3A_263 = arith.constant 32 : index
          %get3A_264 = tpu.vector_load %arg20[%get3A_262, %get3A_263] {strides = array<i32>} : memref<128x80xf32, #tpu.memory_space<vmem>>, vector<1x16xf32>,
          %get3A_265 = vector.shape_cast %get3A_264 : vector<1x16xf32> to vector<16xf32>
          %get3A_266 = arith.index_cast %scan3A_215 : i32 to index
          %get3A_267 = arith.constant 32 : index
          %get3A_268 = tpu.vector_load %arg21[%get3A_266, %get3A_267] {strides = array<i32>} : memref<128x80xf32, #tpu.memory_space<vmem>>, vector<1x16xf32>,
          %get3A_269 = vector.shape_cast %get3A_268 : vector<1x16xf32> to vector<16xf32>
          %add3A_270 = arith.addf %get3A_265, %get3A_269 : vector<16xf32>
          %mul3A_271 = arith.constant 2.000000e-01 : f32
          %mul3A_272 = vector.broadcast %mul3A_271 : f32 to vector<16xf32>
          %mul3A_273 = arith.mulf %mul3A_272, %add3A_270 : vector<16xf32>
          %max3A_274 = arith.maximumf %add3A_270, %mul3A_273 : vector<16xf32>
          %sub3A_275 = arith.subf %max3A_274, %get3A_137 : vector<16xf32>
          %exp3A_276 = math.exp %sub3A_275 : vector<16xf32>
          %get3A_277 = arith.index_cast %scan3A_215 : i32 to index
          %get3A_278 = arith.constant 32 : index
          %get3A_279 = tpu.vector_load %arg22[%get3A_277, %get3A_278] {strides = array<i32>} : memref<128x80xf32, #tpu.memory_space<vmem>>, vector<1x16xf32>,
          %get3A_280 = vector.shape_cast %get3A_279 : vector<1x16xf32> to vector<16xf32>
          %mul3A_281 = arith.mulf %get3A_280, %exp3A_276 : vector<16xf32>
          %swap3A_282 = arith.index_cast %scan3A_215 : i32 to index
          %swap3A_283 = arith.constant 32 : index
          %swap3A_284 = tpu.vector_load %arg22[%swap3A_282, %swap3A_283] {strides = array<i32>} : memref<128x80xf32, #tpu.memory_space<vmem>>, vector<1x16xf32>,
          %swap3A_285 = vector.shape_cast %swap3A_284 : vector<1x16xf32> to vector<16xf32>
          %swap3A_286 = vector.shape_cast %mul3A_281 : vector<16xf32> to vector<1x16xf32>
          tpu.vector_store %arg22[%swap3A_282, %swap3A_283], %swap3A_286 {strides = array<i32>} : memref<128x80xf32, #tpu.memory_space<vmem>>, vector<1x16xf32>,
          %get3A_287 = arith.index_cast %scan3A_215 : i32 to index
          %get3A_288 = arith.constant 48 : index
          %get3A_289 = tpu.vector_load %arg20[%get3A_287, %get3A_288] {strides = array<i32>} : memref<128x80xf32, #tpu.memory_space<vmem>>, vector<1x16xf32>,
          %get3A_290 = vector.shape_cast %get3A_289 : vector<1x16xf32> to vector<16xf32>
          %get3A_291 = arith.index_cast %scan3A_215 : i32 to index
          %get3A_292 = arith.constant 48 : index
          %get3A_293 = tpu.vector_load %arg21[%get3A_291, %get3A_292] {strides = array<i32>} : memref<128x80xf32, #tpu.memory_space<vmem>>, vector<1x16xf32>,
          %get3A_294 = vector.shape_cast %get3A_293 : vector<1x16xf32> to vector<16xf32>
          %add3A_295 = arith.addf %get3A_290, %get3A_294 : vector<16xf32>
          %mul3A_296 = arith.constant 2.000000e-01 : f32
          %mul3A_297 = vector.broadcast %mul3A_296 : f32 to vector<16xf32>
          %mul3A_298 = arith.mulf %mul3A_297, %add3A_295 : vector<16xf32>
          %max3A_299 = arith.maximumf %add3A_295, %mul3A_298 : vector<16xf32>
          %sub3A_300 = arith.subf %max3A_299, %get3A_140 : vector<16xf32>
          %exp3A_301 = math.exp %sub3A_300 : vector<16xf32>
          %get3A_302 = arith.index_cast %scan3A_215 : i32 to index
          %get3A_303 = arith.constant 48 : index
          %get3A_304 = tpu.vector_load %arg22[%get3A_302, %get3A_303] {strides = array<i32>} : memref<128x80xf32, #tpu.memory_space<vmem>>, vector<1x16xf32>,
          %get3A_305 = vector.shape_cast %get3A_304 : vector<1x16xf32> to vector<16xf32>
          %mul3A_306 = arith.mulf %get3A_305, %exp3A_301 : vector<16xf32>
          %swap3A_307 = arith.index_cast %scan3A_215 : i32 to index
          %swap3A_308 = arith.constant 48 : index
          %swap3A_309 = tpu.vector_load %arg22[%swap3A_307, %swap3A_308] {strides = array<i32>} : memref<128x80xf32, #tpu.memory_space<vmem>>, vector<1x16xf32>,
          %swap3A_310 = vector.shape_cast %swap3A_309 : vector<1x16xf32> to vector<16xf32>
          %swap3A_311 = vector.shape_cast %mul3A_306 : vector<16xf32> to vector<1x16xf32>
          tpu.vector_store %arg22[%swap3A_307, %swap3A_308], %swap3A_311 {strides = array<i32>} : memref<128x80xf32, #tpu.memory_space<vmem>>, vector<1x16xf32>,
          %get3A_312 = arith.index_cast %scan3A_215 : i32 to index
          %get3A_313 = arith.constant 64 : index
          %get3A_314 = tpu.vector_load %arg20[%get3A_312, %get3A_313] {strides = array<i32>} : memref<128x80xf32, #tpu.memory_space<vmem>>, vector<1x16xf32>,
          %get3A_315 = vector.shape_cast %get3A_314 : vector<1x16xf32> to vector<16xf32>
          %get3A_316 = arith.index_cast %scan3A_215 : i32 to index
          %get3A_317 = arith.constant 64 : index
          %get3A_318 = tpu.vector_load %arg21[%get3A_316, %get3A_317] {strides = array<i32>} : memref<128x80xf32, #tpu.memory_space<vmem>>, vector<1x16xf32>,
          %get3A_319 = vector.shape_cast %get3A_318 : vector<1x16xf32> to vector<16xf32>
          %add3A_320 = arith.addf %get3A_315, %get3A_319 : vector<16xf32>
          %mul3A_321 = arith.constant 2.000000e-01 : f32
          %mul3A_322 = vector.broadcast %mul3A_321 : f32 to vector<16xf32>
          %mul3A_323 = arith.mulf %mul3A_322, %add3A_320 : vector<16xf32>
          %max3A_324 = arith.maximumf %add3A_320, %mul3A_323 : vector<16xf32>
          %sub3A_325 = arith.subf %max3A_324, %get3A_143 : vector<16xf32>
          %exp3A_326 = math.exp %sub3A_325 : vector<16xf32>
          %get3A_327 = arith.index_cast %scan3A_215 : i32 to index
          %get3A_328 = arith.constant 64 : index
          %get3A_329 = tpu.vector_load %arg22[%get3A_327, %get3A_328] {strides = array<i32>} : memref<128x80xf32, #tpu.memory_space<vmem>>, vector<1x16xf32>,
          %get3A_330 = vector.shape_cast %get3A_329 : vector<1x16xf32> to vector<16xf32>
          %mul3A_331 = arith.mulf %get3A_330, %exp3A_326 : vector<16xf32>
          %swap3A_332 = arith.index_cast %scan3A_215 : i32 to index
          %swap3A_333 = arith.constant 64 : index
          %swap3A_334 = tpu.vector_load %arg22[%swap3A_332, %swap3A_333] {strides = array<i32>} : memref<128x80xf32, #tpu.memory_space<vmem>>, vector<1x16xf32>,
          %swap3A_335 = vector.shape_cast %swap3A_334 : vector<1x16xf32> to vector<16xf32>
          %swap3A_336 = vector.shape_cast %mul3A_331 : vector<16xf32> to vector<1x16xf32>
          tpu.vector_store %arg22[%swap3A_332, %swap3A_333], %swap3A_336 {strides = array<i32>} : memref<128x80xf32, #tpu.memory_space<vmem>>, vector<1x16xf32>,
        }
        %scan3A_214 = arith.constant 128 : i32
        "tpu.region"() ({
          %run_scoped3A = tpu.sem_alloc : memref<!tpu.dma_semaphore, #tpu.memory_space<semaphore_mem>>
          %dma_start3A_215 = arith.constant 0 : i32
          %dma_start3A_216 = arith.constant 0 : i32
          %dma_start3A_217 = tpu.memref_slice %arg24[%dma_start3A_215, %dma_start3A_216] : memref<10112x80xf32, #tpu.memory_space<vmem_shared>> -> memref<10112x80xf32, #tpu.memory_space<vmem_shared>>
          tpu.enqueue_indirect_dma source(%arg22 : memref<128x80xf32, #tpu.memory_space<vmem>>) target(%dma_start3A_217 : memref<10112x80xf32, #tpu.memory_space<vmem_shared>>) offsets(%arg16 : memref<128xi32, #tpu.memory_space<vmem>>) semaphore(%run_scoped3A : memref<!tpu.dma_semaphore, #tpu.memory_space<semaphore_mem>>) {add = true}
          %dma_wait3A_218 = arith.constant 0 : i32
          %dma_wait3A_219 = arith.constant 0 : i32
          %dma_wait3A_220 = tpu.memref_slice %arg24[%dma_wait3A_218, %dma_wait3A_219] : memref<10112x80xf32, #tpu.memory_space<vmem_shared>> -> memref<10112x80xf32, #tpu.memory_space<vmem_shared>>
          tpu.wait_indirect_dma semaphore(%run_scoped3A : memref<!tpu.dma_semaphore, #tpu.memory_space<semaphore_mem>>) src(%arg22 : memref<128x80xf32, #tpu.memory_space<vmem>>) dst(%dma_wait3A_220 : memref<10112x80xf32, #tpu.memory_space<vmem_shared>>)
          tpu.yield
        }) : () -> ()
      }
      %scan3A_161 = arith.constant 81 : i32
    } else {
    }
    %barrier3A_31 = arith.constant 0 : index
    tpu.barrier barrier_id(%barrier3A_31)
    %mul3A_32 = arith.constant 632 : i32
    %mul3A_33 = arith.muli %arg1, %mul3A_32 : i32
    %add3A_34 = arith.constant 0 : i32
    %add3A_35 = arith.addi %mul3A_33, %add3A_34 : i32
    %add3A_36 = arith.constant 0 : i32
    %add3A_37 = arith.addi %add3A_36, %arg0 : i32
    "tpu.region"() ({
      %run_scoped3A = tpu.sem_alloc : memref<!tpu.dma_semaphore, #tpu.memory_space<semaphore_mem>>
      %dma_start3A = arith.constant 0 : i32
      %dma_start3A_130 = tpu.memref_slice %arg12[%add3A_37, %add3A_35, %dma_start3A] : memref<4x10112x80xf32, #tpu.memory_space<hbm>> -> memref<1x128x80xf32, #tpu.memory_space<hbm>>
      %dma_start3A_131 = tpu.memref_squeeze %dma_start3A_130 : memref<1x128x80xf32, #tpu.memory_space<hbm>> -> memref<128x80xf32, #tpu.memory_space<hbm>>
      %dma_start3A_132 = arith.constant 0 : i32
      %dma_start3A_133 = tpu.memref_slice %arg24[%add3A_35, %dma_start3A_132] : memref<10112x80xf32, #tpu.memory_space<vmem_shared>> -> memref<128x80xf32, #tpu.memory_space<vmem_shared>>
      tpu.enqueue_dma source(%dma_start3A_133 : memref<128x80xf32, #tpu.memory_space<vmem_shared>>) target(%dma_start3A_131 : memref<128x80xf32, #tpu.memory_space<hbm>>) target_semaphore(%run_scoped3A : memref<!tpu.dma_semaphore, #tpu.memory_space<semaphore_mem>>)
      %dma_wait3A = arith.constant 0 : i32
      %dma_wait3A_134 = tpu.memref_slice %arg12[%add3A_37, %add3A_35, %dma_wait3A] : memref<4x10112x80xf32, #tpu.memory_space<hbm>> -> memref<1x128x80xf32, #tpu.memory_space<hbm>>
      %dma_wait3A_135 = tpu.memref_squeeze %dma_wait3A_134 : memref<1x128x80xf32, #tpu.memory_space<hbm>> -> memref<128x80xf32, #tpu.memory_space<hbm>>
      %dma_wait3A_136 = arith.constant 0 : i32
      %dma_wait3A_137 = tpu.memref_slice %arg24[%add3A_35, %dma_wait3A_136] : memref<10112x80xf32, #tpu.memory_space<vmem_shared>> -> memref<128x80xf32, #tpu.memory_space<vmem_shared>>
      tpu.wait_dma2 semaphore(%run_scoped3A : memref<!tpu.dma_semaphore, #tpu.memory_space<semaphore_mem>>) src(%dma_wait3A_137 : memref<128x80xf32, #tpu.memory_space<vmem_shared>>) dst(%dma_wait3A_135 : memref<128x80xf32, #tpu.memory_space<hbm>>)
      tpu.yield
    }) : () -> ()
    %mul3A_38 = arith.constant 632 : i32
    %mul3A_39 = arith.muli %arg1, %mul3A_38 : i32
    %add3A_40 = arith.constant 128 : i32
    %add3A_41 = arith.addi %mul3A_39, %add3A_40 : i32
    %add3A_42 = arith.constant 0 : i32
    %add3A_43 = arith.addi %add3A_42, %arg0 : i32
    "tpu.region"() ({
      %run_scoped3A = tpu.sem_alloc : memref<!tpu.dma_semaphore, #tpu.memory_space<semaphore_mem>>
      %dma_start3A = arith.constant 0 : i32
      %dma_start3A_130 = tpu.memref_slice %arg12[%add3A_43, %add3A_41, %dma_start3A] : memref<4x10112x80xf32, #tpu.memory_space<hbm>> -> memref<1x128x80xf32, #tpu.memory_space<hbm>>
      %dma_start3A_131 = tpu.memref_squeeze %dma_start3A_130 : memref<1x128x80xf32, #tpu.memory_space<hbm>> -> memref<128x80xf32, #tpu.memory_space<hbm>>
      %dma_start3A_132 = arith.constant 0 : i32
      %dma_start3A_133 = tpu.memref_slice %arg24[%add3A_41, %dma_start3A_132] : memref<10112x80xf32, #tpu.memory_space<vmem_shared>> -> memref<128x80xf32, #tpu.memory_space<vmem_shared>>
      tpu.enqueue_dma source(%dma_start3A_133 : memref<128x80xf32, #tpu.memory_space<vmem_shared>>) target(%dma_start3A_131 : memref<128x80xf32, #tpu.memory_space<hbm>>) target_semaphore(%run_scoped3A : memref<!tpu.dma_semaphore, #tpu.memory_space<semaphore_mem>>)
      %dma_wait3A = arith.constant 0 : i32
      %dma_wait3A_134 = tpu.memref_slice %arg12[%add3A_43, %add3A_41, %dma_wait3A] : memref<4x10112x80xf32, #tpu.memory_space<hbm>> -> memref<1x128x80xf32, #tpu.memory_space<hbm>>
      %dma_wait3A_135 = tpu.memref_squeeze %dma_wait3A_134 : memref<1x128x80xf32, #tpu.memory_space<hbm>> -> memref<128x80xf32, #tpu.memory_space<hbm>>
      %dma_wait3A_136 = arith.constant 0 : i32
      %dma_wait3A_137 = tpu.memref_slice %arg24[%add3A_41, %dma_wait3A_136] : memref<10112x80xf32, #tpu.memory_space<vmem_shared>> -> memref<128x80xf32, #tpu.memory_space<vmem_shared>>
      tpu.wait_dma2 semaphore(%run_scoped3A : memref<!tpu.dma_semaphore, #tpu.memory_space<semaphore_mem>>) src(%dma_wait3A_137 : memref<128x80xf32, #tpu.memory_space<vmem_shared>>) dst(%dma_wait3A_135 : memref<128x80xf32, #tpu.memory_space<hbm>>)
      tpu.yield
    }) : () -> ()
    %mul3A_44 = arith.constant 632 : i32
    %mul3A_45 = arith.muli %arg1, %mul3A_44 : i32
    %add3A_46 = arith.constant 256 : i32
    %add3A_47 = arith.addi %mul3A_45, %add3A_46 : i32
    %add3A_48 = arith.constant 0 : i32
    %add3A_49 = arith.addi %add3A_48, %arg0 : i32
    "tpu.region"() ({
      %run_scoped3A = tpu.sem_alloc : memref<!tpu.dma_semaphore, #tpu.memory_space<semaphore_mem>>
      %dma_start3A = arith.constant 0 : i32
      %dma_start3A_130 = tpu.memref_slice %arg12[%add3A_49, %add3A_47, %dma_start3A] : memref<4x10112x80xf32, #tpu.memory_space<hbm>> -> memref<1x128x80xf32, #tpu.memory_space<hbm>>
      %dma_start3A_131 = tpu.memref_squeeze %dma_start3A_130 : memref<1x128x80xf32, #tpu.memory_space<hbm>> -> memref<128x80xf32, #tpu.memory_space<hbm>>
      %dma_start3A_132 = arith.constant 0 : i32
      %dma_start3A_133 = tpu.memref_slice %arg24[%add3A_47, %dma_start3A_132] : memref<10112x80xf32, #tpu.memory_space<vmem_shared>> -> memref<128x80xf32, #tpu.memory_space<vmem_shared>>
      tpu.enqueue_dma source(%dma_start3A_133 : memref<128x80xf32, #tpu.memory_space<vmem_shared>>) target(%dma_start3A_131 : memref<128x80xf32, #tpu.memory_space<hbm>>) target_semaphore(%run_scoped3A : memref<!tpu.dma_semaphore, #tpu.memory_space<semaphore_mem>>)
      %dma_wait3A = arith.constant 0 : i32
      %dma_wait3A_134 = tpu.memref_slice %arg12[%add3A_49, %add3A_47, %dma_wait3A] : memref<4x10112x80xf32, #tpu.memory_space<hbm>> -> memref<1x128x80xf32, #tpu.memory_space<hbm>>
      %dma_wait3A_135 = tpu.memref_squeeze %dma_wait3A_134 : memref<1x128x80xf32, #tpu.memory_space<hbm>> -> memref<128x80xf32, #tpu.memory_space<hbm>>
      %dma_wait3A_136 = arith.constant 0 : i32
      %dma_wait3A_137 = tpu.memref_slice %arg24[%add3A_47, %dma_wait3A_136] : memref<10112x80xf32, #tpu.memory_space<vmem_shared>> -> memref<128x80xf32, #tpu.memory_space<vmem_shared>>
      tpu.wait_dma2 semaphore(%run_scoped3A : memref<!tpu.dma_semaphore, #tpu.memory_space<semaphore_mem>>) src(%dma_wait3A_137 : memref<128x80xf32, #tpu.memory_space<vmem_shared>>) dst(%dma_wait3A_135 : memref<128x80xf32, #tpu.memory_space<hbm>>)
      tpu.yield
    }) : () -> ()
    %mul3A_50 = arith.constant 632 : i32
    %mul3A_51 = arith.muli %arg1, %mul3A_50 : i32
    %add3A_52 = arith.constant 384 : i32
    %add3A_53 = arith.addi %mul3A_51, %add3A_52 : i32
    %add3A_54 = arith.constant 0 : i32
    %add3A_55 = arith.addi %add3A_54, %arg0 : i32
    "tpu.region"() ({
      %run_scoped3A = tpu.sem_alloc : memref<!tpu.dma_semaphore, #tpu.memory_space<semaphore_mem>>
      %dma_start3A = arith.constant 0 : i32
      %dma_start3A_130 = tpu.memref_slice %arg12[%add3A_55, %add3A_53, %dma_start3A] : memref<4x10112x80xf32, #tpu.memory_space<hbm>> -> memref<1x128x80xf32, #tpu.memory_space<hbm>>
      %dma_start3A_131 = tpu.memref_squeeze %dma_start3A_130 : memref<1x128x80xf32, #tpu.memory_space<hbm>> -> memref<128x80xf32, #tpu.memory_space<hbm>>
      %dma_start3A_132 = arith.constant 0 : i32
      %dma_start3A_133 = tpu.memref_slice %arg24[%add3A_53, %dma_start3A_132] : memref<10112x80xf32, #tpu.memory_space<vmem_shared>> -> memref<128x80xf32, #tpu.memory_space<vmem_shared>>
      tpu.enqueue_dma source(%dma_start3A_133 : memref<128x80xf32, #tpu.memory_space<vmem_shared>>) target(%dma_start3A_131 : memref<128x80xf32, #tpu.memory_space<hbm>>) target_semaphore(%run_scoped3A : memref<!tpu.dma_semaphore, #tpu.memory_space<semaphore_mem>>)
      %dma_wait3A = arith.constant 0 : i32
      %dma_wait3A_134 = tpu.memref_slice %arg12[%add3A_55, %add3A_53, %dma_wait3A] : memref<4x10112x80xf32, #tpu.memory_space<hbm>> -> memref<1x128x80xf32, #tpu.memory_space<hbm>>
      %dma_wait3A_135 = tpu.memref_squeeze %dma_wait3A_134 : memref<1x128x80xf32, #tpu.memory_space<hbm>> -> memref<128x80xf32, #tpu.memory_space<hbm>>
      %dma_wait3A_136 = arith.constant 0 : i32
      %dma_wait3A_137 = tpu.memref_slice %arg24[%add3A_53, %dma_wait3A_136] : memref<10112x80xf32, #tpu.memory_space<vmem_shared>> -> memref<128x80xf32, #tpu.memory_space<vmem_shared>>
      tpu.wait_dma2 semaphore(%run_scoped3A : memref<!tpu.dma_semaphore, #tpu.memory_space<semaphore_mem>>) src(%dma_wait3A_137 : memref<128x80xf32, #tpu.memory_space<vmem_shared>>) dst(%dma_wait3A_135 : memref<128x80xf32, #tpu.memory_space<hbm>>)
      tpu.yield
    }) : () -> ()
    %mul3A_56 = arith.constant 632 : i32
    %mul3A_57 = arith.muli %arg1, %mul3A_56 : i32
    %add3A_58 = arith.constant 512 : i32
    %add3A_59 = arith.addi %mul3A_57, %add3A_58 : i32
    %add3A_60 = arith.constant 0 : i32
    %add3A_61 = arith.addi %add3A_60, %arg0 : i32
    "tpu.region"() ({
      %run_scoped3A = tpu.sem_alloc : memref<!tpu.dma_semaphore, #tpu.memory_space<semaphore_mem>>
      %dma_start3A = arith.constant 0 : i32
      %dma_start3A_130 = tpu.memref_slice %arg12[%add3A_61, %add3A_59, %dma_start3A] : memref<4x10112x80xf32, #tpu.memory_space<hbm>> -> memref<1x120x80xf32, #tpu.memory_space<hbm>>
      %dma_start3A_131 = tpu.memref_squeeze %dma_start3A_130 : memref<1x120x80xf32, #tpu.memory_space<hbm>> -> memref<120x80xf32, #tpu.memory_space<hbm>>
      %dma_start3A_132 = arith.constant 0 : i32
      %dma_start3A_133 = tpu.memref_slice %arg24[%add3A_59, %dma_start3A_132] : memref<10112x80xf32, #tpu.memory_space<vmem_shared>> -> memref<120x80xf32, #tpu.memory_space<vmem_shared>>
      tpu.enqueue_dma source(%dma_start3A_133 : memref<120x80xf32, #tpu.memory_space<vmem_shared>>) target(%dma_start3A_131 : memref<120x80xf32, #tpu.memory_space<hbm>>) target_semaphore(%run_scoped3A : memref<!tpu.dma_semaphore, #tpu.memory_space<semaphore_mem>>)
      %dma_wait3A = arith.constant 0 : i32
      %dma_wait3A_134 = tpu.memref_slice %arg12[%add3A_61, %add3A_59, %dma_wait3A] : memref<4x10112x80xf32, #tpu.memory_space<hbm>> -> memref<1x120x80xf32, #tpu.memory_space<hbm>>
      %dma_wait3A_135 = tpu.memref_squeeze %dma_wait3A_134 : memref<1x120x80xf32, #tpu.memory_space<hbm>> -> memref<120x80xf32, #tpu.memory_space<hbm>>
      %dma_wait3A_136 = arith.constant 0 : i32
      %dma_wait3A_137 = tpu.memref_slice %arg24[%add3A_59, %dma_wait3A_136] : memref<10112x80xf32, #tpu.memory_space<vmem_shared>> -> memref<120x80xf32, #tpu.memory_space<vmem_shared>>
      tpu.wait_dma2 semaphore(%run_scoped3A : memref<!tpu.dma_semaphore, #tpu.memory_space<semaphore_mem>>) src(%dma_wait3A_137 : memref<120x80xf32, #tpu.memory_space<vmem_shared>>) dst(%dma_wait3A_135 : memref<120x80xf32, #tpu.memory_space<hbm>>)
      tpu.yield
    }) : () -> ()
    %scan3A_62 = arith.constant 0 : i32
    %scan3A_63 = arith.constant 0 : i32
    %scan3A_64 = arith.constant 128 : i32
    %scan3A_65 = arith.addi %scan3A_63, %scan3A_64 : i32
    %scan3A_66 = arith.constant 1 : i32
    scf.for %scan3A_130 = %scan3A_63 to %scan3A_65 step %scan3A_66  : i32 {
      %swap3A = arith.index_cast %scan3A_130 : i32 to index
      %swap3A_131 = arith.constant 0 : index
      %swap3A_132 = tpu.vector_load %arg19[%swap3A, %swap3A_131] {strides = array<i32>} : memref<128x80xf32, #tpu.memory_space<vmem>>, vector<1x16xf32>,
      %swap3A_133 = vector.shape_cast %swap3A_132 : vector<1x16xf32> to vector<16xf32>
      %swap3A_134 = vector.shape_cast %broadcast_in_dim3A_0 : vector<16xf32> to vector<1x16xf32>
      tpu.vector_store %arg19[%swap3A, %swap3A_131], %swap3A_134 {strides = array<i32>} : memref<128x80xf32, #tpu.memory_space<vmem>>, vector<1x16xf32>,
      %swap3A_135 = arith.index_cast %scan3A_130 : i32 to index
      %swap3A_136 = arith.constant 16 : index
      %swap3A_137 = tpu.vector_load %arg19[%swap3A_135, %swap3A_136] {strides = array<i32>} : memref<128x80xf32, #tpu.memory_space<vmem>>, vector<1x16xf32>,
      %swap3A_138 = vector.shape_cast %swap3A_137 : vector<1x16xf32> to vector<16xf32>
      %swap3A_139 = vector.shape_cast %broadcast_in_dim3A_0 : vector<16xf32> to vector<1x16xf32>
      tpu.vector_store %arg19[%swap3A_135, %swap3A_136], %swap3A_139 {strides = array<i32>} : memref<128x80xf32, #tpu.memory_space<vmem>>, vector<1x16xf32>,
      %swap3A_140 = arith.index_cast %scan3A_130 : i32 to index
      %swap3A_141 = arith.constant 32 : index
      %swap3A_142 = tpu.vector_load %arg19[%swap3A_140, %swap3A_141] {strides = array<i32>} : memref<128x80xf32, #tpu.memory_space<vmem>>, vector<1x16xf32>,
      %swap3A_143 = vector.shape_cast %swap3A_142 : vector<1x16xf32> to vector<16xf32>
      %swap3A_144 = vector.shape_cast %broadcast_in_dim3A_0 : vector<16xf32> to vector<1x16xf32>
      tpu.vector_store %arg19[%swap3A_140, %swap3A_141], %swap3A_144 {strides = array<i32>} : memref<128x80xf32, #tpu.memory_space<vmem>>, vector<1x16xf32>,
      %swap3A_145 = arith.index_cast %scan3A_130 : i32 to index
      %swap3A_146 = arith.constant 48 : index
      %swap3A_147 = tpu.vector_load %arg19[%swap3A_145, %swap3A_146] {strides = array<i32>} : memref<128x80xf32, #tpu.memory_space<vmem>>, vector<1x16xf32>,
      %swap3A_148 = vector.shape_cast %swap3A_147 : vector<1x16xf32> to vector<16xf32>
      %swap3A_149 = vector.shape_cast %broadcast_in_dim3A_0 : vector<16xf32> to vector<1x16xf32>
      tpu.vector_store %arg19[%swap3A_145, %swap3A_146], %swap3A_149 {strides = array<i32>} : memref<128x80xf32, #tpu.memory_space<vmem>>, vector<1x16xf32>,
      %swap3A_150 = arith.index_cast %scan3A_130 : i32 to index
      %swap3A_151 = arith.constant 64 : index
      %swap3A_152 = tpu.vector_load %arg19[%swap3A_150, %swap3A_151] {strides = array<i32>} : memref<128x80xf32, #tpu.memory_space<vmem>>, vector<1x16xf32>,
      %swap3A_153 = vector.shape_cast %swap3A_152 : vector<1x16xf32> to vector<16xf32>
      %swap3A_154 = vector.shape_cast %broadcast_in_dim3A_0 : vector<16xf32> to vector<1x16xf32>
      tpu.vector_store %arg19[%swap3A_150, %swap3A_151], %swap3A_154 {strides = array<i32>} : memref<128x80xf32, #tpu.memory_space<vmem>>, vector<1x16xf32>,
    }
    %scan3A_67 = arith.constant 128 : i32
    %mul3A_68 = arith.constant 632 : i32
    %mul3A_69 = arith.muli %arg1, %mul3A_68 : i32
    %add3A_70 = arith.constant 0 : i32
    %add3A_71 = arith.addi %mul3A_69, %add3A_70 : i32
    "tpu.region"() ({
      %run_scoped3A = tpu.sem_alloc : memref<!tpu.dma_semaphore, #tpu.memory_space<semaphore_mem>>
      %dma_start3A = arith.constant 0 : i32
      %dma_start3A_130 = arith.constant 0 : i32
      %dma_start3A_131 = tpu.memref_slice %arg19[%dma_start3A, %dma_start3A_130] : memref<128x80xf32, #tpu.memory_space<vmem>> -> memref<128x80xf32, #tpu.memory_space<vmem>>
      %dma_start3A_132 = arith.constant 0 : i32
      %dma_start3A_133 = tpu.memref_slice %arg24[%add3A_71, %dma_start3A_132] : memref<10112x80xf32, #tpu.memory_space<vmem_shared>> -> memref<128x80xf32, #tpu.memory_space<vmem_shared>>
      %dma_start3A_134 = arith.constant 0 : i32
      %dma_start3A_135 = tpu.memref_slice %arg24[%add3A_71, %dma_start3A_134] : memref<10112x80xf32, #tpu.memory_space<vmem_shared>> -> memref<128x80xf32, #tpu.memory_space<vmem_shared>>
      %dma_start3A_136 = arith.constant 0 : i32
      %dma_start3A_137 = arith.constant 0 : i32
      %dma_start3A_138 = tpu.memref_slice %arg19[%dma_start3A_136, %dma_start3A_137] : memref<128x80xf32, #tpu.memory_space<vmem>> -> memref<128x80xf32, #tpu.memory_space<vmem>>
      tpu.enqueue_dma source(%dma_start3A_138 : memref<128x80xf32, #tpu.memory_space<vmem>>) target(%dma_start3A_135 : memref<128x80xf32, #tpu.memory_space<vmem_shared>>) target_semaphore(%run_scoped3A : memref<!tpu.dma_semaphore, #tpu.memory_space<semaphore_mem>>)
      %dma_wait3A = arith.constant 0 : i32
      %dma_wait3A_139 = arith.constant 0 : i32
      %dma_wait3A_140 = tpu.memref_slice %arg19[%dma_wait3A, %dma_wait3A_139] : memref<128x80xf32, #tpu.memory_space<vmem>> -> memref<128x80xf32, #tpu.memory_space<vmem>>
      %dma_wait3A_141 = arith.constant 0 : i32
      %dma_wait3A_142 = tpu.memref_slice %arg24[%add3A_71, %dma_wait3A_141] : memref<10112x80xf32, #tpu.memory_space<vmem_shared>> -> memref<128x80xf32, #tpu.memory_space<vmem_shared>>
      %dma_wait3A_143 = arith.constant 0 : i32
      %dma_wait3A_144 = tpu.memref_slice %arg24[%add3A_71, %dma_wait3A_143] : memref<10112x80xf32, #tpu.memory_space<vmem_shared>> -> memref<128x80xf32, #tpu.memory_space<vmem_shared>>
      %dma_wait3A_145 = arith.constant 0 : i32
      %dma_wait3A_146 = arith.constant 0 : i32
      %dma_wait3A_147 = tpu.memref_slice %arg19[%dma_wait3A_145, %dma_wait3A_146] : memref<128x80xf32, #tpu.memory_space<vmem>> -> memref<128x80xf32, #tpu.memory_space<vmem>>
      tpu.wait_dma2 semaphore(%run_scoped3A : memref<!tpu.dma_semaphore, #tpu.memory_space<semaphore_mem>>) src(%dma_wait3A_147 : memref<128x80xf32, #tpu.memory_space<vmem>>) dst(%dma_wait3A_144 : memref<128x80xf32, #tpu.memory_space<vmem_shared>>)
      tpu.yield
    }) : () -> ()
    %mul3A_72 = arith.constant 632 : i32
    %mul3A_73 = arith.muli %arg1, %mul3A_72 : i32
    %add3A_74 = arith.constant 128 : i32
    %add3A_75 = arith.addi %mul3A_73, %add3A_74 : i32
    "tpu.region"() ({
      %run_scoped3A = tpu.sem_alloc : memref<!tpu.dma_semaphore, #tpu.memory_space<semaphore_mem>>
      %dma_start3A = arith.constant 0 : i32
      %dma_start3A_130 = arith.constant 0 : i32
      %dma_start3A_131 = tpu.memref_slice %arg19[%dma_start3A, %dma_start3A_130] : memref<128x80xf32, #tpu.memory_space<vmem>> -> memref<128x80xf32, #tpu.memory_space<vmem>>
      %dma_start3A_132 = arith.constant 0 : i32
      %dma_start3A_133 = tpu.memref_slice %arg24[%add3A_75, %dma_start3A_132] : memref<10112x80xf32, #tpu.memory_space<vmem_shared>> -> memref<128x80xf32, #tpu.memory_space<vmem_shared>>
      %dma_start3A_134 = arith.constant 0 : i32
      %dma_start3A_135 = tpu.memref_slice %arg24[%add3A_75, %dma_start3A_134] : memref<10112x80xf32, #tpu.memory_space<vmem_shared>> -> memref<128x80xf32, #tpu.memory_space<vmem_shared>>
      %dma_start3A_136 = arith.constant 0 : i32
      %dma_start3A_137 = arith.constant 0 : i32
      %dma_start3A_138 = tpu.memref_slice %arg19[%dma_start3A_136, %dma_start3A_137] : memref<128x80xf32, #tpu.memory_space<vmem>> -> memref<128x80xf32, #tpu.memory_space<vmem>>
      tpu.enqueue_dma source(%dma_start3A_138 : memref<128x80xf32, #tpu.memory_space<vmem>>) target(%dma_start3A_135 : memref<128x80xf32, #tpu.memory_space<vmem_shared>>) target_semaphore(%run_scoped3A : memref<!tpu.dma_semaphore, #tpu.memory_space<semaphore_mem>>)
      %dma_wait3A = arith.constant 0 : i32
      %dma_wait3A_139 = arith.constant 0 : i32
      %dma_wait3A_140 = tpu.memref_slice %arg19[%dma_wait3A, %dma_wait3A_139] : memref<128x80xf32, #tpu.memory_space<vmem>> -> memref<128x80xf32, #tpu.memory_space<vmem>>
      %dma_wait3A_141 = arith.constant 0 : i32
      %dma_wait3A_142 = tpu.memref_slice %arg24[%add3A_75, %dma_wait3A_141] : memref<10112x80xf32, #tpu.memory_space<vmem_shared>> -> memref<128x80xf32, #tpu.memory_space<vmem_shared>>
      %dma_wait3A_143 = arith.constant 0 : i32
      %dma_wait3A_144 = tpu.memref_slice %arg24[%add3A_75, %dma_wait3A_143] : memref<10112x80xf32, #tpu.memory_space<vmem_shared>> -> memref<128x80xf32, #tpu.memory_space<vmem_shared>>
      %dma_wait3A_145 = arith.constant 0 : i32
      %dma_wait3A_146 = arith.constant 0 : i32
      %dma_wait3A_147 = tpu.memref_slice %arg19[%dma_wait3A_145, %dma_wait3A_146] : memref<128x80xf32, #tpu.memory_space<vmem>> -> memref<128x80xf32, #tpu.memory_space<vmem>>
      tpu.wait_dma2 semaphore(%run_scoped3A : memref<!tpu.dma_semaphore, #tpu.memory_space<semaphore_mem>>) src(%dma_wait3A_147 : memref<128x80xf32, #tpu.memory_space<vmem>>) dst(%dma_wait3A_144 : memref<128x80xf32, #tpu.memory_space<vmem_shared>>)
      tpu.yield
    }) : () -> ()
    %mul3A_76 = arith.constant 632 : i32
    %mul3A_77 = arith.muli %arg1, %mul3A_76 : i32
    %add3A_78 = arith.constant 256 : i32
    %add3A_79 = arith.addi %mul3A_77, %add3A_78 : i32
    "tpu.region"() ({
      %run_scoped3A = tpu.sem_alloc : memref<!tpu.dma_semaphore, #tpu.memory_space<semaphore_mem>>
      %dma_start3A = arith.constant 0 : i32
      %dma_start3A_130 = arith.constant 0 : i32
      %dma_start3A_131 = tpu.memref_slice %arg19[%dma_start3A, %dma_start3A_130] : memref<128x80xf32, #tpu.memory_space<vmem>> -> memref<128x80xf32, #tpu.memory_space<vmem>>
      %dma_start3A_132 = arith.constant 0 : i32
      %dma_start3A_133 = tpu.memref_slice %arg24[%add3A_79, %dma_start3A_132] : memref<10112x80xf32, #tpu.memory_space<vmem_shared>> -> memref<128x80xf32, #tpu.memory_space<vmem_shared>>
      %dma_start3A_134 = arith.constant 0 : i32
      %dma_start3A_135 = tpu.memref_slice %arg24[%add3A_79, %dma_start3A_134] : memref<10112x80xf32, #tpu.memory_space<vmem_shared>> -> memref<128x80xf32, #tpu.memory_space<vmem_shared>>
      %dma_start3A_136 = arith.constant 0 : i32
      %dma_start3A_137 = arith.constant 0 : i32
      %dma_start3A_138 = tpu.memref_slice %arg19[%dma_start3A_136, %dma_start3A_137] : memref<128x80xf32, #tpu.memory_space<vmem>> -> memref<128x80xf32, #tpu.memory_space<vmem>>
      tpu.enqueue_dma source(%dma_start3A_138 : memref<128x80xf32, #tpu.memory_space<vmem>>) target(%dma_start3A_135 : memref<128x80xf32, #tpu.memory_space<vmem_shared>>) target_semaphore(%run_scoped3A : memref<!tpu.dma_semaphore, #tpu.memory_space<semaphore_mem>>)
      %dma_wait3A = arith.constant 0 : i32
      %dma_wait3A_139 = arith.constant 0 : i32
      %dma_wait3A_140 = tpu.memref_slice %arg19[%dma_wait3A, %dma_wait3A_139] : memref<128x80xf32, #tpu.memory_space<vmem>> -> memref<128x80xf32, #tpu.memory_space<vmem>>
      %dma_wait3A_141 = arith.constant 0 : i32
      %dma_wait3A_142 = tpu.memref_slice %arg24[%add3A_79, %dma_wait3A_141] : memref<10112x80xf32, #tpu.memory_space<vmem_shared>> -> memref<128x80xf32, #tpu.memory_space<vmem_shared>>
      %dma_wait3A_143 = arith.constant 0 : i32
      %dma_wait3A_144 = tpu.memref_slice %arg24[%add3A_79, %dma_wait3A_143] : memref<10112x80xf32, #tpu.memory_space<vmem_shared>> -> memref<128x80xf32, #tpu.memory_space<vmem_shared>>
      %dma_wait3A_145 = arith.constant 0 : i32
      %dma_wait3A_146 = arith.constant 0 : i32
      %dma_wait3A_147 = tpu.memref_slice %arg19[%dma_wait3A_145, %dma_wait3A_146] : memref<128x80xf32, #tpu.memory_space<vmem>> -> memref<128x80xf32, #tpu.memory_space<vmem>>
      tpu.wait_dma2 semaphore(%run_scoped3A : memref<!tpu.dma_semaphore, #tpu.memory_space<semaphore_mem>>) src(%dma_wait3A_147 : memref<128x80xf32, #tpu.memory_space<vmem>>) dst(%dma_wait3A_144 : memref<128x80xf32, #tpu.memory_space<vmem_shared>>)
      tpu.yield
    }) : () -> ()
    %mul3A_80 = arith.constant 632 : i32
    %mul3A_81 = arith.muli %arg1, %mul3A_80 : i32
    %add3A_82 = arith.constant 384 : i32
    %add3A_83 = arith.addi %mul3A_81, %add3A_82 : i32
    "tpu.region"() ({
      %run_scoped3A = tpu.sem_alloc : memref<!tpu.dma_semaphore, #tpu.memory_space<semaphore_mem>>
      %dma_start3A = arith.constant 0 : i32
      %dma_start3A_130 = arith.constant 0 : i32
      %dma_start3A_131 = tpu.memref_slice %arg19[%dma_start3A, %dma_start3A_130] : memref<128x80xf32, #tpu.memory_space<vmem>> -> memref<128x80xf32, #tpu.memory_space<vmem>>
      %dma_start3A_132 = arith.constant 0 : i32
      %dma_start3A_133 = tpu.memref_slice %arg24[%add3A_83, %dma_start3A_132] : memref<10112x80xf32, #tpu.memory_space<vmem_shared>> -> memref<128x80xf32, #tpu.memory_space<vmem_shared>>
      %dma_start3A_134 = arith.constant 0 : i32
      %dma_start3A_135 = tpu.memref_slice %arg24[%add3A_83, %dma_start3A_134] : memref<10112x80xf32, #tpu.memory_space<vmem_shared>> -> memref<128x80xf32, #tpu.memory_space<vmem_shared>>
      %dma_start3A_136 = arith.constant 0 : i32
      %dma_start3A_137 = arith.constant 0 : i32
      %dma_start3A_138 = tpu.memref_slice %arg19[%dma_start3A_136, %dma_start3A_137] : memref<128x80xf32, #tpu.memory_space<vmem>> -> memref<128x80xf32, #tpu.memory_space<vmem>>
      tpu.enqueue_dma source(%dma_start3A_138 : memref<128x80xf32, #tpu.memory_space<vmem>>) target(%dma_start3A_135 : memref<128x80xf32, #tpu.memory_space<vmem_shared>>) target_semaphore(%run_scoped3A : memref<!tpu.dma_semaphore, #tpu.memory_space<semaphore_mem>>)
      %dma_wait3A = arith.constant 0 : i32
      %dma_wait3A_139 = arith.constant 0 : i32
      %dma_wait3A_140 = tpu.memref_slice %arg19[%dma_wait3A, %dma_wait3A_139] : memref<128x80xf32, #tpu.memory_space<vmem>> -> memref<128x80xf32, #tpu.memory_space<vmem>>
      %dma_wait3A_141 = arith.constant 0 : i32
      %dma_wait3A_142 = tpu.memref_slice %arg24[%add3A_83, %dma_wait3A_141] : memref<10112x80xf32, #tpu.memory_space<vmem_shared>> -> memref<128x80xf32, #tpu.memory_space<vmem_shared>>
      %dma_wait3A_143 = arith.constant 0 : i32
      %dma_wait3A_144 = tpu.memref_slice %arg24[%add3A_83, %dma_wait3A_143] : memref<10112x80xf32, #tpu.memory_space<vmem_shared>> -> memref<128x80xf32, #tpu.memory_space<vmem_shared>>
      %dma_wait3A_145 = arith.constant 0 : i32
      %dma_wait3A_146 = arith.constant 0 : i32
      %dma_wait3A_147 = tpu.memref_slice %arg19[%dma_wait3A_145, %dma_wait3A_146] : memref<128x80xf32, #tpu.memory_space<vmem>> -> memref<128x80xf32, #tpu.memory_space<vmem>>
      tpu.wait_dma2 semaphore(%run_scoped3A : memref<!tpu.dma_semaphore, #tpu.memory_space<semaphore_mem>>) src(%dma_wait3A_147 : memref<128x80xf32, #tpu.memory_space<vmem>>) dst(%dma_wait3A_144 : memref<128x80xf32, #tpu.memory_space<vmem_shared>>)
      tpu.yield
    }) : () -> ()
    %mul3A_84 = arith.constant 632 : i32
    %mul3A_85 = arith.muli %arg1, %mul3A_84 : i32
    %add3A_86 = arith.constant 512 : i32
    %add3A_87 = arith.addi %mul3A_85, %add3A_86 : i32
    "tpu.region"() ({
      %run_scoped3A = tpu.sem_alloc : memref<!tpu.dma_semaphore, #tpu.memory_space<semaphore_mem>>
      %dma_start3A = arith.constant 0 : i32
      %dma_start3A_130 = arith.constant 0 : i32
      %dma_start3A_131 = tpu.memref_slice %arg19[%dma_start3A, %dma_start3A_130] : memref<128x80xf32, #tpu.memory_space<vmem>> -> memref<120x80xf32, #tpu.memory_space<vmem>>
      %dma_start3A_132 = arith.constant 0 : i32
      %dma_start3A_133 = tpu.memref_slice %arg24[%add3A_87, %dma_start3A_132] : memref<10112x80xf32, #tpu.memory_space<vmem_shared>> -> memref<120x80xf32, #tpu.memory_space<vmem_shared>>
      %dma_start3A_134 = arith.constant 0 : i32
      %dma_start3A_135 = tpu.memref_slice %arg24[%add3A_87, %dma_start3A_134] : memref<10112x80xf32, #tpu.memory_space<vmem_shared>> -> memref<120x80xf32, #tpu.memory_space<vmem_shared>>
      %dma_start3A_136 = arith.constant 0 : i32
      %dma_start3A_137 = arith.constant 0 : i32
      %dma_start3A_138 = tpu.memref_slice %arg19[%dma_start3A_136, %dma_start3A_137] : memref<128x80xf32, #tpu.memory_space<vmem>> -> memref<120x80xf32, #tpu.memory_space<vmem>>
      tpu.enqueue_dma source(%dma_start3A_138 : memref<120x80xf32, #tpu.memory_space<vmem>>) target(%dma_start3A_135 : memref<120x80xf32, #tpu.memory_space<vmem_shared>>) target_semaphore(%run_scoped3A : memref<!tpu.dma_semaphore, #tpu.memory_space<semaphore_mem>>)
      %dma_wait3A = arith.constant 0 : i32
      %dma_wait3A_139 = arith.constant 0 : i32
      %dma_wait3A_140 = tpu.memref_slice %arg19[%dma_wait3A, %dma_wait3A_139] : memref<128x80xf32, #tpu.memory_space<vmem>> -> memref<120x80xf32, #tpu.memory_space<vmem>>
      %dma_wait3A_141 = arith.constant 0 : i32
      %dma_wait3A_142 = tpu.memref_slice %arg24[%add3A_87, %dma_wait3A_141] : memref<10112x80xf32, #tpu.memory_space<vmem_shared>> -> memref<120x80xf32, #tpu.memory_space<vmem_shared>>
      %dma_wait3A_143 = arith.constant 0 : i32
      %dma_wait3A_144 = tpu.memref_slice %arg24[%add3A_87, %dma_wait3A_143] : memref<10112x80xf32, #tpu.memory_space<vmem_shared>> -> memref<120x80xf32, #tpu.memory_space<vmem_shared>>
      %dma_wait3A_145 = arith.constant 0 : i32
      %dma_wait3A_146 = arith.constant 0 : i32
      %dma_wait3A_147 = tpu.memref_slice %arg19[%dma_wait3A_145, %dma_wait3A_146] : memref<128x80xf32, #tpu.memory_space<vmem>> -> memref<120x80xf32, #tpu.memory_space<vmem>>
      tpu.wait_dma2 semaphore(%run_scoped3A : memref<!tpu.dma_semaphore, #tpu.memory_space<semaphore_mem>>) src(%dma_wait3A_147 : memref<120x80xf32, #tpu.memory_space<vmem>>) dst(%dma_wait3A_144 : memref<120x80xf32, #tpu.memory_space<vmem_shared>>)
      tpu.yield
    }) : () -> ()
    %barrier3A_88 = arith.constant 0 : index
    tpu.barrier barrier_id(%barrier3A_88)
    %eq3A_89 = arith.constant 0 : i32
    %eq3A_90 = arith.cmpi eq, %arg0, %eq3A_89 : i32
    %convert_element_type3A_91 = arith.extui %eq3A_90 : i1 to i32
    %cond3A_92 = arith.constant 0 : i32
    %cond3A_93 = arith.cmpi ne, %convert_element_type3A_91, %cond3A_92 : i32
    scf.if %cond3A_93 {
      "tpu.region"() ({
        %run_scoped3A = tpu.sem_alloc : memref<!tpu.dma_semaphore, #tpu.memory_space<semaphore_mem>>
        tpu.enqueue_dma source(%arg5 : memref<80xf32, #tpu.memory_space<hbm>>) target(%arg23 : memref<80xf32, #tpu.memory_space<vmem>>) target_semaphore(%run_scoped3A : memref<!tpu.dma_semaphore, #tpu.memory_space<semaphore_mem>>)
        tpu.wait_dma2 semaphore(%run_scoped3A : memref<!tpu.dma_semaphore, #tpu.memory_space<semaphore_mem>>) src(%arg5 : memref<80xf32, #tpu.memory_space<hbm>>) dst(%arg23 : memref<80xf32, #tpu.memory_space<vmem>>)
        tpu.yield
      }) : () -> ()
      %get3A = arith.constant 0 : index
      %get3A_130 = tpu.vector_load %arg23[%get3A] {strides = array<i32>} : memref<80xf32, #tpu.memory_space<vmem>>, vector<16xf32>,
      %get3A_131 = vector.shape_cast %get3A_130 : vector<16xf32> to vector<16xf32>
      %get3A_132 = arith.constant 16 : index
      %get3A_133 = tpu.vector_load %arg23[%get3A_132] {strides = array<i32>} : memref<80xf32, #tpu.memory_space<vmem>>, vector<16xf32>,
      %get3A_134 = vector.shape_cast %get3A_133 : vector<16xf32> to vector<16xf32>
      %get3A_135 = arith.constant 32 : index
      %get3A_136 = tpu.vector_load %arg23[%get3A_135] {strides = array<i32>} : memref<80xf32, #tpu.memory_space<vmem>>, vector<16xf32>,
      %get3A_137 = vector.shape_cast %get3A_136 : vector<16xf32> to vector<16xf32>
      %get3A_138 = arith.constant 48 : index
      %get3A_139 = tpu.vector_load %arg23[%get3A_138] {strides = array<i32>} : memref<80xf32, #tpu.memory_space<vmem>>, vector<16xf32>,
      %get3A_140 = vector.shape_cast %get3A_139 : vector<16xf32> to vector<16xf32>
      %get3A_141 = arith.constant 64 : index
      %get3A_142 = tpu.vector_load %arg23[%get3A_141] {strides = array<i32>} : memref<80xf32, #tpu.memory_space<vmem>>, vector<16xf32>,
      %get3A_143 = vector.shape_cast %get3A_142 : vector<16xf32> to vector<16xf32>
      %mul3A_144 = arith.constant 20736 : i32
      %mul3A_145 = arith.muli %arg1, %mul3A_144 : i32
      %add3A_146 = arith.constant 0 : i32
      %add3A_147 = arith.addi %mul3A_145, %add3A_146 : i32
      %multiple_of3A = tpu.assume_multiple %add3A_147, 128 : i32
      "tpu.region"() ({
        %run_scoped3A = tpu.sem_alloc : memref<!tpu.dma_semaphore, #tpu.memory_space<semaphore_mem>>
        %dma_start3A_162 = tpu.memref_slice %arg10[%multiple_of3A] : memref<331776xi32, #tpu.memory_space<hbm>> -> memref<128xi32, #tpu.memory_space<hbm>>
        %dma_start3A_163 = tpu.memref_slice %arg10[%multiple_of3A] : memref<331776xi32, #tpu.memory_space<hbm>> -> memref<128xi32, #tpu.memory_space<hbm>>
        tpu.enqueue_dma source(%dma_start3A_163 : memref<128xi32, #tpu.memory_space<hbm>>) target(%arg13 : memref<128xi32, #tpu.memory_space<vmem>>) target_semaphore(%run_scoped3A : memref<!tpu.dma_semaphore, #tpu.memory_space<semaphore_mem>>)
        %dma_wait3A = tpu.memref_slice %arg10[%multiple_of3A] : memref<331776xi32, #tpu.memory_space<hbm>> -> memref<128xi32, #tpu.memory_space<hbm>>
        %dma_wait3A_164 = tpu.memref_slice %arg10[%multiple_of3A] : memref<331776xi32, #tpu.memory_space<hbm>> -> memref<128xi32, #tpu.memory_space<hbm>>
        tpu.wait_dma2 semaphore(%run_scoped3A : memref<!tpu.dma_semaphore, #tpu.memory_space<semaphore_mem>>) src(%dma_wait3A_164 : memref<128xi32, #tpu.memory_space<hbm>>) dst(%arg13 : memref<128xi32, #tpu.memory_space<vmem>>)
        tpu.yield
      }) : () -> ()
      "tpu.region"() ({
        %run_scoped3A = tpu.sem_alloc : memref<!tpu.dma_semaphore, #tpu.memory_space<semaphore_mem>>
        %dma_start3A_162 = tpu.memref_slice %arg11[%multiple_of3A] : memref<331776xi32, #tpu.memory_space<hbm>> -> memref<128xi32, #tpu.memory_space<hbm>>
        %dma_start3A_163 = tpu.memref_slice %arg11[%multiple_of3A] : memref<331776xi32, #tpu.memory_space<hbm>> -> memref<128xi32, #tpu.memory_space<hbm>>
        tpu.enqueue_dma source(%dma_start3A_163 : memref<128xi32, #tpu.memory_space<hbm>>) target(%arg14 : memref<128xi32, #tpu.memory_space<vmem>>) target_semaphore(%run_scoped3A : memref<!tpu.dma_semaphore, #tpu.memory_space<semaphore_mem>>)
        %dma_wait3A = tpu.memref_slice %arg11[%multiple_of3A] : memref<331776xi32, #tpu.memory_space<hbm>> -> memref<128xi32, #tpu.memory_space<hbm>>
        %dma_wait3A_164 = tpu.memref_slice %arg11[%multiple_of3A] : memref<331776xi32, #tpu.memory_space<hbm>> -> memref<128xi32, #tpu.memory_space<hbm>>
        tpu.wait_dma2 semaphore(%run_scoped3A : memref<!tpu.dma_semaphore, #tpu.memory_space<semaphore_mem>>) src(%dma_wait3A_164 : memref<128xi32, #tpu.memory_space<hbm>>) dst(%arg14 : memref<128xi32, #tpu.memory_space<vmem>>)
        tpu.yield
      }) : () -> ()
      %dma_start3A = arith.constant 0 : i32
      %dma_start3A_148 = arith.constant 0 : i32
      %dma_start3A_149 = tpu.memref_slice %arg2[%dma_start3A, %dma_start3A_148] : memref<10112x80xf32, #tpu.memory_space<hbm>> -> memref<10112x80xf32, #tpu.memory_space<hbm>>
      tpu.enqueue_indirect_dma source(%dma_start3A_149 : memref<10112x80xf32, #tpu.memory_space<hbm>>) target(%arg17 : memref<128x80xf32, #tpu.memory_space<vmem>>) offsets(%arg13 : memref<128xi32, #tpu.memory_space<vmem>>) semaphore(%arg25 : memref<!tpu.dma_semaphore, #tpu.memory_space<semaphore_mem>>)
      %dma_start3A_150 = arith.constant 0 : i32
      %dma_start3A_151 = arith.constant 0 : i32
      %dma_start3A_152 = tpu.memref_slice %arg3[%dma_start3A_150, %dma_start3A_151] : memref<10112x80xf32, #tpu.memory_space<hbm>> -> memref<10112x80xf32, #tpu.memory_space<hbm>>
      tpu.enqueue_indirect_dma source(%dma_start3A_152 : memref<10112x80xf32, #tpu.memory_space<hbm>>) target(%arg18 : memref<128x80xf32, #tpu.memory_space<vmem>>) offsets(%arg14 : memref<128xi32, #tpu.memory_space<vmem>>) semaphore(%arg25 : memref<!tpu.dma_semaphore, #tpu.memory_space<semaphore_mem>>)
      %dma_start3A_153 = arith.constant 0 : i32
      %dma_start3A_154 = arith.constant 0 : i32
      %dma_start3A_155 = tpu.memref_slice %arg4[%dma_start3A_153, %dma_start3A_154] : memref<10112x80xf32, #tpu.memory_space<hbm>> -> memref<10112x80xf32, #tpu.memory_space<hbm>>
      tpu.enqueue_indirect_dma source(%dma_start3A_155 : memref<10112x80xf32, #tpu.memory_space<hbm>>) target(%arg19 : memref<128x80xf32, #tpu.memory_space<vmem>>) offsets(%arg13 : memref<128xi32, #tpu.memory_space<vmem>>) semaphore(%arg25 : memref<!tpu.dma_semaphore, #tpu.memory_space<semaphore_mem>>)
      %scan3A_156 = arith.constant 0 : i32
      %scan3A_157 = arith.constant 0 : i32
      %scan3A_158 = arith.constant 81 : i32
      %scan3A_159 = arith.addi %scan3A_157, %scan3A_158 : i32
      %scan3A_160 = arith.constant 1 : i32
      scf.for %scan3A_162 = %scan3A_157 to %scan3A_159 step %scan3A_160  : i32 {
        %mul3A_163 = arith.constant 2 : i32
        %mul3A_164 = arith.muli %mul3A_163, %scan3A_162 : i32
        %add3A_165 = arith.constant 1 : i32
        %add3A_166 = arith.addi %mul3A_164, %add3A_165 : i32
        %mul3A_167 = arith.constant 20736 : i32
        %mul3A_168 = arith.muli %arg1, %mul3A_167 : i32
        %mul3A_169 = arith.constant 128 : i32
        %mul3A_170 = arith.muli %add3A_166, %mul3A_169 : i32
        %add3A_171 = arith.addi %mul3A_168, %mul3A_170 : i32
        %multiple_of3A_172 = tpu.assume_multiple %add3A_171, 128 : i32
        "tpu.region"() ({
          %run_scoped3A = tpu.sem_alloc : memref<!tpu.dma_semaphore, #tpu.memory_space<semaphore_mem>>
          %dma_start3A_215 = tpu.memref_slice %arg10[%multiple_of3A_172] : memref<331776xi32, #tpu.memory_space<hbm>> -> memref<128xi32, #tpu.memory_space<hbm>>
          %dma_start3A_216 = tpu.memref_slice %arg10[%multiple_of3A_172] : memref<331776xi32, #tpu.memory_space<hbm>> -> memref<128xi32, #tpu.memory_space<hbm>>
          tpu.enqueue_dma source(%dma_start3A_216 : memref<128xi32, #tpu.memory_space<hbm>>) target(%arg15 : memref<128xi32, #tpu.memory_space<vmem>>) target_semaphore(%run_scoped3A : memref<!tpu.dma_semaphore, #tpu.memory_space<semaphore_mem>>)
          %dma_wait3A_217 = tpu.memref_slice %arg10[%multiple_of3A_172] : memref<331776xi32, #tpu.memory_space<hbm>> -> memref<128xi32, #tpu.memory_space<hbm>>
          %dma_wait3A_218 = tpu.memref_slice %arg10[%multiple_of3A_172] : memref<331776xi32, #tpu.memory_space<hbm>> -> memref<128xi32, #tpu.memory_space<hbm>>
          tpu.wait_dma2 semaphore(%run_scoped3A : memref<!tpu.dma_semaphore, #tpu.memory_space<semaphore_mem>>) src(%dma_wait3A_218 : memref<128xi32, #tpu.memory_space<hbm>>) dst(%arg15 : memref<128xi32, #tpu.memory_space<vmem>>)
          tpu.yield
        }) : () -> ()
        "tpu.region"() ({
          %run_scoped3A = tpu.sem_alloc : memref<!tpu.dma_semaphore, #tpu.memory_space<semaphore_mem>>
          %dma_start3A_215 = tpu.memref_slice %arg11[%multiple_of3A_172] : memref<331776xi32, #tpu.memory_space<hbm>> -> memref<128xi32, #tpu.memory_space<hbm>>
          %dma_start3A_216 = tpu.memref_slice %arg11[%multiple_of3A_172] : memref<331776xi32, #tpu.memory_space<hbm>> -> memref<128xi32, #tpu.memory_space<hbm>>
          tpu.enqueue_dma source(%dma_start3A_216 : memref<128xi32, #tpu.memory_space<hbm>>) target(%arg16 : memref<128xi32, #tpu.memory_space<vmem>>) target_semaphore(%run_scoped3A : memref<!tpu.dma_semaphore, #tpu.memory_space<semaphore_mem>>)
          %dma_wait3A_217 = tpu.memref_slice %arg11[%multiple_of3A_172] : memref<331776xi32, #tpu.memory_space<hbm>> -> memref<128xi32, #tpu.memory_space<hbm>>
          %dma_wait3A_218 = tpu.memref_slice %arg11[%multiple_of3A_172] : memref<331776xi32, #tpu.memory_space<hbm>> -> memref<128xi32, #tpu.memory_space<hbm>>
          tpu.wait_dma2 semaphore(%run_scoped3A : memref<!tpu.dma_semaphore, #tpu.memory_space<semaphore_mem>>) src(%dma_wait3A_218 : memref<128xi32, #tpu.memory_space<hbm>>) dst(%arg16 : memref<128xi32, #tpu.memory_space<vmem>>)
          tpu.yield
        }) : () -> ()
        %dma_start3A_173 = arith.constant 0 : i32
        %dma_start3A_174 = arith.constant 0 : i32
        %dma_start3A_175 = tpu.memref_slice %arg2[%dma_start3A_173, %dma_start3A_174] : memref<10112x80xf32, #tpu.memory_space<hbm>> -> memref<10112x80xf32, #tpu.memory_space<hbm>>
        tpu.enqueue_indirect_dma source(%dma_start3A_175 : memref<10112x80xf32, #tpu.memory_space<hbm>>) target(%arg20 : memref<128x80xf32, #tpu.memory_space<vmem>>) offsets(%arg15 : memref<128xi32, #tpu.memory_space<vmem>>) semaphore(%arg26 : memref<!tpu.dma_semaphore, #tpu.memory_space<semaphore_mem>>)
        %dma_start3A_176 = arith.constant 0 : i32
        %dma_start3A_177 = arith.constant 0 : i32
        %dma_start3A_178 = tpu.memref_slice %arg3[%dma_start3A_176, %dma_start3A_177] : memref<10112x80xf32, #tpu.memory_space<hbm>> -> memref<10112x80xf32, #tpu.memory_space<hbm>>
        tpu.enqueue_indirect_dma source(%dma_start3A_178 : memref<10112x80xf32, #tpu.memory_space<hbm>>) target(%arg21 : memref<128x80xf32, #tpu.memory_space<vmem>>) offsets(%arg16 : memref<128xi32, #tpu.memory_space<vmem>>) semaphore(%arg26 : memref<!tpu.dma_semaphore, #tpu.memory_space<semaphore_mem>>)
        %dma_start3A_179 = arith.constant 0 : i32
        %dma_start3A_180 = arith.constant 0 : i32
        %dma_start3A_181 = tpu.memref_slice %arg4[%dma_start3A_179, %dma_start3A_180] : memref<10112x80xf32, #tpu.memory_space<hbm>> -> memref<10112x80xf32, #tpu.memory_space<hbm>>
        tpu.enqueue_indirect_dma source(%dma_start3A_181 : memref<10112x80xf32, #tpu.memory_space<hbm>>) target(%arg22 : memref<128x80xf32, #tpu.memory_space<vmem>>) offsets(%arg15 : memref<128xi32, #tpu.memory_space<vmem>>) semaphore(%arg26 : memref<!tpu.dma_semaphore, #tpu.memory_space<semaphore_mem>>)
        %dma_wait3A = arith.constant 0 : i32
        %dma_wait3A_182 = arith.constant 0 : i32
        %dma_wait3A_183 = tpu.memref_slice %arg2[%dma_wait3A, %dma_wait3A_182] : memref<10112x80xf32, #tpu.memory_space<hbm>> -> memref<10112x80xf32, #tpu.memory_space<hbm>>
        tpu.wait_indirect_dma semaphore(%arg25 : memref<!tpu.dma_semaphore, #tpu.memory_space<semaphore_mem>>) src(%dma_wait3A_183 : memref<10112x80xf32, #tpu.memory_space<hbm>>) dst(%arg17 : memref<128x80xf32, #tpu.memory_space<vmem>>)
        %dma_wait3A_184 = arith.constant 0 : i32
        %dma_wait3A_185 = arith.constant 0 : i32
        %dma_wait3A_186 = tpu.memref_slice %arg3[%dma_wait3A_184, %dma_wait3A_185] : memref<10112x80xf32, #tpu.memory_space<hbm>> -> memref<10112x80xf32, #tpu.memory_space<hbm>>
        tpu.wait_indirect_dma semaphore(%arg25 : memref<!tpu.dma_semaphore, #tpu.memory_space<semaphore_mem>>) src(%dma_wait3A_186 : memref<10112x80xf32, #tpu.memory_space<hbm>>) dst(%arg18 : memref<128x80xf32, #tpu.memory_space<vmem>>)
        %dma_wait3A_187 = arith.constant 0 : i32
        %dma_wait3A_188 = arith.constant 0 : i32
        %dma_wait3A_189 = tpu.memref_slice %arg4[%dma_wait3A_187, %dma_wait3A_188] : memref<10112x80xf32, #tpu.memory_space<hbm>> -> memref<10112x80xf32, #tpu.memory_space<hbm>>
        tpu.wait_indirect_dma semaphore(%arg25 : memref<!tpu.dma_semaphore, #tpu.memory_space<semaphore_mem>>) src(%dma_wait3A_189 : memref<10112x80xf32, #tpu.memory_space<hbm>>) dst(%arg19 : memref<128x80xf32, #tpu.memory_space<vmem>>)
        %scan3A_190 = arith.constant 0 : i32
        %scan3A_191 = arith.constant 0 : i32
        %scan3A_192 = arith.constant 128 : i32
        %scan3A_193 = arith.addi %scan3A_191, %scan3A_192 : i32
        %scan3A_194 = arith.constant 1 : i32
        scf.for %scan3A_215 = %scan3A_191 to %scan3A_193 step %scan3A_194  : i32 {
          %get3A_216 = arith.index_cast %scan3A_215 : i32 to index
          %get3A_217 = arith.constant 0 : index
          %get3A_218 = tpu.vector_load %arg17[%get3A_216, %get3A_217] {strides = array<i32>} : memref<128x80xf32, #tpu.memory_space<vmem>>, vector<1x16xf32>,
          %get3A_219 = vector.shape_cast %get3A_218 : vector<1x16xf32> to vector<16xf32>
          %get3A_220 = arith.index_cast %scan3A_215 : i32 to index
          %get3A_221 = arith.constant 0 : index
          %get3A_222 = tpu.vector_load %arg18[%get3A_220, %get3A_221] {strides = array<i32>} : memref<128x80xf32, #tpu.memory_space<vmem>>, vector<1x16xf32>,
          %get3A_223 = vector.shape_cast %get3A_222 : vector<1x16xf32> to vector<16xf32>
          %add3A_224 = arith.addf %get3A_219, %get3A_223 : vector<16xf32>
          %mul3A_225 = arith.constant 2.000000e-01 : f32
          %mul3A_226 = vector.broadcast %mul3A_225 : f32 to vector<16xf32>
          %mul3A_227 = arith.mulf %mul3A_226, %add3A_224 : vector<16xf32>
          %max3A = arith.maximumf %add3A_224, %mul3A_227 : vector<16xf32>
          %sub3A = arith.subf %max3A, %get3A_131 : vector<16xf32>
          %exp3A = math.exp %sub3A : vector<16xf32>
          %get3A_228 = arith.index_cast %scan3A_215 : i32 to index
          %get3A_229 = arith.constant 0 : index
          %get3A_230 = tpu.vector_load %arg19[%get3A_228, %get3A_229] {strides = array<i32>} : memref<128x80xf32, #tpu.memory_space<vmem>>, vector<1x16xf32>,
          %get3A_231 = vector.shape_cast %get3A_230 : vector<1x16xf32> to vector<16xf32>
          %mul3A_232 = arith.mulf %get3A_231, %exp3A : vector<16xf32>
          %swap3A = arith.index_cast %scan3A_215 : i32 to index
          %swap3A_233 = arith.constant 0 : index
          %swap3A_234 = tpu.vector_load %arg19[%swap3A, %swap3A_233] {strides = array<i32>} : memref<128x80xf32, #tpu.memory_space<vmem>>, vector<1x16xf32>,
          %swap3A_235 = vector.shape_cast %swap3A_234 : vector<1x16xf32> to vector<16xf32>
          %swap3A_236 = vector.shape_cast %mul3A_232 : vector<16xf32> to vector<1x16xf32>
          tpu.vector_store %arg19[%swap3A, %swap3A_233], %swap3A_236 {strides = array<i32>} : memref<128x80xf32, #tpu.memory_space<vmem>>, vector<1x16xf32>,
          %get3A_237 = arith.index_cast %scan3A_215 : i32 to index
          %get3A_238 = arith.constant 16 : index
          %get3A_239 = tpu.vector_load %arg17[%get3A_237, %get3A_238] {strides = array<i32>} : memref<128x80xf32, #tpu.memory_space<vmem>>, vector<1x16xf32>,
          %get3A_240 = vector.shape_cast %get3A_239 : vector<1x16xf32> to vector<16xf32>
          %get3A_241 = arith.index_cast %scan3A_215 : i32 to index
          %get3A_242 = arith.constant 16 : index
          %get3A_243 = tpu.vector_load %arg18[%get3A_241, %get3A_242] {strides = array<i32>} : memref<128x80xf32, #tpu.memory_space<vmem>>, vector<1x16xf32>,
          %get3A_244 = vector.shape_cast %get3A_243 : vector<1x16xf32> to vector<16xf32>
          %add3A_245 = arith.addf %get3A_240, %get3A_244 : vector<16xf32>
          %mul3A_246 = arith.constant 2.000000e-01 : f32
          %mul3A_247 = vector.broadcast %mul3A_246 : f32 to vector<16xf32>
          %mul3A_248 = arith.mulf %mul3A_247, %add3A_245 : vector<16xf32>
          %max3A_249 = arith.maximumf %add3A_245, %mul3A_248 : vector<16xf32>
          %sub3A_250 = arith.subf %max3A_249, %get3A_134 : vector<16xf32>
          %exp3A_251 = math.exp %sub3A_250 : vector<16xf32>
          %get3A_252 = arith.index_cast %scan3A_215 : i32 to index
          %get3A_253 = arith.constant 16 : index
          %get3A_254 = tpu.vector_load %arg19[%get3A_252, %get3A_253] {strides = array<i32>} : memref<128x80xf32, #tpu.memory_space<vmem>>, vector<1x16xf32>,
          %get3A_255 = vector.shape_cast %get3A_254 : vector<1x16xf32> to vector<16xf32>
          %mul3A_256 = arith.mulf %get3A_255, %exp3A_251 : vector<16xf32>
          %swap3A_257 = arith.index_cast %scan3A_215 : i32 to index
          %swap3A_258 = arith.constant 16 : index
          %swap3A_259 = tpu.vector_load %arg19[%swap3A_257, %swap3A_258] {strides = array<i32>} : memref<128x80xf32, #tpu.memory_space<vmem>>, vector<1x16xf32>,
          %swap3A_260 = vector.shape_cast %swap3A_259 : vector<1x16xf32> to vector<16xf32>
          %swap3A_261 = vector.shape_cast %mul3A_256 : vector<16xf32> to vector<1x16xf32>
          tpu.vector_store %arg19[%swap3A_257, %swap3A_258], %swap3A_261 {strides = array<i32>} : memref<128x80xf32, #tpu.memory_space<vmem>>, vector<1x16xf32>,
          %get3A_262 = arith.index_cast %scan3A_215 : i32 to index
          %get3A_263 = arith.constant 32 : index
          %get3A_264 = tpu.vector_load %arg17[%get3A_262, %get3A_263] {strides = array<i32>} : memref<128x80xf32, #tpu.memory_space<vmem>>, vector<1x16xf32>,
          %get3A_265 = vector.shape_cast %get3A_264 : vector<1x16xf32> to vector<16xf32>
          %get3A_266 = arith.index_cast %scan3A_215 : i32 to index
          %get3A_267 = arith.constant 32 : index
          %get3A_268 = tpu.vector_load %arg18[%get3A_266, %get3A_267] {strides = array<i32>} : memref<128x80xf32, #tpu.memory_space<vmem>>, vector<1x16xf32>,
          %get3A_269 = vector.shape_cast %get3A_268 : vector<1x16xf32> to vector<16xf32>
          %add3A_270 = arith.addf %get3A_265, %get3A_269 : vector<16xf32>
          %mul3A_271 = arith.constant 2.000000e-01 : f32
          %mul3A_272 = vector.broadcast %mul3A_271 : f32 to vector<16xf32>
          %mul3A_273 = arith.mulf %mul3A_272, %add3A_270 : vector<16xf32>
          %max3A_274 = arith.maximumf %add3A_270, %mul3A_273 : vector<16xf32>
          %sub3A_275 = arith.subf %max3A_274, %get3A_137 : vector<16xf32>
          %exp3A_276 = math.exp %sub3A_275 : vector<16xf32>
          %get3A_277 = arith.index_cast %scan3A_215 : i32 to index
          %get3A_278 = arith.constant 32 : index
          %get3A_279 = tpu.vector_load %arg19[%get3A_277, %get3A_278] {strides = array<i32>} : memref<128x80xf32, #tpu.memory_space<vmem>>, vector<1x16xf32>,
          %get3A_280 = vector.shape_cast %get3A_279 : vector<1x16xf32> to vector<16xf32>
          %mul3A_281 = arith.mulf %get3A_280, %exp3A_276 : vector<16xf32>
          %swap3A_282 = arith.index_cast %scan3A_215 : i32 to index
          %swap3A_283 = arith.constant 32 : index
          %swap3A_284 = tpu.vector_load %arg19[%swap3A_282, %swap3A_283] {strides = array<i32>} : memref<128x80xf32, #tpu.memory_space<vmem>>, vector<1x16xf32>,
          %swap3A_285 = vector.shape_cast %swap3A_284 : vector<1x16xf32> to vector<16xf32>
          %swap3A_286 = vector.shape_cast %mul3A_281 : vector<16xf32> to vector<1x16xf32>
          tpu.vector_store %arg19[%swap3A_282, %swap3A_283], %swap3A_286 {strides = array<i32>} : memref<128x80xf32, #tpu.memory_space<vmem>>, vector<1x16xf32>,
          %get3A_287 = arith.index_cast %scan3A_215 : i32 to index
          %get3A_288 = arith.constant 48 : index
          %get3A_289 = tpu.vector_load %arg17[%get3A_287, %get3A_288] {strides = array<i32>} : memref<128x80xf32, #tpu.memory_space<vmem>>, vector<1x16xf32>,
          %get3A_290 = vector.shape_cast %get3A_289 : vector<1x16xf32> to vector<16xf32>
          %get3A_291 = arith.index_cast %scan3A_215 : i32 to index
          %get3A_292 = arith.constant 48 : index
          %get3A_293 = tpu.vector_load %arg18[%get3A_291, %get3A_292] {strides = array<i32>} : memref<128x80xf32, #tpu.memory_space<vmem>>, vector<1x16xf32>,
          %get3A_294 = vector.shape_cast %get3A_293 : vector<1x16xf32> to vector<16xf32>
          %add3A_295 = arith.addf %get3A_290, %get3A_294 : vector<16xf32>
          %mul3A_296 = arith.constant 2.000000e-01 : f32
          %mul3A_297 = vector.broadcast %mul3A_296 : f32 to vector<16xf32>
          %mul3A_298 = arith.mulf %mul3A_297, %add3A_295 : vector<16xf32>
          %max3A_299 = arith.maximumf %add3A_295, %mul3A_298 : vector<16xf32>
          %sub3A_300 = arith.subf %max3A_299, %get3A_140 : vector<16xf32>
          %exp3A_301 = math.exp %sub3A_300 : vector<16xf32>
          %get3A_302 = arith.index_cast %scan3A_215 : i32 to index
          %get3A_303 = arith.constant 48 : index
          %get3A_304 = tpu.vector_load %arg19[%get3A_302, %get3A_303] {strides = array<i32>} : memref<128x80xf32, #tpu.memory_space<vmem>>, vector<1x16xf32>,
          %get3A_305 = vector.shape_cast %get3A_304 : vector<1x16xf32> to vector<16xf32>
          %mul3A_306 = arith.mulf %get3A_305, %exp3A_301 : vector<16xf32>
          %swap3A_307 = arith.index_cast %scan3A_215 : i32 to index
          %swap3A_308 = arith.constant 48 : index
          %swap3A_309 = tpu.vector_load %arg19[%swap3A_307, %swap3A_308] {strides = array<i32>} : memref<128x80xf32, #tpu.memory_space<vmem>>, vector<1x16xf32>,
          %swap3A_310 = vector.shape_cast %swap3A_309 : vector<1x16xf32> to vector<16xf32>
          %swap3A_311 = vector.shape_cast %mul3A_306 : vector<16xf32> to vector<1x16xf32>
          tpu.vector_store %arg19[%swap3A_307, %swap3A_308], %swap3A_311 {strides = array<i32>} : memref<128x80xf32, #tpu.memory_space<vmem>>, vector<1x16xf32>,
          %get3A_312 = arith.index_cast %scan3A_215 : i32 to index
          %get3A_313 = arith.constant 64 : index
          %get3A_314 = tpu.vector_load %arg17[%get3A_312, %get3A_313] {strides = array<i32>} : memref<128x80xf32, #tpu.memory_space<vmem>>, vector<1x16xf32>,
          %get3A_315 = vector.shape_cast %get3A_314 : vector<1x16xf32> to vector<16xf32>
          %get3A_316 = arith.index_cast %scan3A_215 : i32 to index
          %get3A_317 = arith.constant 64 : index
          %get3A_318 = tpu.vector_load %arg18[%get3A_316, %get3A_317] {strides = array<i32>} : memref<128x80xf32, #tpu.memory_space<vmem>>, vector<1x16xf32>,
          %get3A_319 = vector.shape_cast %get3A_318 : vector<1x16xf32> to vector<16xf32>
          %add3A_320 = arith.addf %get3A_315, %get3A_319 : vector<16xf32>
          %mul3A_321 = arith.constant 2.000000e-01 : f32
          %mul3A_322 = vector.broadcast %mul3A_321 : f32 to vector<16xf32>
          %mul3A_323 = arith.mulf %mul3A_322, %add3A_320 : vector<16xf32>
          %max3A_324 = arith.maximumf %add3A_320, %mul3A_323 : vector<16xf32>
          %sub3A_325 = arith.subf %max3A_324, %get3A_143 : vector<16xf32>
          %exp3A_326 = math.exp %sub3A_325 : vector<16xf32>
          %get3A_327 = arith.index_cast %scan3A_215 : i32 to index
          %get3A_328 = arith.constant 64 : index
          %get3A_329 = tpu.vector_load %arg19[%get3A_327, %get3A_328] {strides = array<i32>} : memref<128x80xf32, #tpu.memory_space<vmem>>, vector<1x16xf32>,
          %get3A_330 = vector.shape_cast %get3A_329 : vector<1x16xf32> to vector<16xf32>
          %mul3A_331 = arith.mulf %get3A_330, %exp3A_326 : vector<16xf32>
          %swap3A_332 = arith.index_cast %scan3A_215 : i32 to index
          %swap3A_333 = arith.constant 64 : index
          %swap3A_334 = tpu.vector_load %arg19[%swap3A_332, %swap3A_333] {strides = array<i32>} : memref<128x80xf32, #tpu.memory_space<vmem>>, vector<1x16xf32>,
          %swap3A_335 = vector.shape_cast %swap3A_334 : vector<1x16xf32> to vector<16xf32>
          %swap3A_336 = vector.shape_cast %mul3A_331 : vector<16xf32> to vector<1x16xf32>
          tpu.vector_store %arg19[%swap3A_332, %swap3A_333], %swap3A_336 {strides = array<i32>} : memref<128x80xf32, #tpu.memory_space<vmem>>, vector<1x16xf32>,
        }
        %scan3A_195 = arith.constant 128 : i32
        "tpu.region"() ({
          %run_scoped3A = tpu.sem_alloc : memref<!tpu.dma_semaphore, #tpu.memory_space<semaphore_mem>>
          %dma_start3A_215 = arith.constant 0 : i32
          %dma_start3A_216 = arith.constant 0 : i32
          %dma_start3A_217 = tpu.memref_slice %arg24[%dma_start3A_215, %dma_start3A_216] : memref<10112x80xf32, #tpu.memory_space<vmem_shared>> -> memref<10112x80xf32, #tpu.memory_space<vmem_shared>>
          tpu.enqueue_indirect_dma source(%arg19 : memref<128x80xf32, #tpu.memory_space<vmem>>) target(%dma_start3A_217 : memref<10112x80xf32, #tpu.memory_space<vmem_shared>>) offsets(%arg14 : memref<128xi32, #tpu.memory_space<vmem>>) semaphore(%run_scoped3A : memref<!tpu.dma_semaphore, #tpu.memory_space<semaphore_mem>>) {add = true}
          %dma_wait3A_218 = arith.constant 0 : i32
          %dma_wait3A_219 = arith.constant 0 : i32
          %dma_wait3A_220 = tpu.memref_slice %arg24[%dma_wait3A_218, %dma_wait3A_219] : memref<10112x80xf32, #tpu.memory_space<vmem_shared>> -> memref<10112x80xf32, #tpu.memory_space<vmem_shared>>
          tpu.wait_indirect_dma semaphore(%run_scoped3A : memref<!tpu.dma_semaphore, #tpu.memory_space<semaphore_mem>>) src(%arg19 : memref<128x80xf32, #tpu.memory_space<vmem>>) dst(%dma_wait3A_220 : memref<10112x80xf32, #tpu.memory_space<vmem_shared>>)
          tpu.yield
        }) : () -> ()
        %lt3A = arith.constant 80 : i32
        %lt3A_196 = arith.cmpi slt, %scan3A_162, %lt3A : i32
        %convert_element_type3A_197 = arith.extui %lt3A_196 : i1 to i32
        %cond3A_198 = arith.constant 0 : i32
        %cond3A_199 = arith.cmpi ne, %convert_element_type3A_197, %cond3A_198 : i32
        scf.if %cond3A_199 {
          %mul3A_215 = arith.constant 2 : i32
          %mul3A_216 = arith.muli %mul3A_215, %scan3A_162 : i32
          %add3A_217 = arith.constant 2 : i32
          %add3A_218 = arith.addi %mul3A_216, %add3A_217 : i32
          %mul3A_219 = arith.constant 20736 : i32
          %mul3A_220 = arith.muli %arg1, %mul3A_219 : i32
          %mul3A_221 = arith.constant 128 : i32
          %mul3A_222 = arith.muli %add3A_218, %mul3A_221 : i32
          %add3A_223 = arith.addi %mul3A_220, %mul3A_222 : i32
          %multiple_of3A_224 = tpu.assume_multiple %add3A_223, 128 : i32
          "tpu.region"() ({
            %run_scoped3A = tpu.sem_alloc : memref<!tpu.dma_semaphore, #tpu.memory_space<semaphore_mem>>
            %dma_start3A_234 = tpu.memref_slice %arg10[%multiple_of3A_224] : memref<331776xi32, #tpu.memory_space<hbm>> -> memref<128xi32, #tpu.memory_space<hbm>>
            %dma_start3A_235 = tpu.memref_slice %arg10[%multiple_of3A_224] : memref<331776xi32, #tpu.memory_space<hbm>> -> memref<128xi32, #tpu.memory_space<hbm>>
            tpu.enqueue_dma source(%dma_start3A_235 : memref<128xi32, #tpu.memory_space<hbm>>) target(%arg13 : memref<128xi32, #tpu.memory_space<vmem>>) target_semaphore(%run_scoped3A : memref<!tpu.dma_semaphore, #tpu.memory_space<semaphore_mem>>)
            %dma_wait3A_236 = tpu.memref_slice %arg10[%multiple_of3A_224] : memref<331776xi32, #tpu.memory_space<hbm>> -> memref<128xi32, #tpu.memory_space<hbm>>
            %dma_wait3A_237 = tpu.memref_slice %arg10[%multiple_of3A_224] : memref<331776xi32, #tpu.memory_space<hbm>> -> memref<128xi32, #tpu.memory_space<hbm>>
            tpu.wait_dma2 semaphore(%run_scoped3A : memref<!tpu.dma_semaphore, #tpu.memory_space<semaphore_mem>>) src(%dma_wait3A_237 : memref<128xi32, #tpu.memory_space<hbm>>) dst(%arg13 : memref<128xi32, #tpu.memory_space<vmem>>)
            tpu.yield
          }) : () -> ()
          "tpu.region"() ({
            %run_scoped3A = tpu.sem_alloc : memref<!tpu.dma_semaphore, #tpu.memory_space<semaphore_mem>>
            %dma_start3A_234 = tpu.memref_slice %arg11[%multiple_of3A_224] : memref<331776xi32, #tpu.memory_space<hbm>> -> memref<128xi32, #tpu.memory_space<hbm>>
            %dma_start3A_235 = tpu.memref_slice %arg11[%multiple_of3A_224] : memref<331776xi32, #tpu.memory_space<hbm>> -> memref<128xi32, #tpu.memory_space<hbm>>
            tpu.enqueue_dma source(%dma_start3A_235 : memref<128xi32, #tpu.memory_space<hbm>>) target(%arg14 : memref<128xi32, #tpu.memory_space<vmem>>) target_semaphore(%run_scoped3A : memref<!tpu.dma_semaphore, #tpu.memory_space<semaphore_mem>>)
            %dma_wait3A_236 = tpu.memref_slice %arg11[%multiple_of3A_224] : memref<331776xi32, #tpu.memory_space<hbm>> -> memref<128xi32, #tpu.memory_space<hbm>>
            %dma_wait3A_237 = tpu.memref_slice %arg11[%multiple_of3A_224] : memref<331776xi32, #tpu.memory_space<hbm>> -> memref<128xi32, #tpu.memory_space<hbm>>
            tpu.wait_dma2 semaphore(%run_scoped3A : memref<!tpu.dma_semaphore, #tpu.memory_space<semaphore_mem>>) src(%dma_wait3A_237 : memref<128xi32, #tpu.memory_space<hbm>>) dst(%arg14 : memref<128xi32, #tpu.memory_space<vmem>>)
            tpu.yield
          }) : () -> ()
          %dma_start3A_225 = arith.constant 0 : i32
          %dma_start3A_226 = arith.constant 0 : i32
          %dma_start3A_227 = tpu.memref_slice %arg2[%dma_start3A_225, %dma_start3A_226] : memref<10112x80xf32, #tpu.memory_space<hbm>> -> memref<10112x80xf32, #tpu.memory_space<hbm>>
          tpu.enqueue_indirect_dma source(%dma_start3A_227 : memref<10112x80xf32, #tpu.memory_space<hbm>>) target(%arg17 : memref<128x80xf32, #tpu.memory_space<vmem>>) offsets(%arg13 : memref<128xi32, #tpu.memory_space<vmem>>) semaphore(%arg25 : memref<!tpu.dma_semaphore, #tpu.memory_space<semaphore_mem>>)
          %dma_start3A_228 = arith.constant 0 : i32
          %dma_start3A_229 = arith.constant 0 : i32
          %dma_start3A_230 = tpu.memref_slice %arg3[%dma_start3A_228, %dma_start3A_229] : memref<10112x80xf32, #tpu.memory_space<hbm>> -> memref<10112x80xf32, #tpu.memory_space<hbm>>
          tpu.enqueue_indirect_dma source(%dma_start3A_230 : memref<10112x80xf32, #tpu.memory_space<hbm>>) target(%arg18 : memref<128x80xf32, #tpu.memory_space<vmem>>) offsets(%arg14 : memref<128xi32, #tpu.memory_space<vmem>>) semaphore(%arg25 : memref<!tpu.dma_semaphore, #tpu.memory_space<semaphore_mem>>)
          %dma_start3A_231 = arith.constant 0 : i32
          %dma_start3A_232 = arith.constant 0 : i32
          %dma_start3A_233 = tpu.memref_slice %arg4[%dma_start3A_231, %dma_start3A_232] : memref<10112x80xf32, #tpu.memory_space<hbm>> -> memref<10112x80xf32, #tpu.memory_space<hbm>>
          tpu.enqueue_indirect_dma source(%dma_start3A_233 : memref<10112x80xf32, #tpu.memory_space<hbm>>) target(%arg19 : memref<128x80xf32, #tpu.memory_space<vmem>>) offsets(%arg13 : memref<128xi32, #tpu.memory_space<vmem>>) semaphore(%arg25 : memref<!tpu.dma_semaphore, #tpu.memory_space<semaphore_mem>>)
        } else {
        }
        %dma_wait3A_200 = arith.constant 0 : i32
        %dma_wait3A_201 = arith.constant 0 : i32
        %dma_wait3A_202 = tpu.memref_slice %arg2[%dma_wait3A_200, %dma_wait3A_201] : memref<10112x80xf32, #tpu.memory_space<hbm>> -> memref<10112x80xf32, #tpu.memory_space<hbm>>
        tpu.wait_indirect_dma semaphore(%arg26 : memref<!tpu.dma_semaphore, #tpu.memory_space<semaphore_mem>>) src(%dma_wait3A_202 : memref<10112x80xf32, #tpu.memory_space<hbm>>) dst(%arg20 : memref<128x80xf32, #tpu.memory_space<vmem>>)
        %dma_wait3A_203 = arith.constant 0 : i32
        %dma_wait3A_204 = arith.constant 0 : i32
        %dma_wait3A_205 = tpu.memref_slice %arg3[%dma_wait3A_203, %dma_wait3A_204] : memref<10112x80xf32, #tpu.memory_space<hbm>> -> memref<10112x80xf32, #tpu.memory_space<hbm>>
        tpu.wait_indirect_dma semaphore(%arg26 : memref<!tpu.dma_semaphore, #tpu.memory_space<semaphore_mem>>) src(%dma_wait3A_205 : memref<10112x80xf32, #tpu.memory_space<hbm>>) dst(%arg21 : memref<128x80xf32, #tpu.memory_space<vmem>>)
        %dma_wait3A_206 = arith.constant 0 : i32
        %dma_wait3A_207 = arith.constant 0 : i32
        %dma_wait3A_208 = tpu.memref_slice %arg4[%dma_wait3A_206, %dma_wait3A_207] : memref<10112x80xf32, #tpu.memory_space<hbm>> -> memref<10112x80xf32, #tpu.memory_space<hbm>>
        tpu.wait_indirect_dma semaphore(%arg26 : memref<!tpu.dma_semaphore, #tpu.memory_space<semaphore_mem>>) src(%dma_wait3A_208 : memref<10112x80xf32, #tpu.memory_space<hbm>>) dst(%arg22 : memref<128x80xf32, #tpu.memory_space<vmem>>)
        %scan3A_209 = arith.constant 0 : i32
        %scan3A_210 = arith.constant 0 : i32
        %scan3A_211 = arith.constant 128 : i32
        %scan3A_212 = arith.addi %scan3A_210, %scan3A_211 : i32
        %scan3A_213 = arith.constant 1 : i32
        scf.for %scan3A_215 = %scan3A_210 to %scan3A_212 step %scan3A_213  : i32 {
          %get3A_216 = arith.index_cast %scan3A_215 : i32 to index
          %get3A_217 = arith.constant 0 : index
          %get3A_218 = tpu.vector_load %arg20[%get3A_216, %get3A_217] {strides = array<i32>} : memref<128x80xf32, #tpu.memory_space<vmem>>, vector<1x16xf32>,
          %get3A_219 = vector.shape_cast %get3A_218 : vector<1x16xf32> to vector<16xf32>
          %get3A_220 = arith.index_cast %scan3A_215 : i32 to index
          %get3A_221 = arith.constant 0 : index
          %get3A_222 = tpu.vector_load %arg21[%get3A_220, %get3A_221] {strides = array<i32>} : memref<128x80xf32, #tpu.memory_space<vmem>>, vector<1x16xf32>,
          %get3A_223 = vector.shape_cast %get3A_222 : vector<1x16xf32> to vector<16xf32>
          %add3A_224 = arith.addf %get3A_219, %get3A_223 : vector<16xf32>
          %mul3A_225 = arith.constant 2.000000e-01 : f32
          %mul3A_226 = vector.broadcast %mul3A_225 : f32 to vector<16xf32>
          %mul3A_227 = arith.mulf %mul3A_226, %add3A_224 : vector<16xf32>
          %max3A = arith.maximumf %add3A_224, %mul3A_227 : vector<16xf32>
          %sub3A = arith.subf %max3A, %get3A_131 : vector<16xf32>
          %exp3A = math.exp %sub3A : vector<16xf32>
          %get3A_228 = arith.index_cast %scan3A_215 : i32 to index
          %get3A_229 = arith.constant 0 : index
          %get3A_230 = tpu.vector_load %arg22[%get3A_228, %get3A_229] {strides = array<i32>} : memref<128x80xf32, #tpu.memory_space<vmem>>, vector<1x16xf32>,
          %get3A_231 = vector.shape_cast %get3A_230 : vector<1x16xf32> to vector<16xf32>
          %mul3A_232 = arith.mulf %get3A_231, %exp3A : vector<16xf32>
          %swap3A = arith.index_cast %scan3A_215 : i32 to index
          %swap3A_233 = arith.constant 0 : index
          %swap3A_234 = tpu.vector_load %arg22[%swap3A, %swap3A_233] {strides = array<i32>} : memref<128x80xf32, #tpu.memory_space<vmem>>, vector<1x16xf32>,
          %swap3A_235 = vector.shape_cast %swap3A_234 : vector<1x16xf32> to vector<16xf32>
          %swap3A_236 = vector.shape_cast %mul3A_232 : vector<16xf32> to vector<1x16xf32>
          tpu.vector_store %arg22[%swap3A, %swap3A_233], %swap3A_236 {strides = array<i32>} : memref<128x80xf32, #tpu.memory_space<vmem>>, vector<1x16xf32>,
          %get3A_237 = arith.index_cast %scan3A_215 : i32 to index
          %get3A_238 = arith.constant 16 : index
          %get3A_239 = tpu.vector_load %arg20[%get3A_237, %get3A_238] {strides = array<i32>} : memref<128x80xf32, #tpu.memory_space<vmem>>, vector<1x16xf32>,
          %get3A_240 = vector.shape_cast %get3A_239 : vector<1x16xf32> to vector<16xf32>
          %get3A_241 = arith.index_cast %scan3A_215 : i32 to index
          %get3A_242 = arith.constant 16 : index
          %get3A_243 = tpu.vector_load %arg21[%get3A_241, %get3A_242] {strides = array<i32>} : memref<128x80xf32, #tpu.memory_space<vmem>>, vector<1x16xf32>,
          %get3A_244 = vector.shape_cast %get3A_243 : vector<1x16xf32> to vector<16xf32>
          %add3A_245 = arith.addf %get3A_240, %get3A_244 : vector<16xf32>
          %mul3A_246 = arith.constant 2.000000e-01 : f32
          %mul3A_247 = vector.broadcast %mul3A_246 : f32 to vector<16xf32>
          %mul3A_248 = arith.mulf %mul3A_247, %add3A_245 : vector<16xf32>
          %max3A_249 = arith.maximumf %add3A_245, %mul3A_248 : vector<16xf32>
          %sub3A_250 = arith.subf %max3A_249, %get3A_134 : vector<16xf32>
          %exp3A_251 = math.exp %sub3A_250 : vector<16xf32>
          %get3A_252 = arith.index_cast %scan3A_215 : i32 to index
          %get3A_253 = arith.constant 16 : index
          %get3A_254 = tpu.vector_load %arg22[%get3A_252, %get3A_253] {strides = array<i32>} : memref<128x80xf32, #tpu.memory_space<vmem>>, vector<1x16xf32>,
          %get3A_255 = vector.shape_cast %get3A_254 : vector<1x16xf32> to vector<16xf32>
          %mul3A_256 = arith.mulf %get3A_255, %exp3A_251 : vector<16xf32>
          %swap3A_257 = arith.index_cast %scan3A_215 : i32 to index
          %swap3A_258 = arith.constant 16 : index
          %swap3A_259 = tpu.vector_load %arg22[%swap3A_257, %swap3A_258] {strides = array<i32>} : memref<128x80xf32, #tpu.memory_space<vmem>>, vector<1x16xf32>,
          %swap3A_260 = vector.shape_cast %swap3A_259 : vector<1x16xf32> to vector<16xf32>
          %swap3A_261 = vector.shape_cast %mul3A_256 : vector<16xf32> to vector<1x16xf32>
          tpu.vector_store %arg22[%swap3A_257, %swap3A_258], %swap3A_261 {strides = array<i32>} : memref<128x80xf32, #tpu.memory_space<vmem>>, vector<1x16xf32>,
          %get3A_262 = arith.index_cast %scan3A_215 : i32 to index
          %get3A_263 = arith.constant 32 : index
          %get3A_264 = tpu.vector_load %arg20[%get3A_262, %get3A_263] {strides = array<i32>} : memref<128x80xf32, #tpu.memory_space<vmem>>, vector<1x16xf32>,
          %get3A_265 = vector.shape_cast %get3A_264 : vector<1x16xf32> to vector<16xf32>
          %get3A_266 = arith.index_cast %scan3A_215 : i32 to index
          %get3A_267 = arith.constant 32 : index
          %get3A_268 = tpu.vector_load %arg21[%get3A_266, %get3A_267] {strides = array<i32>} : memref<128x80xf32, #tpu.memory_space<vmem>>, vector<1x16xf32>,
          %get3A_269 = vector.shape_cast %get3A_268 : vector<1x16xf32> to vector<16xf32>
          %add3A_270 = arith.addf %get3A_265, %get3A_269 : vector<16xf32>
          %mul3A_271 = arith.constant 2.000000e-01 : f32
          %mul3A_272 = vector.broadcast %mul3A_271 : f32 to vector<16xf32>
          %mul3A_273 = arith.mulf %mul3A_272, %add3A_270 : vector<16xf32>
          %max3A_274 = arith.maximumf %add3A_270, %mul3A_273 : vector<16xf32>
          %sub3A_275 = arith.subf %max3A_274, %get3A_137 : vector<16xf32>
          %exp3A_276 = math.exp %sub3A_275 : vector<16xf32>
          %get3A_277 = arith.index_cast %scan3A_215 : i32 to index
          %get3A_278 = arith.constant 32 : index
          %get3A_279 = tpu.vector_load %arg22[%get3A_277, %get3A_278] {strides = array<i32>} : memref<128x80xf32, #tpu.memory_space<vmem>>, vector<1x16xf32>,
          %get3A_280 = vector.shape_cast %get3A_279 : vector<1x16xf32> to vector<16xf32>
          %mul3A_281 = arith.mulf %get3A_280, %exp3A_276 : vector<16xf32>
          %swap3A_282 = arith.index_cast %scan3A_215 : i32 to index
          %swap3A_283 = arith.constant 32 : index
          %swap3A_284 = tpu.vector_load %arg22[%swap3A_282, %swap3A_283] {strides = array<i32>} : memref<128x80xf32, #tpu.memory_space<vmem>>, vector<1x16xf32>,
          %swap3A_285 = vector.shape_cast %swap3A_284 : vector<1x16xf32> to vector<16xf32>
          %swap3A_286 = vector.shape_cast %mul3A_281 : vector<16xf32> to vector<1x16xf32>
          tpu.vector_store %arg22[%swap3A_282, %swap3A_283], %swap3A_286 {strides = array<i32>} : memref<128x80xf32, #tpu.memory_space<vmem>>, vector<1x16xf32>,
          %get3A_287 = arith.index_cast %scan3A_215 : i32 to index
          %get3A_288 = arith.constant 48 : index
          %get3A_289 = tpu.vector_load %arg20[%get3A_287, %get3A_288] {strides = array<i32>} : memref<128x80xf32, #tpu.memory_space<vmem>>, vector<1x16xf32>,
          %get3A_290 = vector.shape_cast %get3A_289 : vector<1x16xf32> to vector<16xf32>
          %get3A_291 = arith.index_cast %scan3A_215 : i32 to index
          %get3A_292 = arith.constant 48 : index
          %get3A_293 = tpu.vector_load %arg21[%get3A_291, %get3A_292] {strides = array<i32>} : memref<128x80xf32, #tpu.memory_space<vmem>>, vector<1x16xf32>,
          %get3A_294 = vector.shape_cast %get3A_293 : vector<1x16xf32> to vector<16xf32>
          %add3A_295 = arith.addf %get3A_290, %get3A_294 : vector<16xf32>
          %mul3A_296 = arith.constant 2.000000e-01 : f32
          %mul3A_297 = vector.broadcast %mul3A_296 : f32 to vector<16xf32>
          %mul3A_298 = arith.mulf %mul3A_297, %add3A_295 : vector<16xf32>
          %max3A_299 = arith.maximumf %add3A_295, %mul3A_298 : vector<16xf32>
          %sub3A_300 = arith.subf %max3A_299, %get3A_140 : vector<16xf32>
          %exp3A_301 = math.exp %sub3A_300 : vector<16xf32>
          %get3A_302 = arith.index_cast %scan3A_215 : i32 to index
          %get3A_303 = arith.constant 48 : index
          %get3A_304 = tpu.vector_load %arg22[%get3A_302, %get3A_303] {strides = array<i32>} : memref<128x80xf32, #tpu.memory_space<vmem>>, vector<1x16xf32>,
          %get3A_305 = vector.shape_cast %get3A_304 : vector<1x16xf32> to vector<16xf32>
          %mul3A_306 = arith.mulf %get3A_305, %exp3A_301 : vector<16xf32>
          %swap3A_307 = arith.index_cast %scan3A_215 : i32 to index
          %swap3A_308 = arith.constant 48 : index
          %swap3A_309 = tpu.vector_load %arg22[%swap3A_307, %swap3A_308] {strides = array<i32>} : memref<128x80xf32, #tpu.memory_space<vmem>>, vector<1x16xf32>,
          %swap3A_310 = vector.shape_cast %swap3A_309 : vector<1x16xf32> to vector<16xf32>
          %swap3A_311 = vector.shape_cast %mul3A_306 : vector<16xf32> to vector<1x16xf32>
          tpu.vector_store %arg22[%swap3A_307, %swap3A_308], %swap3A_311 {strides = array<i32>} : memref<128x80xf32, #tpu.memory_space<vmem>>, vector<1x16xf32>,
          %get3A_312 = arith.index_cast %scan3A_215 : i32 to index
          %get3A_313 = arith.constant 64 : index
          %get3A_314 = tpu.vector_load %arg20[%get3A_312, %get3A_313] {strides = array<i32>} : memref<128x80xf32, #tpu.memory_space<vmem>>, vector<1x16xf32>,
          %get3A_315 = vector.shape_cast %get3A_314 : vector<1x16xf32> to vector<16xf32>
          %get3A_316 = arith.index_cast %scan3A_215 : i32 to index
          %get3A_317 = arith.constant 64 : index
          %get3A_318 = tpu.vector_load %arg21[%get3A_316, %get3A_317] {strides = array<i32>} : memref<128x80xf32, #tpu.memory_space<vmem>>, vector<1x16xf32>,
          %get3A_319 = vector.shape_cast %get3A_318 : vector<1x16xf32> to vector<16xf32>
          %add3A_320 = arith.addf %get3A_315, %get3A_319 : vector<16xf32>
          %mul3A_321 = arith.constant 2.000000e-01 : f32
          %mul3A_322 = vector.broadcast %mul3A_321 : f32 to vector<16xf32>
          %mul3A_323 = arith.mulf %mul3A_322, %add3A_320 : vector<16xf32>
          %max3A_324 = arith.maximumf %add3A_320, %mul3A_323 : vector<16xf32>
          %sub3A_325 = arith.subf %max3A_324, %get3A_143 : vector<16xf32>
          %exp3A_326 = math.exp %sub3A_325 : vector<16xf32>
          %get3A_327 = arith.index_cast %scan3A_215 : i32 to index
          %get3A_328 = arith.constant 64 : index
          %get3A_329 = tpu.vector_load %arg22[%get3A_327, %get3A_328] {strides = array<i32>} : memref<128x80xf32, #tpu.memory_space<vmem>>, vector<1x16xf32>,
          %get3A_330 = vector.shape_cast %get3A_329 : vector<1x16xf32> to vector<16xf32>
          %mul3A_331 = arith.mulf %get3A_330, %exp3A_326 : vector<16xf32>
          %swap3A_332 = arith.index_cast %scan3A_215 : i32 to index
          %swap3A_333 = arith.constant 64 : index
          %swap3A_334 = tpu.vector_load %arg22[%swap3A_332, %swap3A_333] {strides = array<i32>} : memref<128x80xf32, #tpu.memory_space<vmem>>, vector<1x16xf32>,
          %swap3A_335 = vector.shape_cast %swap3A_334 : vector<1x16xf32> to vector<16xf32>
          %swap3A_336 = vector.shape_cast %mul3A_331 : vector<16xf32> to vector<1x16xf32>
          tpu.vector_store %arg22[%swap3A_332, %swap3A_333], %swap3A_336 {strides = array<i32>} : memref<128x80xf32, #tpu.memory_space<vmem>>, vector<1x16xf32>,
        }
        %scan3A_214 = arith.constant 128 : i32
        "tpu.region"() ({
          %run_scoped3A = tpu.sem_alloc : memref<!tpu.dma_semaphore, #tpu.memory_space<semaphore_mem>>
          %dma_start3A_215 = arith.constant 0 : i32
          %dma_start3A_216 = arith.constant 0 : i32
          %dma_start3A_217 = tpu.memref_slice %arg24[%dma_start3A_215, %dma_start3A_216] : memref<10112x80xf32, #tpu.memory_space<vmem_shared>> -> memref<10112x80xf32, #tpu.memory_space<vmem_shared>>
          tpu.enqueue_indirect_dma source(%arg22 : memref<128x80xf32, #tpu.memory_space<vmem>>) target(%dma_start3A_217 : memref<10112x80xf32, #tpu.memory_space<vmem_shared>>) offsets(%arg16 : memref<128xi32, #tpu.memory_space<vmem>>) semaphore(%run_scoped3A : memref<!tpu.dma_semaphore, #tpu.memory_space<semaphore_mem>>) {add = true}
          %dma_wait3A_218 = arith.constant 0 : i32
          %dma_wait3A_219 = arith.constant 0 : i32
          %dma_wait3A_220 = tpu.memref_slice %arg24[%dma_wait3A_218, %dma_wait3A_219] : memref<10112x80xf32, #tpu.memory_space<vmem_shared>> -> memref<10112x80xf32, #tpu.memory_space<vmem_shared>>
          tpu.wait_indirect_dma semaphore(%run_scoped3A : memref<!tpu.dma_semaphore, #tpu.memory_space<semaphore_mem>>) src(%arg22 : memref<128x80xf32, #tpu.memory_space<vmem>>) dst(%dma_wait3A_220 : memref<10112x80xf32, #tpu.memory_space<vmem_shared>>)
          tpu.yield
        }) : () -> ()
      }
      %scan3A_161 = arith.constant 81 : i32
    } else {
    }
    %eq3A_94 = arith.constant 1 : i32
    %eq3A_95 = arith.cmpi eq, %arg0, %eq3A_94 : i32
    %convert_element_type3A_96 = arith.extui %eq3A_95 : i1 to i32
    %cond3A_97 = arith.constant 0 : i32
    %cond3A_98 = arith.cmpi ne, %convert_element_type3A_96, %cond3A_97 : i32
    scf.if %cond3A_98 {
      "tpu.region"() ({
        %run_scoped3A = tpu.sem_alloc : memref<!tpu.dma_semaphore, #tpu.memory_space<semaphore_mem>>
        tpu.enqueue_dma source(%arg9 : memref<80xf32, #tpu.memory_space<hbm>>) target(%arg23 : memref<80xf32, #tpu.memory_space<vmem>>) target_semaphore(%run_scoped3A : memref<!tpu.dma_semaphore, #tpu.memory_space<semaphore_mem>>)
        tpu.wait_dma2 semaphore(%run_scoped3A : memref<!tpu.dma_semaphore, #tpu.memory_space<semaphore_mem>>) src(%arg9 : memref<80xf32, #tpu.memory_space<hbm>>) dst(%arg23 : memref<80xf32, #tpu.memory_space<vmem>>)
        tpu.yield
      }) : () -> ()
      %get3A = arith.constant 0 : index
      %get3A_130 = tpu.vector_load %arg23[%get3A] {strides = array<i32>} : memref<80xf32, #tpu.memory_space<vmem>>, vector<16xf32>,
      %get3A_131 = vector.shape_cast %get3A_130 : vector<16xf32> to vector<16xf32>
      %get3A_132 = arith.constant 16 : index
      %get3A_133 = tpu.vector_load %arg23[%get3A_132] {strides = array<i32>} : memref<80xf32, #tpu.memory_space<vmem>>, vector<16xf32>,
      %get3A_134 = vector.shape_cast %get3A_133 : vector<16xf32> to vector<16xf32>
      %get3A_135 = arith.constant 32 : index
      %get3A_136 = tpu.vector_load %arg23[%get3A_135] {strides = array<i32>} : memref<80xf32, #tpu.memory_space<vmem>>, vector<16xf32>,
      %get3A_137 = vector.shape_cast %get3A_136 : vector<16xf32> to vector<16xf32>
      %get3A_138 = arith.constant 48 : index
      %get3A_139 = tpu.vector_load %arg23[%get3A_138] {strides = array<i32>} : memref<80xf32, #tpu.memory_space<vmem>>, vector<16xf32>,
      %get3A_140 = vector.shape_cast %get3A_139 : vector<16xf32> to vector<16xf32>
      %get3A_141 = arith.constant 64 : index
      %get3A_142 = tpu.vector_load %arg23[%get3A_141] {strides = array<i32>} : memref<80xf32, #tpu.memory_space<vmem>>, vector<16xf32>,
      %get3A_143 = vector.shape_cast %get3A_142 : vector<16xf32> to vector<16xf32>
      %mul3A_144 = arith.constant 20736 : i32
      %mul3A_145 = arith.muli %arg1, %mul3A_144 : i32
      %add3A_146 = arith.constant 0 : i32
      %add3A_147 = arith.addi %mul3A_145, %add3A_146 : i32
      %multiple_of3A = tpu.assume_multiple %add3A_147, 128 : i32
      "tpu.region"() ({
        %run_scoped3A = tpu.sem_alloc : memref<!tpu.dma_semaphore, #tpu.memory_space<semaphore_mem>>
        %dma_start3A_162 = tpu.memref_slice %arg10[%multiple_of3A] : memref<331776xi32, #tpu.memory_space<hbm>> -> memref<128xi32, #tpu.memory_space<hbm>>
        %dma_start3A_163 = tpu.memref_slice %arg10[%multiple_of3A] : memref<331776xi32, #tpu.memory_space<hbm>> -> memref<128xi32, #tpu.memory_space<hbm>>
        tpu.enqueue_dma source(%dma_start3A_163 : memref<128xi32, #tpu.memory_space<hbm>>) target(%arg13 : memref<128xi32, #tpu.memory_space<vmem>>) target_semaphore(%run_scoped3A : memref<!tpu.dma_semaphore, #tpu.memory_space<semaphore_mem>>)
        %dma_wait3A = tpu.memref_slice %arg10[%multiple_of3A] : memref<331776xi32, #tpu.memory_space<hbm>> -> memref<128xi32, #tpu.memory_space<hbm>>
        %dma_wait3A_164 = tpu.memref_slice %arg10[%multiple_of3A] : memref<331776xi32, #tpu.memory_space<hbm>> -> memref<128xi32, #tpu.memory_space<hbm>>
        tpu.wait_dma2 semaphore(%run_scoped3A : memref<!tpu.dma_semaphore, #tpu.memory_space<semaphore_mem>>) src(%dma_wait3A_164 : memref<128xi32, #tpu.memory_space<hbm>>) dst(%arg13 : memref<128xi32, #tpu.memory_space<vmem>>)
        tpu.yield
      }) : () -> ()
      "tpu.region"() ({
        %run_scoped3A = tpu.sem_alloc : memref<!tpu.dma_semaphore, #tpu.memory_space<semaphore_mem>>
        %dma_start3A_162 = tpu.memref_slice %arg11[%multiple_of3A] : memref<331776xi32, #tpu.memory_space<hbm>> -> memref<128xi32, #tpu.memory_space<hbm>>
        %dma_start3A_163 = tpu.memref_slice %arg11[%multiple_of3A] : memref<331776xi32, #tpu.memory_space<hbm>> -> memref<128xi32, #tpu.memory_space<hbm>>
        tpu.enqueue_dma source(%dma_start3A_163 : memref<128xi32, #tpu.memory_space<hbm>>) target(%arg14 : memref<128xi32, #tpu.memory_space<vmem>>) target_semaphore(%run_scoped3A : memref<!tpu.dma_semaphore, #tpu.memory_space<semaphore_mem>>)
        %dma_wait3A = tpu.memref_slice %arg11[%multiple_of3A] : memref<331776xi32, #tpu.memory_space<hbm>> -> memref<128xi32, #tpu.memory_space<hbm>>
        %dma_wait3A_164 = tpu.memref_slice %arg11[%multiple_of3A] : memref<331776xi32, #tpu.memory_space<hbm>> -> memref<128xi32, #tpu.memory_space<hbm>>
        tpu.wait_dma2 semaphore(%run_scoped3A : memref<!tpu.dma_semaphore, #tpu.memory_space<semaphore_mem>>) src(%dma_wait3A_164 : memref<128xi32, #tpu.memory_space<hbm>>) dst(%arg14 : memref<128xi32, #tpu.memory_space<vmem>>)
        tpu.yield
      }) : () -> ()
      %dma_start3A = arith.constant 0 : i32
      %dma_start3A_148 = arith.constant 0 : i32
      %dma_start3A_149 = tpu.memref_slice %arg6[%dma_start3A, %dma_start3A_148] : memref<10112x80xf32, #tpu.memory_space<hbm>> -> memref<10112x80xf32, #tpu.memory_space<hbm>>
      tpu.enqueue_indirect_dma source(%dma_start3A_149 : memref<10112x80xf32, #tpu.memory_space<hbm>>) target(%arg17 : memref<128x80xf32, #tpu.memory_space<vmem>>) offsets(%arg13 : memref<128xi32, #tpu.memory_space<vmem>>) semaphore(%arg25 : memref<!tpu.dma_semaphore, #tpu.memory_space<semaphore_mem>>)
      %dma_start3A_150 = arith.constant 0 : i32
      %dma_start3A_151 = arith.constant 0 : i32
      %dma_start3A_152 = tpu.memref_slice %arg7[%dma_start3A_150, %dma_start3A_151] : memref<10112x80xf32, #tpu.memory_space<hbm>> -> memref<10112x80xf32, #tpu.memory_space<hbm>>
      tpu.enqueue_indirect_dma source(%dma_start3A_152 : memref<10112x80xf32, #tpu.memory_space<hbm>>) target(%arg18 : memref<128x80xf32, #tpu.memory_space<vmem>>) offsets(%arg14 : memref<128xi32, #tpu.memory_space<vmem>>) semaphore(%arg25 : memref<!tpu.dma_semaphore, #tpu.memory_space<semaphore_mem>>)
      %dma_start3A_153 = arith.constant 0 : i32
      %dma_start3A_154 = arith.constant 0 : i32
      %dma_start3A_155 = tpu.memref_slice %arg8[%dma_start3A_153, %dma_start3A_154] : memref<10112x80xf32, #tpu.memory_space<hbm>> -> memref<10112x80xf32, #tpu.memory_space<hbm>>
      tpu.enqueue_indirect_dma source(%dma_start3A_155 : memref<10112x80xf32, #tpu.memory_space<hbm>>) target(%arg19 : memref<128x80xf32, #tpu.memory_space<vmem>>) offsets(%arg13 : memref<128xi32, #tpu.memory_space<vmem>>) semaphore(%arg25 : memref<!tpu.dma_semaphore, #tpu.memory_space<semaphore_mem>>)
      %scan3A_156 = arith.constant 0 : i32
      %scan3A_157 = arith.constant 0 : i32
      %scan3A_158 = arith.constant 81 : i32
      %scan3A_159 = arith.addi %scan3A_157, %scan3A_158 : i32
      %scan3A_160 = arith.constant 1 : i32
      scf.for %scan3A_162 = %scan3A_157 to %scan3A_159 step %scan3A_160  : i32 {
        %mul3A_163 = arith.constant 2 : i32
        %mul3A_164 = arith.muli %mul3A_163, %scan3A_162 : i32
        %add3A_165 = arith.constant 1 : i32
        %add3A_166 = arith.addi %mul3A_164, %add3A_165 : i32
        %mul3A_167 = arith.constant 20736 : i32
        %mul3A_168 = arith.muli %arg1, %mul3A_167 : i32
        %mul3A_169 = arith.constant 128 : i32
        %mul3A_170 = arith.muli %add3A_166, %mul3A_169 : i32
        %add3A_171 = arith.addi %mul3A_168, %mul3A_170 : i32
        %multiple_of3A_172 = tpu.assume_multiple %add3A_171, 128 : i32
        "tpu.region"() ({
          %run_scoped3A = tpu.sem_alloc : memref<!tpu.dma_semaphore, #tpu.memory_space<semaphore_mem>>
          %dma_start3A_215 = tpu.memref_slice %arg10[%multiple_of3A_172] : memref<331776xi32, #tpu.memory_space<hbm>> -> memref<128xi32, #tpu.memory_space<hbm>>
          %dma_start3A_216 = tpu.memref_slice %arg10[%multiple_of3A_172] : memref<331776xi32, #tpu.memory_space<hbm>> -> memref<128xi32, #tpu.memory_space<hbm>>
          tpu.enqueue_dma source(%dma_start3A_216 : memref<128xi32, #tpu.memory_space<hbm>>) target(%arg15 : memref<128xi32, #tpu.memory_space<vmem>>) target_semaphore(%run_scoped3A : memref<!tpu.dma_semaphore, #tpu.memory_space<semaphore_mem>>)
          %dma_wait3A_217 = tpu.memref_slice %arg10[%multiple_of3A_172] : memref<331776xi32, #tpu.memory_space<hbm>> -> memref<128xi32, #tpu.memory_space<hbm>>
          %dma_wait3A_218 = tpu.memref_slice %arg10[%multiple_of3A_172] : memref<331776xi32, #tpu.memory_space<hbm>> -> memref<128xi32, #tpu.memory_space<hbm>>
          tpu.wait_dma2 semaphore(%run_scoped3A : memref<!tpu.dma_semaphore, #tpu.memory_space<semaphore_mem>>) src(%dma_wait3A_218 : memref<128xi32, #tpu.memory_space<hbm>>) dst(%arg15 : memref<128xi32, #tpu.memory_space<vmem>>)
          tpu.yield
        }) : () -> ()
        "tpu.region"() ({
          %run_scoped3A = tpu.sem_alloc : memref<!tpu.dma_semaphore, #tpu.memory_space<semaphore_mem>>
          %dma_start3A_215 = tpu.memref_slice %arg11[%multiple_of3A_172] : memref<331776xi32, #tpu.memory_space<hbm>> -> memref<128xi32, #tpu.memory_space<hbm>>
          %dma_start3A_216 = tpu.memref_slice %arg11[%multiple_of3A_172] : memref<331776xi32, #tpu.memory_space<hbm>> -> memref<128xi32, #tpu.memory_space<hbm>>
          tpu.enqueue_dma source(%dma_start3A_216 : memref<128xi32, #tpu.memory_space<hbm>>) target(%arg16 : memref<128xi32, #tpu.memory_space<vmem>>) target_semaphore(%run_scoped3A : memref<!tpu.dma_semaphore, #tpu.memory_space<semaphore_mem>>)
          %dma_wait3A_217 = tpu.memref_slice %arg11[%multiple_of3A_172] : memref<331776xi32, #tpu.memory_space<hbm>> -> memref<128xi32, #tpu.memory_space<hbm>>
          %dma_wait3A_218 = tpu.memref_slice %arg11[%multiple_of3A_172] : memref<331776xi32, #tpu.memory_space<hbm>> -> memref<128xi32, #tpu.memory_space<hbm>>
          tpu.wait_dma2 semaphore(%run_scoped3A : memref<!tpu.dma_semaphore, #tpu.memory_space<semaphore_mem>>) src(%dma_wait3A_218 : memref<128xi32, #tpu.memory_space<hbm>>) dst(%arg16 : memref<128xi32, #tpu.memory_space<vmem>>)
          tpu.yield
        }) : () -> ()
        %dma_start3A_173 = arith.constant 0 : i32
        %dma_start3A_174 = arith.constant 0 : i32
        %dma_start3A_175 = tpu.memref_slice %arg6[%dma_start3A_173, %dma_start3A_174] : memref<10112x80xf32, #tpu.memory_space<hbm>> -> memref<10112x80xf32, #tpu.memory_space<hbm>>
        tpu.enqueue_indirect_dma source(%dma_start3A_175 : memref<10112x80xf32, #tpu.memory_space<hbm>>) target(%arg20 : memref<128x80xf32, #tpu.memory_space<vmem>>) offsets(%arg15 : memref<128xi32, #tpu.memory_space<vmem>>) semaphore(%arg26 : memref<!tpu.dma_semaphore, #tpu.memory_space<semaphore_mem>>)
        %dma_start3A_176 = arith.constant 0 : i32
        %dma_start3A_177 = arith.constant 0 : i32
        %dma_start3A_178 = tpu.memref_slice %arg7[%dma_start3A_176, %dma_start3A_177] : memref<10112x80xf32, #tpu.memory_space<hbm>> -> memref<10112x80xf32, #tpu.memory_space<hbm>>
        tpu.enqueue_indirect_dma source(%dma_start3A_178 : memref<10112x80xf32, #tpu.memory_space<hbm>>) target(%arg21 : memref<128x80xf32, #tpu.memory_space<vmem>>) offsets(%arg16 : memref<128xi32, #tpu.memory_space<vmem>>) semaphore(%arg26 : memref<!tpu.dma_semaphore, #tpu.memory_space<semaphore_mem>>)
        %dma_start3A_179 = arith.constant 0 : i32
        %dma_start3A_180 = arith.constant 0 : i32
        %dma_start3A_181 = tpu.memref_slice %arg8[%dma_start3A_179, %dma_start3A_180] : memref<10112x80xf32, #tpu.memory_space<hbm>> -> memref<10112x80xf32, #tpu.memory_space<hbm>>
        tpu.enqueue_indirect_dma source(%dma_start3A_181 : memref<10112x80xf32, #tpu.memory_space<hbm>>) target(%arg22 : memref<128x80xf32, #tpu.memory_space<vmem>>) offsets(%arg15 : memref<128xi32, #tpu.memory_space<vmem>>) semaphore(%arg26 : memref<!tpu.dma_semaphore, #tpu.memory_space<semaphore_mem>>)
        %dma_wait3A = arith.constant 0 : i32
        %dma_wait3A_182 = arith.constant 0 : i32
        %dma_wait3A_183 = tpu.memref_slice %arg6[%dma_wait3A, %dma_wait3A_182] : memref<10112x80xf32, #tpu.memory_space<hbm>> -> memref<10112x80xf32, #tpu.memory_space<hbm>>
        tpu.wait_indirect_dma semaphore(%arg25 : memref<!tpu.dma_semaphore, #tpu.memory_space<semaphore_mem>>) src(%dma_wait3A_183 : memref<10112x80xf32, #tpu.memory_space<hbm>>) dst(%arg17 : memref<128x80xf32, #tpu.memory_space<vmem>>)
        %dma_wait3A_184 = arith.constant 0 : i32
        %dma_wait3A_185 = arith.constant 0 : i32
        %dma_wait3A_186 = tpu.memref_slice %arg7[%dma_wait3A_184, %dma_wait3A_185] : memref<10112x80xf32, #tpu.memory_space<hbm>> -> memref<10112x80xf32, #tpu.memory_space<hbm>>
        tpu.wait_indirect_dma semaphore(%arg25 : memref<!tpu.dma_semaphore, #tpu.memory_space<semaphore_mem>>) src(%dma_wait3A_186 : memref<10112x80xf32, #tpu.memory_space<hbm>>) dst(%arg18 : memref<128x80xf32, #tpu.memory_space<vmem>>)
        %dma_wait3A_187 = arith.constant 0 : i32
        %dma_wait3A_188 = arith.constant 0 : i32
        %dma_wait3A_189 = tpu.memref_slice %arg8[%dma_wait3A_187, %dma_wait3A_188] : memref<10112x80xf32, #tpu.memory_space<hbm>> -> memref<10112x80xf32, #tpu.memory_space<hbm>>
        tpu.wait_indirect_dma semaphore(%arg25 : memref<!tpu.dma_semaphore, #tpu.memory_space<semaphore_mem>>) src(%dma_wait3A_189 : memref<10112x80xf32, #tpu.memory_space<hbm>>) dst(%arg19 : memref<128x80xf32, #tpu.memory_space<vmem>>)
        %scan3A_190 = arith.constant 0 : i32
        %scan3A_191 = arith.constant 0 : i32
        %scan3A_192 = arith.constant 128 : i32
        %scan3A_193 = arith.addi %scan3A_191, %scan3A_192 : i32
        %scan3A_194 = arith.constant 1 : i32
        scf.for %scan3A_215 = %scan3A_191 to %scan3A_193 step %scan3A_194  : i32 {
          %get3A_216 = arith.index_cast %scan3A_215 : i32 to index
          %get3A_217 = arith.constant 0 : index
          %get3A_218 = tpu.vector_load %arg17[%get3A_216, %get3A_217] {strides = array<i32>} : memref<128x80xf32, #tpu.memory_space<vmem>>, vector<1x16xf32>,
          %get3A_219 = vector.shape_cast %get3A_218 : vector<1x16xf32> to vector<16xf32>
          %get3A_220 = arith.index_cast %scan3A_215 : i32 to index
          %get3A_221 = arith.constant 0 : index
          %get3A_222 = tpu.vector_load %arg18[%get3A_220, %get3A_221] {strides = array<i32>} : memref<128x80xf32, #tpu.memory_space<vmem>>, vector<1x16xf32>,
          %get3A_223 = vector.shape_cast %get3A_222 : vector<1x16xf32> to vector<16xf32>
          %add3A_224 = arith.addf %get3A_219, %get3A_223 : vector<16xf32>
          %mul3A_225 = arith.constant 2.000000e-01 : f32
          %mul3A_226 = vector.broadcast %mul3A_225 : f32 to vector<16xf32>
          %mul3A_227 = arith.mulf %mul3A_226, %add3A_224 : vector<16xf32>
          %max3A = arith.maximumf %add3A_224, %mul3A_227 : vector<16xf32>
          %sub3A = arith.subf %max3A, %get3A_131 : vector<16xf32>
          %exp3A = math.exp %sub3A : vector<16xf32>
          %get3A_228 = arith.index_cast %scan3A_215 : i32 to index
          %get3A_229 = arith.constant 0 : index
          %get3A_230 = tpu.vector_load %arg19[%get3A_228, %get3A_229] {strides = array<i32>} : memref<128x80xf32, #tpu.memory_space<vmem>>, vector<1x16xf32>,
          %get3A_231 = vector.shape_cast %get3A_230 : vector<1x16xf32> to vector<16xf32>
          %mul3A_232 = arith.mulf %get3A_231, %exp3A : vector<16xf32>
          %swap3A = arith.index_cast %scan3A_215 : i32 to index
          %swap3A_233 = arith.constant 0 : index
          %swap3A_234 = tpu.vector_load %arg19[%swap3A, %swap3A_233] {strides = array<i32>} : memref<128x80xf32, #tpu.memory_space<vmem>>, vector<1x16xf32>,
          %swap3A_235 = vector.shape_cast %swap3A_234 : vector<1x16xf32> to vector<16xf32>
          %swap3A_236 = vector.shape_cast %mul3A_232 : vector<16xf32> to vector<1x16xf32>
          tpu.vector_store %arg19[%swap3A, %swap3A_233], %swap3A_236 {strides = array<i32>} : memref<128x80xf32, #tpu.memory_space<vmem>>, vector<1x16xf32>,
          %get3A_237 = arith.index_cast %scan3A_215 : i32 to index
          %get3A_238 = arith.constant 16 : index
          %get3A_239 = tpu.vector_load %arg17[%get3A_237, %get3A_238] {strides = array<i32>} : memref<128x80xf32, #tpu.memory_space<vmem>>, vector<1x16xf32>,
          %get3A_240 = vector.shape_cast %get3A_239 : vector<1x16xf32> to vector<16xf32>
          %get3A_241 = arith.index_cast %scan3A_215 : i32 to index
          %get3A_242 = arith.constant 16 : index
          %get3A_243 = tpu.vector_load %arg18[%get3A_241, %get3A_242] {strides = array<i32>} : memref<128x80xf32, #tpu.memory_space<vmem>>, vector<1x16xf32>,
          %get3A_244 = vector.shape_cast %get3A_243 : vector<1x16xf32> to vector<16xf32>
          %add3A_245 = arith.addf %get3A_240, %get3A_244 : vector<16xf32>
          %mul3A_246 = arith.constant 2.000000e-01 : f32
          %mul3A_247 = vector.broadcast %mul3A_246 : f32 to vector<16xf32>
          %mul3A_248 = arith.mulf %mul3A_247, %add3A_245 : vector<16xf32>
          %max3A_249 = arith.maximumf %add3A_245, %mul3A_248 : vector<16xf32>
          %sub3A_250 = arith.subf %max3A_249, %get3A_134 : vector<16xf32>
          %exp3A_251 = math.exp %sub3A_250 : vector<16xf32>
          %get3A_252 = arith.index_cast %scan3A_215 : i32 to index
          %get3A_253 = arith.constant 16 : index
          %get3A_254 = tpu.vector_load %arg19[%get3A_252, %get3A_253] {strides = array<i32>} : memref<128x80xf32, #tpu.memory_space<vmem>>, vector<1x16xf32>,
          %get3A_255 = vector.shape_cast %get3A_254 : vector<1x16xf32> to vector<16xf32>
          %mul3A_256 = arith.mulf %get3A_255, %exp3A_251 : vector<16xf32>
          %swap3A_257 = arith.index_cast %scan3A_215 : i32 to index
          %swap3A_258 = arith.constant 16 : index
          %swap3A_259 = tpu.vector_load %arg19[%swap3A_257, %swap3A_258] {strides = array<i32>} : memref<128x80xf32, #tpu.memory_space<vmem>>, vector<1x16xf32>,
          %swap3A_260 = vector.shape_cast %swap3A_259 : vector<1x16xf32> to vector<16xf32>
          %swap3A_261 = vector.shape_cast %mul3A_256 : vector<16xf32> to vector<1x16xf32>
          tpu.vector_store %arg19[%swap3A_257, %swap3A_258], %swap3A_261 {strides = array<i32>} : memref<128x80xf32, #tpu.memory_space<vmem>>, vector<1x16xf32>,
          %get3A_262 = arith.index_cast %scan3A_215 : i32 to index
          %get3A_263 = arith.constant 32 : index
          %get3A_264 = tpu.vector_load %arg17[%get3A_262, %get3A_263] {strides = array<i32>} : memref<128x80xf32, #tpu.memory_space<vmem>>, vector<1x16xf32>,
          %get3A_265 = vector.shape_cast %get3A_264 : vector<1x16xf32> to vector<16xf32>
          %get3A_266 = arith.index_cast %scan3A_215 : i32 to index
          %get3A_267 = arith.constant 32 : index
          %get3A_268 = tpu.vector_load %arg18[%get3A_266, %get3A_267] {strides = array<i32>} : memref<128x80xf32, #tpu.memory_space<vmem>>, vector<1x16xf32>,
          %get3A_269 = vector.shape_cast %get3A_268 : vector<1x16xf32> to vector<16xf32>
          %add3A_270 = arith.addf %get3A_265, %get3A_269 : vector<16xf32>
          %mul3A_271 = arith.constant 2.000000e-01 : f32
          %mul3A_272 = vector.broadcast %mul3A_271 : f32 to vector<16xf32>
          %mul3A_273 = arith.mulf %mul3A_272, %add3A_270 : vector<16xf32>
          %max3A_274 = arith.maximumf %add3A_270, %mul3A_273 : vector<16xf32>
          %sub3A_275 = arith.subf %max3A_274, %get3A_137 : vector<16xf32>
          %exp3A_276 = math.exp %sub3A_275 : vector<16xf32>
          %get3A_277 = arith.index_cast %scan3A_215 : i32 to index
          %get3A_278 = arith.constant 32 : index
          %get3A_279 = tpu.vector_load %arg19[%get3A_277, %get3A_278] {strides = array<i32>} : memref<128x80xf32, #tpu.memory_space<vmem>>, vector<1x16xf32>,
          %get3A_280 = vector.shape_cast %get3A_279 : vector<1x16xf32> to vector<16xf32>
          %mul3A_281 = arith.mulf %get3A_280, %exp3A_276 : vector<16xf32>
          %swap3A_282 = arith.index_cast %scan3A_215 : i32 to index
          %swap3A_283 = arith.constant 32 : index
          %swap3A_284 = tpu.vector_load %arg19[%swap3A_282, %swap3A_283] {strides = array<i32>} : memref<128x80xf32, #tpu.memory_space<vmem>>, vector<1x16xf32>,
          %swap3A_285 = vector.shape_cast %swap3A_284 : vector<1x16xf32> to vector<16xf32>
          %swap3A_286 = vector.shape_cast %mul3A_281 : vector<16xf32> to vector<1x16xf32>
          tpu.vector_store %arg19[%swap3A_282, %swap3A_283], %swap3A_286 {strides = array<i32>} : memref<128x80xf32, #tpu.memory_space<vmem>>, vector<1x16xf32>,
          %get3A_287 = arith.index_cast %scan3A_215 : i32 to index
          %get3A_288 = arith.constant 48 : index
          %get3A_289 = tpu.vector_load %arg17[%get3A_287, %get3A_288] {strides = array<i32>} : memref<128x80xf32, #tpu.memory_space<vmem>>, vector<1x16xf32>,
          %get3A_290 = vector.shape_cast %get3A_289 : vector<1x16xf32> to vector<16xf32>
          %get3A_291 = arith.index_cast %scan3A_215 : i32 to index
          %get3A_292 = arith.constant 48 : index
          %get3A_293 = tpu.vector_load %arg18[%get3A_291, %get3A_292] {strides = array<i32>} : memref<128x80xf32, #tpu.memory_space<vmem>>, vector<1x16xf32>,
          %get3A_294 = vector.shape_cast %get3A_293 : vector<1x16xf32> to vector<16xf32>
          %add3A_295 = arith.addf %get3A_290, %get3A_294 : vector<16xf32>
          %mul3A_296 = arith.constant 2.000000e-01 : f32
          %mul3A_297 = vector.broadcast %mul3A_296 : f32 to vector<16xf32>
          %mul3A_298 = arith.mulf %mul3A_297, %add3A_295 : vector<16xf32>
          %max3A_299 = arith.maximumf %add3A_295, %mul3A_298 : vector<16xf32>
          %sub3A_300 = arith.subf %max3A_299, %get3A_140 : vector<16xf32>
          %exp3A_301 = math.exp %sub3A_300 : vector<16xf32>
          %get3A_302 = arith.index_cast %scan3A_215 : i32 to index
          %get3A_303 = arith.constant 48 : index
          %get3A_304 = tpu.vector_load %arg19[%get3A_302, %get3A_303] {strides = array<i32>} : memref<128x80xf32, #tpu.memory_space<vmem>>, vector<1x16xf32>,
          %get3A_305 = vector.shape_cast %get3A_304 : vector<1x16xf32> to vector<16xf32>
          %mul3A_306 = arith.mulf %get3A_305, %exp3A_301 : vector<16xf32>
          %swap3A_307 = arith.index_cast %scan3A_215 : i32 to index
          %swap3A_308 = arith.constant 48 : index
          %swap3A_309 = tpu.vector_load %arg19[%swap3A_307, %swap3A_308] {strides = array<i32>} : memref<128x80xf32, #tpu.memory_space<vmem>>, vector<1x16xf32>,
          %swap3A_310 = vector.shape_cast %swap3A_309 : vector<1x16xf32> to vector<16xf32>
          %swap3A_311 = vector.shape_cast %mul3A_306 : vector<16xf32> to vector<1x16xf32>
          tpu.vector_store %arg19[%swap3A_307, %swap3A_308], %swap3A_311 {strides = array<i32>} : memref<128x80xf32, #tpu.memory_space<vmem>>, vector<1x16xf32>,
          %get3A_312 = arith.index_cast %scan3A_215 : i32 to index
          %get3A_313 = arith.constant 64 : index
          %get3A_314 = tpu.vector_load %arg17[%get3A_312, %get3A_313] {strides = array<i32>} : memref<128x80xf32, #tpu.memory_space<vmem>>, vector<1x16xf32>,
          %get3A_315 = vector.shape_cast %get3A_314 : vector<1x16xf32> to vector<16xf32>
          %get3A_316 = arith.index_cast %scan3A_215 : i32 to index
          %get3A_317 = arith.constant 64 : index
          %get3A_318 = tpu.vector_load %arg18[%get3A_316, %get3A_317] {strides = array<i32>} : memref<128x80xf32, #tpu.memory_space<vmem>>, vector<1x16xf32>,
          %get3A_319 = vector.shape_cast %get3A_318 : vector<1x16xf32> to vector<16xf32>
          %add3A_320 = arith.addf %get3A_315, %get3A_319 : vector<16xf32>
          %mul3A_321 = arith.constant 2.000000e-01 : f32
          %mul3A_322 = vector.broadcast %mul3A_321 : f32 to vector<16xf32>
          %mul3A_323 = arith.mulf %mul3A_322, %add3A_320 : vector<16xf32>
          %max3A_324 = arith.maximumf %add3A_320, %mul3A_323 : vector<16xf32>
          %sub3A_325 = arith.subf %max3A_324, %get3A_143 : vector<16xf32>
          %exp3A_326 = math.exp %sub3A_325 : vector<16xf32>
          %get3A_327 = arith.index_cast %scan3A_215 : i32 to index
          %get3A_328 = arith.constant 64 : index
          %get3A_329 = tpu.vector_load %arg19[%get3A_327, %get3A_328] {strides = array<i32>} : memref<128x80xf32, #tpu.memory_space<vmem>>, vector<1x16xf32>,
          %get3A_330 = vector.shape_cast %get3A_329 : vector<1x16xf32> to vector<16xf32>
          %mul3A_331 = arith.mulf %get3A_330, %exp3A_326 : vector<16xf32>
          %swap3A_332 = arith.index_cast %scan3A_215 : i32 to index
          %swap3A_333 = arith.constant 64 : index
          %swap3A_334 = tpu.vector_load %arg19[%swap3A_332, %swap3A_333] {strides = array<i32>} : memref<128x80xf32, #tpu.memory_space<vmem>>, vector<1x16xf32>,
          %swap3A_335 = vector.shape_cast %swap3A_334 : vector<1x16xf32> to vector<16xf32>
          %swap3A_336 = vector.shape_cast %mul3A_331 : vector<16xf32> to vector<1x16xf32>
          tpu.vector_store %arg19[%swap3A_332, %swap3A_333], %swap3A_336 {strides = array<i32>} : memref<128x80xf32, #tpu.memory_space<vmem>>, vector<1x16xf32>,
        }
        %scan3A_195 = arith.constant 128 : i32
        "tpu.region"() ({
          %run_scoped3A = tpu.sem_alloc : memref<!tpu.dma_semaphore, #tpu.memory_space<semaphore_mem>>
          %dma_start3A_215 = arith.constant 0 : i32
          %dma_start3A_216 = arith.constant 0 : i32
          %dma_start3A_217 = tpu.memref_slice %arg24[%dma_start3A_215, %dma_start3A_216] : memref<10112x80xf32, #tpu.memory_space<vmem_shared>> -> memref<10112x80xf32, #tpu.memory_space<vmem_shared>>
          tpu.enqueue_indirect_dma source(%arg19 : memref<128x80xf32, #tpu.memory_space<vmem>>) target(%dma_start3A_217 : memref<10112x80xf32, #tpu.memory_space<vmem_shared>>) offsets(%arg14 : memref<128xi32, #tpu.memory_space<vmem>>) semaphore(%run_scoped3A : memref<!tpu.dma_semaphore, #tpu.memory_space<semaphore_mem>>) {add = true}
          %dma_wait3A_218 = arith.constant 0 : i32
          %dma_wait3A_219 = arith.constant 0 : i32
          %dma_wait3A_220 = tpu.memref_slice %arg24[%dma_wait3A_218, %dma_wait3A_219] : memref<10112x80xf32, #tpu.memory_space<vmem_shared>> -> memref<10112x80xf32, #tpu.memory_space<vmem_shared>>
          tpu.wait_indirect_dma semaphore(%run_scoped3A : memref<!tpu.dma_semaphore, #tpu.memory_space<semaphore_mem>>) src(%arg19 : memref<128x80xf32, #tpu.memory_space<vmem>>) dst(%dma_wait3A_220 : memref<10112x80xf32, #tpu.memory_space<vmem_shared>>)
          tpu.yield
        }) : () -> ()
        %lt3A = arith.constant 80 : i32
        %lt3A_196 = arith.cmpi slt, %scan3A_162, %lt3A : i32
        %convert_element_type3A_197 = arith.extui %lt3A_196 : i1 to i32
        %cond3A_198 = arith.constant 0 : i32
        %cond3A_199 = arith.cmpi ne, %convert_element_type3A_197, %cond3A_198 : i32
        scf.if %cond3A_199 {
          %mul3A_215 = arith.constant 2 : i32
          %mul3A_216 = arith.muli %mul3A_215, %scan3A_162 : i32
          %add3A_217 = arith.constant 2 : i32
          %add3A_218 = arith.addi %mul3A_216, %add3A_217 : i32
          %mul3A_219 = arith.constant 20736 : i32
          %mul3A_220 = arith.muli %arg1, %mul3A_219 : i32
          %mul3A_221 = arith.constant 128 : i32
          %mul3A_222 = arith.muli %add3A_218, %mul3A_221 : i32
          %add3A_223 = arith.addi %mul3A_220, %mul3A_222 : i32
          %multiple_of3A_224 = tpu.assume_multiple %add3A_223, 128 : i32
          "tpu.region"() ({
            %run_scoped3A = tpu.sem_alloc : memref<!tpu.dma_semaphore, #tpu.memory_space<semaphore_mem>>
            %dma_start3A_234 = tpu.memref_slice %arg10[%multiple_of3A_224] : memref<331776xi32, #tpu.memory_space<hbm>> -> memref<128xi32, #tpu.memory_space<hbm>>
            %dma_start3A_235 = tpu.memref_slice %arg10[%multiple_of3A_224] : memref<331776xi32, #tpu.memory_space<hbm>> -> memref<128xi32, #tpu.memory_space<hbm>>
            tpu.enqueue_dma source(%dma_start3A_235 : memref<128xi32, #tpu.memory_space<hbm>>) target(%arg13 : memref<128xi32, #tpu.memory_space<vmem>>) target_semaphore(%run_scoped3A : memref<!tpu.dma_semaphore, #tpu.memory_space<semaphore_mem>>)
            %dma_wait3A_236 = tpu.memref_slice %arg10[%multiple_of3A_224] : memref<331776xi32, #tpu.memory_space<hbm>> -> memref<128xi32, #tpu.memory_space<hbm>>
            %dma_wait3A_237 = tpu.memref_slice %arg10[%multiple_of3A_224] : memref<331776xi32, #tpu.memory_space<hbm>> -> memref<128xi32, #tpu.memory_space<hbm>>
            tpu.wait_dma2 semaphore(%run_scoped3A : memref<!tpu.dma_semaphore, #tpu.memory_space<semaphore_mem>>) src(%dma_wait3A_237 : memref<128xi32, #tpu.memory_space<hbm>>) dst(%arg13 : memref<128xi32, #tpu.memory_space<vmem>>)
            tpu.yield
          }) : () -> ()
          "tpu.region"() ({
            %run_scoped3A = tpu.sem_alloc : memref<!tpu.dma_semaphore, #tpu.memory_space<semaphore_mem>>
            %dma_start3A_234 = tpu.memref_slice %arg11[%multiple_of3A_224] : memref<331776xi32, #tpu.memory_space<hbm>> -> memref<128xi32, #tpu.memory_space<hbm>>
            %dma_start3A_235 = tpu.memref_slice %arg11[%multiple_of3A_224] : memref<331776xi32, #tpu.memory_space<hbm>> -> memref<128xi32, #tpu.memory_space<hbm>>
            tpu.enqueue_dma source(%dma_start3A_235 : memref<128xi32, #tpu.memory_space<hbm>>) target(%arg14 : memref<128xi32, #tpu.memory_space<vmem>>) target_semaphore(%run_scoped3A : memref<!tpu.dma_semaphore, #tpu.memory_space<semaphore_mem>>)
            %dma_wait3A_236 = tpu.memref_slice %arg11[%multiple_of3A_224] : memref<331776xi32, #tpu.memory_space<hbm>> -> memref<128xi32, #tpu.memory_space<hbm>>
            %dma_wait3A_237 = tpu.memref_slice %arg11[%multiple_of3A_224] : memref<331776xi32, #tpu.memory_space<hbm>> -> memref<128xi32, #tpu.memory_space<hbm>>
            tpu.wait_dma2 semaphore(%run_scoped3A : memref<!tpu.dma_semaphore, #tpu.memory_space<semaphore_mem>>) src(%dma_wait3A_237 : memref<128xi32, #tpu.memory_space<hbm>>) dst(%arg14 : memref<128xi32, #tpu.memory_space<vmem>>)
            tpu.yield
          }) : () -> ()
          %dma_start3A_225 = arith.constant 0 : i32
          %dma_start3A_226 = arith.constant 0 : i32
          %dma_start3A_227 = tpu.memref_slice %arg6[%dma_start3A_225, %dma_start3A_226] : memref<10112x80xf32, #tpu.memory_space<hbm>> -> memref<10112x80xf32, #tpu.memory_space<hbm>>
          tpu.enqueue_indirect_dma source(%dma_start3A_227 : memref<10112x80xf32, #tpu.memory_space<hbm>>) target(%arg17 : memref<128x80xf32, #tpu.memory_space<vmem>>) offsets(%arg13 : memref<128xi32, #tpu.memory_space<vmem>>) semaphore(%arg25 : memref<!tpu.dma_semaphore, #tpu.memory_space<semaphore_mem>>)
          %dma_start3A_228 = arith.constant 0 : i32
          %dma_start3A_229 = arith.constant 0 : i32
          %dma_start3A_230 = tpu.memref_slice %arg7[%dma_start3A_228, %dma_start3A_229] : memref<10112x80xf32, #tpu.memory_space<hbm>> -> memref<10112x80xf32, #tpu.memory_space<hbm>>
          tpu.enqueue_indirect_dma source(%dma_start3A_230 : memref<10112x80xf32, #tpu.memory_space<hbm>>) target(%arg18 : memref<128x80xf32, #tpu.memory_space<vmem>>) offsets(%arg14 : memref<128xi32, #tpu.memory_space<vmem>>) semaphore(%arg25 : memref<!tpu.dma_semaphore, #tpu.memory_space<semaphore_mem>>)
          %dma_start3A_231 = arith.constant 0 : i32
          %dma_start3A_232 = arith.constant 0 : i32
          %dma_start3A_233 = tpu.memref_slice %arg8[%dma_start3A_231, %dma_start3A_232] : memref<10112x80xf32, #tpu.memory_space<hbm>> -> memref<10112x80xf32, #tpu.memory_space<hbm>>
          tpu.enqueue_indirect_dma source(%dma_start3A_233 : memref<10112x80xf32, #tpu.memory_space<hbm>>) target(%arg19 : memref<128x80xf32, #tpu.memory_space<vmem>>) offsets(%arg13 : memref<128xi32, #tpu.memory_space<vmem>>) semaphore(%arg25 : memref<!tpu.dma_semaphore, #tpu.memory_space<semaphore_mem>>)
        } else {
        }
        %dma_wait3A_200 = arith.constant 0 : i32
        %dma_wait3A_201 = arith.constant 0 : i32
        %dma_wait3A_202 = tpu.memref_slice %arg6[%dma_wait3A_200, %dma_wait3A_201] : memref<10112x80xf32, #tpu.memory_space<hbm>> -> memref<10112x80xf32, #tpu.memory_space<hbm>>
        tpu.wait_indirect_dma semaphore(%arg26 : memref<!tpu.dma_semaphore, #tpu.memory_space<semaphore_mem>>) src(%dma_wait3A_202 : memref<10112x80xf32, #tpu.memory_space<hbm>>) dst(%arg20 : memref<128x80xf32, #tpu.memory_space<vmem>>)
        %dma_wait3A_203 = arith.constant 0 : i32
        %dma_wait3A_204 = arith.constant 0 : i32
        %dma_wait3A_205 = tpu.memref_slice %arg7[%dma_wait3A_203, %dma_wait3A_204] : memref<10112x80xf32, #tpu.memory_space<hbm>> -> memref<10112x80xf32, #tpu.memory_space<hbm>>
        tpu.wait_indirect_dma semaphore(%arg26 : memref<!tpu.dma_semaphore, #tpu.memory_space<semaphore_mem>>) src(%dma_wait3A_205 : memref<10112x80xf32, #tpu.memory_space<hbm>>) dst(%arg21 : memref<128x80xf32, #tpu.memory_space<vmem>>)
        %dma_wait3A_206 = arith.constant 0 : i32
        %dma_wait3A_207 = arith.constant 0 : i32
        %dma_wait3A_208 = tpu.memref_slice %arg8[%dma_wait3A_206, %dma_wait3A_207] : memref<10112x80xf32, #tpu.memory_space<hbm>> -> memref<10112x80xf32, #tpu.memory_space<hbm>>
        tpu.wait_indirect_dma semaphore(%arg26 : memref<!tpu.dma_semaphore, #tpu.memory_space<semaphore_mem>>) src(%dma_wait3A_208 : memref<10112x80xf32, #tpu.memory_space<hbm>>) dst(%arg22 : memref<128x80xf32, #tpu.memory_space<vmem>>)
        %scan3A_209 = arith.constant 0 : i32
        %scan3A_210 = arith.constant 0 : i32
        %scan3A_211 = arith.constant 128 : i32
        %scan3A_212 = arith.addi %scan3A_210, %scan3A_211 : i32
        %scan3A_213 = arith.constant 1 : i32
        scf.for %scan3A_215 = %scan3A_210 to %scan3A_212 step %scan3A_213  : i32 {
          %get3A_216 = arith.index_cast %scan3A_215 : i32 to index
          %get3A_217 = arith.constant 0 : index
          %get3A_218 = tpu.vector_load %arg20[%get3A_216, %get3A_217] {strides = array<i32>} : memref<128x80xf32, #tpu.memory_space<vmem>>, vector<1x16xf32>,
          %get3A_219 = vector.shape_cast %get3A_218 : vector<1x16xf32> to vector<16xf32>
          %get3A_220 = arith.index_cast %scan3A_215 : i32 to index
          %get3A_221 = arith.constant 0 : index
          %get3A_222 = tpu.vector_load %arg21[%get3A_220, %get3A_221] {strides = array<i32>} : memref<128x80xf32, #tpu.memory_space<vmem>>, vector<1x16xf32>,
          %get3A_223 = vector.shape_cast %get3A_222 : vector<1x16xf32> to vector<16xf32>
          %add3A_224 = arith.addf %get3A_219, %get3A_223 : vector<16xf32>
          %mul3A_225 = arith.constant 2.000000e-01 : f32
          %mul3A_226 = vector.broadcast %mul3A_225 : f32 to vector<16xf32>
          %mul3A_227 = arith.mulf %mul3A_226, %add3A_224 : vector<16xf32>
          %max3A = arith.maximumf %add3A_224, %mul3A_227 : vector<16xf32>
          %sub3A = arith.subf %max3A, %get3A_131 : vector<16xf32>
          %exp3A = math.exp %sub3A : vector<16xf32>
          %get3A_228 = arith.index_cast %scan3A_215 : i32 to index
          %get3A_229 = arith.constant 0 : index
          %get3A_230 = tpu.vector_load %arg22[%get3A_228, %get3A_229] {strides = array<i32>} : memref<128x80xf32, #tpu.memory_space<vmem>>, vector<1x16xf32>,
          %get3A_231 = vector.shape_cast %get3A_230 : vector<1x16xf32> to vector<16xf32>
          %mul3A_232 = arith.mulf %get3A_231, %exp3A : vector<16xf32>
          %swap3A = arith.index_cast %scan3A_215 : i32 to index
          %swap3A_233 = arith.constant 0 : index
          %swap3A_234 = tpu.vector_load %arg22[%swap3A, %swap3A_233] {strides = array<i32>} : memref<128x80xf32, #tpu.memory_space<vmem>>, vector<1x16xf32>,
          %swap3A_235 = vector.shape_cast %swap3A_234 : vector<1x16xf32> to vector<16xf32>
          %swap3A_236 = vector.shape_cast %mul3A_232 : vector<16xf32> to vector<1x16xf32>
          tpu.vector_store %arg22[%swap3A, %swap3A_233], %swap3A_236 {strides = array<i32>} : memref<128x80xf32, #tpu.memory_space<vmem>>, vector<1x16xf32>,
          %get3A_237 = arith.index_cast %scan3A_215 : i32 to index
          %get3A_238 = arith.constant 16 : index
          %get3A_239 = tpu.vector_load %arg20[%get3A_237, %get3A_238] {strides = array<i32>} : memref<128x80xf32, #tpu.memory_space<vmem>>, vector<1x16xf32>,
          %get3A_240 = vector.shape_cast %get3A_239 : vector<1x16xf32> to vector<16xf32>
          %get3A_241 = arith.index_cast %scan3A_215 : i32 to index
          %get3A_242 = arith.constant 16 : index
          %get3A_243 = tpu.vector_load %arg21[%get3A_241, %get3A_242] {strides = array<i32>} : memref<128x80xf32, #tpu.memory_space<vmem>>, vector<1x16xf32>,
          %get3A_244 = vector.shape_cast %get3A_243 : vector<1x16xf32> to vector<16xf32>
          %add3A_245 = arith.addf %get3A_240, %get3A_244 : vector<16xf32>
          %mul3A_246 = arith.constant 2.000000e-01 : f32
          %mul3A_247 = vector.broadcast %mul3A_246 : f32 to vector<16xf32>
          %mul3A_248 = arith.mulf %mul3A_247, %add3A_245 : vector<16xf32>
          %max3A_249 = arith.maximumf %add3A_245, %mul3A_248 : vector<16xf32>
          %sub3A_250 = arith.subf %max3A_249, %get3A_134 : vector<16xf32>
          %exp3A_251 = math.exp %sub3A_250 : vector<16xf32>
          %get3A_252 = arith.index_cast %scan3A_215 : i32 to index
          %get3A_253 = arith.constant 16 : index
          %get3A_254 = tpu.vector_load %arg22[%get3A_252, %get3A_253] {strides = array<i32>} : memref<128x80xf32, #tpu.memory_space<vmem>>, vector<1x16xf32>,
          %get3A_255 = vector.shape_cast %get3A_254 : vector<1x16xf32> to vector<16xf32>
          %mul3A_256 = arith.mulf %get3A_255, %exp3A_251 : vector<16xf32>
          %swap3A_257 = arith.index_cast %scan3A_215 : i32 to index
          %swap3A_258 = arith.constant 16 : index
          %swap3A_259 = tpu.vector_load %arg22[%swap3A_257, %swap3A_258] {strides = array<i32>} : memref<128x80xf32, #tpu.memory_space<vmem>>, vector<1x16xf32>,
          %swap3A_260 = vector.shape_cast %swap3A_259 : vector<1x16xf32> to vector<16xf32>
          %swap3A_261 = vector.shape_cast %mul3A_256 : vector<16xf32> to vector<1x16xf32>
          tpu.vector_store %arg22[%swap3A_257, %swap3A_258], %swap3A_261 {strides = array<i32>} : memref<128x80xf32, #tpu.memory_space<vmem>>, vector<1x16xf32>,
          %get3A_262 = arith.index_cast %scan3A_215 : i32 to index
          %get3A_263 = arith.constant 32 : index
          %get3A_264 = tpu.vector_load %arg20[%get3A_262, %get3A_263] {strides = array<i32>} : memref<128x80xf32, #tpu.memory_space<vmem>>, vector<1x16xf32>,
          %get3A_265 = vector.shape_cast %get3A_264 : vector<1x16xf32> to vector<16xf32>
          %get3A_266 = arith.index_cast %scan3A_215 : i32 to index
          %get3A_267 = arith.constant 32 : index
          %get3A_268 = tpu.vector_load %arg21[%get3A_266, %get3A_267] {strides = array<i32>} : memref<128x80xf32, #tpu.memory_space<vmem>>, vector<1x16xf32>,
          %get3A_269 = vector.shape_cast %get3A_268 : vector<1x16xf32> to vector<16xf32>
          %add3A_270 = arith.addf %get3A_265, %get3A_269 : vector<16xf32>
          %mul3A_271 = arith.constant 2.000000e-01 : f32
          %mul3A_272 = vector.broadcast %mul3A_271 : f32 to vector<16xf32>
          %mul3A_273 = arith.mulf %mul3A_272, %add3A_270 : vector<16xf32>
          %max3A_274 = arith.maximumf %add3A_270, %mul3A_273 : vector<16xf32>
          %sub3A_275 = arith.subf %max3A_274, %get3A_137 : vector<16xf32>
          %exp3A_276 = math.exp %sub3A_275 : vector<16xf32>
          %get3A_277 = arith.index_cast %scan3A_215 : i32 to index
          %get3A_278 = arith.constant 32 : index
          %get3A_279 = tpu.vector_load %arg22[%get3A_277, %get3A_278] {strides = array<i32>} : memref<128x80xf32, #tpu.memory_space<vmem>>, vector<1x16xf32>,
          %get3A_280 = vector.shape_cast %get3A_279 : vector<1x16xf32> to vector<16xf32>
          %mul3A_281 = arith.mulf %get3A_280, %exp3A_276 : vector<16xf32>
          %swap3A_282 = arith.index_cast %scan3A_215 : i32 to index
          %swap3A_283 = arith.constant 32 : index
          %swap3A_284 = tpu.vector_load %arg22[%swap3A_282, %swap3A_283] {strides = array<i32>} : memref<128x80xf32, #tpu.memory_space<vmem>>, vector<1x16xf32>,
          %swap3A_285 = vector.shape_cast %swap3A_284 : vector<1x16xf32> to vector<16xf32>
          %swap3A_286 = vector.shape_cast %mul3A_281 : vector<16xf32> to vector<1x16xf32>
          tpu.vector_store %arg22[%swap3A_282, %swap3A_283], %swap3A_286 {strides = array<i32>} : memref<128x80xf32, #tpu.memory_space<vmem>>, vector<1x16xf32>,
          %get3A_287 = arith.index_cast %scan3A_215 : i32 to index
          %get3A_288 = arith.constant 48 : index
          %get3A_289 = tpu.vector_load %arg20[%get3A_287, %get3A_288] {strides = array<i32>} : memref<128x80xf32, #tpu.memory_space<vmem>>, vector<1x16xf32>,
          %get3A_290 = vector.shape_cast %get3A_289 : vector<1x16xf32> to vector<16xf32>
          %get3A_291 = arith.index_cast %scan3A_215 : i32 to index
          %get3A_292 = arith.constant 48 : index
          %get3A_293 = tpu.vector_load %arg21[%get3A_291, %get3A_292] {strides = array<i32>} : memref<128x80xf32, #tpu.memory_space<vmem>>, vector<1x16xf32>,
          %get3A_294 = vector.shape_cast %get3A_293 : vector<1x16xf32> to vector<16xf32>
          %add3A_295 = arith.addf %get3A_290, %get3A_294 : vector<16xf32>
          %mul3A_296 = arith.constant 2.000000e-01 : f32
          %mul3A_297 = vector.broadcast %mul3A_296 : f32 to vector<16xf32>
          %mul3A_298 = arith.mulf %mul3A_297, %add3A_295 : vector<16xf32>
          %max3A_299 = arith.maximumf %add3A_295, %mul3A_298 : vector<16xf32>
          %sub3A_300 = arith.subf %max3A_299, %get3A_140 : vector<16xf32>
          %exp3A_301 = math.exp %sub3A_300 : vector<16xf32>
          %get3A_302 = arith.index_cast %scan3A_215 : i32 to index
          %get3A_303 = arith.constant 48 : index
          %get3A_304 = tpu.vector_load %arg22[%get3A_302, %get3A_303] {strides = array<i32>} : memref<128x80xf32, #tpu.memory_space<vmem>>, vector<1x16xf32>,
          %get3A_305 = vector.shape_cast %get3A_304 : vector<1x16xf32> to vector<16xf32>
          %mul3A_306 = arith.mulf %get3A_305, %exp3A_301 : vector<16xf32>
          %swap3A_307 = arith.index_cast %scan3A_215 : i32 to index
          %swap3A_308 = arith.constant 48 : index
          %swap3A_309 = tpu.vector_load %arg22[%swap3A_307, %swap3A_308] {strides = array<i32>} : memref<128x80xf32, #tpu.memory_space<vmem>>, vector<1x16xf32>,
          %swap3A_310 = vector.shape_cast %swap3A_309 : vector<1x16xf32> to vector<16xf32>
          %swap3A_311 = vector.shape_cast %mul3A_306 : vector<16xf32> to vector<1x16xf32>
          tpu.vector_store %arg22[%swap3A_307, %swap3A_308], %swap3A_311 {strides = array<i32>} : memref<128x80xf32, #tpu.memory_space<vmem>>, vector<1x16xf32>,
          %get3A_312 = arith.index_cast %scan3A_215 : i32 to index
          %get3A_313 = arith.constant 64 : index
          %get3A_314 = tpu.vector_load %arg20[%get3A_312, %get3A_313] {strides = array<i32>} : memref<128x80xf32, #tpu.memory_space<vmem>>, vector<1x16xf32>,
          %get3A_315 = vector.shape_cast %get3A_314 : vector<1x16xf32> to vector<16xf32>
          %get3A_316 = arith.index_cast %scan3A_215 : i32 to index
          %get3A_317 = arith.constant 64 : index
          %get3A_318 = tpu.vector_load %arg21[%get3A_316, %get3A_317] {strides = array<i32>} : memref<128x80xf32, #tpu.memory_space<vmem>>, vector<1x16xf32>,
          %get3A_319 = vector.shape_cast %get3A_318 : vector<1x16xf32> to vector<16xf32>
          %add3A_320 = arith.addf %get3A_315, %get3A_319 : vector<16xf32>
          %mul3A_321 = arith.constant 2.000000e-01 : f32
          %mul3A_322 = vector.broadcast %mul3A_321 : f32 to vector<16xf32>
          %mul3A_323 = arith.mulf %mul3A_322, %add3A_320 : vector<16xf32>
          %max3A_324 = arith.maximumf %add3A_320, %mul3A_323 : vector<16xf32>
          %sub3A_325 = arith.subf %max3A_324, %get3A_143 : vector<16xf32>
          %exp3A_326 = math.exp %sub3A_325 : vector<16xf32>
          %get3A_327 = arith.index_cast %scan3A_215 : i32 to index
          %get3A_328 = arith.constant 64 : index
          %get3A_329 = tpu.vector_load %arg22[%get3A_327, %get3A_328] {strides = array<i32>} : memref<128x80xf32, #tpu.memory_space<vmem>>, vector<1x16xf32>,
          %get3A_330 = vector.shape_cast %get3A_329 : vector<1x16xf32> to vector<16xf32>
          %mul3A_331 = arith.mulf %get3A_330, %exp3A_326 : vector<16xf32>
          %swap3A_332 = arith.index_cast %scan3A_215 : i32 to index
          %swap3A_333 = arith.constant 64 : index
          %swap3A_334 = tpu.vector_load %arg22[%swap3A_332, %swap3A_333] {strides = array<i32>} : memref<128x80xf32, #tpu.memory_space<vmem>>, vector<1x16xf32>,
          %swap3A_335 = vector.shape_cast %swap3A_334 : vector<1x16xf32> to vector<16xf32>
          %swap3A_336 = vector.shape_cast %mul3A_331 : vector<16xf32> to vector<1x16xf32>
          tpu.vector_store %arg22[%swap3A_332, %swap3A_333], %swap3A_336 {strides = array<i32>} : memref<128x80xf32, #tpu.memory_space<vmem>>, vector<1x16xf32>,
        }
        %scan3A_214 = arith.constant 128 : i32
        "tpu.region"() ({
          %run_scoped3A = tpu.sem_alloc : memref<!tpu.dma_semaphore, #tpu.memory_space<semaphore_mem>>
          %dma_start3A_215 = arith.constant 0 : i32
          %dma_start3A_216 = arith.constant 0 : i32
          %dma_start3A_217 = tpu.memref_slice %arg24[%dma_start3A_215, %dma_start3A_216] : memref<10112x80xf32, #tpu.memory_space<vmem_shared>> -> memref<10112x80xf32, #tpu.memory_space<vmem_shared>>
          tpu.enqueue_indirect_dma source(%arg22 : memref<128x80xf32, #tpu.memory_space<vmem>>) target(%dma_start3A_217 : memref<10112x80xf32, #tpu.memory_space<vmem_shared>>) offsets(%arg16 : memref<128xi32, #tpu.memory_space<vmem>>) semaphore(%run_scoped3A : memref<!tpu.dma_semaphore, #tpu.memory_space<semaphore_mem>>) {add = true}
          %dma_wait3A_218 = arith.constant 0 : i32
          %dma_wait3A_219 = arith.constant 0 : i32
          %dma_wait3A_220 = tpu.memref_slice %arg24[%dma_wait3A_218, %dma_wait3A_219] : memref<10112x80xf32, #tpu.memory_space<vmem_shared>> -> memref<10112x80xf32, #tpu.memory_space<vmem_shared>>
          tpu.wait_indirect_dma semaphore(%run_scoped3A : memref<!tpu.dma_semaphore, #tpu.memory_space<semaphore_mem>>) src(%arg22 : memref<128x80xf32, #tpu.memory_space<vmem>>) dst(%dma_wait3A_220 : memref<10112x80xf32, #tpu.memory_space<vmem_shared>>)
          tpu.yield
        }) : () -> ()
      }
      %scan3A_161 = arith.constant 81 : i32
    } else {
    }
    %barrier3A_99 = arith.constant 0 : index
    tpu.barrier barrier_id(%barrier3A_99)
    %mul3A_100 = arith.constant 632 : i32
    %mul3A_101 = arith.muli %arg1, %mul3A_100 : i32
    %add3A_102 = arith.constant 0 : i32
    %add3A_103 = arith.addi %mul3A_101, %add3A_102 : i32
    %add3A_104 = arith.constant 2 : i32
    %add3A_105 = arith.addi %add3A_104, %arg0 : i32
    "tpu.region"() ({
      %run_scoped3A = tpu.sem_alloc : memref<!tpu.dma_semaphore, #tpu.memory_space<semaphore_mem>>
      %dma_start3A = arith.constant 0 : i32
      %dma_start3A_130 = tpu.memref_slice %arg12[%add3A_105, %add3A_103, %dma_start3A] : memref<4x10112x80xf32, #tpu.memory_space<hbm>> -> memref<1x128x80xf32, #tpu.memory_space<hbm>>
      %dma_start3A_131 = tpu.memref_squeeze %dma_start3A_130 : memref<1x128x80xf32, #tpu.memory_space<hbm>> -> memref<128x80xf32, #tpu.memory_space<hbm>>
      %dma_start3A_132 = arith.constant 0 : i32
      %dma_start3A_133 = tpu.memref_slice %arg24[%add3A_103, %dma_start3A_132] : memref<10112x80xf32, #tpu.memory_space<vmem_shared>> -> memref<128x80xf32, #tpu.memory_space<vmem_shared>>
      tpu.enqueue_dma source(%dma_start3A_133 : memref<128x80xf32, #tpu.memory_space<vmem_shared>>) target(%dma_start3A_131 : memref<128x80xf32, #tpu.memory_space<hbm>>) target_semaphore(%run_scoped3A : memref<!tpu.dma_semaphore, #tpu.memory_space<semaphore_mem>>)
      %dma_wait3A = arith.constant 0 : i32
      %dma_wait3A_134 = tpu.memref_slice %arg12[%add3A_105, %add3A_103, %dma_wait3A] : memref<4x10112x80xf32, #tpu.memory_space<hbm>> -> memref<1x128x80xf32, #tpu.memory_space<hbm>>
      %dma_wait3A_135 = tpu.memref_squeeze %dma_wait3A_134 : memref<1x128x80xf32, #tpu.memory_space<hbm>> -> memref<128x80xf32, #tpu.memory_space<hbm>>
      %dma_wait3A_136 = arith.constant 0 : i32
      %dma_wait3A_137 = tpu.memref_slice %arg24[%add3A_103, %dma_wait3A_136] : memref<10112x80xf32, #tpu.memory_space<vmem_shared>> -> memref<128x80xf32, #tpu.memory_space<vmem_shared>>
      tpu.wait_dma2 semaphore(%run_scoped3A : memref<!tpu.dma_semaphore, #tpu.memory_space<semaphore_mem>>) src(%dma_wait3A_137 : memref<128x80xf32, #tpu.memory_space<vmem_shared>>) dst(%dma_wait3A_135 : memref<128x80xf32, #tpu.memory_space<hbm>>)
      tpu.yield
    }) : () -> ()
    %mul3A_106 = arith.constant 632 : i32
    %mul3A_107 = arith.muli %arg1, %mul3A_106 : i32
    %add3A_108 = arith.constant 128 : i32
    %add3A_109 = arith.addi %mul3A_107, %add3A_108 : i32
    %add3A_110 = arith.constant 2 : i32
    %add3A_111 = arith.addi %add3A_110, %arg0 : i32
    "tpu.region"() ({
      %run_scoped3A = tpu.sem_alloc : memref<!tpu.dma_semaphore, #tpu.memory_space<semaphore_mem>>
      %dma_start3A = arith.constant 0 : i32
      %dma_start3A_130 = tpu.memref_slice %arg12[%add3A_111, %add3A_109, %dma_start3A] : memref<4x10112x80xf32, #tpu.memory_space<hbm>> -> memref<1x128x80xf32, #tpu.memory_space<hbm>>
      %dma_start3A_131 = tpu.memref_squeeze %dma_start3A_130 : memref<1x128x80xf32, #tpu.memory_space<hbm>> -> memref<128x80xf32, #tpu.memory_space<hbm>>
      %dma_start3A_132 = arith.constant 0 : i32
      %dma_start3A_133 = tpu.memref_slice %arg24[%add3A_109, %dma_start3A_132] : memref<10112x80xf32, #tpu.memory_space<vmem_shared>> -> memref<128x80xf32, #tpu.memory_space<vmem_shared>>
      tpu.enqueue_dma source(%dma_start3A_133 : memref<128x80xf32, #tpu.memory_space<vmem_shared>>) target(%dma_start3A_131 : memref<128x80xf32, #tpu.memory_space<hbm>>) target_semaphore(%run_scoped3A : memref<!tpu.dma_semaphore, #tpu.memory_space<semaphore_mem>>)
      %dma_wait3A = arith.constant 0 : i32
      %dma_wait3A_134 = tpu.memref_slice %arg12[%add3A_111, %add3A_109, %dma_wait3A] : memref<4x10112x80xf32, #tpu.memory_space<hbm>> -> memref<1x128x80xf32, #tpu.memory_space<hbm>>
      %dma_wait3A_135 = tpu.memref_squeeze %dma_wait3A_134 : memref<1x128x80xf32, #tpu.memory_space<hbm>> -> memref<128x80xf32, #tpu.memory_space<hbm>>
      %dma_wait3A_136 = arith.constant 0 : i32
      %dma_wait3A_137 = tpu.memref_slice %arg24[%add3A_109, %dma_wait3A_136] : memref<10112x80xf32, #tpu.memory_space<vmem_shared>> -> memref<128x80xf32, #tpu.memory_space<vmem_shared>>
      tpu.wait_dma2 semaphore(%run_scoped3A : memref<!tpu.dma_semaphore, #tpu.memory_space<semaphore_mem>>) src(%dma_wait3A_137 : memref<128x80xf32, #tpu.memory_space<vmem_shared>>) dst(%dma_wait3A_135 : memref<128x80xf32, #tpu.memory_space<hbm>>)
      tpu.yield
    }) : () -> ()
    %mul3A_112 = arith.constant 632 : i32
    %mul3A_113 = arith.muli %arg1, %mul3A_112 : i32
    %add3A_114 = arith.constant 256 : i32
    %add3A_115 = arith.addi %mul3A_113, %add3A_114 : i32
    %add3A_116 = arith.constant 2 : i32
    %add3A_117 = arith.addi %add3A_116, %arg0 : i32
    "tpu.region"() ({
      %run_scoped3A = tpu.sem_alloc : memref<!tpu.dma_semaphore, #tpu.memory_space<semaphore_mem>>
      %dma_start3A = arith.constant 0 : i32
      %dma_start3A_130 = tpu.memref_slice %arg12[%add3A_117, %add3A_115, %dma_start3A] : memref<4x10112x80xf32, #tpu.memory_space<hbm>> -> memref<1x128x80xf32, #tpu.memory_space<hbm>>
      %dma_start3A_131 = tpu.memref_squeeze %dma_start3A_130 : memref<1x128x80xf32, #tpu.memory_space<hbm>> -> memref<128x80xf32, #tpu.memory_space<hbm>>
      %dma_start3A_132 = arith.constant 0 : i32
      %dma_start3A_133 = tpu.memref_slice %arg24[%add3A_115, %dma_start3A_132] : memref<10112x80xf32, #tpu.memory_space<vmem_shared>> -> memref<128x80xf32, #tpu.memory_space<vmem_shared>>
      tpu.enqueue_dma source(%dma_start3A_133 : memref<128x80xf32, #tpu.memory_space<vmem_shared>>) target(%dma_start3A_131 : memref<128x80xf32, #tpu.memory_space<hbm>>) target_semaphore(%run_scoped3A : memref<!tpu.dma_semaphore, #tpu.memory_space<semaphore_mem>>)
      %dma_wait3A = arith.constant 0 : i32
      %dma_wait3A_134 = tpu.memref_slice %arg12[%add3A_117, %add3A_115, %dma_wait3A] : memref<4x10112x80xf32, #tpu.memory_space<hbm>> -> memref<1x128x80xf32, #tpu.memory_space<hbm>>
      %dma_wait3A_135 = tpu.memref_squeeze %dma_wait3A_134 : memref<1x128x80xf32, #tpu.memory_space<hbm>> -> memref<128x80xf32, #tpu.memory_space<hbm>>
      %dma_wait3A_136 = arith.constant 0 : i32
      %dma_wait3A_137 = tpu.memref_slice %arg24[%add3A_115, %dma_wait3A_136] : memref<10112x80xf32, #tpu.memory_space<vmem_shared>> -> memref<128x80xf32, #tpu.memory_space<vmem_shared>>
      tpu.wait_dma2 semaphore(%run_scoped3A : memref<!tpu.dma_semaphore, #tpu.memory_space<semaphore_mem>>) src(%dma_wait3A_137 : memref<128x80xf32, #tpu.memory_space<vmem_shared>>) dst(%dma_wait3A_135 : memref<128x80xf32, #tpu.memory_space<hbm>>)
      tpu.yield
    }) : () -> ()
    %mul3A_118 = arith.constant 632 : i32
    %mul3A_119 = arith.muli %arg1, %mul3A_118 : i32
    %add3A_120 = arith.constant 384 : i32
    %add3A_121 = arith.addi %mul3A_119, %add3A_120 : i32
    %add3A_122 = arith.constant 2 : i32
    %add3A_123 = arith.addi %add3A_122, %arg0 : i32
    "tpu.region"() ({
      %run_scoped3A = tpu.sem_alloc : memref<!tpu.dma_semaphore, #tpu.memory_space<semaphore_mem>>
      %dma_start3A = arith.constant 0 : i32
      %dma_start3A_130 = tpu.memref_slice %arg12[%add3A_123, %add3A_121, %dma_start3A] : memref<4x10112x80xf32, #tpu.memory_space<hbm>> -> memref<1x128x80xf32, #tpu.memory_space<hbm>>
      %dma_start3A_131 = tpu.memref_squeeze %dma_start3A_130 : memref<1x128x80xf32, #tpu.memory_space<hbm>> -> memref<128x80xf32, #tpu.memory_space<hbm>>
      %dma_start3A_132 = arith.constant 0 : i32
      %dma_start3A_133 = tpu.memref_slice %arg24[%add3A_121, %dma_start3A_132] : memref<10112x80xf32, #tpu.memory_space<vmem_shared>> -> memref<128x80xf32, #tpu.memory_space<vmem_shared>>
      tpu.enqueue_dma source(%dma_start3A_133 : memref<128x80xf32, #tpu.memory_space<vmem_shared>>) target(%dma_start3A_131 : memref<128x80xf32, #tpu.memory_space<hbm>>) target_semaphore(%run_scoped3A : memref<!tpu.dma_semaphore, #tpu.memory_space<semaphore_mem>>)
      %dma_wait3A = arith.constant 0 : i32
      %dma_wait3A_134 = tpu.memref_slice %arg12[%add3A_123, %add3A_121, %dma_wait3A] : memref<4x10112x80xf32, #tpu.memory_space<hbm>> -> memref<1x128x80xf32, #tpu.memory_space<hbm>>
      %dma_wait3A_135 = tpu.memref_squeeze %dma_wait3A_134 : memref<1x128x80xf32, #tpu.memory_space<hbm>> -> memref<128x80xf32, #tpu.memory_space<hbm>>
      %dma_wait3A_136 = arith.constant 0 : i32
      %dma_wait3A_137 = tpu.memref_slice %arg24[%add3A_121, %dma_wait3A_136] : memref<10112x80xf32, #tpu.memory_space<vmem_shared>> -> memref<128x80xf32, #tpu.memory_space<vmem_shared>>
      tpu.wait_dma2 semaphore(%run_scoped3A : memref<!tpu.dma_semaphore, #tpu.memory_space<semaphore_mem>>) src(%dma_wait3A_137 : memref<128x80xf32, #tpu.memory_space<vmem_shared>>) dst(%dma_wait3A_135 : memref<128x80xf32, #tpu.memory_space<hbm>>)
      tpu.yield
    }) : () -> ()
    %mul3A_124 = arith.constant 632 : i32
    %mul3A_125 = arith.muli %arg1, %mul3A_124 : i32
    %add3A_126 = arith.constant 512 : i32
    %add3A_127 = arith.addi %mul3A_125, %add3A_126 : i32
    %add3A_128 = arith.constant 2 : i32
    %add3A_129 = arith.addi %add3A_128, %arg0 : i32
    "tpu.region"() ({
      %run_scoped3A = tpu.sem_alloc : memref<!tpu.dma_semaphore, #tpu.memory_space<semaphore_mem>>
      %dma_start3A = arith.constant 0 : i32
      %dma_start3A_130 = tpu.memref_slice %arg12[%add3A_129, %add3A_127, %dma_start3A] : memref<4x10112x80xf32, #tpu.memory_space<hbm>> -> memref<1x120x80xf32, #tpu.memory_space<hbm>>
      %dma_start3A_131 = tpu.memref_squeeze %dma_start3A_130 : memref<1x120x80xf32, #tpu.memory_space<hbm>> -> memref<120x80xf32, #tpu.memory_space<hbm>>
      %dma_start3A_132 = arith.constant 0 : i32
      %dma_start3A_133 = tpu.memref_slice %arg24[%add3A_127, %dma_start3A_132] : memref<10112x80xf32, #tpu.memory_space<vmem_shared>> -> memref<120x80xf32, #tpu.memory_space<vmem_shared>>
      tpu.enqueue_dma source(%dma_start3A_133 : memref<120x80xf32, #tpu.memory_space<vmem_shared>>) target(%dma_start3A_131 : memref<120x80xf32, #tpu.memory_space<hbm>>) target_semaphore(%run_scoped3A : memref<!tpu.dma_semaphore, #tpu.memory_space<semaphore_mem>>)
      %dma_wait3A = arith.constant 0 : i32
      %dma_wait3A_134 = tpu.memref_slice %arg12[%add3A_129, %add3A_127, %dma_wait3A] : memref<4x10112x80xf32, #tpu.memory_space<hbm>> -> memref<1x120x80xf32, #tpu.memory_space<hbm>>
      %dma_wait3A_135 = tpu.memref_squeeze %dma_wait3A_134 : memref<1x120x80xf32, #tpu.memory_space<hbm>> -> memref<120x80xf32, #tpu.memory_space<hbm>>
      %dma_wait3A_136 = arith.constant 0 : i32
      %dma_wait3A_137 = tpu.memref_slice %arg24[%add3A_127, %dma_wait3A_136] : memref<10112x80xf32, #tpu.memory_space<vmem_shared>> -> memref<120x80xf32, #tpu.memory_space<vmem_shared>>
      tpu.wait_dma2 semaphore(%run_scoped3A : memref<!tpu.dma_semaphore, #tpu.memory_space<semaphore_mem>>) src(%dma_wait3A_137 : memref<120x80xf32, #tpu.memory_space<vmem_shared>>) dst(%dma_wait3A_135 : memref<120x80xf32, #tpu.memory_space<hbm>>)
      tpu.yield
    }) : () -> ()
    return
  }
}

module attributes {stable_mosaic.version = 14 : i64} {
  func.func @_proj_body(%arg0: i32, %arg1: memref<632x128xf32, #tpu.memory_space<vmem>>, %arg2: memref<128x128xf32, #tpu.memory_space<vmem>>, %arg3: memref<128x128xf32, #tpu.memory_space<vmem>>, %arg4: memref<2x128x80xf32, #tpu.memory_space<vmem>>, %arg5: memref<2x128x80xf32, #tpu.memory_space<vmem>>, %arg6: memref<2x128x80xf32, #tpu.memory_space<vmem>>, %arg7: memref<1x80xf32, #tpu.memory_space<vmem>>, %arg8: memref<632x80xf32, #tpu.memory_space<vmem>>, %arg9: memref<632x80xf32, #tpu.memory_space<vmem>>, %arg10: memref<632x80xf32, #tpu.memory_space<vmem>>, %arg11: memref<632x80xf32, #tpu.memory_space<vmem>>, %arg12: memref<632x80xf32, #tpu.memory_space<vmem>>, %arg13: memref<632x80xf32, #tpu.memory_space<vmem>>, %arg14: memref<8x128xf32, #tpu.memory_space<vmem>>) attributes {dimension_semantics = [#tpu.dimension_semantics<arbitrary>], iteration_bounds = array<i64: 16>, scalar_prefetch = 0 : i64, scratch_operands = 0 : i64, tpu.core_type = #tpu.core_type<tc>, window_params = [{transform_indices = @transform_0, window_bounds = array<i64: 632, 128>}, {pipeline_mode = #tpu.pipeline_mode<synchronous>, transform_indices = @transform_1, window_bounds = array<i64: 128, 128>}, {pipeline_mode = #tpu.pipeline_mode<synchronous>, transform_indices = @transform_2, window_bounds = array<i64: 128, 128>}, {pipeline_mode = #tpu.pipeline_mode<synchronous>, transform_indices = @transform_3, window_bounds = array<i64: 2, 128, 80>}, {pipeline_mode = #tpu.pipeline_mode<synchronous>, transform_indices = @transform_4, window_bounds = array<i64: 2, 128, 80>}, {pipeline_mode = #tpu.pipeline_mode<synchronous>, transform_indices = @transform_5, window_bounds = array<i64: 2, 128, 80>}, {pipeline_mode = #tpu.pipeline_mode<synchronous>, transform_indices = @transform_6, window_bounds = array<i64: 1, 80>}, {transform_indices = @transform_7, window_bounds = array<i64: 632, 80>}, {transform_indices = @transform_8, window_bounds = array<i64: 632, 80>}, {transform_indices = @transform_9, window_bounds = array<i64: 632, 80>}, {transform_indices = @transform_10, window_bounds = array<i64: 632, 80>}, {transform_indices = @transform_11, window_bounds = array<i64: 632, 80>}, {transform_indices = @transform_12, window_bounds = array<i64: 632, 80>}, {pipeline_mode = #tpu.pipeline_mode<synchronous>, transform_indices = @transform_13, window_bounds = array<i64: 8, 128>}]} {
    %get3A = arith.constant 0 : index
    %get3A_0 = arith.constant 0 : index
    %get3A_1 = vector.load %arg1[%get3A, %get3A_0] : memref<632x128xf32, #tpu.memory_space<vmem>>, vector<632x128xf32>
    %get3A_2 = arith.constant 0 : index
    %get3A_3 = arith.constant 0 : index
    %get3A_4 = vector.load %arg2[%get3A_2, %get3A_3] : memref<128x128xf32, #tpu.memory_space<vmem>>, vector<128x128xf32>
    %dot_general3A = arith.constant dense<0.000000e+00> : vector<632x128xf32>
    %dot_general3A_5 = tpu.matmul %get3A_1, %get3A_4, %dot_general3A {dimension_numbers = #tpu.dot_dimension_numbers<[1], [0], [0], [1], [0, 0, 1, 1], [], []>, transpose_lhs_hint = false} : vector<632x128xf32>, vector<128x128xf32>, vector<632x128xf32> -> vector<632x128xf32>
    %get3A_6 = arith.constant 0 : index
    %get3A_7 = arith.constant 0 : index
    %get3A_8 = vector.load %arg3[%get3A_6, %get3A_7] : memref<128x128xf32, #tpu.memory_space<vmem>>, vector<128x128xf32>
    %dot_general3A_9 = arith.constant dense<0.000000e+00> : vector<632x128xf32>
    %dot_general3A_10 = tpu.matmul %dot_general3A_5, %get3A_8, %dot_general3A_9 {dimension_numbers = #tpu.dot_dimension_numbers<[1], [0], [0], [1], [0, 0, 1, 1], [], []>, transpose_lhs_hint = false} : vector<632x128xf32>, vector<128x128xf32>, vector<632x128xf32> -> vector<632x128xf32>
    %get3A_11 = arith.constant 0 : index
    %get3A_12 = arith.constant 0 : index
    %get3A_13 = arith.constant 0 : index
    %get3A_14 = vector.load %arg4[%get3A_11, %get3A_12, %get3A_13] : memref<2x128x80xf32, #tpu.memory_space<vmem>>, vector<1x128x80xf32>
    %get3A_15 = vector.shape_cast %get3A_14 : vector<1x128x80xf32> to vector<128x80xf32>
    %dot_general3A_16 = arith.constant dense<0.000000e+00> : vector<632x80xf32>
    %dot_general3A_17 = tpu.matmul %dot_general3A_10, %get3A_15, %dot_general3A_16 {dimension_numbers = #tpu.dot_dimension_numbers<[1], [0], [0], [1], [0, 0, 1, 1], [], []>, transpose_lhs_hint = false} : vector<632x128xf32>, vector<128x80xf32>, vector<632x80xf32> -> vector<632x80xf32>
    %swap3A = arith.constant 0 : index
    %swap3A_18 = arith.constant 0 : index
    %swap3A_19 = vector.load %arg8[%swap3A, %swap3A_18] : memref<632x80xf32, #tpu.memory_space<vmem>>, vector<632x80xf32>
    tpu.vector_store %arg8[%swap3A, %swap3A_18], %dot_general3A_17 {strides = array<i32>} : memref<632x80xf32, #tpu.memory_space<vmem>>, vector<632x80xf32>,
    %get3A_20 = arith.constant 0 : index
    %get3A_21 = arith.constant 0 : index
    %get3A_22 = arith.constant 0 : index
    %get3A_23 = vector.load %arg5[%get3A_20, %get3A_21, %get3A_22] : memref<2x128x80xf32, #tpu.memory_space<vmem>>, vector<1x128x80xf32>
    %get3A_24 = vector.shape_cast %get3A_23 : vector<1x128x80xf32> to vector<128x80xf32>
    %dot_general3A_25 = arith.constant dense<0.000000e+00> : vector<632x80xf32>
    %dot_general3A_26 = tpu.matmul %dot_general3A_10, %get3A_24, %dot_general3A_25 {dimension_numbers = #tpu.dot_dimension_numbers<[1], [0], [0], [1], [0, 0, 1, 1], [], []>, transpose_lhs_hint = false} : vector<632x128xf32>, vector<128x80xf32>, vector<632x80xf32> -> vector<632x80xf32>
    %swap3A_27 = arith.constant 0 : index
    %swap3A_28 = arith.constant 0 : index
    %swap3A_29 = vector.load %arg9[%swap3A_27, %swap3A_28] : memref<632x80xf32, #tpu.memory_space<vmem>>, vector<632x80xf32>
    tpu.vector_store %arg9[%swap3A_27, %swap3A_28], %dot_general3A_26 {strides = array<i32>} : memref<632x80xf32, #tpu.memory_space<vmem>>, vector<632x80xf32>,
    %get3A_30 = arith.constant 0 : index
    %get3A_31 = arith.constant 0 : index
    %get3A_32 = arith.constant 0 : index
    %get3A_33 = vector.load %arg6[%get3A_30, %get3A_31, %get3A_32] : memref<2x128x80xf32, #tpu.memory_space<vmem>>, vector<1x128x80xf32>
    %get3A_34 = vector.shape_cast %get3A_33 : vector<1x128x80xf32> to vector<128x80xf32>
    %dot_general3A_35 = arith.constant dense<0.000000e+00> : vector<632x80xf32>
    %dot_general3A_36 = tpu.matmul %dot_general3A_5, %get3A_34, %dot_general3A_35 {dimension_numbers = #tpu.dot_dimension_numbers<[1], [0], [0], [1], [0, 0, 1, 1], [], []>, transpose_lhs_hint = false} : vector<632x128xf32>, vector<128x80xf32>, vector<632x80xf32> -> vector<632x80xf32>
    %get3A_37 = arith.constant 0 : index
    %get3A_38 = arith.constant 0 : index
    %get3A_39 = vector.load %arg7[%get3A_37, %get3A_38] : memref<1x80xf32, #tpu.memory_space<vmem>>, vector<1x80xf32>
    %add3A = vector.broadcast %get3A_39 : vector<1x80xf32> to vector<632x80xf32>
    %add3A_40 = arith.addf %dot_general3A_36, %add3A : vector<632x80xf32>
    %swap3A_41 = arith.constant 0 : index
    %swap3A_42 = arith.constant 0 : index
    %swap3A_43 = vector.load %arg10[%swap3A_41, %swap3A_42] : memref<632x80xf32, #tpu.memory_space<vmem>>, vector<632x80xf32>
    tpu.vector_store %arg10[%swap3A_41, %swap3A_42], %add3A_40 {strides = array<i32>} : memref<632x80xf32, #tpu.memory_space<vmem>>, vector<632x80xf32>,
    %get3A_44 = arith.constant 1 : index
    %get3A_45 = arith.constant 0 : index
    %get3A_46 = arith.constant 0 : index
    %get3A_47 = vector.load %arg4[%get3A_44, %get3A_45, %get3A_46] : memref<2x128x80xf32, #tpu.memory_space<vmem>>, vector<1x128x80xf32>
    %get3A_48 = vector.shape_cast %get3A_47 : vector<1x128x80xf32> to vector<128x80xf32>
    %dot_general3A_49 = arith.constant dense<0.000000e+00> : vector<632x80xf32>
    %dot_general3A_50 = tpu.matmul %dot_general3A_10, %get3A_48, %dot_general3A_49 {dimension_numbers = #tpu.dot_dimension_numbers<[1], [0], [0], [1], [0, 0, 1, 1], [], []>, transpose_lhs_hint = false} : vector<632x128xf32>, vector<128x80xf32>, vector<632x80xf32> -> vector<632x80xf32>
    %swap3A_51 = arith.constant 0 : index
    %swap3A_52 = arith.constant 0 : index
    %swap3A_53 = vector.load %arg11[%swap3A_51, %swap3A_52] : memref<632x80xf32, #tpu.memory_space<vmem>>, vector<632x80xf32>
    tpu.vector_store %arg11[%swap3A_51, %swap3A_52], %dot_general3A_50 {strides = array<i32>} : memref<632x80xf32, #tpu.memory_space<vmem>>, vector<632x80xf32>,
    %get3A_54 = arith.constant 1 : index
    %get3A_55 = arith.constant 0 : index
    %get3A_56 = arith.constant 0 : index
    %get3A_57 = vector.load %arg5[%get3A_54, %get3A_55, %get3A_56] : memref<2x128x80xf32, #tpu.memory_space<vmem>>, vector<1x128x80xf32>
    %get3A_58 = vector.shape_cast %get3A_57 : vector<1x128x80xf32> to vector<128x80xf32>
    %dot_general3A_59 = arith.constant dense<0.000000e+00> : vector<632x80xf32>
    %dot_general3A_60 = tpu.matmul %dot_general3A_10, %get3A_58, %dot_general3A_59 {dimension_numbers = #tpu.dot_dimension_numbers<[1], [0], [0], [1], [0, 0, 1, 1], [], []>, transpose_lhs_hint = false} : vector<632x128xf32>, vector<128x80xf32>, vector<632x80xf32> -> vector<632x80xf32>
    %swap3A_61 = arith.constant 0 : index
    %swap3A_62 = arith.constant 0 : index
    %swap3A_63 = vector.load %arg12[%swap3A_61, %swap3A_62] : memref<632x80xf32, #tpu.memory_space<vmem>>, vector<632x80xf32>
    tpu.vector_store %arg12[%swap3A_61, %swap3A_62], %dot_general3A_60 {strides = array<i32>} : memref<632x80xf32, #tpu.memory_space<vmem>>, vector<632x80xf32>,
    %get3A_64 = arith.constant 1 : index
    %get3A_65 = arith.constant 0 : index
    %get3A_66 = arith.constant 0 : index
    %get3A_67 = vector.load %arg6[%get3A_64, %get3A_65, %get3A_66] : memref<2x128x80xf32, #tpu.memory_space<vmem>>, vector<1x128x80xf32>
    %get3A_68 = vector.shape_cast %get3A_67 : vector<1x128x80xf32> to vector<128x80xf32>
    %dot_general3A_69 = arith.constant dense<0.000000e+00> : vector<632x80xf32>
    %dot_general3A_70 = tpu.matmul %dot_general3A_5, %get3A_68, %dot_general3A_69 {dimension_numbers = #tpu.dot_dimension_numbers<[1], [0], [0], [1], [0, 0, 1, 1], [], []>, transpose_lhs_hint = false} : vector<632x128xf32>, vector<128x80xf32>, vector<632x80xf32> -> vector<632x80xf32>
    %get3A_71 = arith.constant 0 : index
    %get3A_72 = arith.constant 0 : index
    %get3A_73 = vector.load %arg7[%get3A_71, %get3A_72] : memref<1x80xf32, #tpu.memory_space<vmem>>, vector<1x80xf32>
    %add3A_74 = vector.broadcast %get3A_73 : vector<1x80xf32> to vector<632x80xf32>
    %add3A_75 = arith.addf %dot_general3A_70, %add3A_74 : vector<632x80xf32>
    %swap3A_76 = arith.constant 0 : index
    %swap3A_77 = arith.constant 0 : index
    %swap3A_78 = vector.load %arg13[%swap3A_76, %swap3A_77] : memref<632x80xf32, #tpu.memory_space<vmem>>, vector<632x80xf32>
    tpu.vector_store %arg13[%swap3A_76, %swap3A_77], %add3A_75 {strides = array<i32>} : memref<632x80xf32, #tpu.memory_space<vmem>>, vector<632x80xf32>,
    %reduce_max3A = arith.constant dense<0xFF800000> : vector<128xf32>
    %reduce_max3A_79 = vector.multi_reduction <maximumf>, %dot_general3A_10, %reduce_max3A [0] : vector<632x128xf32> to vector<128xf32>
    %broadcast_in_dim3A = vector.shape_cast %reduce_max3A_79 : vector<128xf32> to vector<1x128xf32>
    %broadcast_in_dim3A_80 = vector.shape_cast %broadcast_in_dim3A : vector<1x128xf32> to vector<1x128xf32>
    %broadcast_in_dim3A_81 = vector.broadcast %broadcast_in_dim3A_80 : vector<1x128xf32> to vector<8x128xf32>
    %eq3A = arith.constant 0 : i32
    %eq3A_82 = arith.cmpi eq, %arg0, %eq3A : i32
    %convert_element_type3A = arith.extui %eq3A_82 : i1 to i32
    %cond3A = arith.constant 0 : i32
    %cond3A_83 = arith.cmpi ne, %convert_element_type3A, %cond3A : i32
    scf.if %cond3A_83 {
      %swap3A_88 = arith.constant 0 : index
      %swap3A_89 = arith.constant 0 : index
      %swap3A_90 = vector.load %arg14[%swap3A_88, %swap3A_89] : memref<8x128xf32, #tpu.memory_space<vmem>>, vector<8x128xf32>
      tpu.vector_store %arg14[%swap3A_88, %swap3A_89], %broadcast_in_dim3A_81 {strides = array<i32>} : memref<8x128xf32, #tpu.memory_space<vmem>>, vector<8x128xf32>,
    } else {
    }
    %ne3A = arith.constant 0 : i32
    %ne3A_84 = arith.cmpi ne, %arg0, %ne3A : i32
    %convert_element_type3A_85 = arith.extui %ne3A_84 : i1 to i32
    %cond3A_86 = arith.constant 0 : i32
    %cond3A_87 = arith.cmpi ne, %convert_element_type3A_85, %cond3A_86 : i32
    scf.if %cond3A_87 {
      %get3A_88 = arith.constant 0 : index
      %get3A_89 = arith.constant 0 : index
      %get3A_90 = vector.load %arg14[%get3A_88, %get3A_89] : memref<8x128xf32, #tpu.memory_space<vmem>>, vector<8x128xf32>
      %max3A = arith.maximumf %get3A_90, %broadcast_in_dim3A_81 : vector<8x128xf32>
      %swap3A_91 = arith.constant 0 : index
      %swap3A_92 = arith.constant 0 : index
      %swap3A_93 = vector.load %arg14[%swap3A_91, %swap3A_92] : memref<8x128xf32, #tpu.memory_space<vmem>>, vector<8x128xf32>
      tpu.vector_store %arg14[%swap3A_91, %swap3A_92], %max3A {strides = array<i32>} : memref<8x128xf32, #tpu.memory_space<vmem>>, vector<8x128xf32>,
    } else {
    }
    return
  }
  func.func @transform_0(%arg0: i32) -> (i32, i32) {
    %c0_i32 = arith.constant 0 : i32
    %c0_i32_0 = arith.constant 0 : i32
    return %arg0, %c0_i32 : i32, i32
  }
  func.func @transform_1(%arg0: i32) -> (i32, i32) {
    %c0_i32 = arith.constant 0 : i32
    %c0_i32_0 = arith.constant 0 : i32
    %c0_i32_1 = arith.constant 0 : i32
    return %c0_i32, %c0_i32_0 : i32, i32
  }
  func.func @transform_2(%arg0: i32) -> (i32, i32) {
    %c0_i32 = arith.constant 0 : i32
    %c0_i32_0 = arith.constant 0 : i32
    %c0_i32_1 = arith.constant 0 : i32
    return %c0_i32, %c0_i32_0 : i32, i32
  }
  func.func @transform_3(%arg0: i32) -> (i32, i32, i32) {
    %c0_i32 = arith.constant 0 : i32
    %c0_i32_0 = arith.constant 0 : i32
    %c0_i32_1 = arith.constant 0 : i32
    %c0_i32_2 = arith.constant 0 : i32
    return %c0_i32, %c0_i32_0, %c0_i32_1 : i32, i32, i32
  }
  func.func @transform_4(%arg0: i32) -> (i32, i32, i32) {
    %c0_i32 = arith.constant 0 : i32
    %c0_i32_0 = arith.constant 0 : i32
    %c0_i32_1 = arith.constant 0 : i32
    %c0_i32_2 = arith.constant 0 : i32
    return %c0_i32, %c0_i32_0, %c0_i32_1 : i32, i32, i32
  }
  func.func @transform_5(%arg0: i32) -> (i32, i32, i32) {
    %c0_i32 = arith.constant 0 : i32
    %c0_i32_0 = arith.constant 0 : i32
    %c0_i32_1 = arith.constant 0 : i32
    %c0_i32_2 = arith.constant 0 : i32
    return %c0_i32, %c0_i32_0, %c0_i32_1 : i32, i32, i32
  }
  func.func @transform_6(%arg0: i32) -> (i32, i32) {
    %c0_i32 = arith.constant 0 : i32
    %c0_i32_0 = arith.constant 0 : i32
    %c0_i32_1 = arith.constant 0 : i32
    return %c0_i32, %c0_i32_0 : i32, i32
  }
  func.func @transform_7(%arg0: i32) -> (i32, i32) {
    %c0_i32 = arith.constant 0 : i32
    %c0_i32_0 = arith.constant 0 : i32
    return %arg0, %c0_i32 : i32, i32
  }
  func.func @transform_8(%arg0: i32) -> (i32, i32) {
    %c0_i32 = arith.constant 0 : i32
    %c0_i32_0 = arith.constant 0 : i32
    return %arg0, %c0_i32 : i32, i32
  }
  func.func @transform_9(%arg0: i32) -> (i32, i32) {
    %c0_i32 = arith.constant 0 : i32
    %c0_i32_0 = arith.constant 0 : i32
    return %arg0, %c0_i32 : i32, i32
  }
  func.func @transform_10(%arg0: i32) -> (i32, i32) {
    %c0_i32 = arith.constant 0 : i32
    %c0_i32_0 = arith.constant 0 : i32
    return %arg0, %c0_i32 : i32, i32
  }
  func.func @transform_11(%arg0: i32) -> (i32, i32) {
    %c0_i32 = arith.constant 0 : i32
    %c0_i32_0 = arith.constant 0 : i32
    return %arg0, %c0_i32 : i32, i32
  }
  func.func @transform_12(%arg0: i32) -> (i32, i32) {
    %c0_i32 = arith.constant 0 : i32
    %c0_i32_0 = arith.constant 0 : i32
    return %arg0, %c0_i32 : i32, i32
  }
  func.func @transform_13(%arg0: i32) -> (i32, i32) {
    %c0_i32 = arith.constant 0 : i32
    %c0_i32_0 = arith.constant 0 : i32
    %c0_i32_1 = arith.constant 0 : i32
    return %c0_i32, %c0_i32_0 : i32, i32
  }
}

module attributes {stable_mosaic.version = 14 : i64} {
  func.func @_final_body(%arg0: memref<4x10112x80xf32, #tpu.memory_space<vmem>>, %arg1: memref<80x64xf32, #tpu.memory_space<vmem>>, %arg2: memref<80x64xf32, #tpu.memory_space<vmem>>, %arg3: memref<1x128xf32, #tpu.memory_space<vmem>>, %arg4: memref<1x128xf32, #tpu.memory_space<vmem>>, %arg5: memref<1x128xf32, #tpu.memory_space<vmem>>, %arg6: memref<10000x128xf32, #tpu.memory_space<vmem>>) attributes {dimension_semantics = [], scalar_prefetch = 0 : i64, scratch_operands = 0 : i64, tpu.core_type = #tpu.core_type<tc>} {
    %get3A = arith.constant 0 : index
    %get3A_0 = arith.constant 0 : index
    %get3A_1 = arith.constant 0 : index
    %get3A_2 = vector.load %arg0[%get3A, %get3A_0, %get3A_1] : memref<4x10112x80xf32, #tpu.memory_space<vmem>>, vector<1x10000x80xf32>
    %get3A_3 = vector.shape_cast %get3A_2 : vector<1x10000x80xf32> to vector<10000x80xf32>
    %get3A_4 = arith.constant 2 : index
    %get3A_5 = arith.constant 0 : index
    %get3A_6 = arith.constant 0 : index
    %get3A_7 = vector.load %arg0[%get3A_4, %get3A_5, %get3A_6] : memref<4x10112x80xf32, #tpu.memory_space<vmem>>, vector<1x10000x80xf32>
    %get3A_8 = vector.shape_cast %get3A_7 : vector<1x10000x80xf32> to vector<10000x80xf32>
    %add3A = arith.addf %get3A_3, %get3A_8 : vector<10000x80xf32>
    %mul3A = arith.constant 5.000000e-01 : f32
    %mul3A_9 = vector.broadcast %mul3A : f32 to vector<10000x80xf32>
    %mul3A_10 = arith.mulf %add3A, %mul3A_9 : vector<10000x80xf32>
    %get3A_11 = arith.constant 1 : index
    %get3A_12 = arith.constant 0 : index
    %get3A_13 = arith.constant 0 : index
    %get3A_14 = vector.load %arg0[%get3A_11, %get3A_12, %get3A_13] : memref<4x10112x80xf32, #tpu.memory_space<vmem>>, vector<1x10000x80xf32>
    %get3A_15 = vector.shape_cast %get3A_14 : vector<1x10000x80xf32> to vector<10000x80xf32>
    %get3A_16 = arith.constant 3 : index
    %get3A_17 = arith.constant 0 : index
    %get3A_18 = arith.constant 0 : index
    %get3A_19 = vector.load %arg0[%get3A_16, %get3A_17, %get3A_18] : memref<4x10112x80xf32, #tpu.memory_space<vmem>>, vector<1x10000x80xf32>
    %get3A_20 = vector.shape_cast %get3A_19 : vector<1x10000x80xf32> to vector<10000x80xf32>
    %add3A_21 = arith.addf %get3A_15, %get3A_20 : vector<10000x80xf32>
    %mul3A_22 = arith.constant 5.000000e-01 : f32
    %mul3A_23 = vector.broadcast %mul3A_22 : f32 to vector<10000x80xf32>
    %mul3A_24 = arith.mulf %add3A_21, %mul3A_23 : vector<10000x80xf32>
    %get3A_25 = arith.constant 0 : index
    %get3A_26 = arith.constant 0 : index
    %get3A_27 = vector.load %arg1[%get3A_25, %get3A_26] : memref<80x64xf32, #tpu.memory_space<vmem>>, vector<80x64xf32>
    %get3A_28 = arith.constant 0 : index
    %get3A_29 = arith.constant 0 : index
    %get3A_30 = vector.load %arg2[%get3A_28, %get3A_29] : memref<80x64xf32, #tpu.memory_space<vmem>>, vector<80x64xf32>
    %dot_general3A = arith.constant dense<0.000000e+00> : vector<10000x64xf32>
    %dot_general3A_31 = tpu.matmul %mul3A_10, %get3A_27, %dot_general3A {dimension_numbers = #tpu.dot_dimension_numbers<[1], [0], [0], [1], [0, 0, 1, 1], [], []>, transpose_lhs_hint = false} : vector<10000x80xf32>, vector<80x64xf32>, vector<10000x64xf32> -> vector<10000x64xf32>
    %dot_general3A_32 = arith.constant dense<0.000000e+00> : vector<10000x64xf32>
    %dot_general3A_33 = tpu.matmul %mul3A_24, %get3A_27, %dot_general3A_32 {dimension_numbers = #tpu.dot_dimension_numbers<[1], [0], [0], [1], [0, 0, 1, 1], [], []>, transpose_lhs_hint = false} : vector<10000x80xf32>, vector<80x64xf32>, vector<10000x64xf32> -> vector<10000x64xf32>
    %concatenate3A = tpu.concatenate %dot_general3A_31, %dot_general3A_33 in 1 : vector<10000x64xf32>, vector<10000x64xf32> -> vector<10000x128xf32>
    %dot_general3A_34 = arith.constant dense<0.000000e+00> : vector<10000x64xf32>
    %dot_general3A_35 = tpu.matmul %mul3A_10, %get3A_30, %dot_general3A_34 {dimension_numbers = #tpu.dot_dimension_numbers<[1], [0], [0], [1], [0, 0, 1, 1], [], []>, transpose_lhs_hint = false} : vector<10000x80xf32>, vector<80x64xf32>, vector<10000x64xf32> -> vector<10000x64xf32>
    %dot_general3A_36 = arith.constant dense<0.000000e+00> : vector<10000x64xf32>
    %dot_general3A_37 = tpu.matmul %mul3A_24, %get3A_30, %dot_general3A_36 {dimension_numbers = #tpu.dot_dimension_numbers<[1], [0], [0], [1], [0, 0, 1, 1], [], []>, transpose_lhs_hint = false} : vector<10000x80xf32>, vector<80x64xf32>, vector<10000x64xf32> -> vector<10000x64xf32>
    %concatenate3A_38 = tpu.concatenate %dot_general3A_35, %dot_general3A_37 in 1 : vector<10000x64xf32>, vector<10000x64xf32> -> vector<10000x128xf32>
    %add3A_39 = arith.constant 1.000000e-16 : f32
    %add3A_40 = vector.broadcast %add3A_39 : f32 to vector<10000x128xf32>
    %add3A_41 = arith.addf %concatenate3A_38, %add3A_40 : vector<10000x128xf32>
    %div3A = arith.divf %concatenate3A, %add3A_41 : vector<10000x128xf32>
    %get3A_42 = arith.constant 0 : index
    %get3A_43 = arith.constant 0 : index
    %get3A_44 = vector.load %arg3[%get3A_42, %get3A_43] : memref<1x128xf32, #tpu.memory_space<vmem>>, vector<1x128xf32>
    %add3A_45 = vector.broadcast %get3A_44 : vector<1x128xf32> to vector<10000x128xf32>
    %add3A_46 = arith.addf %div3A, %add3A_45 : vector<10000x128xf32>
    %reduce_sum3A = arith.constant dense<0.000000e+00> : vector<128xf32>
    %reduce_sum3A_47 = vector.multi_reduction <add>, %add3A_46, %reduce_sum3A [0] : vector<10000x128xf32> to vector<128xf32>
    %broadcast_in_dim3A = vector.shape_cast %reduce_sum3A_47 : vector<128xf32> to vector<1x128xf32>
    %div3A_48 = arith.constant 1.000000e+04 : f32
    %div3A_49 = vector.broadcast %div3A_48 : f32 to vector<1x128xf32>
    %div3A_50 = arith.divf %broadcast_in_dim3A, %div3A_49 : vector<1x128xf32>
    %sub3A = vector.broadcast %div3A_50 : vector<1x128xf32> to vector<10000x128xf32>
    %sub3A_51 = arith.subf %add3A_46, %sub3A : vector<10000x128xf32>
    %mul3A_52 = arith.mulf %sub3A_51, %sub3A_51 : vector<10000x128xf32>
    %reduce_sum3A_53 = arith.constant dense<0.000000e+00> : vector<128xf32>
    %reduce_sum3A_54 = vector.multi_reduction <add>, %mul3A_52, %reduce_sum3A_53 [0] : vector<10000x128xf32> to vector<128xf32>
    %broadcast_in_dim3A_55 = vector.shape_cast %reduce_sum3A_54 : vector<128xf32> to vector<1x128xf32>
    %div3A_56 = arith.constant 1.000000e+04 : f32
    %div3A_57 = vector.broadcast %div3A_56 : f32 to vector<1x128xf32>
    %div3A_58 = arith.divf %broadcast_in_dim3A_55, %div3A_57 : vector<1x128xf32>
    %add3A_59 = arith.constant 9.99999974E-6 : f32
    %add3A_60 = vector.broadcast %add3A_59 : f32 to vector<1x128xf32>
    %add3A_61 = arith.addf %div3A_58, %add3A_60 : vector<1x128xf32>
    %sqrt3A = math.sqrt %add3A_61 : vector<1x128xf32>
    %div3A_62 = vector.broadcast %sqrt3A : vector<1x128xf32> to vector<10000x128xf32>
    %div3A_63 = arith.divf %sub3A_51, %div3A_62 : vector<10000x128xf32>
    %get3A_64 = arith.constant 0 : index
    %get3A_65 = arith.constant 0 : index
    %get3A_66 = vector.load %arg4[%get3A_64, %get3A_65] : memref<1x128xf32, #tpu.memory_space<vmem>>, vector<1x128xf32>
    %mul3A_67 = vector.broadcast %get3A_66 : vector<1x128xf32> to vector<10000x128xf32>
    %mul3A_68 = arith.mulf %div3A_63, %mul3A_67 : vector<10000x128xf32>
    %get3A_69 = arith.constant 0 : index
    %get3A_70 = arith.constant 0 : index
    %get3A_71 = vector.load %arg5[%get3A_69, %get3A_70] : memref<1x128xf32, #tpu.memory_space<vmem>>, vector<1x128xf32>
    %add3A_72 = vector.broadcast %get3A_71 : vector<1x128xf32> to vector<10000x128xf32>
    %add3A_73 = arith.addf %mul3A_68, %add3A_72 : vector<10000x128xf32>
    %mul3A_74 = arith.constant 2.000000e-01 : f32
    %mul3A_75 = vector.broadcast %mul3A_74 : f32 to vector<10000x128xf32>
    %mul3A_76 = arith.mulf %mul3A_75, %add3A_73 : vector<10000x128xf32>
    %max3A = arith.maximumf %add3A_73, %mul3A_76 : vector<10000x128xf32>
    %swap3A = arith.constant 0 : index
    %swap3A_77 = arith.constant 0 : index
    %swap3A_78 = vector.load %arg6[%swap3A, %swap3A_77] : memref<10000x128xf32, #tpu.memory_space<vmem>>, vector<10000x128xf32>
    tpu.vector_store %arg6[%swap3A, %swap3A_77], %max3A {strides = array<i32>} : memref<10000x128xf32, #tpu.memory_space<vmem>>, vector<10000x128xf32>,
    return
  }
}

</mosaic_0001>

<sc_bundles>
// kernel: kernel.5.cloned.1.call-start
scs
__scs_entry_jumppad:
0x0: {  	(pc) =	sbr.rel $0x88, $3  }
0x1: {  	(tag) =	ssettag $0x0;
	lr =	simm.s32 $0x1  }
0x2: {  	[smem:$0x3F99] =	sst lr;
	_ =	strace $0xD0000000  }
0x3: {  	_ = 	snop  }
0x4: {  	_ = 	snop  }
0x5: {  	_ = 	snop  }
0x6: {  	_ = 	snop  }
0x7: {  	_ = 	snop  }
__scs_overlays_trampoline_lowered:
0x8: {  	[smem:$0x3FA8] =	sst s0  }
0x9: {  	[smem:$0x3FA9] =	sst s1  }
0xa: {  	[smem:$0x3FAA] =	sst s2  }
0xb: {  	[smem:$0x3FAB] =	sst s3  }
0xc: {  	[smem:$0x3FAC] =	sst s4  }
0xd: {  	[smem:$0x3FAD] =	sst s5  }
0xe: {  	[smem:$0x3FAE] =	sst s6  }
0xf: {  	[smem:$0x3FAF] =	sst s7  }
0x10: {  	[smem:$0x3FB0] =	sst s8  }
0x11: {  	[smem:$0x3FB1] =	sst s9;
	s0 =	simm.s32 @!p0 $0x0  }
0x12: {  	s1 =	sld [smem:$0x3F97];
	s0 =	simm.s32 @p0 $0x1  }
0x13: {  	[smem:$0x3FB2] =	sst s0;
	s0 =	simm.s32 @!p1 $0x0  }
0x14: {  	s2 =	sld [smem:$0x3F96];
	s0 =	simm.s32 @p1 $0x1  }
0x15: {  	[smem:$0x3FB3] =	sst s0;
	s0 =	simm.s32 @!p2 $0x0  }
0x16: {  	s3 =	sld [smem:$0x3FDB];
	s0 =	simm.s32 @p2 $0x1  }
0x17: {  	s4 =	simm.s32 $0x1BF5;
	[smem:$0x3FB5] =	sst s0  }
0x18: {  	s0 =	sld [smem:$0x3F98];
	_ =	swait.ge [sflag:s4], $0x0  }
0x19: {  	s7 =	sld [smem:$0x3F99]  }
0x1a: {  	s8 =	sadd.s32 $0xFFFFE003, lr  }
0x1b: {  	s9 =	sadd.s32 $0xFFFFFEF7, lr;
	s5 =	simm.s32 $0xFFFFFFFF;
	p2 =	slt.u32 s8, $0xFFFFF086  }
0x1c: {  	p1 =	slt.u32 s9, $0xF7A;
	s5 =	simm.s32 @!p2 $0x0  }
0x1d: {  	s5 =	simm.s32 @p1 $0x1;
	p0 =	seq.s32 s7, s2  }
0x1e: {  	s7 =	smul.u32 @!p0 $0xF7A, s2;
	p2 =	seq.s32 @!p0 s5, $0x0  }
0x1f: {  	s9 =	smul.u32 $0xF7A, s1;
	s8 =	simm.s32 @!p0 $0x1BF5;
	p2 =	por !p2, p0  }
0x20: {  	[sflag:s8] =	ssyncset.s32 @!p0 $0xFFFFF086;
	s6 =	sadd.s32 @!p0 s3, s7;
	s7 =	simm.s32 @!p0 $0x108  }
0x21: {  	s3 =	sadd.s32 s3, s9;
	s6 =	sadd.s32 @!p0 $0x88, s6;
	s7 =	simm.s32 @p2 $0x1082  }
0x22: {  	[simem:s7], [sflag:s8] =	dma.local @!p0 [hbm:s6], $0xF7A  }
0x23: {  	s9 =	sor.u32 $0xD0000000, s2;
	s6 =	simm.s32 $0x108;
	_ =	swait.ge @!p0 [sflag:s8], $0x0  }
0x24: {  	s3 =	sadd.s32 $0x88, s3;
	s6 =	simm.s32 @!p1 $0x1082;
	[sflag:s4] =	ssyncset.s32 $0xFFFFF086  }
0x25: {  	[simem:s6], [sflag:s4] =	dma.local [hbm:s3], $0xF7A  }
0x26: {  	[smem:$0x3F99] =	sst s1;
	(tag) =	ssettag s2;
	_ =	strace s9  }
0x27: {  	s1 =	sld [smem:$0x3FA9]  }
0x28: {  	s2 =	sld [smem:$0x3FAA]  }
0x29: {  	s4 =	sld [smem:$0x3FAC]  }
0x2a: {  	p0 =	seq.s32 s5, $0x0;
	s5 =	sld [smem:$0x3FAD]  }
0x2b: {  	s6 =	sld [smem:$0x3FAE]  }
0x2c: {  	s7 =	sld [smem:$0x3FAF]  }
0x2d: {  	s3 =	simm.s32 $0x108;
	s8 =	sld [smem:$0x3FB0]  }
0x2e: {  	s3 =	simm.s32 @!p0 $0x1082;
	s9 =	sld [smem:$0x3FB1]  }
0x2f: {  	lr =	sadd.s32 s0, s3;
	s0 =	sld [smem:$0x3FA8]  }
0x30: {  	s3 =	sld [smem:$0x3FAB]  }
0x31: {  	[smem:$0x3FB4] =	sst s10  }
0x32: {  	s10 =	sld [smem:$0x3FB2];
	_ =	sdelay $0x3  }
0x33: {  	p0 =	seq.s32 s10, $0x1;
	s10 =	sld [smem:$0x3FB4];
	_ =	sdelay $0x3  }
0x34: {  	[smem:$0x3FB4] =	sst s10  }
0x35: {  	s10 =	sld [smem:$0x3FB3];
	_ =	sdelay $0x3  }
0x36: {  	p1 =	seq.s32 s10, $0x1;
	s10 =	sld [smem:$0x3FB4];
	_ =	sdelay $0x3  }
0x37: {  	[smem:$0x3FB4] =	sst s10  }
0x38: {  	s10 =	sld [smem:$0x3FB5]  }
0x39: {  	_ = 	snop;
	(pc) =	sbr.ind lr, $3  }
0x3a: {  	_ = 	snop  }
0x3b: {  	_ = 	snop  }
0x3c: {  	p2 =	seq.s32 s10, $0x1;
	s10 =	sld [smem:$0x3FB4]  }
0x3d: {  	_ =	shalt  }
0x3e: {  	_ =	shalt  }
0x3f: {  	_ =	shalt  }
0x40: {  	_ =	shalt  }
0x41: {  	_ =	shalt  }
0x42: {  	_ =	shalt  }
0x43: {  	_ =	shalt  }
0x44: {  	_ =	shalt  }
0x45: {  	_ =	shalt  }
0x46: {  	_ =	shalt  }
0x47: {  	_ =	shalt  }
0x48: {  	_ =	shalt  }
0x49: {  	_ =	shalt  }
0x4a: {  	_ =	shalt  }
0x4b: {  	_ =	shalt  }
0x4c: {  	_ =	shalt  }
0x4d: {  	_ =	shalt  }
0x4e: {  	_ =	shalt  }
0x4f: {  	_ =	shalt  }
0x50: {  	_ =	shalt  }
0x51: {  	_ =	shalt  }
0x52: {  	_ =	shalt  }
0x53: {  	_ =	shalt  }
0x54: {  	_ =	shalt  }
0x55: {  	_ =	shalt  }
0x56: {  	_ =	shalt  }
0x57: {  	_ =	shalt  }
0x58: {  	_ =	shalt  }
0x59: {  	_ =	shalt  }
0x5a: {  	_ =	shalt  }
0x5b: {  	_ =	shalt  }
0x5c: {  	_ =	shalt  }
0x5d: {  	_ =	shalt  }
0x5e: {  	_ =	shalt  }
0x5f: {  	_ =	shalt  }
0x60: {  	_ =	shalt  }
0x61: {  	_ =	shalt  }
0x62: {  	_ =	shalt  }
0x63: {  	_ =	shalt  }
0x64: {  	_ =	shalt  }
0x65: {  	_ =	shalt  }
0x66: {  	_ =	shalt  }
0x67: {  	_ =	shalt  }
0x68: {  	_ =	shalt  }
0x69: {  	_ =	shalt  }
0x6a: {  	_ =	shalt  }
0x6b: {  	_ =	shalt  }
0x6c: {  	_ =	shalt  }
0x6d: {  	_ =	shalt  }
0x6e: {  	_ =	shalt  }
0x6f: {  	_ =	shalt  }
0x70: {  	_ =	shalt  }
0x71: {  	_ =	shalt  }
0x72: {  	_ =	shalt  }
0x73: {  	_ =	shalt  }
0x74: {  	_ =	shalt  }
0x75: {  	_ =	shalt  }
0x76: {  	_ =	shalt  }
0x77: {  	_ =	shalt  }
0x78: {  	_ =	shalt  }
0x79: {  	_ =	shalt  }
0x7a: {  	_ =	shalt  }
0x7b: {  	_ =	shalt  }
0x7c: {  	_ =	shalt  }
0x7d: {  	_ =	shalt  }
0x7e: {  	_ =	shalt  }
0x7f: {  	_ =	shalt  }
0x80: {  	_ =	shalt  }
0x81: {  	_ =	shalt  }
0x82: {  	_ =	shalt  }
0x83: {  	_ =	shalt  }
0x84: {  	_ =	shalt  }
0x85: {  	_ =	shalt  }
0x86: {  	_ =	shalt  }
0x87: {  	_ =	shalt  }
.Lfunc_end0:
.L_simem_size_0:
called_computation_lowered:
.L_overlay_start_0:
0x88: {  	s2 =	sld [smem:$0x3FD9]  }
0x89: {  	s3 =	sld [smem:$0x3FFE];
	_ =	sdelay $0x1  }
0x8a: {  	s1 =	srdreg.scid  }
0x8b: {  	s0 =	sand.u32 $0x1, s1  }
0x8c: {  	s17 =	sshll.u32 s0, $0xA;
	s2 =	sadd.s32 s3, s2  }
0x8d: {  	s2 =	sadd.s32 s2, s17  }
0x8e: {  	[smem:$0x3FC0] =	sst s2  }
0x8f: {  	_ = 	snop  }
0x90: {  	s2 =	sld [smem:$0x3FD0];
	(tm) =	ssettm $0x1  }
0x91: {  	s18 =	sld [smem:$0x3FFB];
	_ =	sdelay $0x3  }
0x92: {  	_ =	strace s18  }
0x93: {  	s3 =	sld [smem:$0x3FFC];
	_ =	sdelay $0x3  }
0x94: {  	_ =	strace s3  }
0x95: {  	s3 =	sld [smem:$0x3FFD];
	_ =	sdelay $0x3  }
0x96: {  	_ =	strace s3  }
0x97: {  	_ =	strace $0x8FFFFFFF  }
0x98: {  	s19 =	sld [smem:$0x3FDB];
	_ =	sdelay $0x1  }
0x99: {  	s4 =	simm.s32 $_scs_section_size  }
0x9a: {  	s5 =	simm.s32 $_size__tile_overlayer_lowered;
	s6 =	simm.s32 $_tile_overlayer_lowered  }
0x9b: {  	s22 =	simm.s32 $0x1BFF;
	s21 =	sshll.u32 s6, $0x1;
	s3 =	sadd.s32 s4, s19  }
0x9c: {  	s7 =	simm.s32 $0x0;
	s20 =	sshll.u32 s5, $0x1;
	s5 =	sadd.s32 s21, s3  }
0x9d: {  	[timem:s7], [sflag:s22] =	dma.local [hbm:s5], s20  }
0x9e: {  	_ =	swait.ge [sflag:s22], s20  }
0x9f: {  	s4 =	ssub.s32 $0x0, s20;
	[sflag:s22] =	ssyncset.done $0x0  }
0xa0: {  	[sflag:s22] =	ssyncadd.s32 s4;
	_ =	sdelay $0x1  }
0xa1: {  	s23 =	simm.s32 $0x1B8B  }
0xa2: {  	_ =	swait.ge [sflag:s23], $0x1  }
0xa3: {  	[sflag:s23] =	ssyncset.done $0x0  }
0xa4: {  	s25 =	simm.s32 $0x1B8E;
	s24 =	sld [smem:$0x3FFE];
	[sflag:s23] =	ssyncadd.s32 $0xFFFFFFFF  }
0xa5: {  	s26 =	simm.s32 $execute0_lowered;
	[smem:$0x3FD2] =	sst s25  }
0xa6: {  	s5 =	sshll.u32 s26, $0x1;
	_ =	strace $0x80000046;
	[dreg:$0x1] =	wrdreg $0xFFFFFFFF  }
0xa7: {  	s28 =	simm.s32 $_size_execute0_lowered;
	s3 =	sadd.s32 s3, s5;
	[dreg:$0x0] =	wrdreg $0x0  }
0xa8: {  	s5 =	sshll.u32 s28, $0x1;
	[dreg:$0x2] =	wrdreg s3  }
0xa9: {  	[dreg:$0x3] =	wrdreg s5  }
0xaa: {  	[dreg:$0x4] =	wrdreg $0xC0  }
0xab: {  	_ =	task [dreg:s7], $0x5FFFF  }
0xac: {  	[dreg:$0x1] =	wrdreg $0xFFFFFFFF  }
0xad: {  	[dreg:$0x0] =	wrdreg $0x60  }
0xae: {  	[dreg:$0x2] =	wrdreg s2  }
0xaf: {  	[dreg:$0x3] =	wrdreg s24  }
0xb0: {  	[dreg:$0x4] =	wrdreg $0xF2500  }
0xb1: {  	[dreg:$0x5] =	wrdreg $0x9  }
0xb2: {  	_ =	task.clear_ibuf [dreg:s7], $0x6FFFF;
	_ =	strace $0x90000046  }
0xb3: {  	s29 =	simm.s32 $0x9;
	_ =	strace $0x80000048  }
0xb4: {  	_ =	swait.ge [sflag:s29], $0x1  }
0xb5: {  	[sflag:s29] =	ssyncadd.s32 $0xFFFFFFFF  }
0xb6: {  	_ =	strace $0x90000048  }
0xb7: {  	_ =	sfence  }
0xb8: {  	s30 =	sld [smem:$0x0];
	_ =	sdelay $0x2  }
0xb9: {  	s31 =	sshll.u32 s1, $0xD;
	s1 =	sshrl.u32 s1, $0x2  }
0xba: {  	s3 =	sand.u32 $0x4000, s31;
	s1 =	sadd.s32 s1, s30  }
0xbb: {  	s0 =	sor.u32 s3, s0;
	s1 =	sshll.u32 s1, $0x11  }
0xbc: {  	s0 =	sor.u32 s1, s0  }
0xbd: {  	s0 =	sadd.s32 $0x8F2B, s0  }
0xbe: {  	[sflag:s0] =	ssyncadd.remote.s32 $0x1  }
0xbf: {  	_ =	sfence.sel $0xFFFF  }
0xc0: {  	[dreg:$0x0] =	wrdreg $0xFFFFFFFF;
	(pc) =	sbr.abs _section_cstart, $3  }
0xc1: {  	[dreg:$0x1] =	wrdreg $0xFFFFFFFF  }
0xc2: {  	_ =	task.clear_ibuf [dreg:s7], $0x2FFFF;
	_ =	strace $0x9FFFFFFF  }
0xc3: {  	(tm) =	ssettm $0x7FFFFFFF  }
tec
execute0_lowered:
.L_overlay_start_1:
0x0: {  	(tag) =	ssettag $0x1  }
0x1: {  	s1 =	rddreg [dreg:$0x0]  }
0x2: {  	s0 =	rddreg [dreg:$0x1]  }
0x3: {  	s2 =	rddreg [dreg:$0x2];
	s4 =	simm.s32 $0x0;
	s3 =	srdreg.scid  }
0x4: {  	s21 =	stileid.u32;
	[smem:$0x7FF] =	sst s4  }
0x5: {  	s3 =	sand.u32 $0x1, s3;
	s7 =	smul.u32 $0xC580, s21;
	s5 =	sadd.s32 $0x65600, s0  }
0x6: {  	s6 =	sadd.s32 $0x4CA00, s0;
	s10 =	sadd.s32 $0x92600, s0;
	_ =	strace $0x80000047  }
0x7: {  	s8 =	ssub.s32 $0x2, s3;
	s9 =	smul.u32 $0xC5800, s3;
	p0 =	sne.s32 s3, $0x0  }
0x8: {  	s11 =	sshrl.u32 s8, $0x1;
	s13 =	sadd.s32 $0x5000, s7;
	s14 =	sadd.s32 $0x7800, s7  }
0x9: {  	s15 =	sadd.s32 $0xA000, s7;
	s30 =	sadd.s32 s7, s2;
	s8 =	ssub.s32 s8, s11  }
0xa: {  	s11 =	sadd.s32 $0x2800, s7;
	s12 =	sadd.s32 s7, s9;
	s16 =	sadd.s32 s9, s13  }
0xb: {  	s17 =	sadd.s32 s9, s14;
	s20 =	sadd.s32 $0x18B000, s9;
	[dreg:$0x10] =	wrdreg s30  }
0xc: {  	s12 =	sshrl.u32 s12, $0x3;
	s29 =	sadd.s32 s9, s11;
	s16 =	sshrl.u32 s16, $0x3  }
0xd: {  	s18 =	sshrl.u32 s17, $0x3;
	s9 =	sadd.s32 s9, s15;
	s22 =	sadd.s32 s7, s20  }
0xe: {  	s23 =	sadd.s32 s11, s20;
	s26 =	sadd.s32 s13, s20;
	s28 =	sadd.s32 s14, s20  }
0xf: {  	s31 =	sadd.s32 s11, s2;
	s11 =	simm.s32 $0x100;
	s12 =	sadd.s32 s10, s12  }
0x10: {  	s19 =	sadd.s32 s10, s18;
	s9 =	sshrl.u32 s9, $0x3;
	[dreg:$0x11] =	wrdreg s31  }
0x11: {  	s17 =	sshrl.u32 s23, $0x3;
	s18 =	sadd.s32 $0x33E00, s0;
	[dreg:$0x4] =	wrdreg s12  }
0x12: {  	s23 =	sadd.s32 $0x7E200, s0;
	s12 =	sshrl.u32 s29, $0x3;
	[dreg:$0x7] =	wrdreg s19  }
0x13: {  	s9 =	sadd.s32 s10, s9;
	s25 =	sadd.s32 s10, s17;
	s19 =	sadd.s32 $0x1B200, s0  }
0x14: {  	s17 =	smul.u32 $0x5100, s21;
	s21 =	sadd.s32 s13, s2;
	[dreg:$0x8] =	wrdreg s9  }
0x15: {  	s13 =	simm.s32 $0x180;
	s12 =	sadd.s32 s10, s12;
	[dreg:$0xa] =	wrdreg s25  }
0x16: {  	s9 =	sshrl.u32 s26, $0x3;
	[dreg:$0x12] =	wrdreg s21;
	s25 =	sadd.s32 s15, s2  }
0x17: {  	[dreg:$0x5] =	wrdreg s12;
	s12 =	sadd.s32 s10, s16;
	s16 =	sshrl.u32 s22, $0x3  }
0x18: {  	s9 =	sadd.s32 s10, s9;
	s22 =	sadd.s32 $0x88400, s0;
	[dreg:$0x14] =	wrdreg s25  }
0x19: {  	s26 =	sshrl.u32 s17, $0x3;
	s3 =	sadd.s32 $0x100, s17;
	[dreg:$0x6] =	wrdreg s12  }
0x1a: {  	s24 =	sadd.s32 s10, s16;
	s12 =	sadd.s32 s15, s20;
	[dreg:$0xb] =	wrdreg s9  }
0x1b: {  	s16 =	sshrl.u32 s28, $0x3;
	s28 =	sadd.s32 s22, s26;
	[dreg:$0x9] =	wrdreg s24  }
0x1c: {  	s20 =	sadd.s32 $0x2600, s0;
	s29 =	sadd.s32 s10, s16;
	[dreg:$0x15] =	wrdreg s28  }
0x1d: {  	s9 =	simm.s32 $0x3;
	s16 =	sadd.s32 $0x2200, s0;
	[dreg:$0xc] =	wrdreg s29  }
0x1e: {  	s12 =	sshrl.u32 s12, $0x3;
	s24 =	sadd.s32 s14, s2;
	[dreg:$0xf] =	wrdreg s16  }
0x1f: {  	s15 =	simm.s32 $0xCA00;
	s10 =	sadd.s32 s10, s12;
	[dreg:$0x13] =	wrdreg s24  }
.Ltmp0:
0x20: {  	s12 =	sadd.s32 $0x2400, s0;
	[dreg:$0xd] =	wrdreg s10;
	(pc) =	sbr.rel .LBB2_1-.Ltmp0, $4  }
0x21: {  	s14 =	simm.s32 $0xA200;
	s0 =	sadd.s32 s23, s26;
	[dreg:$0xe] =	wrdreg s12  }
0x22: {  	s29 =	smax.u32 s8, $0x1;
	s8 =	simm.s32 $0x5200;
	[dreg:$0x16] =	wrdreg s0  }
0x23: {  	s16 =	simm.s32 $0x1;
	s0 =	sor.u32 $0x80, s17;
	[dreg:$0x17] =	wrdreg s29  }
0x24: {  	v0 =	vimm.f32 $0.0e+00;
	s10 =	simm.s32 $0x80;
	s12 =	simm.s32 $0x7A00;
	s17 =	simm.s32 $0x2  }
.LBB2_31:
0x25: {  	[bflag:$0x0] =	sbarrier.arrive $0xFFFF  }
0x26: {  	s7 =	rddreg [dreg:$0x9]  }
0x27: {  	s24 =	rddreg [dreg:$0x18]  }
0x28: {  	[hbm:s7], [sflag:s21] =	dma.local [spmem:s24], $0x500  }
0x29: {  	_ =	swait.ge [sflag:s9], $0x500  }
0x2a: {  	[sflag:s9] =	ssyncset.done $0x0;
	s24 =	rddreg [dreg:$0xa]  }
0x2b: {  	s26 =	rddreg [dreg:$0x19];
	[sflag:s9] =	ssyncadd.s32 $0xFFFFFB00  }
0x2c: {  	[hbm:s24], [sflag:s21] =	dma.local [spmem:s26], $0x500  }
0x2d: {  	_ =	swait.ge [sflag:s9], $0x500  }
0x2e: {  	[sflag:s9] =	ssyncset.done $0x0;
	s28 =	rddreg [dreg:$0xb]  }
0x2f: {  	s29 =	rddreg [dreg:$0x1a];
	[sflag:s9] =	ssyncadd.s32 $0xFFFFFB00  }
0x30: {  	[hbm:s28], [sflag:s21] =	dma.local [spmem:s29], $0x500  }
0x31: {  	_ =	swait.ge [sflag:s9], $0x500  }
0x32: {  	[sflag:s9] =	ssyncset.done $0x0;
	s24 =	rddreg [dreg:$0xc]  }
0x33: {  	s26 =	rddreg [dreg:$0x1b];
	[sflag:s9] =	ssyncadd.s32 $0xFFFFFB00  }
0x34: {  	[hbm:s24], [sflag:s21] =	dma.local [spmem:s26], $0x500  }
0x35: {  	_ =	swait.ge [sflag:s9], $0x500  }
0x36: {  	[sflag:s9] =	ssyncset.done $0x0  }
0x37: {  	s28 =	rddreg [dreg:$0xd];
	[sflag:s9] =	ssyncadd.s32 $0xFFFFFB00  }
0x38: {  	[hbm:s28], [sflag:s21] =	dma.local [spmem:s25], $0x4B0  }
0x39: {  	_ =	swait.ge [sflag:s9], $0x4B0  }
0x3a: {  	s4 =	sadd.s32 $0x1, s4;
	s29 =	rddreg [dreg:$0x17]  }
0x3b: {  	p1 =	sne.s32 s4, s29  }
.Ltmp1:
0x3c: {  	_ = 	snop;
	(pc) =	sbr.rel @!p1 .LBB2_32-.Ltmp1, $3  }
0x3d: {  	_ =	sdelay $0x1  }
0x3e: {  	[sflag:s9] =	ssyncset.done $0x0;
	s30 =	rddreg [dreg:$0x10]  }
0x3f: {  	s31 =	rddreg [dreg:$0x11];
	[sflag:s9] =	ssyncadd.s32 $0xFFFFFB50  }
.LBB2_1:
0x40: {  	s21 =	simm.s32 $0x140;
	s7 =	simm.s32 $0x0  }
.LBB2_2:
0x41: {  	p1 =	sne.s32 s21, $0x9EC0;
	[tilespmem:s7+$0x5240] =	vst v0;
	s24 =	smov.u32 s21;
	s21 =	sadd.s32 $0x140, s21  }
.Ltmp2:
0x42: {  	[tilespmem:s7+$0x5230] =	vst v0;
	(pc) =	sbr.rel @p1 .LBB2_2-.Ltmp2, $4  }
0x43: {  	[tilespmem:s7+$0x5220] =	vst v0  }
0x44: {  	[tilespmem:s7+$0x5200] =	vst v0  }
0x45: {  	[tilespmem:s7+$0x5210] =	vst v0  }
0x46: {  	s7 =	sshra.s32 s24, $0x2  }
0x47: {  	[tilespmem:s7+$0x5240] =	vst v0  }
0x48: {  	[tilespmem:s7+$0x5230] =	vst v0  }
0x49: {  	[tilespmem:s7+$0x5220] =	vst v0  }
0x4a: {  	[tilespmem:s7+$0x5200] =	vst v0  }
0x4b: {  	[tilespmem:s7+$0x5210] =	vst v0  }
0x4c: {  	[spmem:s30] =	stream.linear.scatter [tilespmem:s8], [sflag:$0x3], $0x2800, $0x38;
	[tilespmem:$0x1B7D0] =	vst v63  }
0x4d: {  	_ =	swait.ge [sflag:s9], $0x2800  }
0x4e: {  	[sflag:s9] =	ssyncset.done $0x0  }
0x4f: {  	[sflag:s9] =	ssyncadd.s32 $0xFFFFD800  }
0x50: {  	[spmem:s31] =	stream.linear.scatter [tilespmem:s8], [sflag:$0x3], $0x2800, $0x38;
	[tilespmem:$0x1B7D0] =	vst v63  }
0x51: {  	_ =	swait.ge [sflag:s9], $0x2800  }
0x52: {  	[sflag:s9] =	ssyncset.done $0x0  }
0x53: {  	s26 =	rddreg [dreg:$0x12];
	[sflag:s9] =	ssyncadd.s32 $0xFFFFD800  }
0x54: {  	[spmem:s26] =	stream.linear.scatter [tilespmem:s8], [sflag:$0x3], $0x2800, $0x38;
	[tilespmem:$0x1B7D0] =	vst v63  }
0x55: {  	_ =	swait.ge [sflag:s9], $0x2800  }
0x56: {  	[sflag:s9] =	ssyncset.done $0x0  }
0x57: {  	s28 =	rddreg [dreg:$0x13];
	[sflag:s9] =	ssyncadd.s32 $0xFFFFD800  }
0x58: {  	[spmem:s28] =	stream.linear.scatter [tilespmem:s8], [sflag:$0x3], $0x2800, $0x38;
	[tilespmem:$0x1B7D0] =	vst v63  }
0x59: {  	_ =	swait.ge [sflag:s9], $0x2800  }
0x5a: {  	[sflag:s9] =	ssyncset.done $0x0  }
0x5b: {  	s29 =	rddreg [dreg:$0x14];
	[sflag:s9] =	ssyncadd.s32 $0xFFFFD800  }
0x5c: {  	[spmem:s29] =	stream.linear.scatter [tilespmem:s8], [sflag:$0x3], $0x2580, $0x38;
	[tilespmem:$0x1B7D0] =	vst v63  }
.Ltmp3:
0x5d: {  	_ =	swait.ge [sflag:s9], $0x2580;
	(pc) =	sbr.rel @p0 .LBB2_10-.Ltmp3, $4  }
0x5e: {  	[sflag:s9] =	ssyncset.done $0x0  }
0x5f: {  	[sflag:s9] =	ssyncadd.s32 $0xFFFFDA80  }
0x60: {  	[bflag:$0x0] =	sbarrier.arrive $0xFFFF  }
0x61: {  	s7 =	simm.s32 $0x0  }
0x62: {  	s21 =	rddreg [dreg:$0xe];
	s24 =	simm.s32 $0xF200  }
0x63: {  	[tilespmem:s24], [sflag:$0x3] =	stream.linear.gather [hbm4b:s21+s7], $0x50, $0x38;
	[tilespmem:$0x1B7D0] =	vst v63  }
0x64: {  	_ =	swait.ge [sflag:s9], $0x50  }
0x65: {  	[sflag:s9] =	ssyncset.done $0x0  }
0x66: {  	[sflag:s9] =	ssyncadd.s32 $0xFFFFFFB0  }
0x67: {  	v1 =	vld [tilespmem:$0xF200]  }
0x68: {  	v2 =	vld [tilespmem:$0xF210]  }
0x69: {  	v3 =	vld [tilespmem:$0xF220]  }
0x6a: {  	s25 =	rddreg [dreg:$0x15];
	v4 =	vld [tilespmem:$0xF230]  }
0x6b: {  	v5 =	vld [tilespmem:$0xF240];
	[tilespmem:s7], [sflag:$0x3] =	stream.linear.gather [hbm4b:s25+s7], $0x80, $0x38  }
0x6c: {  	_ =	swait.ge [sflag:s9], $0x80  }
0x6d: {  	[sflag:s9] =	ssyncset.done $0x0  }
0x6e: {  	s26 =	rddreg [dreg:$0x16];
	[sflag:s9] =	ssyncadd.s32 $0xFFFFFF80  }
0x6f: {  	[tilespmem:s10], [sflag:$0x3] =	stream.linear.gather [hbm4b:s26+s7], $0x80, $0x38;
	[tilespmem:$0x1B7D0] =	vst v63  }
0x70: {  	_ =	swait.ge [sflag:s9], $0x80  }
0x71: {  	[sflag:s9] =	ssyncset.done $0x0  }
0x72: {  	s28 =	simm.s32 $0x200;
	[sflag:s9] =	ssyncadd.s32 $0xFFFFFF80  }
0x73: {  	[tilespmem:s28], [sflag:$0x1] =	stream.indirect.gather [hbm4b:s1+s10], $0x50, s7, s10, $0xb8;
	[tilespmem:$0x1B7D0] =	vst v63  }
0x74: {  	s29 =	simm.s32 $0x2A00  }
0x75: {  	[tilespmem:s29], [sflag:$0x1] =	stream.indirect.gather [hbm4b:s5+s10], $0x50, s10, s10, $0xb8;
	[tilespmem:$0x1B7D0] =	vst v63  }
0x76: {  	s21 =	simm.s32 $0x0  }
0x77: {  	[tilespmem:s8], [sflag:$0x1] =	stream.indirect.gather [hbm4b:s6+s10], $0x50, s7, s10, $0xb8;
	[tilespmem:$0x1B7D0] =	vst v63  }
.LBB2_5:
0x78: {  	s24 =	sshll.u32 s21, $0x8  }
0x79: {  	s25 =	sadd.s32 s24, s0  }
0x7a: {  	s25 =	sshrl.u32 s25, $0x3  }
0x7b: {  	s26 =	sadd.s32 s22, s25  }
0x7c: {  	[tilespmem:s11], [sflag:$0x3] =	stream.linear.gather [hbm4b:s26+s7], $0x80, $0x38;
	[tilespmem:$0x1B7D0] =	vst v63  }
0x7d: {  	_ =	swait.ge [sflag:s9], $0x80  }
0x7e: {  	[sflag:s9] =	ssyncset.done $0x0  }
0x7f: {  	s25 =	sadd.s32 s23, s25;
	[sflag:s9] =	ssyncadd.s32 $0xFFFFFF80  }
0x80: {  	[tilespmem:s13], [sflag:$0x3] =	stream.linear.gather [hbm4b:s25+s7], $0x80, $0x38;
	[tilespmem:$0x1B7D0] =	vst v63  }
0x81: {  	_ =	swait.ge [sflag:s9], $0x80  }
0x82: {  	[sflag:s9] =	ssyncset.done $0x0  }
0x83: {  	[sflag:s9] =	ssyncadd.s32 $0xFFFFFF80  }
0x84: {  	[tilespmem:s12], [sflag:$0x2] =	stream.indirect.gather [hbm4b:s1+s10], $0x50, s11, s10, $0xb8;
	[tilespmem:$0x1B7D0] =	vst v63  }
0x85: {  	_ = 	snop  }
0x86: {  	[tilespmem:s14], [sflag:$0x2] =	stream.indirect.gather [hbm4b:s5+s10], $0x50, s13, s10, $0xb8;
	[tilespmem:$0x1B7D0] =	vst v63  }
0x87: {  	_ = 	snop  }
0x88: {  	[tilespmem:s15], [sflag:$0x2] =	stream.indirect.gather [hbm4b:s6+s10], $0x50, s11, s10, $0xb8;
	[tilespmem:$0x1B7D0] =	vst v63  }
0x89: {  	_ =	swait.ge [sflag:s16], $0x2800  }
0x8a: {  	[sflag:s16] =	ssyncset.done $0x0  }
0x8b: {  	[sflag:s16] =	ssyncadd.s32 $0xFFFFD800  }
0x8c: {  	_ =	swait.ge [sflag:s16], $0x2800  }
0x8d: {  	[sflag:s16] =	ssyncset.done $0x0  }
0x8e: {  	[sflag:s16] =	ssyncadd.s32 $0xFFFFD800  }
0x8f: {  	_ =	swait.ge [sflag:s16], $0x2800  }
0x90: {  	[sflag:s16] =	ssyncset.done $0x0  }
0x91: {  	s26 =	simm.s32 $0x0;
	[sflag:s16] =	ssyncadd.s32 $0xFFFFD800  }
0x92: {  	v6 =	vld [tilespmem:s26+$0x2A40]  }
0x93: {  	v7 =	vld [tilespmem:s26+$0x240]  }
0x94: {  	v8 =	vld [tilespmem:s26+$0x2A30]  }
0x95: {  	v9 =	vld [tilespmem:s26+$0x2A20]  }
0x96: {  	v12 =	vld [tilespmem:s26+$0x2A10]  }
0x97: {  	v14 =	vld [tilespmem:s26+$0x210]  }
0x98: {  	v6 =	vadd.f32 v6, v7;
	v7 =	vld [tilespmem:s26+$0x220]  }
0x99: {  	v10 =	vld [tilespmem:s26+$0x230]  }
0x9a: {  	v11 =	vld [tilespmem:s26+$0x2A00]  }
0x9b: {  	s25 =	simm.s32 $0x50;
	v15 =	vld [tilespmem:s26+$0x200]  }
0x9c: {  	v17 =	vld [tilespmem:s25+$0x230];
	v13 =	vmul.f32 $2.000000030e-01, v6  }
0x9d: {  	v12 =	vadd.f32 v12, v14;
	v14 =	vld [tilespmem:s25+$0x2A30];
	v7 =	vadd.f32 v9, v7  }
0x9e: {  	v6 =	vmax.f32 v6, v13  }
0x9f: {  	v8 =	vadd.f32 v8, v10;
	v10 =	vld [tilespmem:s25+$0x240];
	v6 =	vsub.f32 v6, v5;
	v13 =	vmul.f32 $2.000000030e-01, v7  }
0xa0: {  	v11 =	vadd.f32 v11, v15;
	v9 =	vld [tilespmem:s25+$0x2A40]  }
0xa1: {  	v16 =	vmul.f32 $2.000000030e-01, v8;
	v6 =	vmul.f32 $1.442695020e+00, v6;
	v7 =	vmax.f32 v7, v13  }
0xa2: {  	v17 =	vadd.f32 v14, v17;
	v13 =	vmul.f32 $2.000000030e-01, v12;
	v7 =	vsub.f32 v7, v3  }
0xa3: {  	v15 =	vld [tilespmem:s25+$0x2A20];
	(erf) = vpow2.f32 v6;
	v6 =	vmax.f32 v8, v16;
	v8 =	vmul.f32 $2.000000030e-01, v11  }
0xa4: {  	v14 =	vld [tilespmem:s26+$0x5240];
	v18 =	vsub.f32 v6, v4;
	v12 =	vmax.f32 v12, v13;
	v7 =	vmul.f32 $1.442695020e+00, v7  }
0xa5: {  	v16 =	vld [tilespmem:s25+$0x2A00];
	v9 =	vadd.f32 v9, v10;
	v10 =	vsub.f32 v12, v2  }
0xa6: {  	v8 =	vmax.f32 v11, v8;
	v12 =	vld [tilespmem:s25+$0x200];
	v11 =	vmul.f32 $1.442695020e+00, v18;
	(erf) = vpow2.f32 v7  }
0xa7: {  	v18 =	vld [tilespmem:s25+$0x220];
	v13 =	vmul.f32 $2.000000030e-01, v9;
	v8 =	vsub.f32 v8, v1;
	v7 =	vmul.f32 $1.442695020e+00, v10  }
0xa8: {  	v19 =	vmul.f32 $2.000000030e-01, v17;
	v6 =	vld [tilespmem:s25+$0x2A10];
	(erf) = vpow2.f32 v11  }
0xa9: {  	v10 =	vld [tilespmem:s25+$0x210];
	v8 =	vmul.f32 $1.442695020e+00, v8;
	v11 =	vmax.f32 v9, v13;
	(erf) = vpow2.f32 v7  }
0xaa: {  	v9 =	vld [tilespmem:s26+$0x5230];
	v20 =	vsub.f32 v11, v5  }
0xab: {  	v13 =	vld [tilespmem:s26+$0x5220];
	v11 =	vmax.f32 v17, v19;
	(erf) = vpow2.f32 v8  }
0xac: {  	s28 =	simm.s32 $0x280;
	v7 =	vadd.f32 v16, v12;
	v15 =	vadd.f32 v15, v18;
	v8 =	vld [tilespmem:s26+$0x5200];
	v12 =	vmul.f32 $1.442695020e+00, v20;
	v16 =	vpop (erf)  }
.LBB2_6:
0xad: {  	s29 =	sshra.s32 s28, $0x2;
	p1 =	sne.s32 s28, $0x9EC0;
	s28 =	sadd.s32 $0x140, s28;
	v17 =	vld [tilespmem:s26+$0x5210]  }
0xae: {  	v18 =	vld [tilespmem:s29+$0x2A40];
	v19 =	vmul.f32 $2.000000030e-01, v15  }
0xaf: {  	v6 =	vadd.f32 v6, v10;
	v20 =	vld [tilespmem:s29+$0x240];
	v22 =	vmul.f32 v16, v14;
	v14 =	vpop (erf)  }
0xb0: {  	v16 =	vld [tilespmem:s29+$0x2A30];
	v15 =	vmax.f32 v15, v19;
	v13 =	vmul.f32 v14, v13  }
0xb1: {  	v21 =	vmul.f32 $2.000000030e-01, v6;
	v14 =	vmul.f32 $2.000000030e-01, v7;
	v19 =	vld [tilespmem:s29+$0x2A20];
	v15 =	vsub.f32 v15, v3;
	[tilespmem:s26+$0x5240] =	vst v22;
	v10 =	vpop (erf)  }
0xb2: {  	v11 =	vsub.f32 v11, v4;
	v22 =	vld [tilespmem:s29+$0x230];
	(erf) = vpow2.f32 v12;
	[tilespmem:s26+$0x5220] =	vst v13;
	v23 =	vmul.f32 v10, v9;
	v10 =	vpop (erf)  }
0xb3: {  	v13 =	vmax.f32 v6, v21;
	v12 =	vld [tilespmem:s29+$0x2A00];
	v15 =	vmul.f32 $1.442695020e+00, v15;
	v10 =	vmul.f32 v10, v17  }
0xb4: {  	v11 =	vmul.f32 $1.442695020e+00, v11;
	v13 =	vsub.f32 v13, v2;
	v6 =	vld [tilespmem:s29+$0x2A10];
	v17 =	vadd.f32 v18, v20;
	[tilespmem:s26+$0x5230] =	vst v23;
	v9 =	vpop (erf)  }
0xb5: {  	v7 =	vmax.f32 v7, v14;
	v18 =	vld [tilespmem:s29+$0x200];
	(erf) = vpow2.f32 v15;
	v8 =	vmul.f32 v9, v8;
	[tilespmem:s26+$0x5210] =	vst v10  }
0xb6: {  	v7 =	vsub.f32 v7, v1;
	v13 =	vmul.f32 $1.442695020e+00, v13;
	v15 =	vld [tilespmem:s29+$0x220];
	v9 =	vmul.f32 $2.000000030e-01, v17  }
.Ltmp4:
0xb7: {  	v10 =	vld [tilespmem:s29+$0x210];
	v16 =	vadd.f32 v16, v22;
	(erf) = vpow2.f32 v11;
	[tilespmem:s26+$0x5200] =	vst v8;
	s26 =	smov.u32 s25;
	s25 =	smov.u32 s29;
	(pc) =	sbr.rel @p1 .LBB2_6-.Ltmp4, $4  }
0xb8: {  	v11 =	vmul.f32 $1.442695020e+00, v7;
	v8 =	vmax.f32 v17, v9;
	v9 =	vld [tilespmem:s26+$0x5230];
	(erf) = vpow2.f32 v13  }
0xb9: {  	v17 =	vmul.f32 $2.000000030e-01, v16;
	v8 =	vsub.f32 v8, v5;
	v14 =	vld [tilespmem:s26+$0x5240]  }
0xba: {  	v7 =	vadd.f32 v12, v18;
	v13 =	vld [tilespmem:s26+$0x5220];
	(erf) = vpow2.f32 v11  }
0xbb: {  	v15 =	vadd.f32 v19, v15;
	v11 =	vmax.f32 v16, v17;
	v12 =	vmul.f32 $1.442695020e+00, v8;
	v8 =	vld [tilespmem:s26+$0x5200];
	v16 =	vpop (erf)  }
0xbc: {  	_ = 	snop  }
0xbd: {  	v6 =	vadd.f32 v6, v10;
	v17 =	vmul.f32 $2.000000030e-01, v15  }
0xbe: {  	v18 =	vld [tilespmem:s26+$0x5210];
	v11 =	vsub.f32 v11, v4;
	v10 =	vmul.f32 v16, v14;
	v14 =	vpop (erf);
	v16 =	vmul.f32 $2.000000030e-01, v7  }
0xbf: {  	v15 =	vmax.f32 v15, v17;
	v13 =	vmul.f32 v14, v13;
	v14 =	vmul.f32 $2.000000030e-01, v6  }
0xc0: {  	v15 =	vsub.f32 v15, v3;
	v7 =	vmax.f32 v7, v16;
	[tilespmem:s26+$0x5240] =	vst v10;
	v10 =	vmul.f32 $1.442695020e+00, v11  }
0xc1: {  	v17 =	vpop (erf);
	(erf) = vpow2.f32 v12;
	v6 =	vmax.f32 v6, v14;
	v7 =	vsub.f32 v7, v1  }
0xc2: {  	v9 =	vmul.f32 v17, v9;
	v12 =	vpop (erf);
	v14 =	vmul.f32 $1.442695020e+00, v15;
	v6 =	vsub.f32 v6, v2  }
0xc3: {  	v12 =	vmul.f32 v12, v18;
	v7 =	vmul.f32 $1.442695020e+00, v7  }
0xc4: {  	[tilespmem:s26+$0x5220] =	vst v13;
	v11 =	vpop (erf);
	(erf) = vpow2.f32 v14;
	v6 =	vmul.f32 $1.442695020e+00, v6  }
0xc5: {  	v8 =	vmul.f32 v11, v8;
	[tilespmem:s26+$0x5230] =	vst v9;
	(erf) = vpow2.f32 v10  }
0xc6: {  	[tilespmem:s26+$0x5210] =	vst v12;
	(erf) = vpow2.f32 v6  }
0xc7: {  	[tilespmem:s26+$0x5200] =	vst v8;
	(erf) = vpow2.f32 v7  }
0xc8: {  	v6 =	vld [tilespmem:s25+$0x5240]  }
0xc9: {  	v7 =	vld [tilespmem:s25+$0x5220]  }
0xca: {  	v8 =	vld [tilespmem:s25+$0x5230]  }
0xcb: {  	v9 =	vld [tilespmem:s25+$0x5210]  }
0xcc: {  	v10 =	vld [tilespmem:s25+$0x5200];
	v11 =	vpop (erf)  }
0xcd: {  	v6 =	vmul.f32 v11, v6;
	v11 =	vpop (erf)  }
0xce: {  	v7 =	vmul.f32 v11, v7;
	v11 =	vpop (erf)  }
0xcf: {  	[tilespmem:s25+$0x5240] =	vst v6;
	v6 =	vmul.f32 v11, v8;
	v8 =	vpop (erf)  }
0xd0: {  	[tilespmem:s25+$0x5220] =	vst v7;
	v7 =	vmul.f32 v8, v9;
	v8 =	vpop (erf)  }
0xd1: {  	[tilespmem:s25+$0x5230] =	vst v6;
	v6 =	vmul.f32 v8, v10  }
0xd2: {  	[tilespmem:s25+$0x5210] =	vst v7  }
0xd3: {  	p1 =	seq.s32 s21, $0x50;
	[tilespmem:s25+$0x5200] =	vst v6  }
0xd4: {  	[spmem:s2] =	stream.indirect.scatter.add.f32 [tilespmem:s8], [sflag:$0x3], $0x50, s10, s10, $0xb8;
	[tilespmem:$0x1B7D0] =	vst v63  }
0xd5: {  	s24 =	sadd.s32 @!p1 s24, s3;
	_ =	swait.ge [sflag:s9], $0x2800  }
0xd6: {  	s24 =	sshrl.u32 @!p1 s24, $0x3;
	[sflag:s9] =	ssyncset.done $0x0  }
0xd7: {  	s26 =	simm.s32 @!p1 $0x0;
	s25 =	sadd.s32 @!p1 s22, s24;
	[sflag:s9] =	ssyncadd.s32 $0xFFFFD800  }
0xd8: {  	[tilespmem:s26], [sflag:$0x3] =	stream.linear.gather @!p1 [hbm4b:s25+s26], $0x80, $0x38;
	[tilespmem:$0x1B7D0] =	vst v63  }
0xd9: {  	s25 =	simm.s32 @!p1 $0x3  }
0xda: {  	_ =	swait.ge @!p1 [sflag:s25], $0x80  }
0xdb: {  	[sflag:s25] =	ssyncset.done @!p1 $0x0  }
0xdc: {  	s28 =	simm.s32 @!p1 $0x80;
	s24 =	sadd.s32 @!p1 s23, s24;
	[sflag:s25] =	ssyncadd.s32 @!p1 $0xFFFFFF80  }
0xdd: {  	[tilespmem:s28], [sflag:$0x3] =	stream.linear.gather @!p1 [hbm4b:s24+s26], $0x80, $0x38;
	[tilespmem:$0x1B7D0] =	vst v63  }
0xde: {  	_ =	swait.ge @!p1 [sflag:s25], $0x80  }
0xdf: {  	[sflag:s25] =	ssyncset.done @!p1 $0x0  }
0xe0: {  	s24 =	simm.s32 @!p1 $0x200;
	[sflag:s25] =	ssyncadd.s32 @!p1 $0xFFFFFF80  }
0xe1: {  	[tilespmem:s24], [sflag:$0x1] =	stream.indirect.gather @!p1 [hbm4b:s1+s28], $0x50, s26, s28, $0xb8;
	[tilespmem:$0x1B7D0] =	vst v63  }
0xe2: {  	s24 =	simm.s32 @!p1 $0x2A00  }
0xe3: {  	[tilespmem:s24], [sflag:$0x1] =	stream.indirect.gather @!p1 [hbm4b:s5+s28], $0x50, s28, s28, $0xb8;
	[tilespmem:$0x1B7D0] =	vst v63  }
0xe4: {  	s24 =	simm.s32 @!p1 $0x5200  }
0xe5: {  	[tilespmem:s24], [sflag:$0x1] =	stream.indirect.gather @!p1 [hbm4b:s6+s28], $0x50, s26, s28, $0xb8;
	[tilespmem:$0x1B7D0] =	vst v63  }
0xe6: {  	_ =	swait.ge [sflag:s17], $0x2800  }
0xe7: {  	[sflag:s17] =	ssyncset.done $0x0  }
0xe8: {  	[sflag:s17] =	ssyncadd.s32 $0xFFFFD800  }
0xe9: {  	_ =	swait.ge [sflag:s17], $0x2800  }
0xea: {  	[sflag:s17] =	ssyncset.done $0x0  }
0xeb: {  	[sflag:s17] =	ssyncadd.s32 $0xFFFFD800  }
0xec: {  	_ =	swait.ge [sflag:s17], $0x2800  }
0xed: {  	[sflag:s17] =	ssyncset.done $0x0  }
0xee: {  	s25 =	simm.s32 $0x0;
	[sflag:s17] =	ssyncadd.s32 $0xFFFFD800  }
0xef: {  	v6 =	vld [tilespmem:s25+$0xA240]  }
0xf0: {  	v7 =	vld [tilespmem:s25+$0x7A40]  }
0xf1: {  	v8 =	vld [tilespmem:s25+$0xA230]  }
0xf2: {  	v9 =	vld [tilespmem:s25+$0xA220]  }
0xf3: {  	v12 =	vld [tilespmem:s25+$0xA210]  }
0xf4: {  	v14 =	vld [tilespmem:s25+$0x7A10]  }
0xf5: {  	v6 =	vadd.f32 v6, v7;
	v7 =	vld [tilespmem:s25+$0x7A20]  }
0xf6: {  	v10 =	vld [tilespmem:s25+$0x7A30]  }
0xf7: {  	v11 =	vld [tilespmem:s25+$0xA200]  }
0xf8: {  	s24 =	simm.s32 $0x50;
	v15 =	vld [tilespmem:s25+$0x7A00]  }
0xf9: {  	v17 =	vld [tilespmem:s24+$0x7A30];
	v13 =	vmul.f32 $2.000000030e-01, v6  }
0xfa: {  	v12 =	vadd.f32 v12, v14;
	v14 =	vld [tilespmem:s24+$0xA230];
	v7 =	vadd.f32 v9, v7  }
0xfb: {  	v6 =	vmax.f32 v6, v13  }
0xfc: {  	v8 =	vadd.f32 v8, v10;
	v10 =	vld [tilespmem:s24+$0x7A40];
	v6 =	vsub.f32 v6, v5;
	v13 =	vmul.f32 $2.000000030e-01, v7  }
0xfd: {  	v11 =	vadd.f32 v11, v15;
	v9 =	vld [tilespmem:s24+$0xA240]  }
0xfe: {  	v16 =	vmul.f32 $2.000000030e-01, v8;
	v6 =	vmul.f32 $1.442695020e+00, v6;
	v7 =	vmax.f32 v7, v13  }
0xff: {  	v17 =	vadd.f32 v14, v17;
	v13 =	vmul.f32 $2.000000030e-01, v12;
	v7 =	vsub.f32 v7, v3  }
0x100: {  	v15 =	vld [tilespmem:s24+$0xA220];
	(erf) = vpow2.f32 v6;
	v6 =	vmax.f32 v8, v16;
	v8 =	vmul.f32 $2.000000030e-01, v11  }
0x101: {  	v14 =	vld [tilespmem:s25+$0xCA40];
	v18 =	vsub.f32 v6, v4;
	v12 =	vmax.f32 v12, v13;
	v7 =	vmul.f32 $1.442695020e+00, v7  }
0x102: {  	v16 =	vld [tilespmem:s24+$0xA200];
	v9 =	vadd.f32 v9, v10;
	v10 =	vsub.f32 v12, v2  }
0x103: {  	v8 =	vmax.f32 v11, v8;
	v12 =	vld [tilespmem:s24+$0x7A00];
	v11 =	vmul.f32 $1.442695020e+00, v18;
	(erf) = vpow2.f32 v7  }
0x104: {  	v18 =	vld [tilespmem:s24+$0x7A20];
	v13 =	vmul.f32 $2.000000030e-01, v9;
	v8 =	vsub.f32 v8, v1;
	v7 =	vmul.f32 $1.442695020e+00, v10  }
0x105: {  	v19 =	vmul.f32 $2.000000030e-01, v17;
	v6 =	vld [tilespmem:s24+$0xA210];
	(erf) = vpow2.f32 v11  }
0x106: {  	v10 =	vld [tilespmem:s24+$0x7A10];
	v8 =	vmul.f32 $1.442695020e+00, v8;
	v11 =	vmax.f32 v9, v13;
	(erf) = vpow2.f32 v7  }
0x107: {  	v9 =	vld [tilespmem:s25+$0xCA30];
	v20 =	vsub.f32 v11, v5  }
0x108: {  	v13 =	vld [tilespmem:s25+$0xCA20];
	v11 =	vmax.f32 v17, v19;
	(erf) = vpow2.f32 v8  }
0x109: {  	s26 =	simm.s32 $0x280;
	v7 =	vadd.f32 v16, v12;
	v15 =	vadd.f32 v15, v18;
	v8 =	vld [tilespmem:s25+$0xCA00];
	v12 =	vmul.f32 $1.442695020e+00, v20;
	v16 =	vpop (erf)  }
.LBB2_8:
0x10a: {  	s28 =	sshra.s32 s26, $0x2;
	p1 =	sne.s32 s26, $0x9EC0;
	s26 =	sadd.s32 $0x140, s26;
	v17 =	vld [tilespmem:s25+$0xCA10]  }
0x10b: {  	v18 =	vld [tilespmem:s28+$0xA240];
	v19 =	vmul.f32 $2.000000030e-01, v15  }
0x10c: {  	v6 =	vadd.f32 v6, v10;
	v20 =	vld [tilespmem:s28+$0x7A40];
	v22 =	vmul.f32 v16, v14;
	v14 =	vpop (erf)  }
0x10d: {  	v16 =	vld [tilespmem:s28+$0xA230];
	v15 =	vmax.f32 v15, v19;
	v13 =	vmul.f32 v14, v13  }
0x10e: {  	v21 =	vmul.f32 $2.000000030e-01, v6;
	v14 =	vmul.f32 $2.000000030e-01, v7;
	v19 =	vld [tilespmem:s28+$0xA220];
	v15 =	vsub.f32 v15, v3;
	[tilespmem:s25+$0xCA40] =	vst v22;
	v10 =	vpop (erf)  }
0x10f: {  	v11 =	vsub.f32 v11, v4;
	v22 =	vld [tilespmem:s28+$0x7A30];
	(erf) = vpow2.f32 v12;
	[tilespmem:s25+$0xCA20] =	vst v13;
	v23 =	vmul.f32 v10, v9;
	v10 =	vpop (erf)  }
0x110: {  	v13 =	vmax.f32 v6, v21;
	v12 =	vld [tilespmem:s28+$0xA200];
	v15 =	vmul.f32 $1.442695020e+00, v15;
	v10 =	vmul.f32 v10, v17  }
0x111: {  	v11 =	vmul.f32 $1.442695020e+00, v11;
	v13 =	vsub.f32 v13, v2;
	v6 =	vld [tilespmem:s28+$0xA210];
	v17 =	vadd.f32 v18, v20;
	[tilespmem:s25+$0xCA30] =	vst v23;
	v9 =	vpop (erf)  }
0x112: {  	v7 =	vmax.f32 v7, v14;
	v18 =	vld [tilespmem:s28+$0x7A00];
	(erf) = vpow2.f32 v15;
	v8 =	vmul.f32 v9, v8;
	[tilespmem:s25+$0xCA10] =	vst v10  }
0x113: {  	v7 =	vsub.f32 v7, v1;
	v13 =	vmul.f32 $1.442695020e+00, v13;
	v15 =	vld [tilespmem:s28+$0x7A20];
	v9 =	vmul.f32 $2.000000030e-01, v17  }
.Ltmp5:
0x114: {  	v10 =	vld [tilespmem:s28+$0x7A10];
	v16 =	vadd.f32 v16, v22;
	(erf) = vpow2.f32 v11;
	[tilespmem:s25+$0xCA00] =	vst v8;
	s25 =	smov.u32 s24;
	s24 =	smov.u32 s28;
	(pc) =	sbr.rel @p1 .LBB2_8-.Ltmp5, $4  }
0x115: {  	v11 =	vmul.f32 $1.442695020e+00, v7;
	v8 =	vmax.f32 v17, v9;
	v9 =	vld [tilespmem:s25+$0xCA30];
	(erf) = vpow2.f32 v13  }
0x116: {  	v17 =	vmul.f32 $2.000000030e-01, v16;
	v8 =	vsub.f32 v8, v5;
	v14 =	vld [tilespmem:s25+$0xCA40]  }
0x117: {  	v7 =	vadd.f32 v12, v18;
	v13 =	vld [tilespmem:s25+$0xCA20];
	(erf) = vpow2.f32 v11  }
0x118: {  	v15 =	vadd.f32 v19, v15;
	v11 =	vmax.f32 v16, v17;
	v12 =	vmul.f32 $1.442695020e+00, v8;
	v8 =	vld [tilespmem:s25+$0xCA00];
	v16 =	vpop (erf)  }
0x119: {  	_ = 	snop  }
0x11a: {  	v6 =	vadd.f32 v6, v10;
	v52 =	vmul.f32 $2.000000030e-01, v7;
	v17 =	vmul.f32 $2.000000030e-01, v15  }
0x11b: {  	v18 =	vld [tilespmem:s25+$0xCA10];
	v11 =	vsub.f32 v11, v4;
	v49 =	vmul.f32 v16, v14  }
0x11c: {  	v50 =	vpop (erf);
	v51 =	vmul.f32 $2.000000030e-01, v6;
	v7 =	vmax.f32 v7, v52;
	v15 =	vmax.f32 v15, v17  }
0x11d: {  	v56 =	vmul.f32 $1.442695020e+00, v11;
	v13 =	vmul.f32 v50, v13;
	v15 =	vsub.f32 v15, v3  }
0x11e: {  	v7 =	vsub.f32 v7, v1;
	v53 =	vpop (erf);
	(erf) = vpow2.f32 v12;
	v6 =	vmax.f32 v6, v51  }
0x11f: {  	v9 =	vmul.f32 v53, v9;
	v54 =	vpop (erf);
	v6 =	vsub.f32 v6, v2;
	v55 =	vmul.f32 $1.442695020e+00, v15  }
0x120: {  	[tilespmem:s25+$0xCA40] =	vst v49;
	v7 =	vmul.f32 $1.442695020e+00, v7;
	v12 =	vmul.f32 v54, v18  }
0x121: {  	[tilespmem:s25+$0xCA20] =	vst v13;
	v57 =	vpop (erf);
	v6 =	vmul.f32 $1.442695020e+00, v6;
	(erf) = vpow2.f32 v55  }
0x122: {  	[tilespmem:s25+$0xCA30] =	vst v9;
	v8 =	vmul.f32 v57, v8;
	(erf) = vpow2.f32 v56  }
0x123: {  	[tilespmem:s25+$0xCA10] =	vst v12;
	(erf) = vpow2.f32 v6  }
0x124: {  	[tilespmem:s25+$0xCA00] =	vst v8;
	(erf) = vpow2.f32 v7  }
0x125: {  	v6 =	vld [tilespmem:s24+$0xCA40]  }
0x126: {  	v7 =	vld [tilespmem:s24+$0xCA20]  }
0x127: {  	v8 =	vld [tilespmem:s24+$0xCA30]  }
0x128: {  	v9 =	vld [tilespmem:s24+$0xCA10]  }
0x129: {  	v58 =	vld [tilespmem:s24+$0xCA00];
	v59 =	vpop (erf)  }
0x12a: {  	v6 =	vmul.f32 v59, v6;
	v60 =	vpop (erf)  }
0x12b: {  	v7 =	vmul.f32 v60, v7;
	v61 =	vpop (erf)  }
0x12c: {  	[tilespmem:s24+$0xCA40] =	vst v6;
	v6 =	vmul.f32 v61, v8;
	v62 =	vpop (erf)  }
0x12d: {  	[tilespmem:s24+$0xCA20] =	vst v7;
	v7 =	vmul.f32 v62, v9;
	v63 =	vpop (erf)  }
0x12e: {  	[tilespmem:s24+$0xCA30] =	vst v6;
	v6 =	vmul.f32 v63, v58  }
0x12f: {  	s21 =	sadd.s32 $0x1, s21;
	[tilespmem:s24+$0xCA10] =	vst v7  }
0x130: {  	p1 =	seq.s32 s21, $0x51;
	[tilespmem:s24+$0xCA00] =	vst v6  }
0x131: {  	[spmem:s2] =	stream.indirect.scatter.add.f32 [tilespmem:s15], [sflag:$0x3], $0x50, s13, s10, $0xb8;
	[tilespmem:$0x1B7D0] =	vst v63  }
.Ltmp6:
0x132: {  	_ = 	snop;
	(pc) =	sbr.rel @!p1 .LBB2_5-.Ltmp6, $4  }
.Ltmp7:
0x133: {  	_ = 	snop;
	(pc) =	sbr.rel @p1 .LBB2_16-.Ltmp7, $4  }
0x134: {  	_ =	swait.ge [sflag:s9], $0x2800  }
0x135: {  	[sflag:s9] =	ssyncset.done $0x0  }
0x136: {  	[sflag:s9] =	ssyncadd.s32 $0xFFFFD800  }
0x137: {  	_ = 	snop  }
.LBB2_10:
0x138: {  	s21 =	rddreg [dreg:$0xf];
	s24 =	simm.s32 $0xF200  }
0x139: {  	[tilespmem:s24], [sflag:$0x3] =	stream.linear.gather [hbm4b:s21+s7], $0x50, $0x38;
	[tilespmem:$0x1B7D0] =	vst v63  }
0x13a: {  	_ =	swait.ge [sflag:s9], $0x50  }
0x13b: {  	[sflag:s9] =	ssyncset.done $0x0  }
0x13c: {  	[sflag:s9] =	ssyncadd.s32 $0xFFFFFFB0  }
0x13d: {  	v1 =	vld [tilespmem:$0xF200]  }
0x13e: {  	v2 =	vld [tilespmem:$0xF210]  }
0x13f: {  	v3 =	vld [tilespmem:$0xF220]  }
0x140: {  	s25 =	rddreg [dreg:$0x15];
	v4 =	vld [tilespmem:$0xF230]  }
0x141: {  	v5 =	vld [tilespmem:$0xF240];
	[tilespmem:s7], [sflag:$0x3] =	stream.linear.gather [hbm4b:s25+s7], $0x80, $0x38  }
0x142: {  	_ =	swait.ge [sflag:s9], $0x80  }
0x143: {  	[sflag:s9] =	ssyncset.done $0x0  }
0x144: {  	s26 =	rddreg [dreg:$0x16];
	[sflag:s9] =	ssyncadd.s32 $0xFFFFFF80  }
0x145: {  	[tilespmem:s10], [sflag:$0x3] =	stream.linear.gather [hbm4b:s26+s7], $0x80, $0x38;
	[tilespmem:$0x1B7D0] =	vst v63  }
0x146: {  	_ =	swait.ge [sflag:s9], $0x80  }
0x147: {  	[sflag:s9] =	ssyncset.done $0x0  }
0x148: {  	s28 =	simm.s32 $0x200;
	[sflag:s9] =	ssyncadd.s32 $0xFFFFFF80  }
0x149: {  	[tilespmem:s28], [sflag:$0x1] =	stream.indirect.gather [hbm4b:s18+s10], $0x50, s7, s10, $0xb8;
	[tilespmem:$0x1B7D0] =	vst v63  }
0x14a: {  	s29 =	simm.s32 $0x2A00  }
0x14b: {  	[tilespmem:s29], [sflag:$0x1] =	stream.indirect.gather [hbm4b:s19+s10], $0x50, s10, s10, $0xb8;
	[tilespmem:$0x1B7D0] =	vst v63  }
0x14c: {  	s21 =	simm.s32 $0x0  }
0x14d: {  	[tilespmem:s8], [sflag:$0x1] =	stream.indirect.gather [hbm4b:s20+s10], $0x50, s7, s10, $0xb8;
	[tilespmem:$0x1B7D0] =	vst v63  }
.LBB2_11:
0x14e: {  	s24 =	sshll.u32 s21, $0x8  }
0x14f: {  	s25 =	sadd.s32 s24, s0  }
0x150: {  	s25 =	sshrl.u32 s25, $0x3  }
0x151: {  	s26 =	sadd.s32 s22, s25  }
0x152: {  	[tilespmem:s11], [sflag:$0x3] =	stream.linear.gather [hbm4b:s26+s7], $0x80, $0x38;
	[tilespmem:$0x1B7D0] =	vst v63  }
0x153: {  	_ =	swait.ge [sflag:s9], $0x80  }
0x154: {  	[sflag:s9] =	ssyncset.done $0x0  }
0x155: {  	s25 =	sadd.s32 s23, s25;
	[sflag:s9] =	ssyncadd.s32 $0xFFFFFF80  }
0x156: {  	[tilespmem:s13], [sflag:$0x3] =	stream.linear.gather [hbm4b:s25+s7], $0x80, $0x38;
	[tilespmem:$0x1B7D0] =	vst v63  }
0x157: {  	_ =	swait.ge [sflag:s9], $0x80  }
0x158: {  	[sflag:s9] =	ssyncset.done $0x0  }
0x159: {  	[sflag:s9] =	ssyncadd.s32 $0xFFFFFF80  }
0x15a: {  	[tilespmem:s12], [sflag:$0x2] =	stream.indirect.gather [hbm4b:s18+s10], $0x50, s11, s10, $0xb8;
	[tilespmem:$0x1B7D0] =	vst v63  }
0x15b: {  	_ = 	snop  }
0x15c: {  	[tilespmem:s14], [sflag:$0x2] =	stream.indirect.gather [hbm4b:s19+s10], $0x50, s13, s10, $0xb8;
	[tilespmem:$0x1B7D0] =	vst v63  }
0x15d: {  	_ = 	snop  }
0x15e: {  	[tilespmem:s15], [sflag:$0x2] =	stream.indirect.gather [hbm4b:s20+s10], $0x50, s11, s10, $0xb8;
	[tilespmem:$0x1B7D0] =	vst v63  }
0x15f: {  	_ =	swait.ge [sflag:s16], $0x2800  }
0x160: {  	[sflag:s16] =	ssyncset.done $0x0  }
0x161: {  	[sflag:s16] =	ssyncadd.s32 $0xFFFFD800  }
0x162: {  	_ =	swait.ge [sflag:s16], $0x2800  }
0x163: {  	[sflag:s16] =	ssyncset.done $0x0  }
0x164: {  	[sflag:s16] =	ssyncadd.s32 $0xFFFFD800  }
0x165: {  	_ =	swait.ge [sflag:s16], $0x2800  }
0x166: {  	[sflag:s16] =	ssyncset.done $0x0  }
0x167: {  	s26 =	simm.s32 $0x0;
	[sflag:s16] =	ssyncadd.s32 $0xFFFFD800  }
0x168: {  	v6 =	vld [tilespmem:s26+$0x2A40]  }
0x169: {  	v7 =	vld [tilespmem:s26+$0x240]  }
0x16a: {  	v8 =	vld [tilespmem:s26+$0x2A30]  }
0x16b: {  	v9 =	vld [tilespmem:s26+$0x2A20]  }
0x16c: {  	v12 =	vld [tilespmem:s26+$0x2A10]  }
0x16d: {  	v14 =	vld [tilespmem:s26+$0x210]  }
0x16e: {  	v6 =	vadd.f32 v6, v7;
	v7 =	vld [tilespmem:s26+$0x220]  }
0x16f: {  	v10 =	vld [tilespmem:s26+$0x230]  }
0x170: {  	v11 =	vld [tilespmem:s26+$0x2A00]  }
0x171: {  	s25 =	simm.s32 $0x50;
	v15 =	vld [tilespmem:s26+$0x200]  }
0x172: {  	v17 =	vld [tilespmem:s25+$0x230];
	v13 =	vmul.f32 $2.000000030e-01, v6  }
0x173: {  	v12 =	vadd.f32 v12, v14;
	v14 =	vld [tilespmem:s25+$0x2A30];
	v7 =	vadd.f32 v9, v7  }
0x174: {  	v6 =	vmax.f32 v6, v13  }
0x175: {  	v8 =	vadd.f32 v8, v10;
	v10 =	vld [tilespmem:s25+$0x240];
	v6 =	vsub.f32 v6, v5;
	v13 =	vmul.f32 $2.000000030e-01, v7  }
0x176: {  	v11 =	vadd.f32 v11, v15;
	v9 =	vld [tilespmem:s25+$0x2A40]  }
0x177: {  	v16 =	vmul.f32 $2.000000030e-01, v8;
	v6 =	vmul.f32 $1.442695020e+00, v6;
	v7 =	vmax.f32 v7, v13  }
0x178: {  	v17 =	vadd.f32 v14, v17;
	v13 =	vmul.f32 $2.000000030e-01, v12;
	v7 =	vsub.f32 v7, v3  }
0x179: {  	v15 =	vld [tilespmem:s25+$0x2A20];
	(erf) = vpow2.f32 v6;
	v6 =	vmax.f32 v8, v16;
	v8 =	vmul.f32 $2.000000030e-01, v11  }
0x17a: {  	v14 =	vld [tilespmem:s26+$0x5240];
	v18 =	vsub.f32 v6, v4;
	v12 =	vmax.f32 v12, v13;
	v7 =	vmul.f32 $1.442695020e+00, v7  }
0x17b: {  	v16 =	vld [tilespmem:s25+$0x2A00];
	v9 =	vadd.f32 v9, v10;
	v10 =	vsub.f32 v12, v2  }
0x17c: {  	v8 =	vmax.f32 v11, v8;
	v12 =	vld [tilespmem:s25+$0x200];
	v11 =	vmul.f32 $1.442695020e+00, v18;
	(erf) = vpow2.f32 v7  }
0x17d: {  	v18 =	vld [tilespmem:s25+$0x220];
	v13 =	vmul.f32 $2.000000030e-01, v9;
	v8 =	vsub.f32 v8, v1;
	v7 =	vmul.f32 $1.442695020e+00, v10  }
0x17e: {  	v19 =	vmul.f32 $2.000000030e-01, v17;
	v6 =	vld [tilespmem:s25+$0x2A10];
	(erf) = vpow2.f32 v11  }
0x17f: {  	v10 =	vld [tilespmem:s25+$0x210];
	v8 =	vmul.f32 $1.442695020e+00, v8;
	v11 =	vmax.f32 v9, v13;
	(erf) = vpow2.f32 v7  }
0x180: {  	v9 =	vld [tilespmem:s26+$0x5230];
	v20 =	vsub.f32 v11, v5  }
0x181: {  	v13 =	vld [tilespmem:s26+$0x5220];
	v11 =	vmax.f32 v17, v19;
	(erf) = vpow2.f32 v8  }
0x182: {  	s28 =	simm.s32 $0x280;
	v7 =	vadd.f32 v16, v12;
	v15 =	vadd.f32 v15, v18;
	v8 =	vld [tilespmem:s26+$0x5200];
	v12 =	vmul.f32 $1.442695020e+00, v20;
	v16 =	vpop (erf)  }
.LBB2_12:
0x183: {  	s29 =	sshra.s32 s28, $0x2;
	p1 =	sne.s32 s28, $0x9EC0;
	s28 =	sadd.s32 $0x140, s28;
	v17 =	vld [tilespmem:s26+$0x5210]  }
0x184: {  	v18 =	vld [tilespmem:s29+$0x2A40];
	v19 =	vmul.f32 $2.000000030e-01, v15  }
0x185: {  	v6 =	vadd.f32 v6, v10;
	v20 =	vld [tilespmem:s29+$0x240];
	v22 =	vmul.f32 v16, v14;
	v14 =	vpop (erf)  }
0x186: {  	v16 =	vld [tilespmem:s29+$0x2A30];
	v15 =	vmax.f32 v15, v19;
	v13 =	vmul.f32 v14, v13  }
0x187: {  	v21 =	vmul.f32 $2.000000030e-01, v6;
	v14 =	vmul.f32 $2.000000030e-01, v7;
	v19 =	vld [tilespmem:s29+$0x2A20];
	v15 =	vsub.f32 v15, v3;
	[tilespmem:s26+$0x5240] =	vst v22;
	v10 =	vpop (erf)  }
0x188: {  	v11 =	vsub.f32 v11, v4;
	v22 =	vld [tilespmem:s29+$0x230];
	(erf) = vpow2.f32 v12;
	[tilespmem:s26+$0x5220] =	vst v13;
	v23 =	vmul.f32 v10, v9;
	v10 =	vpop (erf)  }
0x189: {  	v13 =	vmax.f32 v6, v21;
	v12 =	vld [tilespmem:s29+$0x2A00];
	v15 =	vmul.f32 $1.442695020e+00, v15;
	v10 =	vmul.f32 v10, v17  }
0x18a: {  	v11 =	vmul.f32 $1.442695020e+00, v11;
	v13 =	vsub.f32 v13, v2;
	v6 =	vld [tilespmem:s29+$0x2A10];
	v17 =	vadd.f32 v18, v20;
	[tilespmem:s26+$0x5230] =	vst v23;
	v9 =	vpop (erf)  }
0x18b: {  	v7 =	vmax.f32 v7, v14;
	v18 =	vld [tilespmem:s29+$0x200];
	(erf) = vpow2.f32 v15;
	v8 =	vmul.f32 v9, v8;
	[tilespmem:s26+$0x5210] =	vst v10  }
0x18c: {  	v7 =	vsub.f32 v7, v1;
	v13 =	vmul.f32 $1.442695020e+00, v13;
	v15 =	vld [tilespmem:s29+$0x220];
	v9 =	vmul.f32 $2.000000030e-01, v17  }
.Ltmp8:
0x18d: {  	v10 =	vld [tilespmem:s29+$0x210];
	v16 =	vadd.f32 v16, v22;
	(erf) = vpow2.f32 v11;
	[tilespmem:s26+$0x5200] =	vst v8;
	s26 =	smov.u32 s25;
	s25 =	smov.u32 s29;
	(pc) =	sbr.rel @p1 .LBB2_12-.Ltmp8, $4  }
0x18e: {  	v11 =	vmul.f32 $1.442695020e+00, v7;
	v8 =	vmax.f32 v17, v9;
	v9 =	vld [tilespmem:s26+$0x5230];
	(erf) = vpow2.f32 v13  }
0x18f: {  	v17 =	vmul.f32 $2.000000030e-01, v16;
	v8 =	vsub.f32 v8, v5;
	v14 =	vld [tilespmem:s26+$0x5240]  }
0x190: {  	v7 =	vadd.f32 v12, v18;
	v13 =	vld [tilespmem:s26+$0x5220];
	(erf) = vpow2.f32 v11  }
0x191: {  	v15 =	vadd.f32 v19, v15;
	v11 =	vmax.f32 v16, v17;
	v12 =	vmul.f32 $1.442695020e+00, v8;
	v8 =	vld [tilespmem:s26+$0x5200];
	v16 =	vpop (erf)  }
0x192: {  	_ = 	snop  }
0x193: {  	v6 =	vadd.f32 v6, v10;
	v17 =	vmul.f32 $2.000000030e-01, v15  }
0x194: {  	v18 =	vld [tilespmem:s26+$0x5210];
	v11 =	vsub.f32 v11, v4;
	v10 =	vmul.f32 v16, v14;
	v14 =	vpop (erf);
	v16 =	vmul.f32 $2.000000030e-01, v7  }
0x195: {  	v15 =	vmax.f32 v15, v17;
	v13 =	vmul.f32 v14, v13;
	v14 =	vmul.f32 $2.000000030e-01, v6  }
0x196: {  	v15 =	vsub.f32 v15, v3;
	v7 =	vmax.f32 v7, v16;
	[tilespmem:s26+$0x5240] =	vst v10;
	v10 =	vmul.f32 $1.442695020e+00, v11  }
0x197: {  	v17 =	vpop (erf);
	(erf) = vpow2.f32 v12;
	v6 =	vmax.f32 v6, v14;
	v7 =	vsub.f32 v7, v1  }
0x198: {  	v9 =	vmul.f32 v17, v9;
	v12 =	vpop (erf);
	v14 =	vmul.f32 $1.442695020e+00, v15;
	v6 =	vsub.f32 v6, v2  }
0x199: {  	v12 =	vmul.f32 v12, v18;
	v7 =	vmul.f32 $1.442695020e+00, v7  }
0x19a: {  	[tilespmem:s26+$0x5220] =	vst v13;
	v11 =	vpop (erf);
	(erf) = vpow2.f32 v14;
	v6 =	vmul.f32 $1.442695020e+00, v6  }
0x19b: {  	v8 =	vmul.f32 v11, v8;
	[tilespmem:s26+$0x5230] =	vst v9;
	(erf) = vpow2.f32 v10  }
0x19c: {  	[tilespmem:s26+$0x5210] =	vst v12;
	(erf) = vpow2.f32 v6  }
0x19d: {  	[tilespmem:s26+$0x5200] =	vst v8;
	(erf) = vpow2.f32 v7  }
0x19e: {  	v6 =	vld [tilespmem:s25+$0x5240]  }
0x19f: {  	v7 =	vld [tilespmem:s25+$0x5220]  }
0x1a0: {  	v8 =	vld [tilespmem:s25+$0x5230]  }
0x1a1: {  	v9 =	vld [tilespmem:s25+$0x5210]  }
0x1a2: {  	v10 =	vld [tilespmem:s25+$0x5200];
	v11 =	vpop (erf)  }
0x1a3: {  	v6 =	vmul.f32 v11, v6;
	v11 =	vpop (erf)  }
0x1a4: {  	v7 =	vmul.f32 v11, v7;
	v11 =	vpop (erf)  }
0x1a5: {  	[tilespmem:s25+$0x5240] =	vst v6;
	v6 =	vmul.f32 v11, v8;
	v8 =	vpop (erf)  }
0x1a6: {  	[tilespmem:s25+$0x5220] =	vst v7;
	v7 =	vmul.f32 v8, v9;
	v8 =	vpop (erf)  }
0x1a7: {  	[tilespmem:s25+$0x5230] =	vst v6;
	v6 =	vmul.f32 v8, v10  }
0x1a8: {  	[tilespmem:s25+$0x5210] =	vst v7  }
0x1a9: {  	p1 =	seq.s32 s21, $0x50;
	[tilespmem:s25+$0x5200] =	vst v6  }
0x1aa: {  	[spmem:s2] =	stream.indirect.scatter.add.f32 [tilespmem:s8], [sflag:$0x3], $0x50, s10, s10, $0xb8;
	[tilespmem:$0x1B7D0] =	vst v63  }
0x1ab: {  	s24 =	sadd.s32 @!p1 s24, s3;
	_ =	swait.ge [sflag:s9], $0x2800  }
0x1ac: {  	s24 =	sshrl.u32 @!p1 s24, $0x3;
	[sflag:s9] =	ssyncset.done $0x0  }
0x1ad: {  	s26 =	simm.s32 @!p1 $0x0;
	s25 =	sadd.s32 @!p1 s22, s24;
	[sflag:s9] =	ssyncadd.s32 $0xFFFFD800  }
0x1ae: {  	[tilespmem:s26], [sflag:$0x3] =	stream.linear.gather @!p1 [hbm4b:s25+s26], $0x80, $0x38;
	[tilespmem:$0x1B7D0] =	vst v63  }
0x1af: {  	s25 =	simm.s32 @!p1 $0x3  }
0x1b0: {  	_ =	swait.ge @!p1 [sflag:s25], $0x80  }
0x1b1: {  	[sflag:s25] =	ssyncset.done @!p1 $0x0  }
0x1b2: {  	s28 =	simm.s32 @!p1 $0x80;
	s24 =	sadd.s32 @!p1 s23, s24;
	[sflag:s25] =	ssyncadd.s32 @!p1 $0xFFFFFF80  }
0x1b3: {  	[tilespmem:s28], [sflag:$0x3] =	stream.linear.gather @!p1 [hbm4b:s24+s26], $0x80, $0x38;
	[tilespmem:$0x1B7D0] =	vst v63  }
0x1b4: {  	_ =	swait.ge @!p1 [sflag:s25], $0x80  }
0x1b5: {  	[sflag:s25] =	ssyncset.done @!p1 $0x0  }
0x1b6: {  	s24 =	simm.s32 @!p1 $0x200;
	[sflag:s25] =	ssyncadd.s32 @!p1 $0xFFFFFF80  }
0x1b7: {  	[tilespmem:s24], [sflag:$0x1] =	stream.indirect.gather @!p1 [hbm4b:s18+s28], $0x50, s26, s28, $0xb8;
	[tilespmem:$0x1B7D0] =	vst v63  }
0x1b8: {  	s24 =	simm.s32 @!p1 $0x2A00  }
0x1b9: {  	[tilespmem:s24], [sflag:$0x1] =	stream.indirect.gather @!p1 [hbm4b:s19+s28], $0x50, s28, s28, $0xb8;
	[tilespmem:$0x1B7D0] =	vst v63  }
0x1ba: {  	s24 =	simm.s32 @!p1 $0x5200  }
0x1bb: {  	[tilespmem:s24], [sflag:$0x1] =	stream.indirect.gather @!p1 [hbm4b:s20+s28], $0x50, s26, s28, $0xb8;
	[tilespmem:$0x1B7D0] =	vst v63  }
0x1bc: {  	_ =	swait.ge [sflag:s17], $0x2800  }
0x1bd: {  	[sflag:s17] =	ssyncset.done $0x0  }
0x1be: {  	[sflag:s17] =	ssyncadd.s32 $0xFFFFD800  }
0x1bf: {  	_ =	swait.ge [sflag:s17], $0x2800  }
0x1c0: {  	[sflag:s17] =	ssyncset.done $0x0  }
0x1c1: {  	[sflag:s17] =	ssyncadd.s32 $0xFFFFD800  }
0x1c2: {  	_ =	swait.ge [sflag:s17], $0x2800  }
0x1c3: {  	[sflag:s17] =	ssyncset.done $0x0  }
0x1c4: {  	s25 =	simm.s32 $0x0;
	[sflag:s17] =	ssyncadd.s32 $0xFFFFD800  }
0x1c5: {  	v6 =	vld [tilespmem:s25+$0xA240]  }
0x1c6: {  	v7 =	vld [tilespmem:s25+$0x7A40]  }
0x1c7: {  	v8 =	vld [tilespmem:s25+$0xA230]  }
0x1c8: {  	v9 =	vld [tilespmem:s25+$0xA220]  }
0x1c9: {  	v12 =	vld [tilespmem:s25+$0xA210]  }
0x1ca: {  	v14 =	vld [tilespmem:s25+$0x7A10]  }
0x1cb: {  	v6 =	vadd.f32 v6, v7;
	v7 =	vld [tilespmem:s25+$0x7A20]  }
0x1cc: {  	v10 =	vld [tilespmem:s25+$0x7A30]  }
0x1cd: {  	v11 =	vld [tilespmem:s25+$0xA200]  }
0x1ce: {  	s24 =	simm.s32 $0x50;
	v15 =	vld [tilespmem:s25+$0x7A00]  }
0x1cf: {  	v17 =	vld [tilespmem:s24+$0x7A30];
	v13 =	vmul.f32 $2.000000030e-01, v6  }
0x1d0: {  	v12 =	vadd.f32 v12, v14;
	v14 =	vld [tilespmem:s24+$0xA230];
	v7 =	vadd.f32 v9, v7  }
0x1d1: {  	v6 =	vmax.f32 v6, v13  }
0x1d2: {  	v8 =	vadd.f32 v8, v10;
	v10 =	vld [tilespmem:s24+$0x7A40];
	v6 =	vsub.f32 v6, v5;
	v13 =	vmul.f32 $2.000000030e-01, v7  }
0x1d3: {  	v11 =	vadd.f32 v11, v15;
	v9 =	vld [tilespmem:s24+$0xA240]  }
0x1d4: {  	v16 =	vmul.f32 $2.000000030e-01, v8;
	v6 =	vmul.f32 $1.442695020e+00, v6;
	v7 =	vmax.f32 v7, v13  }
0x1d5: {  	v17 =	vadd.f32 v14, v17;
	v13 =	vmul.f32 $2.000000030e-01, v12;
	v7 =	vsub.f32 v7, v3  }
0x1d6: {  	v15 =	vld [tilespmem:s24+$0xA220];
	(erf) = vpow2.f32 v6;
	v6 =	vmax.f32 v8, v16;
	v8 =	vmul.f32 $2.000000030e-01, v11  }
0x1d7: {  	v14 =	vld [tilespmem:s25+$0xCA40];
	v18 =	vsub.f32 v6, v4;
	v12 =	vmax.f32 v12, v13;
	v7 =	vmul.f32 $1.442695020e+00, v7  }
0x1d8: {  	v16 =	vld [tilespmem:s24+$0xA200];
	v9 =	vadd.f32 v9, v10;
	v10 =	vsub.f32 v12, v2  }
0x1d9: {  	v8 =	vmax.f32 v11, v8;
	v12 =	vld [tilespmem:s24+$0x7A00];
	v11 =	vmul.f32 $1.442695020e+00, v18;
	(erf) = vpow2.f32 v7  }
0x1da: {  	v18 =	vld [tilespmem:s24+$0x7A20];
	v13 =	vmul.f32 $2.000000030e-01, v9;
	v8 =	vsub.f32 v8, v1;
	v7 =	vmul.f32 $1.442695020e+00, v10  }
0x1db: {  	v19 =	vmul.f32 $2.000000030e-01, v17;
	v6 =	vld [tilespmem:s24+$0xA210];
	(erf) = vpow2.f32 v11  }
0x1dc: {  	v10 =	vld [tilespmem:s24+$0x7A10];
	v8 =	vmul.f32 $1.442695020e+00, v8;
	v11 =	vmax.f32 v9, v13;
	(erf) = vpow2.f32 v7  }
0x1dd: {  	v9 =	vld [tilespmem:s25+$0xCA30];
	v20 =	vsub.f32 v11, v5  }
0x1de: {  	v13 =	vld [tilespmem:s25+$0xCA20];
	v11 =	vmax.f32 v17, v19;
	(erf) = vpow2.f32 v8  }
0x1df: {  	s26 =	simm.s32 $0x280;
	v7 =	vadd.f32 v16, v12;
	v15 =	vadd.f32 v15, v18;
	v8 =	vld [tilespmem:s25+$0xCA00];
	v12 =	vmul.f32 $1.442695020e+00, v20;
	v16 =	vpop (erf)  }
.LBB2_14:
0x1e0: {  	s28 =	sshra.s32 s26, $0x2;
	p1 =	sne.s32 s26, $0x9EC0;
	s26 =	sadd.s32 $0x140, s26;
	v17 =	vld [tilespmem:s25+$0xCA10]  }
0x1e1: {  	v18 =	vld [tilespmem:s28+$0xA240];
	v19 =	vmul.f32 $2.000000030e-01, v15  }
0x1e2: {  	v6 =	vadd.f32 v6, v10;
	v20 =	vld [tilespmem:s28+$0x7A40];
	v22 =	vmul.f32 v16, v14;
	v14 =	vpop (erf)  }
0x1e3: {  	v16 =	vld [tilespmem:s28+$0xA230];
	v15 =	vmax.f32 v15, v19;
	v13 =	vmul.f32 v14, v13  }
0x1e4: {  	v21 =	vmul.f32 $2.000000030e-01, v6;
	v14 =	vmul.f32 $2.000000030e-01, v7;
	v19 =	vld [tilespmem:s28+$0xA220];
	v15 =	vsub.f32 v15, v3;
	[tilespmem:s25+$0xCA40] =	vst v22;
	v10 =	vpop (erf)  }
0x1e5: {  	v11 =	vsub.f32 v11, v4;
	v22 =	vld [tilespmem:s28+$0x7A30];
	(erf) = vpow2.f32 v12;
	[tilespmem:s25+$0xCA20] =	vst v13;
	v23 =	vmul.f32 v10, v9;
	v10 =	vpop (erf)  }
0x1e6: {  	v13 =	vmax.f32 v6, v21;
	v12 =	vld [tilespmem:s28+$0xA200];
	v15 =	vmul.f32 $1.442695020e+00, v15;
	v10 =	vmul.f32 v10, v17  }
0x1e7: {  	v11 =	vmul.f32 $1.442695020e+00, v11;
	v13 =	vsub.f32 v13, v2;
	v6 =	vld [tilespmem:s28+$0xA210];
	v17 =	vadd.f32 v18, v20;
	[tilespmem:s25+$0xCA30] =	vst v23;
	v9 =	vpop (erf)  }
0x1e8: {  	v7 =	vmax.f32 v7, v14;
	v18 =	vld [tilespmem:s28+$0x7A00];
	(erf) = vpow2.f32 v15;
	v8 =	vmul.f32 v9, v8;
	[tilespmem:s25+$0xCA10] =	vst v10  }
0x1e9: {  	v7 =	vsub.f32 v7, v1;
	v13 =	vmul.f32 $1.442695020e+00, v13;
	v15 =	vld [tilespmem:s28+$0x7A20];
	v9 =	vmul.f32 $2.000000030e-01, v17  }
.Ltmp9:
0x1ea: {  	v10 =	vld [tilespmem:s28+$0x7A10];
	v16 =	vadd.f32 v16, v22;
	(erf) = vpow2.f32 v11;
	[tilespmem:s25+$0xCA00] =	vst v8;
	s25 =	smov.u32 s24;
	s24 =	smov.u32 s28;
	(pc) =	sbr.rel @p1 .LBB2_14-.Ltmp9, $4  }
0x1eb: {  	v11 =	vmul.f32 $1.442695020e+00, v7;
	v8 =	vmax.f32 v17, v9;
	v9 =	vld [tilespmem:s25+$0xCA30];
	(erf) = vpow2.f32 v13  }
0x1ec: {  	v17 =	vmul.f32 $2.000000030e-01, v16;
	v8 =	vsub.f32 v8, v5;
	v14 =	vld [tilespmem:s25+$0xCA40]  }
0x1ed: {  	v7 =	vadd.f32 v12, v18;
	v13 =	vld [tilespmem:s25+$0xCA20];
	(erf) = vpow2.f32 v11  }
0x1ee: {  	v15 =	vadd.f32 v19, v15;
	v11 =	vmax.f32 v16, v17;
	v12 =	vmul.f32 $1.442695020e+00, v8;
	v8 =	vld [tilespmem:s25+$0xCA00];
	v16 =	vpop (erf)  }
0x1ef: {  	_ = 	snop  }
0x1f0: {  	v6 =	vadd.f32 v6, v10;
	v52 =	vmul.f32 $2.000000030e-01, v7;
	v17 =	vmul.f32 $2.000000030e-01, v15  }
0x1f1: {  	v18 =	vld [tilespmem:s25+$0xCA10];
	v11 =	vsub.f32 v11, v4;
	v49 =	vmul.f32 v16, v14  }
0x1f2: {  	v50 =	vpop (erf);
	v51 =	vmul.f32 $2.000000030e-01, v6;
	v7 =	vmax.f32 v7, v52;
	v15 =	vmax.f32 v15, v17  }
0x1f3: {  	v56 =	vmul.f32 $1.442695020e+00, v11;
	v13 =	vmul.f32 v50, v13;
	v15 =	vsub.f32 v15, v3  }
0x1f4: {  	v7 =	vsub.f32 v7, v1;
	v53 =	vpop (erf);
	(erf) = vpow2.f32 v12;
	v6 =	vmax.f32 v6, v51  }
0x1f5: {  	v9 =	vmul.f32 v53, v9;
	v54 =	vpop (erf);
	v6 =	vsub.f32 v6, v2;
	v55 =	vmul.f32 $1.442695020e+00, v15  }
0x1f6: {  	[tilespmem:s25+$0xCA40] =	vst v49;
	v7 =	vmul.f32 $1.442695020e+00, v7;
	v12 =	vmul.f32 v54, v18  }
0x1f7: {  	[tilespmem:s25+$0xCA20] =	vst v13;
	v57 =	vpop (erf);
	v6 =	vmul.f32 $1.442695020e+00, v6;
	(erf) = vpow2.f32 v55  }
0x1f8: {  	[tilespmem:s25+$0xCA30] =	vst v9;
	v8 =	vmul.f32 v57, v8;
	(erf) = vpow2.f32 v56  }
0x1f9: {  	[tilespmem:s25+$0xCA10] =	vst v12;
	(erf) = vpow2.f32 v6  }
0x1fa: {  	[tilespmem:s25+$0xCA00] =	vst v8;
	(erf) = vpow2.f32 v7  }
0x1fb: {  	v6 =	vld [tilespmem:s24+$0xCA40]  }
0x1fc: {  	v7 =	vld [tilespmem:s24+$0xCA20]  }
0x1fd: {  	v8 =	vld [tilespmem:s24+$0xCA30]  }
0x1fe: {  	v9 =	vld [tilespmem:s24+$0xCA10]  }
0x1ff: {  	v58 =	vld [tilespmem:s24+$0xCA00];
	v59 =	vpop (erf)  }
0x200: {  	v6 =	vmul.f32 v59, v6;
	v60 =	vpop (erf)  }
0x201: {  	v7 =	vmul.f32 v60, v7;
	v61 =	vpop (erf)  }
0x202: {  	[tilespmem:s24+$0xCA40] =	vst v6;
	v6 =	vmul.f32 v61, v8;
	v62 =	vpop (erf)  }
0x203: {  	[tilespmem:s24+$0xCA20] =	vst v7;
	v7 =	vmul.f32 v62, v9;
	v63 =	vpop (erf)  }
0x204: {  	s21 =	sadd.s32 $0x1, s21;
	[tilespmem:s24+$0xCA30] =	vst v6;
	v6 =	vmul.f32 v63, v58  }
0x205: {  	p1 =	sne.s32 s21, $0x51;
	[tilespmem:s24+$0xCA10] =	vst v7  }
.Ltmp10:
0x206: {  	[tilespmem:s24+$0xCA00] =	vst v6;
	(pc) =	sbr.rel @p1 .LBB2_11-.Ltmp10, $4  }
0x207: {  	[spmem:s2] =	stream.indirect.scatter.add.f32 [tilespmem:s15], [sflag:$0x3], $0x50, s13, s10, $0xb8;
	[tilespmem:$0x1B7D0] =	vst v63  }
0x208: {  	_ =	swait.ge [sflag:s9], $0x2800  }
0x209: {  	[sflag:s9] =	ssyncset.done $0x0  }
0x20a: {  	[sflag:s9] =	ssyncadd.s32 $0xFFFFD800  }
.LBB2_16:
0x20b: {  	s7 =	stileid.u32;
	[bflag:$0x0] =	sbarrier.arrive $0xFFFF  }
0x20c: {  	s24 =	sshrl.u32 s30, $0x3;
	s7 =	sshll.u32 s7, $0x6;
	s29 =	rddreg [dreg:$0x4]  }
0x20d: {  	[dreg:$0x18] =	wrdreg s24;
	s21 =	sor.u32 $0x1C03, s7  }
0x20e: {  	[hbm:s29], [sflag:s21] =	dma.local [spmem:s24], $0x500  }
0x20f: {  	s7 =	sshrl.u32 s31, $0x3;
	_ =	swait.ge [sflag:s9], $0x500  }
0x210: {  	[dreg:$0x19] =	wrdreg s7;
	[sflag:s9] =	ssyncset.done $0x0  }
0x211: {  	s25 =	rddreg [dreg:$0x5];
	[sflag:s9] =	ssyncadd.s32 $0xFFFFFB00  }
0x212: {  	[hbm:s25], [sflag:s21] =	dma.local [spmem:s7], $0x500  }
0x213: {  	_ =	swait.ge [sflag:s9], $0x500  }
0x214: {  	s26 =	rddreg [dreg:$0x12]  }
0x215: {  	[sflag:s9] =	ssyncset.done $0x0;
	s29 =	rddreg [dreg:$0x6];
	s28 =	sshrl.u32 s26, $0x3  }
0x216: {  	[sflag:s9] =	ssyncadd.s32 $0xFFFFFB00;
	[dreg:$0x1a] =	wrdreg s28  }
0x217: {  	[hbm:s29], [sflag:s21] =	dma.local [spmem:s28], $0x500  }
0x218: {  	_ =	swait.ge [sflag:s9], $0x500  }
0x219: {  	s24 =	rddreg [dreg:$0x13]  }
0x21a: {  	[sflag:s9] =	ssyncset.done $0x0;
	s26 =	rddreg [dreg:$0x7];
	s25 =	sshrl.u32 s24, $0x3  }
0x21b: {  	[sflag:s9] =	ssyncadd.s32 $0xFFFFFB00;
	[dreg:$0x1b] =	wrdreg s25  }
0x21c: {  	[hbm:s26], [sflag:s21] =	dma.local [spmem:s25], $0x500  }
0x21d: {  	_ =	swait.ge [sflag:s9], $0x500  }
0x21e: {  	[sflag:s9] =	ssyncset.done $0x0;
	s28 =	rddreg [dreg:$0x14]  }
0x21f: {  	s29 =	rddreg [dreg:$0x8];
	[sflag:s9] =	ssyncadd.s32 $0xFFFFFB00;
	s25 =	sshrl.u32 s28, $0x3  }
0x220: {  	[hbm:s29], [sflag:s21] =	dma.local [spmem:s25], $0x4B0  }
0x221: {  	_ =	swait.ge [sflag:s9], $0x4B0  }
0x222: {  	[sflag:s9] =	ssyncset.done $0x0  }
0x223: {  	s7 =	simm.s32 $0x0;
	s26 =	simm.s32 $0x140;
	[sflag:s9] =	ssyncadd.s32 $0xFFFFFB50  }
.LBB2_17:
0x224: {  	p1 =	sne.s32 s26, $0x9EC0;
	[tilespmem:s7+$0x5240] =	vst v0;
	s28 =	smov.u32 s26;
	s26 =	sadd.s32 $0x140, s26  }
.Ltmp11:
0x225: {  	[tilespmem:s7+$0x5230] =	vst v0;
	(pc) =	sbr.rel @p1 .LBB2_17-.Ltmp11, $4  }
0x226: {  	[tilespmem:s7+$0x5220] =	vst v0  }
0x227: {  	[tilespmem:s7+$0x5200] =	vst v0  }
0x228: {  	[tilespmem:s7+$0x5210] =	vst v0  }
0x229: {  	s7 =	sshra.s32 s28, $0x2  }
0x22a: {  	[tilespmem:s7+$0x5240] =	vst v0  }
0x22b: {  	[tilespmem:s7+$0x5230] =	vst v0  }
0x22c: {  	[tilespmem:s7+$0x5220] =	vst v0  }
0x22d: {  	[tilespmem:s7+$0x5200] =	vst v0  }
0x22e: {  	[tilespmem:s7+$0x5210] =	vst v0  }
0x22f: {  	[spmem:s30] =	stream.linear.scatter [tilespmem:s8], [sflag:$0x3], $0x2800, $0x38;
	[tilespmem:$0x1B7D0] =	vst v63  }
0x230: {  	_ =	swait.ge [sflag:s9], $0x2800  }
0x231: {  	[sflag:s9] =	ssyncset.done $0x0  }
0x232: {  	[sflag:s9] =	ssyncadd.s32 $0xFFFFD800  }
0x233: {  	[spmem:s31] =	stream.linear.scatter [tilespmem:s8], [sflag:$0x3], $0x2800, $0x38;
	[tilespmem:$0x1B7D0] =	vst v63  }
0x234: {  	_ =	swait.ge [sflag:s9], $0x2800  }
0x235: {  	[sflag:s9] =	ssyncset.done $0x0  }
0x236: {  	s29 =	rddreg [dreg:$0x12];
	[sflag:s9] =	ssyncadd.s32 $0xFFFFD800  }
0x237: {  	[spmem:s29] =	stream.linear.scatter [tilespmem:s8], [sflag:$0x3], $0x2800, $0x38;
	[tilespmem:$0x1B7D0] =	vst v63  }
0x238: {  	_ =	swait.ge [sflag:s9], $0x2800  }
0x239: {  	[sflag:s9] =	ssyncset.done $0x0  }
0x23a: {  	s30 =	rddreg [dreg:$0x13];
	[sflag:s9] =	ssyncadd.s32 $0xFFFFD800  }
0x23b: {  	[spmem:s30] =	stream.linear.scatter [tilespmem:s8], [sflag:$0x3], $0x2800, $0x38;
	[tilespmem:$0x1B7D0] =	vst v63  }
0x23c: {  	_ =	swait.ge [sflag:s9], $0x2800  }
0x23d: {  	[sflag:s9] =	ssyncset.done $0x0  }
0x23e: {  	s31 =	rddreg [dreg:$0x14];
	[sflag:s9] =	ssyncadd.s32 $0xFFFFD800  }
0x23f: {  	[spmem:s31] =	stream.linear.scatter [tilespmem:s8], [sflag:$0x3], $0x2580, $0x38;
	[tilespmem:$0x1B7D0] =	vst v63  }
.Ltmp12:
0x240: {  	_ =	swait.ge [sflag:s9], $0x2580;
	(pc) =	sbr.rel @p0 .LBB2_25-.Ltmp12, $4  }
0x241: {  	[sflag:s9] =	ssyncset.done $0x0  }
0x242: {  	[sflag:s9] =	ssyncadd.s32 $0xFFFFDA80  }
0x243: {  	[bflag:$0x0] =	sbarrier.arrive $0xFFFF  }
0x244: {  	s26 =	simm.s32 $0x0  }
0x245: {  	s7 =	rddreg [dreg:$0xe];
	s24 =	simm.s32 $0xF200  }
0x246: {  	[tilespmem:s24], [sflag:$0x3] =	stream.linear.gather [hbm4b:s7+s26], $0x50, $0x38;
	[tilespmem:$0x1B7D0] =	vst v63  }
0x247: {  	_ =	swait.ge [sflag:s9], $0x50  }
0x248: {  	[sflag:s9] =	ssyncset.done $0x0  }
0x249: {  	[sflag:s9] =	ssyncadd.s32 $0xFFFFFFB0  }
0x24a: {  	v1 =	vld [tilespmem:$0xF200]  }
0x24b: {  	v2 =	vld [tilespmem:$0xF210]  }
0x24c: {  	v3 =	vld [tilespmem:$0xF220]  }
0x24d: {  	s24 =	rddreg [dreg:$0x15];
	v4 =	vld [tilespmem:$0xF230]  }
0x24e: {  	v5 =	vld [tilespmem:$0xF240];
	[tilespmem:s26], [sflag:$0x3] =	stream.linear.gather [hbm4b:s24+s26], $0x80, $0x38  }
0x24f: {  	_ =	swait.ge [sflag:s9], $0x80  }
0x250: {  	[sflag:s9] =	ssyncset.done $0x0  }
0x251: {  	s29 =	rddreg [dreg:$0x16];
	[sflag:s9] =	ssyncadd.s32 $0xFFFFFF80  }
0x252: {  	[tilespmem:s10], [sflag:$0x3] =	stream.linear.gather [hbm4b:s29+s26], $0x80, $0x38;
	[tilespmem:$0x1B7D0] =	vst v63  }
0x253: {  	_ =	swait.ge [sflag:s9], $0x80  }
0x254: {  	[sflag:s9] =	ssyncset.done $0x0  }
0x255: {  	s30 =	simm.s32 $0x200;
	[sflag:s9] =	ssyncadd.s32 $0xFFFFFF80  }
0x256: {  	[tilespmem:s30], [sflag:$0x1] =	stream.indirect.gather [hbm4b:s1+s10], $0x50, s26, s10, $0xb8;
	[tilespmem:$0x1B7D0] =	vst v63  }
0x257: {  	s31 =	simm.s32 $0x2A00  }
0x258: {  	[tilespmem:s31], [sflag:$0x1] =	stream.indirect.gather [hbm4b:s5+s10], $0x50, s10, s10, $0xb8;
	[tilespmem:$0x1B7D0] =	vst v63  }
0x259: {  	s28 =	simm.s32 $0x0  }
0x25a: {  	[tilespmem:s8], [sflag:$0x1] =	stream.indirect.gather [hbm4b:s6+s10], $0x50, s26, s10, $0xb8;
	[tilespmem:$0x1B7D0] =	vst v63  }
.LBB2_20:
0x25b: {  	s29 =	sshll.u32 s28, $0x8  }
0x25c: {  	s7 =	sadd.s32 s29, s0  }
0x25d: {  	s7 =	sshrl.u32 s7, $0x3  }
0x25e: {  	s30 =	sadd.s32 s22, s7  }
0x25f: {  	[tilespmem:s11], [sflag:$0x3] =	stream.linear.gather [hbm4b:s30+s26], $0x80, $0x38;
	[tilespmem:$0x1B7D0] =	vst v63  }
0x260: {  	_ =	swait.ge [sflag:s9], $0x80  }
0x261: {  	[sflag:s9] =	ssyncset.done $0x0  }
0x262: {  	s7 =	sadd.s32 s23, s7;
	[sflag:s9] =	ssyncadd.s32 $0xFFFFFF80  }
0x263: {  	[tilespmem:s13], [sflag:$0x3] =	stream.linear.gather [hbm4b:s7+s26], $0x80, $0x38;
	[tilespmem:$0x1B7D0] =	vst v63  }
0x264: {  	_ =	swait.ge [sflag:s9], $0x80  }
0x265: {  	[sflag:s9] =	ssyncset.done $0x0  }
0x266: {  	[sflag:s9] =	ssyncadd.s32 $0xFFFFFF80  }
0x267: {  	[tilespmem:s12], [sflag:$0x2] =	stream.indirect.gather [hbm4b:s1+s10], $0x50, s11, s10, $0xb8;
	[tilespmem:$0x1B7D0] =	vst v63  }
0x268: {  	_ = 	snop  }
0x269: {  	[tilespmem:s14], [sflag:$0x2] =	stream.indirect.gather [hbm4b:s5+s10], $0x50, s13, s10, $0xb8;
	[tilespmem:$0x1B7D0] =	vst v63  }
0x26a: {  	_ = 	snop  }
0x26b: {  	[tilespmem:s15], [sflag:$0x2] =	stream.indirect.gather [hbm4b:s6+s10], $0x50, s11, s10, $0xb8;
	[tilespmem:$0x1B7D0] =	vst v63  }
0x26c: {  	_ =	swait.ge [sflag:s16], $0x2800  }
0x26d: {  	[sflag:s16] =	ssyncset.done $0x0  }
0x26e: {  	[sflag:s16] =	ssyncadd.s32 $0xFFFFD800  }
0x26f: {  	_ =	swait.ge [sflag:s16], $0x2800  }
0x270: {  	[sflag:s16] =	ssyncset.done $0x0  }
0x271: {  	[sflag:s16] =	ssyncadd.s32 $0xFFFFD800  }
0x272: {  	_ =	swait.ge [sflag:s16], $0x2800  }
0x273: {  	[sflag:s16] =	ssyncset.done $0x0  }
0x274: {  	s30 =	simm.s32 $0x0;
	[sflag:s16] =	ssyncadd.s32 $0xFFFFD800  }
0x275: {  	v6 =	vld [tilespmem:s30+$0x2A40]  }
0x276: {  	v7 =	vld [tilespmem:s30+$0x240]  }
0x277: {  	v8 =	vld [tilespmem:s30+$0x2A30]  }
0x278: {  	v9 =	vld [tilespmem:s30+$0x2A20]  }
0x279: {  	v12 =	vld [tilespmem:s30+$0x2A10]  }
0x27a: {  	v14 =	vld [tilespmem:s30+$0x210]  }
0x27b: {  	v6 =	vadd.f32 v6, v7;
	v7 =	vld [tilespmem:s30+$0x220]  }
0x27c: {  	v10 =	vld [tilespmem:s30+$0x230]  }
0x27d: {  	v11 =	vld [tilespmem:s30+$0x2A00]  }
0x27e: {  	s7 =	simm.s32 $0x50;
	v15 =	vld [tilespmem:s30+$0x200]  }
0x27f: {  	v17 =	vld [tilespmem:s7+$0x230];
	v13 =	vmul.f32 $2.000000030e-01, v6  }
0x280: {  	v12 =	vadd.f32 v12, v14;
	v14 =	vld [tilespmem:s7+$0x2A30];
	v7 =	vadd.f32 v9, v7  }
0x281: {  	v6 =	vmax.f32 v6, v13  }
0x282: {  	v8 =	vadd.f32 v8, v10;
	v10 =	vld [tilespmem:s7+$0x240];
	v6 =	vsub.f32 v6, v5;
	v13 =	vmul.f32 $2.000000030e-01, v7  }
0x283: {  	v11 =	vadd.f32 v11, v15;
	v9 =	vld [tilespmem:s7+$0x2A40]  }
0x284: {  	v16 =	vmul.f32 $2.000000030e-01, v8;
	v6 =	vmul.f32 $1.442695020e+00, v6;
	v7 =	vmax.f32 v7, v13  }
0x285: {  	v17 =	vadd.f32 v14, v17;
	v13 =	vmul.f32 $2.000000030e-01, v12;
	v7 =	vsub.f32 v7, v3  }
0x286: {  	v15 =	vld [tilespmem:s7+$0x2A20];
	(erf) = vpow2.f32 v6;
	v6 =	vmax.f32 v8, v16;
	v8 =	vmul.f32 $2.000000030e-01, v11  }
0x287: {  	v14 =	vld [tilespmem:s30+$0x5240];
	v18 =	vsub.f32 v6, v4;
	v12 =	vmax.f32 v12, v13;
	v7 =	vmul.f32 $1.442695020e+00, v7  }
0x288: {  	v16 =	vld [tilespmem:s7+$0x2A00];
	v9 =	vadd.f32 v9, v10;
	v10 =	vsub.f32 v12, v2  }
0x289: {  	v8 =	vmax.f32 v11, v8;
	v12 =	vld [tilespmem:s7+$0x200];
	v11 =	vmul.f32 $1.442695020e+00, v18;
	(erf) = vpow2.f32 v7  }
0x28a: {  	v18 =	vld [tilespmem:s7+$0x220];
	v13 =	vmul.f32 $2.000000030e-01, v9;
	v8 =	vsub.f32 v8, v1;
	v7 =	vmul.f32 $1.442695020e+00, v10  }
0x28b: {  	v19 =	vmul.f32 $2.000000030e-01, v17;
	v6 =	vld [tilespmem:s7+$0x2A10];
	(erf) = vpow2.f32 v11  }
0x28c: {  	v10 =	vld [tilespmem:s7+$0x210];
	v8 =	vmul.f32 $1.442695020e+00, v8;
	v11 =	vmax.f32 v9, v13;
	(erf) = vpow2.f32 v7  }
0x28d: {  	v9 =	vld [tilespmem:s30+$0x5230];
	v20 =	vsub.f32 v11, v5  }
0x28e: {  	v13 =	vld [tilespmem:s30+$0x5220];
	v11 =	vmax.f32 v17, v19;
	(erf) = vpow2.f32 v8  }
0x28f: {  	s31 =	simm.s32 $0x280;
	v7 =	vadd.f32 v16, v12;
	v15 =	vadd.f32 v15, v18;
	v8 =	vld [tilespmem:s30+$0x5200];
	v12 =	vmul.f32 $1.442695020e+00, v20;
	v16 =	vpop (erf)  }
.LBB2_21:
0x290: {  	s24 =	sshra.s32 s31, $0x2;
	p1 =	sne.s32 s31, $0x9EC0;
	s31 =	sadd.s32 $0x140, s31;
	v17 =	vld [tilespmem:s30+$0x5210]  }
0x291: {  	v18 =	vld [tilespmem:s24+$0x2A40];
	v19 =	vmul.f32 $2.000000030e-01, v15  }
0x292: {  	v6 =	vadd.f32 v6, v10;
	v20 =	vld [tilespmem:s24+$0x240];
	v22 =	vmul.f32 v16, v14;
	v14 =	vpop (erf)  }
0x293: {  	v16 =	vld [tilespmem:s24+$0x2A30];
	v15 =	vmax.f32 v15, v19;
	v13 =	vmul.f32 v14, v13  }
0x294: {  	v21 =	vmul.f32 $2.000000030e-01, v6;
	v14 =	vmul.f32 $2.000000030e-01, v7;
	v19 =	vld [tilespmem:s24+$0x2A20];
	v15 =	vsub.f32 v15, v3;
	[tilespmem:s30+$0x5240] =	vst v22;
	v10 =	vpop (erf)  }
0x295: {  	v11 =	vsub.f32 v11, v4;
	v22 =	vld [tilespmem:s24+$0x230];
	(erf) = vpow2.f32 v12;
	[tilespmem:s30+$0x5220] =	vst v13;
	v23 =	vmul.f32 v10, v9;
	v10 =	vpop (erf)  }
0x296: {  	v13 =	vmax.f32 v6, v21;
	v12 =	vld [tilespmem:s24+$0x2A00];
	v15 =	vmul.f32 $1.442695020e+00, v15;
	v10 =	vmul.f32 v10, v17  }
0x297: {  	v11 =	vmul.f32 $1.442695020e+00, v11;
	v13 =	vsub.f32 v13, v2;
	v6 =	vld [tilespmem:s24+$0x2A10];
	v17 =	vadd.f32 v18, v20;
	[tilespmem:s30+$0x5230] =	vst v23;
	v9 =	vpop (erf)  }
0x298: {  	v7 =	vmax.f32 v7, v14;
	v18 =	vld [tilespmem:s24+$0x200];
	(erf) = vpow2.f32 v15;
	v8 =	vmul.f32 v9, v8;
	[tilespmem:s30+$0x5210] =	vst v10  }
0x299: {  	v7 =	vsub.f32 v7, v1;
	v13 =	vmul.f32 $1.442695020e+00, v13;
	v15 =	vld [tilespmem:s24+$0x220];
	v9 =	vmul.f32 $2.000000030e-01, v17  }
.Ltmp13:
0x29a: {  	v10 =	vld [tilespmem:s24+$0x210];
	v16 =	vadd.f32 v16, v22;
	(erf) = vpow2.f32 v11;
	[tilespmem:s30+$0x5200] =	vst v8;
	s30 =	smov.u32 s7;
	s7 =	smov.u32 s24;
	(pc) =	sbr.rel @p1 .LBB2_21-.Ltmp13, $4  }
0x29b: {  	v11 =	vmul.f32 $1.442695020e+00, v7;
	v8 =	vmax.f32 v17, v9;
	v9 =	vld [tilespmem:s30+$0x5230];
	(erf) = vpow2.f32 v13  }
0x29c: {  	v17 =	vmul.f32 $2.000000030e-01, v16;
	v8 =	vsub.f32 v8, v5;
	v14 =	vld [tilespmem:s30+$0x5240]  }
0x29d: {  	v7 =	vadd.f32 v12, v18;
	v13 =	vld [tilespmem:s30+$0x5220];
	(erf) = vpow2.f32 v11  }
0x29e: {  	v15 =	vadd.f32 v19, v15;
	v11 =	vmax.f32 v16, v17;
	v12 =	vmul.f32 $1.442695020e+00, v8;
	v8 =	vld [tilespmem:s30+$0x5200];
	v16 =	vpop (erf)  }
0x29f: {  	_ = 	snop  }
0x2a0: {  	v6 =	vadd.f32 v6, v10;
	v17 =	vmul.f32 $2.000000030e-01, v15  }
0x2a1: {  	v18 =	vld [tilespmem:s30+$0x5210];
	v11 =	vsub.f32 v11, v4;
	v10 =	vmul.f32 v16, v14;
	v14 =	vpop (erf);
	v16 =	vmul.f32 $2.000000030e-01, v7  }
0x2a2: {  	v15 =	vmax.f32 v15, v17;
	v13 =	vmul.f32 v14, v13;
	v14 =	vmul.f32 $2.000000030e-01, v6  }
0x2a3: {  	v15 =	vsub.f32 v15, v3;
	v7 =	vmax.f32 v7, v16;
	[tilespmem:s30+$0x5240] =	vst v10;
	v10 =	vmul.f32 $1.442695020e+00, v11  }
0x2a4: {  	v17 =	vpop (erf);
	(erf) = vpow2.f32 v12;
	v6 =	vmax.f32 v6, v14;
	v7 =	vsub.f32 v7, v1  }
0x2a5: {  	v9 =	vmul.f32 v17, v9;
	v12 =	vpop (erf);
	v14 =	vmul.f32 $1.442695020e+00, v15;
	v6 =	vsub.f32 v6, v2  }
0x2a6: {  	v12 =	vmul.f32 v12, v18;
	v7 =	vmul.f32 $1.442695020e+00, v7  }
0x2a7: {  	[tilespmem:s30+$0x5220] =	vst v13;
	v11 =	vpop (erf);
	(erf) = vpow2.f32 v14;
	v6 =	vmul.f32 $1.442695020e+00, v6  }
0x2a8: {  	v8 =	vmul.f32 v11, v8;
	[tilespmem:s30+$0x5230] =	vst v9;
	(erf) = vpow2.f32 v10  }
0x2a9: {  	[tilespmem:s30+$0x5210] =	vst v12;
	(erf) = vpow2.f32 v6  }
0x2aa: {  	[tilespmem:s30+$0x5200] =	vst v8;
	(erf) = vpow2.f32 v7  }
0x2ab: {  	v6 =	vld [tilespmem:s7+$0x5240]  }
0x2ac: {  	v7 =	vld [tilespmem:s7+$0x5220]  }
0x2ad: {  	v8 =	vld [tilespmem:s7+$0x5230]  }
0x2ae: {  	v9 =	vld [tilespmem:s7+$0x5210]  }
0x2af: {  	v10 =	vld [tilespmem:s7+$0x5200];
	v11 =	vpop (erf)  }
0x2b0: {  	v6 =	vmul.f32 v11, v6;
	v11 =	vpop (erf)  }
0x2b1: {  	v7 =	vmul.f32 v11, v7;
	v11 =	vpop (erf)  }
0x2b2: {  	[tilespmem:s7+$0x5240] =	vst v6;
	v6 =	vmul.f32 v11, v8;
	v8 =	vpop (erf)  }
0x2b3: {  	[tilespmem:s7+$0x5220] =	vst v7;
	v7 =	vmul.f32 v8, v9;
	v8 =	vpop (erf)  }
0x2b4: {  	[tilespmem:s7+$0x5230] =	vst v6;
	v6 =	vmul.f32 v8, v10  }
0x2b5: {  	[tilespmem:s7+$0x5210] =	vst v7  }
0x2b6: {  	p1 =	seq.s32 s28, $0x50;
	[tilespmem:s7+$0x5200] =	vst v6  }
0x2b7: {  	[spmem:s2] =	stream.indirect.scatter.add.f32 [tilespmem:s8], [sflag:$0x3], $0x50, s10, s10, $0xb8;
	[tilespmem:$0x1B7D0] =	vst v63  }
0x2b8: {  	s7 =	sadd.s32 @!p1 s29, s3;
	_ =	swait.ge [sflag:s9], $0x2800  }
0x2b9: {  	s7 =	sshrl.u32 @!p1 s7, $0x3;
	[sflag:s9] =	ssyncset.done $0x0  }
0x2ba: {  	s29 =	simm.s32 @!p1 $0x0;
	s24 =	sadd.s32 @!p1 s22, s7;
	[sflag:s9] =	ssyncadd.s32 $0xFFFFD800  }
0x2bb: {  	[tilespmem:s29], [sflag:$0x3] =	stream.linear.gather @!p1 [hbm4b:s24+s29], $0x80, $0x38;
	[tilespmem:$0x1B7D0] =	vst v63  }
0x2bc: {  	s24 =	simm.s32 @!p1 $0x3  }
0x2bd: {  	_ =	swait.ge @!p1 [sflag:s24], $0x80  }
0x2be: {  	[sflag:s24] =	ssyncset.done @!p1 $0x0  }
0x2bf: {  	s30 =	simm.s32 @!p1 $0x80;
	s7 =	sadd.s32 @!p1 s23, s7;
	[sflag:s24] =	ssyncadd.s32 @!p1 $0xFFFFFF80  }
0x2c0: {  	[tilespmem:s30], [sflag:$0x3] =	stream.linear.gather @!p1 [hbm4b:s7+s29], $0x80, $0x38;
	[tilespmem:$0x1B7D0] =	vst v63  }
0x2c1: {  	_ =	swait.ge @!p1 [sflag:s24], $0x80  }
0x2c2: {  	[sflag:s24] =	ssyncset.done @!p1 $0x0  }
0x2c3: {  	s7 =	simm.s32 @!p1 $0x200;
	[sflag:s24] =	ssyncadd.s32 @!p1 $0xFFFFFF80  }
0x2c4: {  	[tilespmem:s7], [sflag:$0x1] =	stream.indirect.gather @!p1 [hbm4b:s1+s30], $0x50, s29, s30, $0xb8;
	[tilespmem:$0x1B7D0] =	vst v63  }
0x2c5: {  	s7 =	simm.s32 @!p1 $0x2A00  }
0x2c6: {  	[tilespmem:s7], [sflag:$0x1] =	stream.indirect.gather @!p1 [hbm4b:s5+s30], $0x50, s30, s30, $0xb8;
	[tilespmem:$0x1B7D0] =	vst v63  }
0x2c7: {  	s7 =	simm.s32 @!p1 $0x5200  }
0x2c8: {  	[tilespmem:s7], [sflag:$0x1] =	stream.indirect.gather @!p1 [hbm4b:s6+s30], $0x50, s29, s30, $0xb8;
	[tilespmem:$0x1B7D0] =	vst v63  }
0x2c9: {  	_ =	swait.ge [sflag:s17], $0x2800  }
0x2ca: {  	[sflag:s17] =	ssyncset.done $0x0  }
0x2cb: {  	[sflag:s17] =	ssyncadd.s32 $0xFFFFD800  }
0x2cc: {  	_ =	swait.ge [sflag:s17], $0x2800  }
0x2cd: {  	[sflag:s17] =	ssyncset.done $0x0  }
0x2ce: {  	[sflag:s17] =	ssyncadd.s32 $0xFFFFD800  }
0x2cf: {  	_ =	swait.ge [sflag:s17], $0x2800  }
0x2d0: {  	[sflag:s17] =	ssyncset.done $0x0  }
0x2d1: {  	s29 =	simm.s32 $0x0;
	[sflag:s17] =	ssyncadd.s32 $0xFFFFD800  }
0x2d2: {  	v6 =	vld [tilespmem:s29+$0xA240]  }
0x2d3: {  	v7 =	vld [tilespmem:s29+$0x7A40]  }
0x2d4: {  	v8 =	vld [tilespmem:s29+$0xA230]  }
0x2d5: {  	v9 =	vld [tilespmem:s29+$0xA220]  }
0x2d6: {  	v12 =	vld [tilespmem:s29+$0xA210]  }
0x2d7: {  	v14 =	vld [tilespmem:s29+$0x7A10]  }
0x2d8: {  	v6 =	vadd.f32 v6, v7;
	v7 =	vld [tilespmem:s29+$0x7A20]  }
0x2d9: {  	v10 =	vld [tilespmem:s29+$0x7A30]  }
0x2da: {  	v11 =	vld [tilespmem:s29+$0xA200]  }
0x2db: {  	s7 =	simm.s32 $0x50;
	v15 =	vld [tilespmem:s29+$0x7A00]  }
0x2dc: {  	v17 =	vld [tilespmem:s7+$0x7A30];
	v13 =	vmul.f32 $2.000000030e-01, v6  }
0x2dd: {  	v12 =	vadd.f32 v12, v14;
	v14 =	vld [tilespmem:s7+$0xA230];
	v7 =	vadd.f32 v9, v7  }
0x2de: {  	v6 =	vmax.f32 v6, v13  }
0x2df: {  	v8 =	vadd.f32 v8, v10;
	v10 =	vld [tilespmem:s7+$0x7A40];
	v6 =	vsub.f32 v6, v5;
	v13 =	vmul.f32 $2.000000030e-01, v7  }
0x2e0: {  	v11 =	vadd.f32 v11, v15;
	v9 =	vld [tilespmem:s7+$0xA240]  }
0x2e1: {  	v16 =	vmul.f32 $2.000000030e-01, v8;
	v6 =	vmul.f32 $1.442695020e+00, v6;
	v7 =	vmax.f32 v7, v13  }
0x2e2: {  	v17 =	vadd.f32 v14, v17;
	v13 =	vmul.f32 $2.000000030e-01, v12;
	v7 =	vsub.f32 v7, v3  }
0x2e3: {  	v15 =	vld [tilespmem:s7+$0xA220];
	(erf) = vpow2.f32 v6;
	v6 =	vmax.f32 v8, v16;
	v8 =	vmul.f32 $2.000000030e-01, v11  }
0x2e4: {  	v14 =	vld [tilespmem:s29+$0xCA40];
	v18 =	vsub.f32 v6, v4;
	v12 =	vmax.f32 v12, v13;
	v7 =	vmul.f32 $1.442695020e+00, v7  }
0x2e5: {  	v16 =	vld [tilespmem:s7+$0xA200];
	v9 =	vadd.f32 v9, v10;
	v10 =	vsub.f32 v12, v2  }
0x2e6: {  	v8 =	vmax.f32 v11, v8;
	v12 =	vld [tilespmem:s7+$0x7A00];
	v11 =	vmul.f32 $1.442695020e+00, v18;
	(erf) = vpow2.f32 v7  }
0x2e7: {  	v18 =	vld [tilespmem:s7+$0x7A20];
	v13 =	vmul.f32 $2.000000030e-01, v9;
	v8 =	vsub.f32 v8, v1;
	v7 =	vmul.f32 $1.442695020e+00, v10  }
0x2e8: {  	v19 =	vmul.f32 $2.000000030e-01, v17;
	v6 =	vld [tilespmem:s7+$0xA210];
	(erf) = vpow2.f32 v11  }
0x2e9: {  	v10 =	vld [tilespmem:s7+$0x7A10];
	v8 =	vmul.f32 $1.442695020e+00, v8;
	v11 =	vmax.f32 v9, v13;
	(erf) = vpow2.f32 v7  }
0x2ea: {  	v9 =	vld [tilespmem:s29+$0xCA30];
	v20 =	vsub.f32 v11, v5  }
0x2eb: {  	v13 =	vld [tilespmem:s29+$0xCA20];
	v11 =	vmax.f32 v17, v19;
	(erf) = vpow2.f32 v8  }
0x2ec: {  	s30 =	simm.s32 $0x280;
	v7 =	vadd.f32 v16, v12;
	v15 =	vadd.f32 v15, v18;
	v8 =	vld [tilespmem:s29+$0xCA00];
	v12 =	vmul.f32 $1.442695020e+00, v20;
	v16 =	vpop (erf)  }
.LBB2_23:
0x2ed: {  	s24 =	sshra.s32 s30, $0x2;
	p1 =	sne.s32 s30, $0x9EC0;
	s30 =	sadd.s32 $0x140, s30;
	v17 =	vld [tilespmem:s29+$0xCA10]  }
0x2ee: {  	v18 =	vld [tilespmem:s24+$0xA240];
	v19 =	vmul.f32 $2.000000030e-01, v15  }
0x2ef: {  	v6 =	vadd.f32 v6, v10;
	v20 =	vld [tilespmem:s24+$0x7A40];
	v22 =	vmul.f32 v16, v14;
	v14 =	vpop (erf)  }
0x2f0: {  	v16 =	vld [tilespmem:s24+$0xA230];
	v15 =	vmax.f32 v15, v19;
	v13 =	vmul.f32 v14, v13  }
0x2f1: {  	v21 =	vmul.f32 $2.000000030e-01, v6;
	v14 =	vmul.f32 $2.000000030e-01, v7;
	v19 =	vld [tilespmem:s24+$0xA220];
	v15 =	vsub.f32 v15, v3;
	[tilespmem:s29+$0xCA40] =	vst v22;
	v10 =	vpop (erf)  }
0x2f2: {  	v11 =	vsub.f32 v11, v4;
	v22 =	vld [tilespmem:s24+$0x7A30];
	(erf) = vpow2.f32 v12;
	[tilespmem:s29+$0xCA20] =	vst v13;
	v23 =	vmul.f32 v10, v9;
	v10 =	vpop (erf)  }
0x2f3: {  	v13 =	vmax.f32 v6, v21;
	v12 =	vld [tilespmem:s24+$0xA200];
	v15 =	vmul.f32 $1.442695020e+00, v15;
	v10 =	vmul.f32 v10, v17  }
0x2f4: {  	v11 =	vmul.f32 $1.442695020e+00, v11;
	v13 =	vsub.f32 v13, v2;
	v6 =	vld [tilespmem:s24+$0xA210];
	v17 =	vadd.f32 v18, v20;
	[tilespmem:s29+$0xCA30] =	vst v23;
	v9 =	vpop (erf)  }
0x2f5: {  	v7 =	vmax.f32 v7, v14;
	v18 =	vld [tilespmem:s24+$0x7A00];
	(erf) = vpow2.f32 v15;
	v8 =	vmul.f32 v9, v8;
	[tilespmem:s29+$0xCA10] =	vst v10  }
0x2f6: {  	v7 =	vsub.f32 v7, v1;
	v13 =	vmul.f32 $1.442695020e+00, v13;
	v15 =	vld [tilespmem:s24+$0x7A20];
	v9 =	vmul.f32 $2.000000030e-01, v17  }
.Ltmp14:
0x2f7: {  	v10 =	vld [tilespmem:s24+$0x7A10];
	v16 =	vadd.f32 v16, v22;
	(erf) = vpow2.f32 v11;
	[tilespmem:s29+$0xCA00] =	vst v8;
	s29 =	smov.u32 s7;
	s7 =	smov.u32 s24;
	(pc) =	sbr.rel @p1 .LBB2_23-.Ltmp14, $4  }
0x2f8: {  	v11 =	vmul.f32 $1.442695020e+00, v7;
	v8 =	vmax.f32 v17, v9;
	v9 =	vld [tilespmem:s29+$0xCA30];
	(erf) = vpow2.f32 v13  }
0x2f9: {  	v17 =	vmul.f32 $2.000000030e-01, v16;
	v8 =	vsub.f32 v8, v5;
	v14 =	vld [tilespmem:s29+$0xCA40]  }
0x2fa: {  	v7 =	vadd.f32 v12, v18;
	v13 =	vld [tilespmem:s29+$0xCA20];
	(erf) = vpow2.f32 v11  }
0x2fb: {  	v15 =	vadd.f32 v19, v15;
	v11 =	vmax.f32 v16, v17;
	v12 =	vmul.f32 $1.442695020e+00, v8;
	v8 =	vld [tilespmem:s29+$0xCA00];
	v16 =	vpop (erf)  }
0x2fc: {  	_ = 	snop  }
0x2fd: {  	v6 =	vadd.f32 v6, v10;
	v52 =	vmul.f32 $2.000000030e-01, v7;
	v17 =	vmul.f32 $2.000000030e-01, v15  }
0x2fe: {  	v18 =	vld [tilespmem:s29+$0xCA10];
	v11 =	vsub.f32 v11, v4;
	v49 =	vmul.f32 v16, v14  }
0x2ff: {  	v50 =	vpop (erf);
	v51 =	vmul.f32 $2.000000030e-01, v6;
	v7 =	vmax.f32 v7, v52;
	v15 =	vmax.f32 v15, v17  }
0x300: {  	v56 =	vmul.f32 $1.442695020e+00, v11;
	v13 =	vmul.f32 v50, v13;
	v15 =	vsub.f32 v15, v3  }
0x301: {  	v7 =	vsub.f32 v7, v1;
	v53 =	vpop (erf);
	(erf) = vpow2.f32 v12;
	v6 =	vmax.f32 v6, v51  }
0x302: {  	v9 =	vmul.f32 v53, v9;
	v54 =	vpop (erf);
	v6 =	vsub.f32 v6, v2;
	v55 =	vmul.f32 $1.442695020e+00, v15  }
0x303: {  	[tilespmem:s29+$0xCA40] =	vst v49;
	v7 =	vmul.f32 $1.442695020e+00, v7;
	v12 =	vmul.f32 v54, v18  }
0x304: {  	[tilespmem:s29+$0xCA20] =	vst v13;
	v57 =	vpop (erf);
	v6 =	vmul.f32 $1.442695020e+00, v6;
	(erf) = vpow2.f32 v55  }
0x305: {  	[tilespmem:s29+$0xCA30] =	vst v9;
	v8 =	vmul.f32 v57, v8;
	(erf) = vpow2.f32 v56  }
0x306: {  	[tilespmem:s29+$0xCA10] =	vst v12;
	(erf) = vpow2.f32 v6  }
0x307: {  	[tilespmem:s29+$0xCA00] =	vst v8;
	(erf) = vpow2.f32 v7  }
0x308: {  	v6 =	vld [tilespmem:s7+$0xCA40]  }
0x309: {  	v7 =	vld [tilespmem:s7+$0xCA20]  }
0x30a: {  	v8 =	vld [tilespmem:s7+$0xCA30]  }
0x30b: {  	v9 =	vld [tilespmem:s7+$0xCA10]  }
0x30c: {  	v58 =	vld [tilespmem:s7+$0xCA00];
	v59 =	vpop (erf)  }
0x30d: {  	v6 =	vmul.f32 v59, v6;
	v60 =	vpop (erf)  }
0x30e: {  	v7 =	vmul.f32 v60, v7;
	v61 =	vpop (erf)  }
0x30f: {  	[tilespmem:s7+$0xCA40] =	vst v6;
	v6 =	vmul.f32 v61, v8;
	v62 =	vpop (erf)  }
0x310: {  	[tilespmem:s7+$0xCA20] =	vst v7;
	v7 =	vmul.f32 v62, v9;
	v63 =	vpop (erf)  }
0x311: {  	[tilespmem:s7+$0xCA30] =	vst v6;
	v6 =	vmul.f32 v63, v58  }
0x312: {  	s28 =	sadd.s32 $0x1, s28;
	[tilespmem:s7+$0xCA10] =	vst v7  }
0x313: {  	p1 =	seq.s32 s28, $0x51;
	[tilespmem:s7+$0xCA00] =	vst v6  }
0x314: {  	[spmem:s2] =	stream.indirect.scatter.add.f32 [tilespmem:s15], [sflag:$0x3], $0x50, s13, s10, $0xb8;
	[tilespmem:$0x1B7D0] =	vst v63  }
.Ltmp15:
0x315: {  	_ = 	snop;
	(pc) =	sbr.rel @!p1 .LBB2_20-.Ltmp15, $4  }
.Ltmp16:
0x316: {  	_ = 	snop;
	(pc) =	sbr.rel @p1 .LBB2_31-.Ltmp16, $4  }
0x317: {  	_ =	swait.ge [sflag:s9], $0x2800  }
0x318: {  	[sflag:s9] =	ssyncset.done $0x0  }
0x319: {  	[sflag:s9] =	ssyncadd.s32 $0xFFFFD800  }
0x31a: {  	_ = 	snop  }
.LBB2_25:
0x31b: {  	s7 =	rddreg [dreg:$0xf];
	s24 =	simm.s32 $0xF200  }
0x31c: {  	[tilespmem:s24], [sflag:$0x3] =	stream.linear.gather [hbm4b:s7+s26], $0x50, $0x38;
	[tilespmem:$0x1B7D0] =	vst v63  }
0x31d: {  	_ =	swait.ge [sflag:s9], $0x50  }
0x31e: {  	[sflag:s9] =	ssyncset.done $0x0  }
0x31f: {  	[sflag:s9] =	ssyncadd.s32 $0xFFFFFFB0  }
0x320: {  	v1 =	vld [tilespmem:$0xF200]  }
0x321: {  	v2 =	vld [tilespmem:$0xF210]  }
0x322: {  	v3 =	vld [tilespmem:$0xF220]  }
0x323: {  	s24 =	rddreg [dreg:$0x15];
	v4 =	vld [tilespmem:$0xF230]  }
0x324: {  	v5 =	vld [tilespmem:$0xF240];
	[tilespmem:s26], [sflag:$0x3] =	stream.linear.gather [hbm4b:s24+s26], $0x80, $0x38  }
0x325: {  	_ =	swait.ge [sflag:s9], $0x80  }
0x326: {  	[sflag:s9] =	ssyncset.done $0x0  }
0x327: {  	s29 =	rddreg [dreg:$0x16];
	[sflag:s9] =	ssyncadd.s32 $0xFFFFFF80  }
0x328: {  	[tilespmem:s10], [sflag:$0x3] =	stream.linear.gather [hbm4b:s29+s26], $0x80, $0x38;
	[tilespmem:$0x1B7D0] =	vst v63  }
0x329: {  	_ =	swait.ge [sflag:s9], $0x80  }
0x32a: {  	[sflag:s9] =	ssyncset.done $0x0  }
0x32b: {  	s30 =	simm.s32 $0x200;
	[sflag:s9] =	ssyncadd.s32 $0xFFFFFF80  }
0x32c: {  	[tilespmem:s30], [sflag:$0x1] =	stream.indirect.gather [hbm4b:s18+s10], $0x50, s26, s10, $0xb8;
	[tilespmem:$0x1B7D0] =	vst v63  }
0x32d: {  	s31 =	simm.s32 $0x2A00  }
0x32e: {  	[tilespmem:s31], [sflag:$0x1] =	stream.indirect.gather [hbm4b:s19+s10], $0x50, s10, s10, $0xb8;
	[tilespmem:$0x1B7D0] =	vst v63  }
0x32f: {  	s28 =	simm.s32 $0x0  }
0x330: {  	[tilespmem:s8], [sflag:$0x1] =	stream.indirect.gather [hbm4b:s20+s10], $0x50, s26, s10, $0xb8;
	[tilespmem:$0x1B7D0] =	vst v63  }
.LBB2_26:
0x331: {  	s29 =	sshll.u32 s28, $0x8  }
0x332: {  	s7 =	sadd.s32 s29, s0  }
0x333: {  	s7 =	sshrl.u32 s7, $0x3  }
0x334: {  	s24 =	sadd.s32 s22, s7  }
0x335: {  	[tilespmem:s11], [sflag:$0x3] =	stream.linear.gather [hbm4b:s24+s26], $0x80, $0x38;
	[tilespmem:$0x1B7D0] =	vst v63  }
0x336: {  	_ =	swait.ge [sflag:s9], $0x80  }
0x337: {  	[sflag:s9] =	ssyncset.done $0x0  }
0x338: {  	s7 =	sadd.s32 s23, s7;
	[sflag:s9] =	ssyncadd.s32 $0xFFFFFF80  }
0x339: {  	[tilespmem:s13], [sflag:$0x3] =	stream.linear.gather [hbm4b:s7+s26], $0x80, $0x38;
	[tilespmem:$0x1B7D0] =	vst v63  }
0x33a: {  	_ =	swait.ge [sflag:s9], $0x80  }
0x33b: {  	[sflag:s9] =	ssyncset.done $0x0  }
0x33c: {  	[sflag:s9] =	ssyncadd.s32 $0xFFFFFF80  }
0x33d: {  	[tilespmem:s12], [sflag:$0x2] =	stream.indirect.gather [hbm4b:s18+s10], $0x50, s11, s10, $0xb8;
	[tilespmem:$0x1B7D0] =	vst v63  }
0x33e: {  	_ = 	snop  }
0x33f: {  	[tilespmem:s14], [sflag:$0x2] =	stream.indirect.gather [hbm4b:s19+s10], $0x50, s13, s10, $0xb8;
	[tilespmem:$0x1B7D0] =	vst v63  }
0x340: {  	_ = 	snop  }
0x341: {  	[tilespmem:s15], [sflag:$0x2] =	stream.indirect.gather [hbm4b:s20+s10], $0x50, s11, s10, $0xb8;
	[tilespmem:$0x1B7D0] =	vst v63  }
0x342: {  	_ =	swait.ge [sflag:s16], $0x2800  }
0x343: {  	[sflag:s16] =	ssyncset.done $0x0  }
0x344: {  	[sflag:s16] =	ssyncadd.s32 $0xFFFFD800  }
0x345: {  	_ =	swait.ge [sflag:s16], $0x2800  }
0x346: {  	[sflag:s16] =	ssyncset.done $0x0  }
0x347: {  	[sflag:s16] =	ssyncadd.s32 $0xFFFFD800  }
0x348: {  	_ =	swait.ge [sflag:s16], $0x2800  }
0x349: {  	[sflag:s16] =	ssyncset.done $0x0  }
0x34a: {  	s30 =	simm.s32 $0x0;
	[sflag:s16] =	ssyncadd.s32 $0xFFFFD800  }
0x34b: {  	v6 =	vld [tilespmem:s30+$0x2A40]  }
0x34c: {  	v7 =	vld [tilespmem:s30+$0x240]  }
0x34d: {  	v8 =	vld [tilespmem:s30+$0x2A30]  }
0x34e: {  	v9 =	vld [tilespmem:s30+$0x2A20]  }
0x34f: {  	v12 =	vld [tilespmem:s30+$0x2A10]  }
0x350: {  	v14 =	vld [tilespmem:s30+$0x210]  }
0x351: {  	v6 =	vadd.f32 v6, v7;
	v7 =	vld [tilespmem:s30+$0x220]  }
0x352: {  	v10 =	vld [tilespmem:s30+$0x230]  }
0x353: {  	v11 =	vld [tilespmem:s30+$0x2A00]  }
0x354: {  	s7 =	simm.s32 $0x50;
	v15 =	vld [tilespmem:s30+$0x200]  }
0x355: {  	v17 =	vld [tilespmem:s7+$0x230];
	v13 =	vmul.f32 $2.000000030e-01, v6  }
0x356: {  	v12 =	vadd.f32 v12, v14;
	v14 =	vld [tilespmem:s7+$0x2A30];
	v7 =	vadd.f32 v9, v7  }
0x357: {  	v6 =	vmax.f32 v6, v13  }
0x358: {  	v8 =	vadd.f32 v8, v10;
	v10 =	vld [tilespmem:s7+$0x240];
	v6 =	vsub.f32 v6, v5;
	v13 =	vmul.f32 $2.000000030e-01, v7  }
0x359: {  	v11 =	vadd.f32 v11, v15;
	v9 =	vld [tilespmem:s7+$0x2A40]  }
0x35a: {  	v16 =	vmul.f32 $2.000000030e-01, v8;
	v6 =	vmul.f32 $1.442695020e+00, v6;
	v7 =	vmax.f32 v7, v13  }
0x35b: {  	v17 =	vadd.f32 v14, v17;
	v13 =	vmul.f32 $2.000000030e-01, v12;
	v7 =	vsub.f32 v7, v3  }
0x35c: {  	v15 =	vld [tilespmem:s7+$0x2A20];
	(erf) = vpow2.f32 v6;
	v6 =	vmax.f32 v8, v16;
	v8 =	vmul.f32 $2.000000030e-01, v11  }
0x35d: {  	v14 =	vld [tilespmem:s30+$0x5240];
	v18 =	vsub.f32 v6, v4;
	v12 =	vmax.f32 v12, v13;
	v7 =	vmul.f32 $1.442695020e+00, v7  }
0x35e: {  	v16 =	vld [tilespmem:s7+$0x2A00];
	v9 =	vadd.f32 v9, v10;
	v10 =	vsub.f32 v12, v2  }
0x35f: {  	v8 =	vmax.f32 v11, v8;
	v12 =	vld [tilespmem:s7+$0x200];
	v11 =	vmul.f32 $1.442695020e+00, v18;
	(erf) = vpow2.f32 v7  }
0x360: {  	v18 =	vld [tilespmem:s7+$0x220];
	v13 =	vmul.f32 $2.000000030e-01, v9;
	v8 =	vsub.f32 v8, v1;
	v7 =	vmul.f32 $1.442695020e+00, v10  }
0x361: {  	v19 =	vmul.f32 $2.000000030e-01, v17;
	v6 =	vld [tilespmem:s7+$0x2A10];
	(erf) = vpow2.f32 v11  }
0x362: {  	v10 =	vld [tilespmem:s7+$0x210];
	v8 =	vmul.f32 $1.442695020e+00, v8;
	v11 =	vmax.f32 v9, v13;
	(erf) = vpow2.f32 v7  }
0x363: {  	v9 =	vld [tilespmem:s30+$0x5230];
	v20 =	vsub.f32 v11, v5  }
0x364: {  	v13 =	vld [tilespmem:s30+$0x5220];
	v11 =	vmax.f32 v17, v19;
	(erf) = vpow2.f32 v8  }
0x365: {  	s31 =	simm.s32 $0x280;
	v7 =	vadd.f32 v16, v12;
	v15 =	vadd.f32 v15, v18;
	v8 =	vld [tilespmem:s30+$0x5200];
	v12 =	vmul.f32 $1.442695020e+00, v20;
	v16 =	vpop (erf)  }
.LBB2_27:
0x366: {  	s24 =	sshra.s32 s31, $0x2;
	p1 =	sne.s32 s31, $0x9EC0;
	s31 =	sadd.s32 $0x140, s31;
	v17 =	vld [tilespmem:s30+$0x5210]  }
0x367: {  	v18 =	vld [tilespmem:s24+$0x2A40];
	v19 =	vmul.f32 $2.000000030e-01, v15  }
0x368: {  	v6 =	vadd.f32 v6, v10;
	v20 =	vld [tilespmem:s24+$0x240];
	v22 =	vmul.f32 v16, v14;
	v14 =	vpop (erf)  }
0x369: {  	v16 =	vld [tilespmem:s24+$0x2A30];
	v15 =	vmax.f32 v15, v19;
	v13 =	vmul.f32 v14, v13  }
0x36a: {  	v21 =	vmul.f32 $2.000000030e-01, v6;
	v14 =	vmul.f32 $2.000000030e-01, v7;
	v19 =	vld [tilespmem:s24+$0x2A20];
	v15 =	vsub.f32 v15, v3;
	[tilespmem:s30+$0x5240] =	vst v22;
	v10 =	vpop (erf)  }
0x36b: {  	v11 =	vsub.f32 v11, v4;
	v22 =	vld [tilespmem:s24+$0x230];
	(erf) = vpow2.f32 v12;
	[tilespmem:s30+$0x5220] =	vst v13;
	v23 =	vmul.f32 v10, v9;
	v10 =	vpop (erf)  }
0x36c: {  	v13 =	vmax.f32 v6, v21;
	v12 =	vld [tilespmem:s24+$0x2A00];
	v15 =	vmul.f32 $1.442695020e+00, v15;
	v10 =	vmul.f32 v10, v17  }
0x36d: {  	v11 =	vmul.f32 $1.442695020e+00, v11;
	v13 =	vsub.f32 v13, v2;
	v6 =	vld [tilespmem:s24+$0x2A10];
	v17 =	vadd.f32 v18, v20;
	[tilespmem:s30+$0x5230] =	vst v23;
	v9 =	vpop (erf)  }
0x36e: {  	v7 =	vmax.f32 v7, v14;
	v18 =	vld [tilespmem:s24+$0x200];
	(erf) = vpow2.f32 v15;
	v8 =	vmul.f32 v9, v8;
	[tilespmem:s30+$0x5210] =	vst v10  }
0x36f: {  	v7 =	vsub.f32 v7, v1;
	v13 =	vmul.f32 $1.442695020e+00, v13;
	v15 =	vld [tilespmem:s24+$0x220];
	v9 =	vmul.f32 $2.000000030e-01, v17  }
.Ltmp17:
0x370: {  	v10 =	vld [tilespmem:s24+$0x210];
	v16 =	vadd.f32 v16, v22;
	(erf) = vpow2.f32 v11;
	[tilespmem:s30+$0x5200] =	vst v8;
	s30 =	smov.u32 s7;
	s7 =	smov.u32 s24;
	(pc) =	sbr.rel @p1 .LBB2_27-.Ltmp17, $4  }
0x371: {  	v11 =	vmul.f32 $1.442695020e+00, v7;
	v8 =	vmax.f32 v17, v9;
	v9 =	vld [tilespmem:s30+$0x5230];
	(erf) = vpow2.f32 v13  }
0x372: {  	v17 =	vmul.f32 $2.000000030e-01, v16;
	v8 =	vsub.f32 v8, v5;
	v14 =	vld [tilespmem:s30+$0x5240]  }
0x373: {  	v7 =	vadd.f32 v12, v18;
	v13 =	vld [tilespmem:s30+$0x5220];
	(erf) = vpow2.f32 v11  }
0x374: {  	v15 =	vadd.f32 v19, v15;
	v11 =	vmax.f32 v16, v17;
	v12 =	vmul.f32 $1.442695020e+00, v8;
	v8 =	vld [tilespmem:s30+$0x5200];
	v16 =	vpop (erf)  }
0x375: {  	_ = 	snop  }
0x376: {  	v6 =	vadd.f32 v6, v10;
	v17 =	vmul.f32 $2.000000030e-01, v15  }
0x377: {  	v18 =	vld [tilespmem:s30+$0x5210];
	v11 =	vsub.f32 v11, v4;
	v10 =	vmul.f32 v16, v14;
	v14 =	vpop (erf);
	v16 =	vmul.f32 $2.000000030e-01, v7  }
0x378: {  	v15 =	vmax.f32 v15, v17;
	v13 =	vmul.f32 v14, v13;
	v14 =	vmul.f32 $2.000000030e-01, v6  }
0x379: {  	v15 =	vsub.f32 v15, v3;
	v7 =	vmax.f32 v7, v16;
	[tilespmem:s30+$0x5240] =	vst v10;
	v10 =	vmul.f32 $1.442695020e+00, v11  }
0x37a: {  	v17 =	vpop (erf);
	(erf) = vpow2.f32 v12;
	v6 =	vmax.f32 v6, v14;
	v7 =	vsub.f32 v7, v1  }
0x37b: {  	v9 =	vmul.f32 v17, v9;
	v12 =	vpop (erf);
	v14 =	vmul.f32 $1.442695020e+00, v15;
	v6 =	vsub.f32 v6, v2  }
0x37c: {  	v12 =	vmul.f32 v12, v18;
	v7 =	vmul.f32 $1.442695020e+00, v7  }
0x37d: {  	[tilespmem:s30+$0x5220] =	vst v13;
	v11 =	vpop (erf);
	(erf) = vpow2.f32 v14;
	v6 =	vmul.f32 $1.442695020e+00, v6  }
0x37e: {  	v8 =	vmul.f32 v11, v8;
	[tilespmem:s30+$0x5230] =	vst v9;
	(erf) = vpow2.f32 v10  }
0x37f: {  	[tilespmem:s30+$0x5210] =	vst v12;
	(erf) = vpow2.f32 v6  }
0x380: {  	[tilespmem:s30+$0x5200] =	vst v8;
	(erf) = vpow2.f32 v7  }
0x381: {  	v6 =	vld [tilespmem:s7+$0x5240]  }
0x382: {  	v7 =	vld [tilespmem:s7+$0x5220]  }
0x383: {  	v8 =	vld [tilespmem:s7+$0x5230]  }
0x384: {  	v9 =	vld [tilespmem:s7+$0x5210]  }
0x385: {  	v10 =	vld [tilespmem:s7+$0x5200];
	v11 =	vpop (erf)  }
0x386: {  	v6 =	vmul.f32 v11, v6;
	v11 =	vpop (erf)  }
0x387: {  	v7 =	vmul.f32 v11, v7;
	v11 =	vpop (erf)  }
0x388: {  	[tilespmem:s7+$0x5240] =	vst v6;
	v6 =	vmul.f32 v11, v8;
	v8 =	vpop (erf)  }
0x389: {  	[tilespmem:s7+$0x5220] =	vst v7;
	v7 =	vmul.f32 v8, v9;
	v8 =	vpop (erf)  }
0x38a: {  	[tilespmem:s7+$0x5230] =	vst v6;
	v6 =	vmul.f32 v8, v10  }
0x38b: {  	[tilespmem:s7+$0x5210] =	vst v7  }
0x38c: {  	p1 =	seq.s32 s28, $0x50;
	[tilespmem:s7+$0x5200] =	vst v6  }
0x38d: {  	[spmem:s2] =	stream.indirect.scatter.add.f32 [tilespmem:s8], [sflag:$0x3], $0x50, s10, s10, $0xb8;
	[tilespmem:$0x1B7D0] =	vst v63  }
0x38e: {  	s7 =	sadd.s32 @!p1 s29, s3;
	_ =	swait.ge [sflag:s9], $0x2800  }
0x38f: {  	s7 =	sshrl.u32 @!p1 s7, $0x3;
	[sflag:s9] =	ssyncset.done $0x0  }
0x390: {  	s29 =	simm.s32 @!p1 $0x0;
	s24 =	sadd.s32 @!p1 s22, s7;
	[sflag:s9] =	ssyncadd.s32 $0xFFFFD800  }
0x391: {  	[tilespmem:s29], [sflag:$0x3] =	stream.linear.gather @!p1 [hbm4b:s24+s29], $0x80, $0x38;
	[tilespmem:$0x1B7D0] =	vst v63  }
0x392: {  	s24 =	simm.s32 @!p1 $0x3  }
0x393: {  	_ =	swait.ge @!p1 [sflag:s24], $0x80  }
0x394: {  	[sflag:s24] =	ssyncset.done @!p1 $0x0  }
0x395: {  	s30 =	simm.s32 @!p1 $0x80;
	s7 =	sadd.s32 @!p1 s23, s7;
	[sflag:s24] =	ssyncadd.s32 @!p1 $0xFFFFFF80  }
0x396: {  	[tilespmem:s30], [sflag:$0x3] =	stream.linear.gather @!p1 [hbm4b:s7+s29], $0x80, $0x38;
	[tilespmem:$0x1B7D0] =	vst v63  }
0x397: {  	_ =	swait.ge @!p1 [sflag:s24], $0x80  }
0x398: {  	[sflag:s24] =	ssyncset.done @!p1 $0x0  }
0x399: {  	s7 =	simm.s32 @!p1 $0x200;
	[sflag:s24] =	ssyncadd.s32 @!p1 $0xFFFFFF80  }
0x39a: {  	[tilespmem:s7], [sflag:$0x1] =	stream.indirect.gather @!p1 [hbm4b:s18+s30], $0x50, s29, s30, $0xb8;
	[tilespmem:$0x1B7D0] =	vst v63  }
0x39b: {  	s7 =	simm.s32 @!p1 $0x2A00  }
0x39c: {  	[tilespmem:s7], [sflag:$0x1] =	stream.indirect.gather @!p1 [hbm4b:s19+s30], $0x50, s30, s30, $0xb8;
	[tilespmem:$0x1B7D0] =	vst v63  }
0x39d: {  	s7 =	simm.s32 @!p1 $0x5200  }
0x39e: {  	[tilespmem:s7], [sflag:$0x1] =	stream.indirect.gather @!p1 [hbm4b:s20+s30], $0x50, s29, s30, $0xb8;
	[tilespmem:$0x1B7D0] =	vst v63  }
0x39f: {  	_ =	swait.ge [sflag:s17], $0x2800  }
0x3a0: {  	[sflag:s17] =	ssyncset.done $0x0  }
0x3a1: {  	[sflag:s17] =	ssyncadd.s32 $0xFFFFD800  }
0x3a2: {  	_ =	swait.ge [sflag:s17], $0x2800  }
0x3a3: {  	[sflag:s17] =	ssyncset.done $0x0  }
0x3a4: {  	[sflag:s17] =	ssyncadd.s32 $0xFFFFD800  }
0x3a5: {  	_ =	swait.ge [sflag:s17], $0x2800  }
0x3a6: {  	[sflag:s17] =	ssyncset.done $0x0  }
0x3a7: {  	s29 =	simm.s32 $0x0;
	[sflag:s17] =	ssyncadd.s32 $0xFFFFD800  }
0x3a8: {  	v6 =	vld [tilespmem:s29+$0xA240]  }
0x3a9: {  	v7 =	vld [tilespmem:s29+$0x7A40]  }
0x3aa: {  	v8 =	vld [tilespmem:s29+$0xA230]  }
0x3ab: {  	v9 =	vld [tilespmem:s29+$0xA220]  }
0x3ac: {  	v12 =	vld [tilespmem:s29+$0xA210]  }
0x3ad: {  	v14 =	vld [tilespmem:s29+$0x7A10]  }
0x3ae: {  	v6 =	vadd.f32 v6, v7;
	v7 =	vld [tilespmem:s29+$0x7A20]  }
0x3af: {  	v10 =	vld [tilespmem:s29+$0x7A30]  }
0x3b0: {  	v11 =	vld [tilespmem:s29+$0xA200]  }
0x3b1: {  	s7 =	simm.s32 $0x50;
	v15 =	vld [tilespmem:s29+$0x7A00]  }
0x3b2: {  	v17 =	vld [tilespmem:s7+$0x7A30];
	v13 =	vmul.f32 $2.000000030e-01, v6  }
0x3b3: {  	v12 =	vadd.f32 v12, v14;
	v14 =	vld [tilespmem:s7+$0xA230];
	v7 =	vadd.f32 v9, v7  }
0x3b4: {  	v6 =	vmax.f32 v6, v13  }
0x3b5: {  	v8 =	vadd.f32 v8, v10;
	v10 =	vld [tilespmem:s7+$0x7A40];
	v6 =	vsub.f32 v6, v5;
	v13 =	vmul.f32 $2.000000030e-01, v7  }
0x3b6: {  	v11 =	vadd.f32 v11, v15;
	v9 =	vld [tilespmem:s7+$0xA240]  }
0x3b7: {  	v16 =	vmul.f32 $2.000000030e-01, v8;
	v6 =	vmul.f32 $1.442695020e+00, v6;
	v7 =	vmax.f32 v7, v13  }
0x3b8: {  	v17 =	vadd.f32 v14, v17;
	v13 =	vmul.f32 $2.000000030e-01, v12;
	v7 =	vsub.f32 v7, v3  }
0x3b9: {  	v15 =	vld [tilespmem:s7+$0xA220];
	(erf) = vpow2.f32 v6;
	v6 =	vmax.f32 v8, v16;
	v8 =	vmul.f32 $2.000000030e-01, v11  }
0x3ba: {  	v14 =	vld [tilespmem:s29+$0xCA40];
	v18 =	vsub.f32 v6, v4;
	v12 =	vmax.f32 v12, v13;
	v7 =	vmul.f32 $1.442695020e+00, v7  }
0x3bb: {  	v16 =	vld [tilespmem:s7+$0xA200];
	v9 =	vadd.f32 v9, v10;
	v10 =	vsub.f32 v12, v2  }
0x3bc: {  	v8 =	vmax.f32 v11, v8;
	v12 =	vld [tilespmem:s7+$0x7A00];
	v11 =	vmul.f32 $1.442695020e+00, v18;
	(erf) = vpow2.f32 v7  }
0x3bd: {  	v18 =	vld [tilespmem:s7+$0x7A20];
	v13 =	vmul.f32 $2.000000030e-01, v9;
	v8 =	vsub.f32 v8, v1;
	v7 =	vmul.f32 $1.442695020e+00, v10  }
0x3be: {  	v19 =	vmul.f32 $2.000000030e-01, v17;
	v6 =	vld [tilespmem:s7+$0xA210];
	(erf) = vpow2.f32 v11  }
0x3bf: {  	v10 =	vld [tilespmem:s7+$0x7A10];
	v8 =	vmul.f32 $1.442695020e+00, v8;
	v11 =	vmax.f32 v9, v13;
	(erf) = vpow2.f32 v7  }
0x3c0: {  	v9 =	vld [tilespmem:s29+$0xCA30];
	v20 =	vsub.f32 v11, v5  }
0x3c1: {  	v13 =	vld [tilespmem:s29+$0xCA20];
	v11 =	vmax.f32 v17, v19;
	(erf) = vpow2.f32 v8  }
0x3c2: {  	s30 =	simm.s32 $0x280;
	v7 =	vadd.f32 v16, v12;
	v15 =	vadd.f32 v15, v18;
	v8 =	vld [tilespmem:s29+$0xCA00];
	v12 =	vmul.f32 $1.442695020e+00, v20;
	v16 =	vpop (erf)  }
.LBB2_29:
0x3c3: {  	s24 =	sshra.s32 s30, $0x2;
	p1 =	sne.s32 s30, $0x9EC0;
	s30 =	sadd.s32 $0x140, s30;
	v17 =	vld [tilespmem:s29+$0xCA10]  }
0x3c4: {  	v18 =	vld [tilespmem:s24+$0xA240];
	v19 =	vmul.f32 $2.000000030e-01, v15  }
0x3c5: {  	v6 =	vadd.f32 v6, v10;
	v20 =	vld [tilespmem:s24+$0x7A40];
	v22 =	vmul.f32 v16, v14;
	v14 =	vpop (erf)  }
0x3c6: {  	v16 =	vld [tilespmem:s24+$0xA230];
	v15 =	vmax.f32 v15, v19;
	v13 =	vmul.f32 v14, v13  }
0x3c7: {  	v21 =	vmul.f32 $2.000000030e-01, v6;
	v14 =	vmul.f32 $2.000000030e-01, v7;
	v19 =	vld [tilespmem:s24+$0xA220];
	v15 =	vsub.f32 v15, v3;
	[tilespmem:s29+$0xCA40] =	vst v22;
	v10 =	vpop (erf)  }
0x3c8: {  	v11 =	vsub.f32 v11, v4;
	v22 =	vld [tilespmem:s24+$0x7A30];
	(erf) = vpow2.f32 v12;
	[tilespmem:s29+$0xCA20] =	vst v13;
	v23 =	vmul.f32 v10, v9;
	v10 =	vpop (erf)  }
0x3c9: {  	v13 =	vmax.f32 v6, v21;
	v12 =	vld [tilespmem:s24+$0xA200];
	v15 =	vmul.f32 $1.442695020e+00, v15;
	v10 =	vmul.f32 v10, v17  }
0x3ca: {  	v11 =	vmul.f32 $1.442695020e+00, v11;
	v13 =	vsub.f32 v13, v2;
	v6 =	vld [tilespmem:s24+$0xA210];
	v17 =	vadd.f32 v18, v20;
	[tilespmem:s29+$0xCA30] =	vst v23;
	v9 =	vpop (erf)  }
0x3cb: {  	v7 =	vmax.f32 v7, v14;
	v18 =	vld [tilespmem:s24+$0x7A00];
	(erf) = vpow2.f32 v15;
	v8 =	vmul.f32 v9, v8;
	[tilespmem:s29+$0xCA10] =	vst v10  }
0x3cc: {  	v7 =	vsub.f32 v7, v1;
	v13 =	vmul.f32 $1.442695020e+00, v13;
	v15 =	vld [tilespmem:s24+$0x7A20];
	v9 =	vmul.f32 $2.000000030e-01, v17  }
.Ltmp18:
0x3cd: {  	v10 =	vld [tilespmem:s24+$0x7A10];
	v16 =	vadd.f32 v16, v22;
	(erf) = vpow2.f32 v11;
	[tilespmem:s29+$0xCA00] =	vst v8;
	s29 =	smov.u32 s7;
	s7 =	smov.u32 s24;
	(pc) =	sbr.rel @p1 .LBB2_29-.Ltmp18, $4  }
0x3ce: {  	v11 =	vmul.f32 $1.442695020e+00, v7;
	v8 =	vmax.f32 v17, v9;
	v9 =	vld [tilespmem:s29+$0xCA30];
	(erf) = vpow2.f32 v13  }
0x3cf: {  	v17 =	vmul.f32 $2.000000030e-01, v16;
	v8 =	vsub.f32 v8, v5;
	v14 =	vld [tilespmem:s29+$0xCA40]  }
0x3d0: {  	v7 =	vadd.f32 v12, v18;
	v13 =	vld [tilespmem:s29+$0xCA20];
	(erf) = vpow2.f32 v11  }
0x3d1: {  	v15 =	vadd.f32 v19, v15;
	v11 =	vmax.f32 v16, v17;
	v12 =	vmul.f32 $1.442695020e+00, v8;
	v8 =	vld [tilespmem:s29+$0xCA00];
	v16 =	vpop (erf)  }
0x3d2: {  	_ = 	snop  }
0x3d3: {  	v6 =	vadd.f32 v6, v10;
	v52 =	vmul.f32 $2.000000030e-01, v7;
	v17 =	vmul.f32 $2.000000030e-01, v15  }
0x3d4: {  	v18 =	vld [tilespmem:s29+$0xCA10];
	v11 =	vsub.f32 v11, v4;
	v49 =	vmul.f32 v16, v14  }
0x3d5: {  	v50 =	vpop (erf);
	v51 =	vmul.f32 $2.000000030e-01, v6;
	v7 =	vmax.f32 v7, v52;
	v15 =	vmax.f32 v15, v17  }
0x3d6: {  	v56 =	vmul.f32 $1.442695020e+00, v11;
	v13 =	vmul.f32 v50, v13;
	v15 =	vsub.f32 v15, v3  }
0x3d7: {  	v7 =	vsub.f32 v7, v1;
	v53 =	vpop (erf);
	(erf) = vpow2.f32 v12;
	v6 =	vmax.f32 v6, v51  }
0x3d8: {  	v9 =	vmul.f32 v53, v9;
	v54 =	vpop (erf);
	v6 =	vsub.f32 v6, v2;
	v55 =	vmul.f32 $1.442695020e+00, v15  }
0x3d9: {  	[tilespmem:s29+$0xCA40] =	vst v49;
	v7 =	vmul.f32 $1.442695020e+00, v7;
	v12 =	vmul.f32 v54, v18  }
0x3da: {  	[tilespmem:s29+$0xCA20] =	vst v13;
	v57 =	vpop (erf);
	v6 =	vmul.f32 $1.442695020e+00, v6;
	(erf) = vpow2.f32 v55  }
0x3db: {  	[tilespmem:s29+$0xCA30] =	vst v9;
	v8 =	vmul.f32 v57, v8;
	(erf) = vpow2.f32 v56  }
0x3dc: {  	[tilespmem:s29+$0xCA10] =	vst v12;
	(erf) = vpow2.f32 v6  }
0x3dd: {  	[tilespmem:s29+$0xCA00] =	vst v8;
	(erf) = vpow2.f32 v7  }
0x3de: {  	v6 =	vld [tilespmem:s7+$0xCA40]  }
0x3df: {  	v7 =	vld [tilespmem:s7+$0xCA20]  }
0x3e0: {  	v8 =	vld [tilespmem:s7+$0xCA30]  }
0x3e1: {  	v9 =	vld [tilespmem:s7+$0xCA10]  }
0x3e2: {  	v58 =	vld [tilespmem:s7+$0xCA00];
	v59 =	vpop (erf)  }
0x3e3: {  	v6 =	vmul.f32 v59, v6;
	v60 =	vpop (erf)  }
0x3e4: {  	v7 =	vmul.f32 v60, v7;
	v61 =	vpop (erf)  }
0x3e5: {  	[tilespmem:s7+$0xCA40] =	vst v6;
	v6 =	vmul.f32 v61, v8;
	v62 =	vpop (erf)  }
0x3e6: {  	[tilespmem:s7+$0xCA20] =	vst v7;
	v7 =	vmul.f32 v62, v9;
	v63 =	vpop (erf)  }
0x3e7: {  	[tilespmem:s7+$0xCA30] =	vst v6;
	v6 =	vmul.f32 v63, v58  }
0x3e8: {  	s28 =	sadd.s32 $0x1, s28;
	[tilespmem:s7+$0xCA10] =	vst v7  }
0x3e9: {  	p1 =	sne.s32 s28, $0x51;
	[tilespmem:s7+$0xCA00] =	vst v6  }
0x3ea: {  	[spmem:s2] =	stream.indirect.scatter.add.f32 [tilespmem:s15], [sflag:$0x3], $0x50, s13, s10, $0xb8;
	[tilespmem:$0x1B7D0] =	vst v63  }
.Ltmp19:
0x3eb: {  	_ = 	snop;
	(pc) =	sbr.rel @p1 .LBB2_26-.Ltmp19, $4  }
.Ltmp20:
0x3ec: {  	_ = 	snop;
	(pc) =	sbr.rel @!p1 .LBB2_31-.Ltmp20, $4  }
0x3ed: {  	_ =	swait.ge [sflag:s9], $0x2800  }
0x3ee: {  	[sflag:s9] =	ssyncset.done $0x0  }
0x3ef: {  	[sflag:s9] =	ssyncadd.s32 $0xFFFFD800  }
0x3f0: {  	_ = 	snop  }
.LBB2_32:
0x3f1: {  	_ =	sfence.sel $0x180000  }
0x3f2: {  	[bflag:$0x0] =	sbarrier.arrive $0xFFFF  }
0x3f3: {  	_ =	strace $0x90000047  }
0x3f4: {  	s0 =	stileid.u32;
	[bflag:$0x2] =	sbarrier.arrive $0xFFFF  }
0x3f5: {  	p0 =	sne.s32 s0, $0x0;
	s0 =	rddreg [dreg:$0x3]  }
0x3f6: {  	s0 =	sadd.s32 @!p0 $0x100000, s0  }
0x3f7: {  	[sflag:s0] =	ssyncadd.tile.s32 @!p0 $0x1;
	_ =	shalt  }
.Lfunc_end2:
_tile_overlayer_lowered:
.L_overlay_start_2:
0x3f8: {  	(tag) =	ssettag $0x2  }
0x3f9: {  	s0 =	rddreg [dreg:$0x0];
	s2 =	stileid.u32  }
0x3fa: {  	s1 =	rddreg [dreg:$0x1];
	p0 =	sne.s32 s2, $0x0  }
0x3fb: {  	s3 =	rddreg [dreg:$0x2];
	[bflag:$0x3] =	sbarrier.arrive $0xFFFF;
	s2 =	simm.s32 @!p0 $0x1C03  }
0x3fc: {  	[timem:s3], [sflag:s2] =	dma.local @!p0 [hbm:s0], s1  }
0x3fd: {  	s0 =	simm.s32 @!p0 $0x3  }
0x3fe: {  	_ =	swait.ge @!p0 [sflag:s0], s1  }
0x3ff: {  	s1 =	ssub.s32 @!p0 $0x0, s1;
	[sflag:s0] =	ssyncset.done @!p0 $0x0  }
0x400: {  	[sflag:s0] =	ssyncadd.s32 @!p0 s1  }
0x401: {  	[bflag:$0x3] =	sbarrier.arrive $0xFFFF  }
0x402: {  	_ =	shalt  }

</sc_bundles>
